<compile_context>
chip_gen: v7x
topology: tpu7x:2x2x1
jax: 0.10.2.dev20260603
libtpu: 0.0.44.dev20260713+nightly
codegen_flags: <defaults>
</compile_context>

<pallas_src>
import functools

import jax
import jax.numpy as jnp
from jax import lax
from jax.experimental import pallas as pl
from jax.experimental.pallas import tpu as pltpu
from jax.experimental.pallas import tpu_sc as plsc

_NC = 2
_NS = 16
_NW = _NC * _NS
_EPW = 10240
_CH = 40
_NCH = _EPW // _CH
_DEP = 8
_NPAD = 10240
_ZR = _CH


def _pad_edges(src, dst, n):
    e = src.shape[0]
    pad = _NW * _EPW - e
    k = jnp.arange(pad, dtype=jnp.int32)
    src_pad = k % n
    dst_pad = n + k % (_NPAD - n)
    srcp = jnp.concatenate([src, src_pad]).reshape(_NW, _NCH, 1, _CH)
    dstp = jnp.concatenate([dst, dst_pad])
    sd = jnp.concatenate([srcp, dstp.reshape(_NW, _NCH, 1, _CH)], axis=2)
    dstr_dg = dstp.reshape(_NW, -1)
    return sd, dstr_dg


def _zero_acc(acc_sp, buf, sem, s, rpt):
    _fill(buf, _ZR, jnp.zeros((16,), jnp.float32))
    nz = rpt // _ZR
    for k in range(nz):
        pltpu.async_copy(buf, acc_sp.at[pl.ds(s * rpt + k * _ZR, _ZR)], sem)
    for k in range(nz):
        pltpu.make_async_copy(
            buf, acc_sp.at[pl.ds(0, _ZR)], sem).wait()


def _dump_acc(acc_sp, out_hbm, bufs, sems, c, s, rpt):
    nb = len(bufs)
    nz = rpt // _ZR
    for k in range(nz):
        b = k % nb
        r0 = s * rpt + k * _ZR
        if k >= nb:
            pltpu.make_async_copy(
                bufs[b], out_hbm.at[c, pl.ds(0, _ZR)], sems[b]).wait()
        pltpu.sync_copy(acc_sp.at[pl.ds(r0, _ZR)], bufs[b])
        pltpu.async_copy(bufs[b], out_hbm.at[c, pl.ds(r0, _ZR)], sems[b])
    for k in range(nb):
        pltpu.make_async_copy(
            bufs[k], out_hbm.at[c, pl.ds(0, _ZR)], sems[k]).wait()


def _fill(buf, rows, val16):
    def st(i, carry):
        buf[i // 8, pl.ds((i % 8) * 16, 16)] = val16
        return carry

    lax.fori_loop(0, rows * 8, st, 0)


def _degree_body(epw, dstr_hbm, out_hbm, deg_sp, idxd, deg2d, zb8, rowidx,
                 sem):
    c = lax.axis_index("c")
    s = lax.axis_index("s")
    wid = c * _NS + s
    pltpu.sync_copy(dstr_hbm.at[wid], idxd)
    z16 = jnp.zeros((16,), jnp.float32)
    _fill(deg2d, _NPAD // 128, z16)
    _fill(zb8, 8, z16)
    for k in range(_NPAD // 128 // 16):
        rowidx[pl.ds(16 * k, 16)] = jnp.arange(16, dtype=jnp.int32) + 16 * k

    @pl.when(s < (_NPAD // 128) // 8)
    def _():
        pltpu.sync_copy(zb8, deg_sp.at[pl.ds(8 * s, 8)])

    def body(i, carry):
        idx16 = idxd[pl.ds(pl.multiple_of(i * 16, 16), 16)]
        cnt, last = plsc.scan_count(idx16)
        row16 = lax.shift_right_logical(idx16, 7)
        col16 = lax.bitwise_and(idx16, 127)
        plsc.addupdate_scatter(deg2d, [row16, col16],
                               cnt.astype(jnp.float32), mask=last)
        return carry

    plsc.subcore_barrier()
    lax.fori_loop(0, epw // 16, body, 0)
    pltpu.sync_copy(deg2d, deg_sp.at[rowidx], add=True)
    plsc.subcore_barrier()

    @pl.when(s < (_NPAD // 128) // 8)
    def _():
        pltpu.sync_copy(deg_sp.at[pl.ds(8 * s, 8)], zb8)
        pltpu.sync_copy(zb8, out_hbm.at[c, pl.ds(8 * s, 8)])


def _sc_degree(dstr):
    epw = dstr.shape[1]
    nrow = _NPAD // 128
    mesh = plsc.VectorSubcoreMesh(core_axis_name="c", subcore_axis_name="s",
                                  num_cores=_NC, num_subcores=_NS)
    run = pl.kernel(
        functools.partial(_degree_body, epw),
        out_type=jax.ShapeDtypeStruct((_NC, nrow, 128), jnp.float32),
        mesh=mesh,
        compiler_params=pltpu.CompilerParams(needs_layout_passes=False),
        scratch_types=[
            pltpu.VMEM_SHARED((nrow, 128), jnp.float32),
            pltpu.VMEM((epw,), jnp.int32),
            pltpu.VMEM((nrow, 128), jnp.float32),
            pltpu.VMEM((8, 128), jnp.float32),
            pltpu.VMEM((nrow,), jnp.int32),
            pltpu.SemaphoreType.DMA,
        ],
    )
    return run(dstr)


def _scatter_body(nch, rpt, hp_hbm, sd_hbm, out_hbm, acc_sp, *refs):
    ibs = refs[:_DEP]
    rws = refs[_DEP:2 * _DEP]
    sis = refs[2 * _DEP:3 * _DEP]
    sgs = refs[3 * _DEP:4 * _DEP]
    scs = refs[4 * _DEP:5 * _DEP]
    c = lax.axis_index("c")
    s = lax.axis_index("s")
    wid = c * _NS + s

    _zero_acc(acc_sp, rws[0], scs[0], s, rpt)
    plsc.subcore_barrier()

    def li(i, b):
        pltpu.async_copy(sd_hbm.at[wid, i], ibs[b], sis[b])

    def li_wait(b):
        pltpu.make_async_copy(sd_hbm.at[0, 0], ibs[b], sis[b]).wait()

    def gat(b):
        pltpu.async_copy(hp_hbm.at[ibs[b].at[0]], rws[b], sgs[b])

    def gat_wait(b):
        pltpu.make_async_copy(hp_hbm.at[ibs[b].at[0]], rws[b], sgs[b]).wait()

    def sca(b):
        pltpu.async_copy(rws[b], acc_sp.at[ibs[b].at[1]], scs[b], add=True)

    def sca_wait(b):
        pltpu.make_async_copy(rws[b], acc_sp.at[ibs[b].at[1]], scs[b]).wait()

    for b in range(_DEP):
        li(b, b)

    def oct_(j, carry):
        i = _DEP * j
        for b in range(_DEP):
            li_wait(b)
            gat(b)
        for b in range(_DEP):
            gat_wait(b)
            sca(b)

        @pl.when(j < nch // _DEP - 1)
        def _():
            for b in range(_DEP):
                sca_wait(b)
                li(i + _DEP + b, b)

        return carry

    lax.fori_loop(0, nch // _DEP, oct_, 0)
    for b in range(_DEP):
        sca_wait(b)
    plsc.subcore_barrier()
    _dump_acc(acc_sp, out_hbm, list(rws[:4]), list(sgs[:4]), c, s, rpt)


def _sc_scatter(hp, sd):
    n, d = hp.shape
    nch = sd.shape[1]
    rpt = _NPAD // _NS
    mesh = plsc.VectorSubcoreMesh(core_axis_name="c", subcore_axis_name="s",
                                  num_cores=_NC, num_subcores=_NS)
    run = pl.kernel(
        functools.partial(_scatter_body, nch, rpt),
        out_type=jax.ShapeDtypeStruct((_NC, _NPAD, d), jnp.float32),
        mesh=mesh,
        scratch_types=(
            [pltpu.VMEM_SHARED((_NPAD, d), jnp.float32)]
            + [pltpu.VMEM((2, _CH), jnp.int32) for _ in range(_DEP)]
            + [pltpu.VMEM((_CH, d), jnp.float32) for _ in range(_DEP)]
            + [pltpu.SemaphoreType.DMA for _ in range(3 * _DEP)]
        ),
    )
    return run(hp, sd)


def _dinv_block(dp):
    deg = dp[:, 0:1] + dp[:, 1:2] + 1.0
    return 1.0 / jnp.sqrt(deg)


def _pre_body(x_ref, w_ref, dp_ref, o_ref):
    dinv = _dinv_block(dp_ref[...])
    h = jnp.dot(x_ref[...], w_ref[...], preferred_element_type=jnp.float32)
    o_ref[...] = h * dinv


def _layer_norm(z, g, b):
    mu = jnp.mean(z, axis=-1, keepdims=True)
    d0 = z - mu
    var = jnp.mean(d0 * d0, axis=-1, keepdims=True)
    return d0 / jnp.sqrt(var + 1e-5) * g + b


def _mid_body(acc_ref, hp_ref, dp_ref, b_ref, g_ref, bb_ref, w_ref, o_ref):
    dinv = _dinv_block(dp_ref[...])
    z = (acc_ref[0] + acc_ref[1] + hp_ref[...]) * dinv + b_ref[...]
    t = jnp.maximum(_layer_norm(z, g_ref[...], bb_ref[...]), 0.0)
    h2 = jnp.dot(t, w_ref[...], preferred_element_type=jnp.float32)
    o_ref[...] = h2 * dinv


def _final_body(acc_ref, hp_ref, dp_ref, b_ref, g_ref, bb_ref, o_ref):
    dinv = _dinv_block(dp_ref[...])
    z = (acc_ref[0] + acc_ref[1] + hp_ref[...]) * dinv + b_ref[...]
    o_ref[...] = jnp.maximum(_layer_norm(z, g_ref[...], bb_ref[...]), 0.0)


_R = 1000


def _row_spec(d):
    return pl.BlockSpec((_R, d), lambda i: (i, 0))


def _vec_spec(d):
    return pl.BlockSpec((1, d), lambda i: (0, 0))


def _full_spec(d):
    return pl.BlockSpec((d, d), lambda i: (0, 0))


def _acc_spec(d):
    return pl.BlockSpec((_NC, _R, d), lambda i: (0, i, 0))


def _dp_spec():
    return pl.BlockSpec((_R, _NC), lambda i: (i, 0))


def _tc_pre(x, w, dp):
    n, d = x.shape
    return pl.pallas_call(
        _pre_body,
        grid=(n // _R,),
        in_specs=[_row_spec(d), _full_spec(d), _dp_spec()],
        out_specs=_row_spec(d),
        out_shape=jax.ShapeDtypeStruct((n, d), jnp.float32),
    )(x, w, dp)


def _tc_mid(acc, hp, dp, b, g, bb, w):
    n, d = hp.shape
    return pl.pallas_call(
        _mid_body,
        grid=(n // _R,),
        in_specs=[_acc_spec(d), _row_spec(d), _dp_spec(), _vec_spec(d),
                  _vec_spec(d), _vec_spec(d), _full_spec(d)],
        out_specs=_row_spec(d),
        out_shape=jax.ShapeDtypeStruct((n, d), jnp.float32),
    )(acc, hp, dp, b.reshape(1, d), g.reshape(1, d), bb.reshape(1, d), w)


def _tc_final(acc, hp, dp, b, g, bb):
    n, d = hp.shape
    return pl.pallas_call(
        _final_body,
        grid=(n // _R,),
        in_specs=[_acc_spec(d), _row_spec(d), _dp_spec(), _vec_spec(d),
                  _vec_spec(d), _vec_spec(d)],
        out_specs=_row_spec(d),
        out_shape=jax.ShapeDtypeStruct((n, d), jnp.float32),
    )(acc, hp, dp, b.reshape(1, d), g.reshape(1, d), bb.reshape(1, d))


def kernel(x, edge_index, W1, b1, ln1_w, ln1_b, W2, b2, ln2_w, ln2_b):
    n, d = x.shape
    sd, dstr_dg = _pad_edges(edge_index[0], edge_index[1], n)

    dp = _sc_degree(dstr_dg).reshape(_NC, _NPAD).T
    hp1 = _tc_pre(x, W1, dp)
    acc1 = _sc_scatter(hp1, sd)
    hp2 = _tc_mid(acc1, hp1, dp, b1, ln1_w, ln1_b, W2)
    acc2 = _sc_scatter(hp2, sd)
    return _tc_final(acc2, hp2, dp, b2, ln2_w, ln2_b)

# --- scband reference (transcript-rebuilt; emitter-appended) ---
"""Pipeline reference for scband-local-gnnencoder-43559558316707 (READ-ONLY COPY).

The authoritative reference and input builder live on the scoring server;
editing this copy changes nothing except your own understanding.
"""

import jax, jax.numpy as jnp
import numpy as np

N, E, D, H = 10000, 320000, 128, 128


def setup_inputs(seed: int = 0) -> dict:
    key = jax.random.key(seed)
    ks = jax.random.split(key, 12)
    x = jax.random.normal(ks[0], (N, D), dtype=jnp.float32)
    edge_index = jax.random.randint(ks[1], (2, E), 0, N, dtype=jnp.int32)
    s1 = 1.0 / np.sqrt(D)
    s2 = 1.0 / np.sqrt(H)
    W1 = jax.random.normal(ks[2], (D, H), dtype=jnp.float32) * s1
    b1 = jnp.zeros((H,), dtype=jnp.float32)
    ln1_w = jnp.ones((H,), dtype=jnp.float32)
    ln1_b = jnp.zeros((H,), dtype=jnp.float32)
    W2 = jax.random.normal(ks[3], (H, H), dtype=jnp.float32) * s2
    b2 = jnp.zeros((H,), dtype=jnp.float32)
    ln2_w = jnp.ones((H,), dtype=jnp.float32)
    ln2_b = jnp.zeros((H,), dtype=jnp.float32)
    return {"x": x, "edge_index": edge_index, "W1": W1, "b1": b1, "ln1_w": ln1_w, "ln1_b": ln1_b, "W2": W2, "b2": b2, "ln2_w": ln2_w, "ln2_b": ln2_b}


def _gcn_conv(x, edge_index, W, b):
    # PyG GCNConv with add_self_loops=True, normalize=True (symmetric norm)
    n = x.shape[0]
    loop = jnp.arange(n, dtype=edge_index.dtype)
    src = jnp.concatenate([edge_index[0], loop])
    dst = jnp.concatenate([edge_index[1], loop])
    deg = jnp.zeros((n,), x.dtype).at[dst].add(1.0)
    deg_inv_sqrt = jnp.where(deg > 0, 1.0 / jnp.sqrt(deg), 0.0)
    norm = deg_inv_sqrt[src] * deg_inv_sqrt[dst]
    h = x @ W
    msg = norm[:, None] * jnp.take(h, src, axis=0)
    out = jnp.zeros((n, W.shape[1]), x.dtype).at[dst].add(msg)
    return out + b


def _layer_norm(h, g, b, eps=1e-5):
    mu = jnp.mean(h, axis=-1, keepdims=True)
    var = jnp.mean((h - mu) ** 2, axis=-1, keepdims=True)
    return (h - mu) / jnp.sqrt(var + eps) * g + b


def reference(x, edge_index, W1, b1, ln1_w, ln1_b, W2, b2, ln2_w, ln2_b):
    h = _gcn_conv(x, edge_index, W1, b1)
    h = _layer_norm(h, ln1_w, ln1_b)
    h = jax.nn.relu(h)
    h = _gcn_conv(h, edge_index, W2, b2)
    h = _layer_norm(h, ln2_w, ln2_b)
    h = jax.nn.relu(h)
    return h

if __name__ == "__main__":
    import jax
    _d = setup_inputs()
    print(jax.jit(kernel)(*tuple(_d.values())))

</pallas_src>

<mosaic_0001>
#map = affine_map<(d0, d1) -> (0, 0)>
#map1 = affine_map<(d0, d1) -> (0, 0, 0)>
module attributes {stable_mosaic.version = 14 : i64} {
  func.func @_degree_body(%arg0: i32, %arg1: i32, %arg2: memref<32x10240xi32, #tpu.memory_space<hbm>>, %arg3: memref<2x80x128xf32, #tpu.memory_space<hbm>>, %arg4: memref<80x128xf32, #tpu.memory_space<vmem_shared>>, %arg5: memref<10240xi32, #tpu.memory_space<vmem>>, %arg6: memref<80x128xf32, #tpu.memory_space<vmem>>, %arg7: memref<8x128xf32, #tpu.memory_space<vmem>>, %arg8: memref<80xi32, #tpu.memory_space<vmem>>, %arg9: memref<!tpu.dma_semaphore, #tpu.memory_space<semaphore_mem>>) attributes {dimension_semantics = [#tpu.dimension_semantics<core_parallel>, #tpu.dimension_semantics<subcore_parallel>], iteration_bounds = array<i64: 2, 16>, scalar_prefetch = 0 : i64, scratch_operands = 6 : i64, tpu.core_type = #tpu.core_type<sc_vector_subcore>, window_params = [{transform_indices = #map}, {transform_indices = #map1}]} {
    %mul3A = arith.constant 16 : i32
    %mul3A_0 = arith.muli %arg0, %mul3A : i32
    %add3A = arith.addi %mul3A_0, %arg1 : i32
    "tpu.region"() ({
      %run_scoped3A = tpu.sem_alloc : memref<!tpu.dma_semaphore, #tpu.memory_space<semaphore_mem>>
      %dma_start3A = arith.constant 0 : i32
      %dma_start3A_55 = tpu.memref_slice %arg2[%add3A, %dma_start3A] : memref<32x10240xi32, #tpu.memory_space<hbm>> -> memref<1x10240xi32, #tpu.memory_space<hbm>>
      %dma_start3A_56 = tpu.memref_squeeze %dma_start3A_55 : memref<1x10240xi32, #tpu.memory_space<hbm>> -> memref<10240xi32, #tpu.memory_space<hbm>>
      %dma_start3A_57 = arith.constant 0 : i32
      %dma_start3A_58 = tpu.memref_slice %arg2[%add3A, %dma_start3A_57] : memref<32x10240xi32, #tpu.memory_space<hbm>> -> memref<1x10240xi32, #tpu.memory_space<hbm>>
      %dma_start3A_59 = tpu.memref_squeeze %dma_start3A_58 : memref<1x10240xi32, #tpu.memory_space<hbm>> -> memref<10240xi32, #tpu.memory_space<hbm>>
      tpu.enqueue_dma source(%dma_start3A_59 : memref<10240xi32, #tpu.memory_space<hbm>>) target(%arg5 : memref<10240xi32, #tpu.memory_space<vmem>>) target_semaphore(%run_scoped3A : memref<!tpu.dma_semaphore, #tpu.memory_space<semaphore_mem>>)
      %dma_wait3A = arith.constant 0 : i32
      %dma_wait3A_60 = tpu.memref_slice %arg2[%add3A, %dma_wait3A] : memref<32x10240xi32, #tpu.memory_space<hbm>> -> memref<1x10240xi32, #tpu.memory_space<hbm>>
      %dma_wait3A_61 = tpu.memref_squeeze %dma_wait3A_60 : memref<1x10240xi32, #tpu.memory_space<hbm>> -> memref<10240xi32, #tpu.memory_space<hbm>>
      %dma_wait3A_62 = arith.constant 0 : i32
      %dma_wait3A_63 = tpu.memref_slice %arg2[%add3A, %dma_wait3A_62] : memref<32x10240xi32, #tpu.memory_space<hbm>> -> memref<1x10240xi32, #tpu.memory_space<hbm>>
      %dma_wait3A_64 = tpu.memref_squeeze %dma_wait3A_63 : memref<1x10240xi32, #tpu.memory_space<hbm>> -> memref<10240xi32, #tpu.memory_space<hbm>>
      tpu.wait_dma2 semaphore(%run_scoped3A : memref<!tpu.dma_semaphore, #tpu.memory_space<semaphore_mem>>) src(%dma_wait3A_64 : memref<10240xi32, #tpu.memory_space<hbm>>) dst(%arg5 : memref<10240xi32, #tpu.memory_space<vmem>>)
      tpu.yield
    }) : () -> ()
    %broadcast_in_dim3A = arith.constant 0.000000e+00 : f32
    %broadcast_in_dim3A_1 = vector.broadcast %broadcast_in_dim3A : f32 to vector<16xf32>
    %scan3A = arith.constant 0 : i32
    %scan3A_2 = arith.constant 0 : i32
    %scan3A_3 = arith.constant 640 : i32
    %scan3A_4 = arith.addi %scan3A_2, %scan3A_3 : i32
    %scan3A_5 = arith.constant 1 : i32
    scf.for %scan3A_55 = %scan3A_2 to %scan3A_4 step %scan3A_5  : i32 {
      %jit3A = arith.constant 8 : i32
      %div3A = arith.divsi %scan3A_55, %jit3A : i32
      %sign3A = arith.constant 0 : i32
      %sign3A_56 = arith.cmpi sgt, %scan3A_55, %sign3A : i32
      %sign3A_57 = arith.extui %sign3A_56 : i1 to i32
      %sign3A_58 = arith.constant 0 : i32
      %sign3A_59 = arith.cmpi slt, %scan3A_55, %sign3A_58 : i32
      %sign3A_60 = arith.extui %sign3A_59 : i1 to i32
      %sign3A_61 = arith.subi %sign3A_57, %sign3A_60 : i32
      %sign3A_62 = arith.constant 0 : i32
      %sign3A_63 = arith.cmpi sgt, %jit3A, %sign3A_62 : i32
      %sign3A_64 = arith.extui %sign3A_63 : i1 to i32
      %sign3A_65 = arith.constant 0 : i32
      %sign3A_66 = arith.cmpi slt, %jit3A, %sign3A_65 : i32
      %sign3A_67 = arith.extui %sign3A_66 : i1 to i32
      %sign3A_68 = arith.subi %sign3A_64, %sign3A_67 : i32
      %ne3A = arith.cmpi ne, %sign3A_61, %sign3A_68 : i32
      %rem3A = arith.remsi %scan3A_55, %jit3A : i32
      %ne3A_69 = arith.constant 0 : i32
      %ne3A_70 = arith.cmpi ne, %rem3A, %ne3A_69 : i32
      %and3A = arith.andi %ne3A, %ne3A_70 : i1
      %sub3A = arith.constant 1 : i32
      %sub3A_71 = arith.subi %div3A, %sub3A : i32
      %select_n3A = arith.select %and3A, %sub3A_71, %div3A : i32
      %jit3A_72 = arith.constant 8 : i32
      %eq3A = arith.constant 0 : i32
      %eq3A_73 = arith.cmpi eq, %jit3A_72, %eq3A : i32
      %jit3A_74 = arith.constant 1 : i32
      %select_n3A_75 = arith.select %eq3A_73, %jit3A_74, %jit3A_72 : i32
      %rem3A_76 = arith.remsi %scan3A_55, %select_n3A_75 : i32
      %ne3A_77 = arith.constant 0 : i32
      %ne3A_78 = arith.cmpi ne, %rem3A_76, %ne3A_77 : i32
      %lt3A_79 = arith.constant 0 : i32
      %lt3A_80 = arith.cmpi slt, %rem3A_76, %lt3A_79 : i32
      %lt3A_81 = arith.constant 0 : i32
      %lt3A_82 = arith.cmpi slt, %select_n3A_75, %lt3A_81 : i32
      %ne3A_83 = arith.xori %lt3A_80, %lt3A_82 : i1
      %and3A_84 = arith.andi %ne3A_83, %ne3A_78 : i1
      %add3A_85 = arith.addi %rem3A_76, %select_n3A_75 : i32
      %select_n3A_86 = arith.select %and3A_84, %add3A_85, %rem3A_76 : i32
      %mul3A_87 = arith.constant 16 : i32
      %mul3A_88 = arith.muli %select_n3A_86, %mul3A_87 : i32
      %swap3A_89 = arith.index_cast %select_n3A : i32 to index
      %swap3A_90 = arith.index_cast %mul3A_88 : i32 to index
      %swap3A_91 = tpu.vector_load %arg6[%swap3A_89, %swap3A_90] {strides = array<i32>} : memref<80x128xf32, #tpu.memory_space<vmem>>, vector<16xf32>,
      tpu.vector_store %arg6[%swap3A_89, %swap3A_90], %broadcast_in_dim3A_1 {strides = array<i32>} : memref<80x128xf32, #tpu.memory_space<vmem>>, vector<16xf32>,
    }
    %scan3A_6 = arith.constant 640 : i32
    %scan3A_7 = arith.constant 0 : i32
    %scan3A_8 = arith.constant 0 : i32
    %scan3A_9 = arith.constant 64 : i32
    %scan3A_10 = arith.addi %scan3A_8, %scan3A_9 : i32
    %scan3A_11 = arith.constant 1 : i32
    scf.for %scan3A_55 = %scan3A_8 to %scan3A_10 step %scan3A_11  : i32 {
      %jit3A = arith.constant 8 : i32
      %div3A = arith.divsi %scan3A_55, %jit3A : i32
      %sign3A = arith.constant 0 : i32
      %sign3A_56 = arith.cmpi sgt, %scan3A_55, %sign3A : i32
      %sign3A_57 = arith.extui %sign3A_56 : i1 to i32
      %sign3A_58 = arith.constant 0 : i32
      %sign3A_59 = arith.cmpi slt, %scan3A_55, %sign3A_58 : i32
      %sign3A_60 = arith.extui %sign3A_59 : i1 to i32
      %sign3A_61 = arith.subi %sign3A_57, %sign3A_60 : i32
      %sign3A_62 = arith.constant 0 : i32
      %sign3A_63 = arith.cmpi sgt, %jit3A, %sign3A_62 : i32
      %sign3A_64 = arith.extui %sign3A_63 : i1 to i32
      %sign3A_65 = arith.constant 0 : i32
      %sign3A_66 = arith.cmpi slt, %jit3A, %sign3A_65 : i32
      %sign3A_67 = arith.extui %sign3A_66 : i1 to i32
      %sign3A_68 = arith.subi %sign3A_64, %sign3A_67 : i32
      %ne3A = arith.cmpi ne, %sign3A_61, %sign3A_68 : i32
      %rem3A = arith.remsi %scan3A_55, %jit3A : i32
      %ne3A_69 = arith.constant 0 : i32
      %ne3A_70 = arith.cmpi ne, %rem3A, %ne3A_69 : i32
      %and3A = arith.andi %ne3A, %ne3A_70 : i1
      %sub3A = arith.constant 1 : i32
      %sub3A_71 = arith.subi %div3A, %sub3A : i32
      %select_n3A = arith.select %and3A, %sub3A_71, %div3A : i32
      %jit3A_72 = arith.constant 8 : i32
      %eq3A = arith.constant 0 : i32
      %eq3A_73 = arith.cmpi eq, %jit3A_72, %eq3A : i32
      %jit3A_74 = arith.constant 1 : i32
      %select_n3A_75 = arith.select %eq3A_73, %jit3A_74, %jit3A_72 : i32
      %rem3A_76 = arith.remsi %scan3A_55, %select_n3A_75 : i32
      %ne3A_77 = arith.constant 0 : i32
      %ne3A_78 = arith.cmpi ne, %rem3A_76, %ne3A_77 : i32
      %lt3A_79 = arith.constant 0 : i32
      %lt3A_80 = arith.cmpi slt, %rem3A_76, %lt3A_79 : i32
      %lt3A_81 = arith.constant 0 : i32
      %lt3A_82 = arith.cmpi slt, %select_n3A_75, %lt3A_81 : i32
      %ne3A_83 = arith.xori %lt3A_80, %lt3A_82 : i1
      %and3A_84 = arith.andi %ne3A_83, %ne3A_78 : i1
      %add3A_85 = arith.addi %rem3A_76, %select_n3A_75 : i32
      %select_n3A_86 = arith.select %and3A_84, %add3A_85, %rem3A_76 : i32
      %mul3A_87 = arith.constant 16 : i32
      %mul3A_88 = arith.muli %select_n3A_86, %mul3A_87 : i32
      %swap3A_89 = arith.index_cast %select_n3A : i32 to index
      %swap3A_90 = arith.index_cast %mul3A_88 : i32 to index
      %swap3A_91 = tpu.vector_load %arg7[%swap3A_89, %swap3A_90] {strides = array<i32>} : memref<8x128xf32, #tpu.memory_space<vmem>>, vector<16xf32>,
      tpu.vector_store %arg7[%swap3A_89, %swap3A_90], %broadcast_in_dim3A_1 {strides = array<i32>} : memref<8x128xf32, #tpu.memory_space<vmem>>, vector<16xf32>,
    }
    %scan3A_12 = arith.constant 64 : i32
    %iota3A = tpu.iota {dimensions = array<i32: 0>} : vector<16xi32>
    %add3A_13 = arith.constant 0 : i32
    %add3A_14 = vector.broadcast %add3A_13 : i32 to vector<16xi32>
    %add3A_15 = arith.addi %iota3A, %add3A_14 : vector<16xi32>
    %swap3A = arith.constant 0 : index
    %swap3A_16 = tpu.vector_load %arg8[%swap3A] {strides = array<i32>} : memref<80xi32, #tpu.memory_space<vmem>>, vector<16xi32>,
    tpu.vector_store %arg8[%swap3A], %add3A_15 {strides = array<i32>} : memref<80xi32, #tpu.memory_space<vmem>>, vector<16xi32>,
    %iota3A_17 = tpu.iota {dimensions = array<i32: 0>} : vector<16xi32>
    %add3A_18 = arith.constant 16 : i32
    %add3A_19 = vector.broadcast %add3A_18 : i32 to vector<16xi32>
    %add3A_20 = arith.addi %iota3A_17, %add3A_19 : vector<16xi32>
    %swap3A_21 = arith.constant 16 : index
    %swap3A_22 = tpu.vector_load %arg8[%swap3A_21] {strides = array<i32>} : memref<80xi32, #tpu.memory_space<vmem>>, vector<16xi32>,
    tpu.vector_store %arg8[%swap3A_21], %add3A_20 {strides = array<i32>} : memref<80xi32, #tpu.memory_space<vmem>>, vector<16xi32>,
    %iota3A_23 = tpu.iota {dimensions = array<i32: 0>} : vector<16xi32>
    %add3A_24 = arith.constant 32 : i32
    %add3A_25 = vector.broadcast %add3A_24 : i32 to vector<16xi32>
    %add3A_26 = arith.addi %iota3A_23, %add3A_25 : vector<16xi32>
    %swap3A_27 = arith.constant 32 : index
    %swap3A_28 = tpu.vector_load %arg8[%swap3A_27] {strides = array<i32>} : memref<80xi32, #tpu.memory_space<vmem>>, vector<16xi32>,
    tpu.vector_store %arg8[%swap3A_27], %add3A_26 {strides = array<i32>} : memref<80xi32, #tpu.memory_space<vmem>>, vector<16xi32>,
    %iota3A_29 = tpu.iota {dimensions = array<i32: 0>} : vector<16xi32>
    %add3A_30 = arith.constant 48 : i32
    %add3A_31 = vector.broadcast %add3A_30 : i32 to vector<16xi32>
    %add3A_32 = arith.addi %iota3A_29, %add3A_31 : vector<16xi32>
    %swap3A_33 = arith.constant 48 : index
    %swap3A_34 = tpu.vector_load %arg8[%swap3A_33] {strides = array<i32>} : memref<80xi32, #tpu.memory_space<vmem>>, vector<16xi32>,
    tpu.vector_store %arg8[%swap3A_33], %add3A_32 {strides = array<i32>} : memref<80xi32, #tpu.memory_space<vmem>>, vector<16xi32>,
    %iota3A_35 = tpu.iota {dimensions = array<i32: 0>} : vector<16xi32>
    %add3A_36 = arith.constant 64 : i32
    %add3A_37 = vector.broadcast %add3A_36 : i32 to vector<16xi32>
    %add3A_38 = arith.addi %iota3A_35, %add3A_37 : vector<16xi32>
    %swap3A_39 = arith.constant 64 : index
    %swap3A_40 = tpu.vector_load %arg8[%swap3A_39] {strides = array<i32>} : memref<80xi32, #tpu.memory_space<vmem>>, vector<16xi32>,
    tpu.vector_store %arg8[%swap3A_39], %add3A_38 {strides = array<i32>} : memref<80xi32, #tpu.memory_space<vmem>>, vector<16xi32>,
    %lt3A = arith.constant 10 : i32
    %lt3A_41 = arith.cmpi slt, %arg1, %lt3A : i32
    %convert_element_type3A = arith.extui %lt3A_41 : i1 to i32
    %cond3A = arith.constant 0 : i32
    %cond3A_42 = arith.cmpi ne, %convert_element_type3A, %cond3A : i32
    scf.if %cond3A_42 {
      %mul3A_55 = arith.constant 8 : i32
      %mul3A_56 = arith.muli %mul3A_55, %arg1 : i32
      "tpu.region"() ({
        %run_scoped3A = tpu.sem_alloc : memref<!tpu.dma_semaphore, #tpu.memory_space<semaphore_mem>>
        %dma_start3A = arith.constant 0 : i32
        %dma_start3A_57 = tpu.memref_slice %arg4[%mul3A_56, %dma_start3A] : memref<80x128xf32, #tpu.memory_space<vmem_shared>> -> memref<8x128xf32, #tpu.memory_space<vmem_shared>>
        %dma_start3A_58 = arith.constant 0 : i32
        %dma_start3A_59 = tpu.memref_slice %arg4[%mul3A_56, %dma_start3A_58] : memref<80x128xf32, #tpu.memory_space<vmem_shared>> -> memref<8x128xf32, #tpu.memory_space<vmem_shared>>
        tpu.enqueue_dma source(%arg7 : memref<8x128xf32, #tpu.memory_space<vmem>>) target(%dma_start3A_59 : memref<8x128xf32, #tpu.memory_space<vmem_shared>>) target_semaphore(%run_scoped3A : memref<!tpu.dma_semaphore, #tpu.memory_space<semaphore_mem>>)
        %dma_wait3A = arith.constant 0 : i32
        %dma_wait3A_60 = tpu.memref_slice %arg4[%mul3A_56, %dma_wait3A] : memref<80x128xf32, #tpu.memory_space<vmem_shared>> -> memref<8x128xf32, #tpu.memory_space<vmem_shared>>
        %dma_wait3A_61 = arith.constant 0 : i32
        %dma_wait3A_62 = tpu.memref_slice %arg4[%mul3A_56, %dma_wait3A_61] : memref<80x128xf32, #tpu.memory_space<vmem_shared>> -> memref<8x128xf32, #tpu.memory_space<vmem_shared>>
        tpu.wait_dma2 semaphore(%run_scoped3A : memref<!tpu.dma_semaphore, #tpu.memory_space<semaphore_mem>>) src(%arg7 : memref<8x128xf32, #tpu.memory_space<vmem>>) dst(%dma_wait3A_62 : memref<8x128xf32, #tpu.memory_space<vmem_shared>>)
        tpu.yield
      }) : () -> ()
    } else {
    }
    %barrier3A = arith.constant 0 : index
    tpu.barrier barrier_id(%barrier3A)
    %scan3A_43 = arith.constant 0 : i32
    %scan3A_44 = arith.constant 0 : i32
    %scan3A_45 = arith.constant 640 : i32
    %scan3A_46 = arith.addi %scan3A_44, %scan3A_45 : i32
    %scan3A_47 = arith.constant 1 : i32
    scf.for %scan3A_55 = %scan3A_44 to %scan3A_46 step %scan3A_47  : i32 {
      %mul3A_56 = arith.constant 16 : i32
      %mul3A_57 = arith.muli %scan3A_55, %mul3A_56 : i32
      %multiple_of3A = tpu.assume_multiple %mul3A_57, 16 : i32
      %get3A = arith.index_cast %multiple_of3A : i32 to index
      %get3A_58 = tpu.vector_load %arg5[%get3A] {strides = array<i32>} : memref<10240xi32, #tpu.memory_space<vmem>>, vector<16xi32>,
      %broadcast_in_dim3A_59 = arith.constant true
      %broadcast_in_dim3A_60 = vector.broadcast %broadcast_in_dim3A_59 : i1 to vector<16xi1>
      %unique3A, %unique3A_61 = tpu.scan_count mask(%broadcast_in_dim3A_60 : vector<16xi1>) value(%get3A_58 : vector<16xi32>) : vector<16xi1>, vector<16xi32>
      %shift_right_logical3A = arith.constant 7 : i32
      %shift_right_logical3A_62 = vector.broadcast %shift_right_logical3A : i32 to vector<16xi32>
      %shift_right_logical3A_63 = arith.shrui %get3A_58, %shift_right_logical3A_62 : vector<16xi32>
      %and3A = arith.constant 127 : i32
      %and3A_64 = vector.broadcast %and3A : i32 to vector<16xi32>
      %and3A_65 = arith.andi %get3A_58, %and3A_64 : vector<16xi32>
      %convert_element_type3A_66 = arith.sitofp %unique3A_61 : vector<16xi32> to vector<16xf32>
      tpu.vector_store_idx %arg6[%shift_right_logical3A_63, %and3A_65], %convert_element_type3A_66 masked %unique3A {add = true} : memref<80x128xf32, #tpu.memory_space<vmem>>[vector<16xi32>, vector<16xi32>], vector<16xf32>, vector<16xi1>
    }
    %scan3A_48 = arith.constant 640 : i32
    "tpu.region"() ({
      %run_scoped3A = tpu.sem_alloc : memref<!tpu.dma_semaphore, #tpu.memory_space<semaphore_mem>>
      %dma_start3A = arith.constant 0 : i32
      %dma_start3A_55 = arith.constant 0 : i32
      %dma_start3A_56 = tpu.memref_slice %arg4[%dma_start3A, %dma_start3A_55] : memref<80x128xf32, #tpu.memory_space<vmem_shared>> -> memref<80x128xf32, #tpu.memory_space<vmem_shared>>
      tpu.enqueue_indirect_dma source(%arg6 : memref<80x128xf32, #tpu.memory_space<vmem>>) target(%dma_start3A_56 : memref<80x128xf32, #tpu.memory_space<vmem_shared>>) offsets(%arg8 : memref<80xi32, #tpu.memory_space<vmem>>) semaphore(%run_scoped3A : memref<!tpu.dma_semaphore, #tpu.memory_space<semaphore_mem>>) {add = true}
      %dma_wait3A = arith.constant 0 : i32
      %dma_wait3A_57 = arith.constant 0 : i32
      %dma_wait3A_58 = tpu.memref_slice %arg4[%dma_wait3A, %dma_wait3A_57] : memref<80x128xf32, #tpu.memory_space<vmem_shared>> -> memref<80x128xf32, #tpu.memory_space<vmem_shared>>
      tpu.wait_indirect_dma semaphore(%run_scoped3A : memref<!tpu.dma_semaphore, #tpu.memory_space<semaphore_mem>>) src(%arg6 : memref<80x128xf32, #tpu.memory_space<vmem>>) dst(%dma_wait3A_58 : memref<80x128xf32, #tpu.memory_space<vmem_shared>>)
      tpu.yield
    }) : () -> ()
    %barrier3A_49 = arith.constant 0 : index
    tpu.barrier barrier_id(%barrier3A_49)
    %lt3A_50 = arith.constant 10 : i32
    %lt3A_51 = arith.cmpi slt, %arg1, %lt3A_50 : i32
    %convert_element_type3A_52 = arith.extui %lt3A_51 : i1 to i32
    %cond3A_53 = arith.constant 0 : i32
    %cond3A_54 = arith.cmpi ne, %convert_element_type3A_52, %cond3A_53 : i32
    scf.if %cond3A_54 {
      %mul3A_55 = arith.constant 8 : i32
      %mul3A_56 = arith.muli %mul3A_55, %arg1 : i32
      "tpu.region"() ({
        %run_scoped3A = tpu.sem_alloc : memref<!tpu.dma_semaphore, #tpu.memory_space<semaphore_mem>>
        %dma_start3A = arith.constant 0 : i32
        %dma_start3A_59 = tpu.memref_slice %arg4[%mul3A_56, %dma_start3A] : memref<80x128xf32, #tpu.memory_space<vmem_shared>> -> memref<8x128xf32, #tpu.memory_space<vmem_shared>>
        %dma_start3A_60 = arith.constant 0 : i32
        %dma_start3A_61 = tpu.memref_slice %arg4[%mul3A_56, %dma_start3A_60] : memref<80x128xf32, #tpu.memory_space<vmem_shared>> -> memref<8x128xf32, #tpu.memory_space<vmem_shared>>
        tpu.enqueue_dma source(%dma_start3A_61 : memref<8x128xf32, #tpu.memory_space<vmem_shared>>) target(%arg7 : memref<8x128xf32, #tpu.memory_space<vmem>>) target_semaphore(%run_scoped3A : memref<!tpu.dma_semaphore, #tpu.memory_space<semaphore_mem>>)
        %dma_wait3A = arith.constant 0 : i32
        %dma_wait3A_62 = tpu.memref_slice %arg4[%mul3A_56, %dma_wait3A] : memref<80x128xf32, #tpu.memory_space<vmem_shared>> -> memref<8x128xf32, #tpu.memory_space<vmem_shared>>
        %dma_wait3A_63 = arith.constant 0 : i32
        %dma_wait3A_64 = tpu.memref_slice %arg4[%mul3A_56, %dma_wait3A_63] : memref<80x128xf32, #tpu.memory_space<vmem_shared>> -> memref<8x128xf32, #tpu.memory_space<vmem_shared>>
        tpu.wait_dma2 semaphore(%run_scoped3A : memref<!tpu.dma_semaphore, #tpu.memory_space<semaphore_mem>>) src(%dma_wait3A_64 : memref<8x128xf32, #tpu.memory_space<vmem_shared>>) dst(%arg7 : memref<8x128xf32, #tpu.memory_space<vmem>>)
        tpu.yield
      }) : () -> ()
      %mul3A_57 = arith.constant 8 : i32
      %mul3A_58 = arith.muli %mul3A_57, %arg1 : i32
      "tpu.region"() ({
        %run_scoped3A = tpu.sem_alloc : memref<!tpu.dma_semaphore, #tpu.memory_space<semaphore_mem>>
        %dma_start3A = arith.constant 0 : i32
        %dma_start3A_59 = tpu.memref_slice %arg3[%arg0, %mul3A_58, %dma_start3A] : memref<2x80x128xf32, #tpu.memory_space<hbm>> -> memref<1x8x128xf32, #tpu.memory_space<hbm>>
        %dma_start3A_60 = tpu.memref_squeeze %dma_start3A_59 : memref<1x8x128xf32, #tpu.memory_space<hbm>> -> memref<8x128xf32, #tpu.memory_space<hbm>>
        %dma_start3A_61 = arith.constant 0 : i32
        %dma_start3A_62 = tpu.memref_slice %arg3[%arg0, %mul3A_58, %dma_start3A_61] : memref<2x80x128xf32, #tpu.memory_space<hbm>> -> memref<1x8x128xf32, #tpu.memory_space<hbm>>
        %dma_start3A_63 = tpu.memref_squeeze %dma_start3A_62 : memref<1x8x128xf32, #tpu.memory_space<hbm>> -> memref<8x128xf32, #tpu.memory_space<hbm>>
        tpu.enqueue_dma source(%arg7 : memref<8x128xf32, #tpu.memory_space<vmem>>) target(%dma_start3A_63 : memref<8x128xf32, #tpu.memory_space<hbm>>) target_semaphore(%run_scoped3A : memref<!tpu.dma_semaphore, #tpu.memory_space<semaphore_mem>>)
        %dma_wait3A = arith.constant 0 : i32
        %dma_wait3A_64 = tpu.memref_slice %arg3[%arg0, %mul3A_58, %dma_wait3A] : memref<2x80x128xf32, #tpu.memory_space<hbm>> -> memref<1x8x128xf32, #tpu.memory_space<hbm>>
        %dma_wait3A_65 = tpu.memref_squeeze %dma_wait3A_64 : memref<1x8x128xf32, #tpu.memory_space<hbm>> -> memref<8x128xf32, #tpu.memory_space<hbm>>
        %dma_wait3A_66 = arith.constant 0 : i32
        %dma_wait3A_67 = tpu.memref_slice %arg3[%arg0, %mul3A_58, %dma_wait3A_66] : memref<2x80x128xf32, #tpu.memory_space<hbm>> -> memref<1x8x128xf32, #tpu.memory_space<hbm>>
        %dma_wait3A_68 = tpu.memref_squeeze %dma_wait3A_67 : memref<1x8x128xf32, #tpu.memory_space<hbm>> -> memref<8x128xf32, #tpu.memory_space<hbm>>
        tpu.wait_dma2 semaphore(%run_scoped3A : memref<!tpu.dma_semaphore, #tpu.memory_space<semaphore_mem>>) src(%arg7 : memref<8x128xf32, #tpu.memory_space<vmem>>) dst(%dma_wait3A_68 : memref<8x128xf32, #tpu.memory_space<hbm>>)
        tpu.yield
      }) : () -> ()
    } else {
    }
    return
  }
}

#map = affine_map<(d0, d1) -> (0, 0)>
#map1 = affine_map<(d0, d1) -> (0, 0, 0, 0)>
#map2 = affine_map<(d0, d1) -> (0, 0, 0)>
module attributes {stable_mosaic.version = 14 : i64} {
  func.func @_scatter_body(%arg0: i32, %arg1: i32, %arg2: memref<10000x128xf32, #tpu.memory_space<hbm>>, %arg3: memref<32x256x2x40xi32, #tpu.memory_space<hbm>>, %arg4: memref<2x10240x128xf32, #tpu.memory_space<hbm>>, %arg5: memref<10240x128xf32, #tpu.memory_space<vmem_shared>>, %arg6: memref<2x40xi32, #tpu.memory_space<vmem>>, %arg7: memref<2x40xi32, #tpu.memory_space<vmem>>, %arg8: memref<2x40xi32, #tpu.memory_space<vmem>>, %arg9: memref<2x40xi32, #tpu.memory_space<vmem>>, %arg10: memref<2x40xi32, #tpu.memory_space<vmem>>, %arg11: memref<2x40xi32, #tpu.memory_space<vmem>>, %arg12: memref<2x40xi32, #tpu.memory_space<vmem>>, %arg13: memref<2x40xi32, #tpu.memory_space<vmem>>, %arg14: memref<40x128xf32, #tpu.memory_space<vmem>>, %arg15: memref<40x128xf32, #tpu.memory_space<vmem>>, %arg16: memref<40x128xf32, #tpu.memory_space<vmem>>, %arg17: memref<40x128xf32, #tpu.memory_space<vmem>>, %arg18: memref<40x128xf32, #tpu.memory_space<vmem>>, %arg19: memref<40x128xf32, #tpu.memory_space<vmem>>, %arg20: memref<40x128xf32, #tpu.memory_space<vmem>>, %arg21: memref<40x128xf32, #tpu.memory_space<vmem>>, %arg22: memref<!tpu.dma_semaphore, #tpu.memory_space<semaphore_mem>>, %arg23: memref<!tpu.dma_semaphore, #tpu.memory_space<semaphore_mem>>, %arg24: memref<!tpu.dma_semaphore, #tpu.memory_space<semaphore_mem>>, %arg25: memref<!tpu.dma_semaphore, #tpu.memory_space<semaphore_mem>>, %arg26: memref<!tpu.dma_semaphore, #tpu.memory_space<semaphore_mem>>, %arg27: memref<!tpu.dma_semaphore, #tpu.memory_space<semaphore_mem>>, %arg28: memref<!tpu.dma_semaphore, #tpu.memory_space<semaphore_mem>>, %arg29: memref<!tpu.dma_semaphore, #tpu.memory_space<semaphore_mem>>, %arg30: memref<!tpu.dma_semaphore, #tpu.memory_space<semaphore_mem>>, %arg31: memref<!tpu.dma_semaphore, #tpu.memory_space<semaphore_mem>>, %arg32: memref<!tpu.dma_semaphore, #tpu.memory_space<semaphore_mem>>, %arg33: memref<!tpu.dma_semaphore, #tpu.memory_space<semaphore_mem>>, %arg34: memref<!tpu.dma_semaphore, #tpu.memory_space<semaphore_mem>>, %arg35: memref<!tpu.dma_semaphore, #tpu.memory_space<semaphore_mem>>, %arg36: memref<!tpu.dma_semaphore, #tpu.memory_space<semaphore_mem>>, %arg37: memref<!tpu.dma_semaphore, #tpu.memory_space<semaphore_mem>>, %arg38: memref<!tpu.dma_semaphore, #tpu.memory_space<semaphore_mem>>, %arg39: memref<!tpu.dma_semaphore, #tpu.memory_space<semaphore_mem>>, %arg40: memref<!tpu.dma_semaphore, #tpu.memory_space<semaphore_mem>>, %arg41: memref<!tpu.dma_semaphore, #tpu.memory_space<semaphore_mem>>, %arg42: memref<!tpu.dma_semaphore, #tpu.memory_space<semaphore_mem>>, %arg43: memref<!tpu.dma_semaphore, #tpu.memory_space<semaphore_mem>>, %arg44: memref<!tpu.dma_semaphore, #tpu.memory_space<semaphore_mem>>, %arg45: memref<!tpu.dma_semaphore, #tpu.memory_space<semaphore_mem>>) attributes {dimension_semantics = [#tpu.dimension_semantics<core_parallel>, #tpu.dimension_semantics<subcore_parallel>], iteration_bounds = array<i64: 2, 16>, scalar_prefetch = 0 : i64, scratch_operands = 41 : i64, tpu.core_type = #tpu.core_type<sc_vector_subcore>, window_params = [{transform_indices = #map}, {transform_indices = #map1}, {transform_indices = #map2}]} {
    %mul3A = arith.constant 16 : i32
    %mul3A_0 = arith.muli %arg0, %mul3A : i32
    %add3A = arith.addi %mul3A_0, %arg1 : i32
    %broadcast_in_dim3A = arith.constant 0.000000e+00 : f32
    %broadcast_in_dim3A_1 = vector.broadcast %broadcast_in_dim3A : f32 to vector<16xf32>
    %scan3A = arith.constant 0 : i32
    %scan3A_2 = arith.constant 0 : i32
    %scan3A_3 = arith.constant 320 : i32
    %scan3A_4 = arith.addi %scan3A_2, %scan3A_3 : i32
    %scan3A_5 = arith.constant 1 : i32
    scf.for %scan3A_652 = %scan3A_2 to %scan3A_4 step %scan3A_5  : i32 {
      %jit3A = arith.constant 8 : i32
      %div3A = arith.divsi %scan3A_652, %jit3A : i32
      %sign3A = arith.constant 0 : i32
      %sign3A_653 = arith.cmpi sgt, %scan3A_652, %sign3A : i32
      %sign3A_654 = arith.extui %sign3A_653 : i1 to i32
      %sign3A_655 = arith.constant 0 : i32
      %sign3A_656 = arith.cmpi slt, %scan3A_652, %sign3A_655 : i32
      %sign3A_657 = arith.extui %sign3A_656 : i1 to i32
      %sign3A_658 = arith.subi %sign3A_654, %sign3A_657 : i32
      %sign3A_659 = arith.constant 0 : i32
      %sign3A_660 = arith.cmpi sgt, %jit3A, %sign3A_659 : i32
      %sign3A_661 = arith.extui %sign3A_660 : i1 to i32
      %sign3A_662 = arith.constant 0 : i32
      %sign3A_663 = arith.cmpi slt, %jit3A, %sign3A_662 : i32
      %sign3A_664 = arith.extui %sign3A_663 : i1 to i32
      %sign3A_665 = arith.subi %sign3A_661, %sign3A_664 : i32
      %ne3A = arith.cmpi ne, %sign3A_658, %sign3A_665 : i32
      %rem3A = arith.remsi %scan3A_652, %jit3A : i32
      %ne3A_666 = arith.constant 0 : i32
      %ne3A_667 = arith.cmpi ne, %rem3A, %ne3A_666 : i32
      %and3A = arith.andi %ne3A, %ne3A_667 : i1
      %sub3A = arith.constant 1 : i32
      %sub3A_668 = arith.subi %div3A, %sub3A : i32
      %select_n3A = arith.select %and3A, %sub3A_668, %div3A : i32
      %jit3A_669 = arith.constant 8 : i32
      %eq3A = arith.constant 0 : i32
      %eq3A_670 = arith.cmpi eq, %jit3A_669, %eq3A : i32
      %jit3A_671 = arith.constant 1 : i32
      %select_n3A_672 = arith.select %eq3A_670, %jit3A_671, %jit3A_669 : i32
      %rem3A_673 = arith.remsi %scan3A_652, %select_n3A_672 : i32
      %ne3A_674 = arith.constant 0 : i32
      %ne3A_675 = arith.cmpi ne, %rem3A_673, %ne3A_674 : i32
      %lt3A = arith.constant 0 : i32
      %lt3A_676 = arith.cmpi slt, %rem3A_673, %lt3A : i32
      %lt3A_677 = arith.constant 0 : i32
      %lt3A_678 = arith.cmpi slt, %select_n3A_672, %lt3A_677 : i32
      %ne3A_679 = arith.xori %lt3A_676, %lt3A_678 : i1
      %and3A_680 = arith.andi %ne3A_679, %ne3A_675 : i1
      %add3A_681 = arith.addi %rem3A_673, %select_n3A_672 : i32
      %select_n3A_682 = arith.select %and3A_680, %add3A_681, %rem3A_673 : i32
      %mul3A_683 = arith.constant 16 : i32
      %mul3A_684 = arith.muli %select_n3A_682, %mul3A_683 : i32
      %swap3A = arith.index_cast %select_n3A : i32 to index
      %swap3A_685 = arith.index_cast %mul3A_684 : i32 to index
      %swap3A_686 = tpu.vector_load %arg14[%swap3A, %swap3A_685] {strides = array<i32>} : memref<40x128xf32, #tpu.memory_space<vmem>>, vector<1x16xf32>,
      %swap3A_687 = vector.shape_cast %swap3A_686 : vector<1x16xf32> to vector<16xf32>
      %swap3A_688 = vector.shape_cast %broadcast_in_dim3A_1 : vector<16xf32> to vector<1x16xf32>
      tpu.vector_store %arg14[%swap3A, %swap3A_685], %swap3A_688 {strides = array<i32>} : memref<40x128xf32, #tpu.memory_space<vmem>>, vector<1x16xf32>,
    }
    %scan3A_6 = arith.constant 320 : i32
    %mul3A_7 = arith.constant 640 : i32
    %mul3A_8 = arith.muli %arg1, %mul3A_7 : i32
    %add3A_9 = arith.constant 0 : i32
    %add3A_10 = arith.addi %mul3A_8, %add3A_9 : i32
    %dma_start3A = arith.constant 0 : i32
    %dma_start3A_11 = tpu.memref_slice %arg5[%add3A_10, %dma_start3A] : memref<10240x128xf32, #tpu.memory_space<vmem_shared>> -> memref<40x128xf32, #tpu.memory_space<vmem_shared>>
    %dma_start3A_12 = arith.constant 0 : i32
    %dma_start3A_13 = tpu.memref_slice %arg5[%add3A_10, %dma_start3A_12] : memref<10240x128xf32, #tpu.memory_space<vmem_shared>> -> memref<40x128xf32, #tpu.memory_space<vmem_shared>>
    tpu.enqueue_dma source(%arg14 : memref<40x128xf32, #tpu.memory_space<vmem>>) target(%dma_start3A_13 : memref<40x128xf32, #tpu.memory_space<vmem_shared>>) target_semaphore(%arg38 : memref<!tpu.dma_semaphore, #tpu.memory_space<semaphore_mem>>)
    %mul3A_14 = arith.constant 640 : i32
    %mul3A_15 = arith.muli %arg1, %mul3A_14 : i32
    %add3A_16 = arith.constant 40 : i32
    %add3A_17 = arith.addi %mul3A_15, %add3A_16 : i32
    %dma_start3A_18 = arith.constant 0 : i32
    %dma_start3A_19 = tpu.memref_slice %arg5[%add3A_17, %dma_start3A_18] : memref<10240x128xf32, #tpu.memory_space<vmem_shared>> -> memref<40x128xf32, #tpu.memory_space<vmem_shared>>
    %dma_start3A_20 = arith.constant 0 : i32
    %dma_start3A_21 = tpu.memref_slice %arg5[%add3A_17, %dma_start3A_20] : memref<10240x128xf32, #tpu.memory_space<vmem_shared>> -> memref<40x128xf32, #tpu.memory_space<vmem_shared>>
    tpu.enqueue_dma source(%arg14 : memref<40x128xf32, #tpu.memory_space<vmem>>) target(%dma_start3A_21 : memref<40x128xf32, #tpu.memory_space<vmem_shared>>) target_semaphore(%arg38 : memref<!tpu.dma_semaphore, #tpu.memory_space<semaphore_mem>>)
    %mul3A_22 = arith.constant 640 : i32
    %mul3A_23 = arith.muli %arg1, %mul3A_22 : i32
    %add3A_24 = arith.constant 80 : i32
    %add3A_25 = arith.addi %mul3A_23, %add3A_24 : i32
    %dma_start3A_26 = arith.constant 0 : i32
    %dma_start3A_27 = tpu.memref_slice %arg5[%add3A_25, %dma_start3A_26] : memref<10240x128xf32, #tpu.memory_space<vmem_shared>> -> memref<40x128xf32, #tpu.memory_space<vmem_shared>>
    %dma_start3A_28 = arith.constant 0 : i32
    %dma_start3A_29 = tpu.memref_slice %arg5[%add3A_25, %dma_start3A_28] : memref<10240x128xf32, #tpu.memory_space<vmem_shared>> -> memref<40x128xf32, #tpu.memory_space<vmem_shared>>
    tpu.enqueue_dma source(%arg14 : memref<40x128xf32, #tpu.memory_space<vmem>>) target(%dma_start3A_29 : memref<40x128xf32, #tpu.memory_space<vmem_shared>>) target_semaphore(%arg38 : memref<!tpu.dma_semaphore, #tpu.memory_space<semaphore_mem>>)
    %mul3A_30 = arith.constant 640 : i32
    %mul3A_31 = arith.muli %arg1, %mul3A_30 : i32
    %add3A_32 = arith.constant 120 : i32
    %add3A_33 = arith.addi %mul3A_31, %add3A_32 : i32
    %dma_start3A_34 = arith.constant 0 : i32
    %dma_start3A_35 = tpu.memref_slice %arg5[%add3A_33, %dma_start3A_34] : memref<10240x128xf32, #tpu.memory_space<vmem_shared>> -> memref<40x128xf32, #tpu.memory_space<vmem_shared>>
    %dma_start3A_36 = arith.constant 0 : i32
    %dma_start3A_37 = tpu.memref_slice %arg5[%add3A_33, %dma_start3A_36] : memref<10240x128xf32, #tpu.memory_space<vmem_shared>> -> memref<40x128xf32, #tpu.memory_space<vmem_shared>>
    tpu.enqueue_dma source(%arg14 : memref<40x128xf32, #tpu.memory_space<vmem>>) target(%dma_start3A_37 : memref<40x128xf32, #tpu.memory_space<vmem_shared>>) target_semaphore(%arg38 : memref<!tpu.dma_semaphore, #tpu.memory_space<semaphore_mem>>)
    %mul3A_38 = arith.constant 640 : i32
    %mul3A_39 = arith.muli %arg1, %mul3A_38 : i32
    %add3A_40 = arith.constant 160 : i32
    %add3A_41 = arith.addi %mul3A_39, %add3A_40 : i32
    %dma_start3A_42 = arith.constant 0 : i32
    %dma_start3A_43 = tpu.memref_slice %arg5[%add3A_41, %dma_start3A_42] : memref<10240x128xf32, #tpu.memory_space<vmem_shared>> -> memref<40x128xf32, #tpu.memory_space<vmem_shared>>
    %dma_start3A_44 = arith.constant 0 : i32
    %dma_start3A_45 = tpu.memref_slice %arg5[%add3A_41, %dma_start3A_44] : memref<10240x128xf32, #tpu.memory_space<vmem_shared>> -> memref<40x128xf32, #tpu.memory_space<vmem_shared>>
    tpu.enqueue_dma source(%arg14 : memref<40x128xf32, #tpu.memory_space<vmem>>) target(%dma_start3A_45 : memref<40x128xf32, #tpu.memory_space<vmem_shared>>) target_semaphore(%arg38 : memref<!tpu.dma_semaphore, #tpu.memory_space<semaphore_mem>>)
    %mul3A_46 = arith.constant 640 : i32
    %mul3A_47 = arith.muli %arg1, %mul3A_46 : i32
    %add3A_48 = arith.constant 200 : i32
    %add3A_49 = arith.addi %mul3A_47, %add3A_48 : i32
    %dma_start3A_50 = arith.constant 0 : i32
    %dma_start3A_51 = tpu.memref_slice %arg5[%add3A_49, %dma_start3A_50] : memref<10240x128xf32, #tpu.memory_space<vmem_shared>> -> memref<40x128xf32, #tpu.memory_space<vmem_shared>>
    %dma_start3A_52 = arith.constant 0 : i32
    %dma_start3A_53 = tpu.memref_slice %arg5[%add3A_49, %dma_start3A_52] : memref<10240x128xf32, #tpu.memory_space<vmem_shared>> -> memref<40x128xf32, #tpu.memory_space<vmem_shared>>
    tpu.enqueue_dma source(%arg14 : memref<40x128xf32, #tpu.memory_space<vmem>>) target(%dma_start3A_53 : memref<40x128xf32, #tpu.memory_space<vmem_shared>>) target_semaphore(%arg38 : memref<!tpu.dma_semaphore, #tpu.memory_space<semaphore_mem>>)
    %mul3A_54 = arith.constant 640 : i32
    %mul3A_55 = arith.muli %arg1, %mul3A_54 : i32
    %add3A_56 = arith.constant 240 : i32
    %add3A_57 = arith.addi %mul3A_55, %add3A_56 : i32
    %dma_start3A_58 = arith.constant 0 : i32
    %dma_start3A_59 = tpu.memref_slice %arg5[%add3A_57, %dma_start3A_58] : memref<10240x128xf32, #tpu.memory_space<vmem_shared>> -> memref<40x128xf32, #tpu.memory_space<vmem_shared>>
    %dma_start3A_60 = arith.constant 0 : i32
    %dma_start3A_61 = tpu.memref_slice %arg5[%add3A_57, %dma_start3A_60] : memref<10240x128xf32, #tpu.memory_space<vmem_shared>> -> memref<40x128xf32, #tpu.memory_space<vmem_shared>>
    tpu.enqueue_dma source(%arg14 : memref<40x128xf32, #tpu.memory_space<vmem>>) target(%dma_start3A_61 : memref<40x128xf32, #tpu.memory_space<vmem_shared>>) target_semaphore(%arg38 : memref<!tpu.dma_semaphore, #tpu.memory_space<semaphore_mem>>)
    %mul3A_62 = arith.constant 640 : i32
    %mul3A_63 = arith.muli %arg1, %mul3A_62 : i32
    %add3A_64 = arith.constant 280 : i32
    %add3A_65 = arith.addi %mul3A_63, %add3A_64 : i32
    %dma_start3A_66 = arith.constant 0 : i32
    %dma_start3A_67 = tpu.memref_slice %arg5[%add3A_65, %dma_start3A_66] : memref<10240x128xf32, #tpu.memory_space<vmem_shared>> -> memref<40x128xf32, #tpu.memory_space<vmem_shared>>
    %dma_start3A_68 = arith.constant 0 : i32
    %dma_start3A_69 = tpu.memref_slice %arg5[%add3A_65, %dma_start3A_68] : memref<10240x128xf32, #tpu.memory_space<vmem_shared>> -> memref<40x128xf32, #tpu.memory_space<vmem_shared>>
    tpu.enqueue_dma source(%arg14 : memref<40x128xf32, #tpu.memory_space<vmem>>) target(%dma_start3A_69 : memref<40x128xf32, #tpu.memory_space<vmem_shared>>) target_semaphore(%arg38 : memref<!tpu.dma_semaphore, #tpu.memory_space<semaphore_mem>>)
    %mul3A_70 = arith.constant 640 : i32
    %mul3A_71 = arith.muli %arg1, %mul3A_70 : i32
    %add3A_72 = arith.constant 320 : i32
    %add3A_73 = arith.addi %mul3A_71, %add3A_72 : i32
    %dma_start3A_74 = arith.constant 0 : i32
    %dma_start3A_75 = tpu.memref_slice %arg5[%add3A_73, %dma_start3A_74] : memref<10240x128xf32, #tpu.memory_space<vmem_shared>> -> memref<40x128xf32, #tpu.memory_space<vmem_shared>>
    %dma_start3A_76 = arith.constant 0 : i32
    %dma_start3A_77 = tpu.memref_slice %arg5[%add3A_73, %dma_start3A_76] : memref<10240x128xf32, #tpu.memory_space<vmem_shared>> -> memref<40x128xf32, #tpu.memory_space<vmem_shared>>
    tpu.enqueue_dma source(%arg14 : memref<40x128xf32, #tpu.memory_space<vmem>>) target(%dma_start3A_77 : memref<40x128xf32, #tpu.memory_space<vmem_shared>>) target_semaphore(%arg38 : memref<!tpu.dma_semaphore, #tpu.memory_space<semaphore_mem>>)
    %mul3A_78 = arith.constant 640 : i32
    %mul3A_79 = arith.muli %arg1, %mul3A_78 : i32
    %add3A_80 = arith.constant 360 : i32
    %add3A_81 = arith.addi %mul3A_79, %add3A_80 : i32
    %dma_start3A_82 = arith.constant 0 : i32
    %dma_start3A_83 = tpu.memref_slice %arg5[%add3A_81, %dma_start3A_82] : memref<10240x128xf32, #tpu.memory_space<vmem_shared>> -> memref<40x128xf32, #tpu.memory_space<vmem_shared>>
    %dma_start3A_84 = arith.constant 0 : i32
    %dma_start3A_85 = tpu.memref_slice %arg5[%add3A_81, %dma_start3A_84] : memref<10240x128xf32, #tpu.memory_space<vmem_shared>> -> memref<40x128xf32, #tpu.memory_space<vmem_shared>>
    tpu.enqueue_dma source(%arg14 : memref<40x128xf32, #tpu.memory_space<vmem>>) target(%dma_start3A_85 : memref<40x128xf32, #tpu.memory_space<vmem_shared>>) target_semaphore(%arg38 : memref<!tpu.dma_semaphore, #tpu.memory_space<semaphore_mem>>)
    %mul3A_86 = arith.constant 640 : i32
    %mul3A_87 = arith.muli %arg1, %mul3A_86 : i32
    %add3A_88 = arith.constant 400 : i32
    %add3A_89 = arith.addi %mul3A_87, %add3A_88 : i32
    %dma_start3A_90 = arith.constant 0 : i32
    %dma_start3A_91 = tpu.memref_slice %arg5[%add3A_89, %dma_start3A_90] : memref<10240x128xf32, #tpu.memory_space<vmem_shared>> -> memref<40x128xf32, #tpu.memory_space<vmem_shared>>
    %dma_start3A_92 = arith.constant 0 : i32
    %dma_start3A_93 = tpu.memref_slice %arg5[%add3A_89, %dma_start3A_92] : memref<10240x128xf32, #tpu.memory_space<vmem_shared>> -> memref<40x128xf32, #tpu.memory_space<vmem_shared>>
    tpu.enqueue_dma source(%arg14 : memref<40x128xf32, #tpu.memory_space<vmem>>) target(%dma_start3A_93 : memref<40x128xf32, #tpu.memory_space<vmem_shared>>) target_semaphore(%arg38 : memref<!tpu.dma_semaphore, #tpu.memory_space<semaphore_mem>>)
    %mul3A_94 = arith.constant 640 : i32
    %mul3A_95 = arith.muli %arg1, %mul3A_94 : i32
    %add3A_96 = arith.constant 440 : i32
    %add3A_97 = arith.addi %mul3A_95, %add3A_96 : i32
    %dma_start3A_98 = arith.constant 0 : i32
    %dma_start3A_99 = tpu.memref_slice %arg5[%add3A_97, %dma_start3A_98] : memref<10240x128xf32, #tpu.memory_space<vmem_shared>> -> memref<40x128xf32, #tpu.memory_space<vmem_shared>>
    %dma_start3A_100 = arith.constant 0 : i32
    %dma_start3A_101 = tpu.memref_slice %arg5[%add3A_97, %dma_start3A_100] : memref<10240x128xf32, #tpu.memory_space<vmem_shared>> -> memref<40x128xf32, #tpu.memory_space<vmem_shared>>
    tpu.enqueue_dma source(%arg14 : memref<40x128xf32, #tpu.memory_space<vmem>>) target(%dma_start3A_101 : memref<40x128xf32, #tpu.memory_space<vmem_shared>>) target_semaphore(%arg38 : memref<!tpu.dma_semaphore, #tpu.memory_space<semaphore_mem>>)
    %mul3A_102 = arith.constant 640 : i32
    %mul3A_103 = arith.muli %arg1, %mul3A_102 : i32
    %add3A_104 = arith.constant 480 : i32
    %add3A_105 = arith.addi %mul3A_103, %add3A_104 : i32
    %dma_start3A_106 = arith.constant 0 : i32
    %dma_start3A_107 = tpu.memref_slice %arg5[%add3A_105, %dma_start3A_106] : memref<10240x128xf32, #tpu.memory_space<vmem_shared>> -> memref<40x128xf32, #tpu.memory_space<vmem_shared>>
    %dma_start3A_108 = arith.constant 0 : i32
    %dma_start3A_109 = tpu.memref_slice %arg5[%add3A_105, %dma_start3A_108] : memref<10240x128xf32, #tpu.memory_space<vmem_shared>> -> memref<40x128xf32, #tpu.memory_space<vmem_shared>>
    tpu.enqueue_dma source(%arg14 : memref<40x128xf32, #tpu.memory_space<vmem>>) target(%dma_start3A_109 : memref<40x128xf32, #tpu.memory_space<vmem_shared>>) target_semaphore(%arg38 : memref<!tpu.dma_semaphore, #tpu.memory_space<semaphore_mem>>)
    %mul3A_110 = arith.constant 640 : i32
    %mul3A_111 = arith.muli %arg1, %mul3A_110 : i32
    %add3A_112 = arith.constant 520 : i32
    %add3A_113 = arith.addi %mul3A_111, %add3A_112 : i32
    %dma_start3A_114 = arith.constant 0 : i32
    %dma_start3A_115 = tpu.memref_slice %arg5[%add3A_113, %dma_start3A_114] : memref<10240x128xf32, #tpu.memory_space<vmem_shared>> -> memref<40x128xf32, #tpu.memory_space<vmem_shared>>
    %dma_start3A_116 = arith.constant 0 : i32
    %dma_start3A_117 = tpu.memref_slice %arg5[%add3A_113, %dma_start3A_116] : memref<10240x128xf32, #tpu.memory_space<vmem_shared>> -> memref<40x128xf32, #tpu.memory_space<vmem_shared>>
    tpu.enqueue_dma source(%arg14 : memref<40x128xf32, #tpu.memory_space<vmem>>) target(%dma_start3A_117 : memref<40x128xf32, #tpu.memory_space<vmem_shared>>) target_semaphore(%arg38 : memref<!tpu.dma_semaphore, #tpu.memory_space<semaphore_mem>>)
    %mul3A_118 = arith.constant 640 : i32
    %mul3A_119 = arith.muli %arg1, %mul3A_118 : i32
    %add3A_120 = arith.constant 560 : i32
    %add3A_121 = arith.addi %mul3A_119, %add3A_120 : i32
    %dma_start3A_122 = arith.constant 0 : i32
    %dma_start3A_123 = tpu.memref_slice %arg5[%add3A_121, %dma_start3A_122] : memref<10240x128xf32, #tpu.memory_space<vmem_shared>> -> memref<40x128xf32, #tpu.memory_space<vmem_shared>>
    %dma_start3A_124 = arith.constant 0 : i32
    %dma_start3A_125 = tpu.memref_slice %arg5[%add3A_121, %dma_start3A_124] : memref<10240x128xf32, #tpu.memory_space<vmem_shared>> -> memref<40x128xf32, #tpu.memory_space<vmem_shared>>
    tpu.enqueue_dma source(%arg14 : memref<40x128xf32, #tpu.memory_space<vmem>>) target(%dma_start3A_125 : memref<40x128xf32, #tpu.memory_space<vmem_shared>>) target_semaphore(%arg38 : memref<!tpu.dma_semaphore, #tpu.memory_space<semaphore_mem>>)
    %mul3A_126 = arith.constant 640 : i32
    %mul3A_127 = arith.muli %arg1, %mul3A_126 : i32
    %add3A_128 = arith.constant 600 : i32
    %add3A_129 = arith.addi %mul3A_127, %add3A_128 : i32
    %dma_start3A_130 = arith.constant 0 : i32
    %dma_start3A_131 = tpu.memref_slice %arg5[%add3A_129, %dma_start3A_130] : memref<10240x128xf32, #tpu.memory_space<vmem_shared>> -> memref<40x128xf32, #tpu.memory_space<vmem_shared>>
    %dma_start3A_132 = arith.constant 0 : i32
    %dma_start3A_133 = tpu.memref_slice %arg5[%add3A_129, %dma_start3A_132] : memref<10240x128xf32, #tpu.memory_space<vmem_shared>> -> memref<40x128xf32, #tpu.memory_space<vmem_shared>>
    tpu.enqueue_dma source(%arg14 : memref<40x128xf32, #tpu.memory_space<vmem>>) target(%dma_start3A_133 : memref<40x128xf32, #tpu.memory_space<vmem_shared>>) target_semaphore(%arg38 : memref<!tpu.dma_semaphore, #tpu.memory_space<semaphore_mem>>)
    %dma_wait3A = arith.constant 0 : i32
    %dma_wait3A_134 = arith.constant 0 : i32
    %dma_wait3A_135 = tpu.memref_slice %arg5[%dma_wait3A, %dma_wait3A_134] : memref<10240x128xf32, #tpu.memory_space<vmem_shared>> -> memref<40x128xf32, #tpu.memory_space<vmem_shared>>
    %dma_wait3A_136 = arith.constant 0 : i32
    %dma_wait3A_137 = arith.constant 0 : i32
    %dma_wait3A_138 = tpu.memref_slice %arg5[%dma_wait3A_136, %dma_wait3A_137] : memref<10240x128xf32, #tpu.memory_space<vmem_shared>> -> memref<40x128xf32, #tpu.memory_space<vmem_shared>>
    tpu.wait_dma2 semaphore(%arg38 : memref<!tpu.dma_semaphore, #tpu.memory_space<semaphore_mem>>) src(%arg14 : memref<40x128xf32, #tpu.memory_space<vmem>>) dst(%dma_wait3A_138 : memref<40x128xf32, #tpu.memory_space<vmem_shared>>)
    %dma_wait3A_139 = arith.constant 0 : i32
    %dma_wait3A_140 = arith.constant 0 : i32
    %dma_wait3A_141 = tpu.memref_slice %arg5[%dma_wait3A_139, %dma_wait3A_140] : memref<10240x128xf32, #tpu.memory_space<vmem_shared>> -> memref<40x128xf32, #tpu.memory_space<vmem_shared>>
    %dma_wait3A_142 = arith.constant 0 : i32
    %dma_wait3A_143 = arith.constant 0 : i32
    %dma_wait3A_144 = tpu.memref_slice %arg5[%dma_wait3A_142, %dma_wait3A_143] : memref<10240x128xf32, #tpu.memory_space<vmem_shared>> -> memref<40x128xf32, #tpu.memory_space<vmem_shared>>
    tpu.wait_dma2 semaphore(%arg38 : memref<!tpu.dma_semaphore, #tpu.memory_space<semaphore_mem>>) src(%arg14 : memref<40x128xf32, #tpu.memory_space<vmem>>) dst(%dma_wait3A_144 : memref<40x128xf32, #tpu.memory_space<vmem_shared>>)
    %dma_wait3A_145 = arith.constant 0 : i32
    %dma_wait3A_146 = arith.constant 0 : i32
    %dma_wait3A_147 = tpu.memref_slice %arg5[%dma_wait3A_145, %dma_wait3A_146] : memref<10240x128xf32, #tpu.memory_space<vmem_shared>> -> memref<40x128xf32, #tpu.memory_space<vmem_shared>>
    %dma_wait3A_148 = arith.constant 0 : i32
    %dma_wait3A_149 = arith.constant 0 : i32
    %dma_wait3A_150 = tpu.memref_slice %arg5[%dma_wait3A_148, %dma_wait3A_149] : memref<10240x128xf32, #tpu.memory_space<vmem_shared>> -> memref<40x128xf32, #tpu.memory_space<vmem_shared>>
    tpu.wait_dma2 semaphore(%arg38 : memref<!tpu.dma_semaphore, #tpu.memory_space<semaphore_mem>>) src(%arg14 : memref<40x128xf32, #tpu.memory_space<vmem>>) dst(%dma_wait3A_150 : memref<40x128xf32, #tpu.memory_space<vmem_shared>>)
    %dma_wait3A_151 = arith.constant 0 : i32
    %dma_wait3A_152 = arith.constant 0 : i32
    %dma_wait3A_153 = tpu.memref_slice %arg5[%dma_wait3A_151, %dma_wait3A_152] : memref<10240x128xf32, #tpu.memory_space<vmem_shared>> -> memref<40x128xf32, #tpu.memory_space<vmem_shared>>
    %dma_wait3A_154 = arith.constant 0 : i32
    %dma_wait3A_155 = arith.constant 0 : i32
    %dma_wait3A_156 = tpu.memref_slice %arg5[%dma_wait3A_154, %dma_wait3A_155] : memref<10240x128xf32, #tpu.memory_space<vmem_shared>> -> memref<40x128xf32, #tpu.memory_space<vmem_shared>>
    tpu.wait_dma2 semaphore(%arg38 : memref<!tpu.dma_semaphore, #tpu.memory_space<semaphore_mem>>) src(%arg14 : memref<40x128xf32, #tpu.memory_space<vmem>>) dst(%dma_wait3A_156 : memref<40x128xf32, #tpu.memory_space<vmem_shared>>)
    %dma_wait3A_157 = arith.constant 0 : i32
    %dma_wait3A_158 = arith.constant 0 : i32
    %dma_wait3A_159 = tpu.memref_slice %arg5[%dma_wait3A_157, %dma_wait3A_158] : memref<10240x128xf32, #tpu.memory_space<vmem_shared>> -> memref<40x128xf32, #tpu.memory_space<vmem_shared>>
    %dma_wait3A_160 = arith.constant 0 : i32
    %dma_wait3A_161 = arith.constant 0 : i32
    %dma_wait3A_162 = tpu.memref_slice %arg5[%dma_wait3A_160, %dma_wait3A_161] : memref<10240x128xf32, #tpu.memory_space<vmem_shared>> -> memref<40x128xf32, #tpu.memory_space<vmem_shared>>
    tpu.wait_dma2 semaphore(%arg38 : memref<!tpu.dma_semaphore, #tpu.memory_space<semaphore_mem>>) src(%arg14 : memref<40x128xf32, #tpu.memory_space<vmem>>) dst(%dma_wait3A_162 : memref<40x128xf32, #tpu.memory_space<vmem_shared>>)
    %dma_wait3A_163 = arith.constant 0 : i32
    %dma_wait3A_164 = arith.constant 0 : i32
    %dma_wait3A_165 = tpu.memref_slice %arg5[%dma_wait3A_163, %dma_wait3A_164] : memref<10240x128xf32, #tpu.memory_space<vmem_shared>> -> memref<40x128xf32, #tpu.memory_space<vmem_shared>>
    %dma_wait3A_166 = arith.constant 0 : i32
    %dma_wait3A_167 = arith.constant 0 : i32
    %dma_wait3A_168 = tpu.memref_slice %arg5[%dma_wait3A_166, %dma_wait3A_167] : memref<10240x128xf32, #tpu.memory_space<vmem_shared>> -> memref<40x128xf32, #tpu.memory_space<vmem_shared>>
    tpu.wait_dma2 semaphore(%arg38 : memref<!tpu.dma_semaphore, #tpu.memory_space<semaphore_mem>>) src(%arg14 : memref<40x128xf32, #tpu.memory_space<vmem>>) dst(%dma_wait3A_168 : memref<40x128xf32, #tpu.memory_space<vmem_shared>>)
    %dma_wait3A_169 = arith.constant 0 : i32
    %dma_wait3A_170 = arith.constant 0 : i32
    %dma_wait3A_171 = tpu.memref_slice %arg5[%dma_wait3A_169, %dma_wait3A_170] : memref<10240x128xf32, #tpu.memory_space<vmem_shared>> -> memref<40x128xf32, #tpu.memory_space<vmem_shared>>
    %dma_wait3A_172 = arith.constant 0 : i32
    %dma_wait3A_173 = arith.constant 0 : i32
    %dma_wait3A_174 = tpu.memref_slice %arg5[%dma_wait3A_172, %dma_wait3A_173] : memref<10240x128xf32, #tpu.memory_space<vmem_shared>> -> memref<40x128xf32, #tpu.memory_space<vmem_shared>>
    tpu.wait_dma2 semaphore(%arg38 : memref<!tpu.dma_semaphore, #tpu.memory_space<semaphore_mem>>) src(%arg14 : memref<40x128xf32, #tpu.memory_space<vmem>>) dst(%dma_wait3A_174 : memref<40x128xf32, #tpu.memory_space<vmem_shared>>)
    %dma_wait3A_175 = arith.constant 0 : i32
    %dma_wait3A_176 = arith.constant 0 : i32
    %dma_wait3A_177 = tpu.memref_slice %arg5[%dma_wait3A_175, %dma_wait3A_176] : memref<10240x128xf32, #tpu.memory_space<vmem_shared>> -> memref<40x128xf32, #tpu.memory_space<vmem_shared>>
    %dma_wait3A_178 = arith.constant 0 : i32
    %dma_wait3A_179 = arith.constant 0 : i32
    %dma_wait3A_180 = tpu.memref_slice %arg5[%dma_wait3A_178, %dma_wait3A_179] : memref<10240x128xf32, #tpu.memory_space<vmem_shared>> -> memref<40x128xf32, #tpu.memory_space<vmem_shared>>
    tpu.wait_dma2 semaphore(%arg38 : memref<!tpu.dma_semaphore, #tpu.memory_space<semaphore_mem>>) src(%arg14 : memref<40x128xf32, #tpu.memory_space<vmem>>) dst(%dma_wait3A_180 : memref<40x128xf32, #tpu.memory_space<vmem_shared>>)
    %dma_wait3A_181 = arith.constant 0 : i32
    %dma_wait3A_182 = arith.constant 0 : i32
    %dma_wait3A_183 = tpu.memref_slice %arg5[%dma_wait3A_181, %dma_wait3A_182] : memref<10240x128xf32, #tpu.memory_space<vmem_shared>> -> memref<40x128xf32, #tpu.memory_space<vmem_shared>>
    %dma_wait3A_184 = arith.constant 0 : i32
    %dma_wait3A_185 = arith.constant 0 : i32
    %dma_wait3A_186 = tpu.memref_slice %arg5[%dma_wait3A_184, %dma_wait3A_185] : memref<10240x128xf32, #tpu.memory_space<vmem_shared>> -> memref<40x128xf32, #tpu.memory_space<vmem_shared>>
    tpu.wait_dma2 semaphore(%arg38 : memref<!tpu.dma_semaphore, #tpu.memory_space<semaphore_mem>>) src(%arg14 : memref<40x128xf32, #tpu.memory_space<vmem>>) dst(%dma_wait3A_186 : memref<40x128xf32, #tpu.memory_space<vmem_shared>>)
    %dma_wait3A_187 = arith.constant 0 : i32
    %dma_wait3A_188 = arith.constant 0 : i32
    %dma_wait3A_189 = tpu.memref_slice %arg5[%dma_wait3A_187, %dma_wait3A_188] : memref<10240x128xf32, #tpu.memory_space<vmem_shared>> -> memref<40x128xf32, #tpu.memory_space<vmem_shared>>
    %dma_wait3A_190 = arith.constant 0 : i32
    %dma_wait3A_191 = arith.constant 0 : i32
    %dma_wait3A_192 = tpu.memref_slice %arg5[%dma_wait3A_190, %dma_wait3A_191] : memref<10240x128xf32, #tpu.memory_space<vmem_shared>> -> memref<40x128xf32, #tpu.memory_space<vmem_shared>>
    tpu.wait_dma2 semaphore(%arg38 : memref<!tpu.dma_semaphore, #tpu.memory_space<semaphore_mem>>) src(%arg14 : memref<40x128xf32, #tpu.memory_space<vmem>>) dst(%dma_wait3A_192 : memref<40x128xf32, #tpu.memory_space<vmem_shared>>)
    %dma_wait3A_193 = arith.constant 0 : i32
    %dma_wait3A_194 = arith.constant 0 : i32
    %dma_wait3A_195 = tpu.memref_slice %arg5[%dma_wait3A_193, %dma_wait3A_194] : memref<10240x128xf32, #tpu.memory_space<vmem_shared>> -> memref<40x128xf32, #tpu.memory_space<vmem_shared>>
    %dma_wait3A_196 = arith.constant 0 : i32
    %dma_wait3A_197 = arith.constant 0 : i32
    %dma_wait3A_198 = tpu.memref_slice %arg5[%dma_wait3A_196, %dma_wait3A_197] : memref<10240x128xf32, #tpu.memory_space<vmem_shared>> -> memref<40x128xf32, #tpu.memory_space<vmem_shared>>
    tpu.wait_dma2 semaphore(%arg38 : memref<!tpu.dma_semaphore, #tpu.memory_space<semaphore_mem>>) src(%arg14 : memref<40x128xf32, #tpu.memory_space<vmem>>) dst(%dma_wait3A_198 : memref<40x128xf32, #tpu.memory_space<vmem_shared>>)
    %dma_wait3A_199 = arith.constant 0 : i32
    %dma_wait3A_200 = arith.constant 0 : i32
    %dma_wait3A_201 = tpu.memref_slice %arg5[%dma_wait3A_199, %dma_wait3A_200] : memref<10240x128xf32, #tpu.memory_space<vmem_shared>> -> memref<40x128xf32, #tpu.memory_space<vmem_shared>>
    %dma_wait3A_202 = arith.constant 0 : i32
    %dma_wait3A_203 = arith.constant 0 : i32
    %dma_wait3A_204 = tpu.memref_slice %arg5[%dma_wait3A_202, %dma_wait3A_203] : memref<10240x128xf32, #tpu.memory_space<vmem_shared>> -> memref<40x128xf32, #tpu.memory_space<vmem_shared>>
    tpu.wait_dma2 semaphore(%arg38 : memref<!tpu.dma_semaphore, #tpu.memory_space<semaphore_mem>>) src(%arg14 : memref<40x128xf32, #tpu.memory_space<vmem>>) dst(%dma_wait3A_204 : memref<40x128xf32, #tpu.memory_space<vmem_shared>>)
    %dma_wait3A_205 = arith.constant 0 : i32
    %dma_wait3A_206 = arith.constant 0 : i32
    %dma_wait3A_207 = tpu.memref_slice %arg5[%dma_wait3A_205, %dma_wait3A_206] : memref<10240x128xf32, #tpu.memory_space<vmem_shared>> -> memref<40x128xf32, #tpu.memory_space<vmem_shared>>
    %dma_wait3A_208 = arith.constant 0 : i32
    %dma_wait3A_209 = arith.constant 0 : i32
    %dma_wait3A_210 = tpu.memref_slice %arg5[%dma_wait3A_208, %dma_wait3A_209] : memref<10240x128xf32, #tpu.memory_space<vmem_shared>> -> memref<40x128xf32, #tpu.memory_space<vmem_shared>>
    tpu.wait_dma2 semaphore(%arg38 : memref<!tpu.dma_semaphore, #tpu.memory_space<semaphore_mem>>) src(%arg14 : memref<40x128xf32, #tpu.memory_space<vmem>>) dst(%dma_wait3A_210 : memref<40x128xf32, #tpu.memory_space<vmem_shared>>)
    %dma_wait3A_211 = arith.constant 0 : i32
    %dma_wait3A_212 = arith.constant 0 : i32
    %dma_wait3A_213 = tpu.memref_slice %arg5[%dma_wait3A_211, %dma_wait3A_212] : memref<10240x128xf32, #tpu.memory_space<vmem_shared>> -> memref<40x128xf32, #tpu.memory_space<vmem_shared>>
    %dma_wait3A_214 = arith.constant 0 : i32
    %dma_wait3A_215 = arith.constant 0 : i32
    %dma_wait3A_216 = tpu.memref_slice %arg5[%dma_wait3A_214, %dma_wait3A_215] : memref<10240x128xf32, #tpu.memory_space<vmem_shared>> -> memref<40x128xf32, #tpu.memory_space<vmem_shared>>
    tpu.wait_dma2 semaphore(%arg38 : memref<!tpu.dma_semaphore, #tpu.memory_space<semaphore_mem>>) src(%arg14 : memref<40x128xf32, #tpu.memory_space<vmem>>) dst(%dma_wait3A_216 : memref<40x128xf32, #tpu.memory_space<vmem_shared>>)
    %dma_wait3A_217 = arith.constant 0 : i32
    %dma_wait3A_218 = arith.constant 0 : i32
    %dma_wait3A_219 = tpu.memref_slice %arg5[%dma_wait3A_217, %dma_wait3A_218] : memref<10240x128xf32, #tpu.memory_space<vmem_shared>> -> memref<40x128xf32, #tpu.memory_space<vmem_shared>>
    %dma_wait3A_220 = arith.constant 0 : i32
    %dma_wait3A_221 = arith.constant 0 : i32
    %dma_wait3A_222 = tpu.memref_slice %arg5[%dma_wait3A_220, %dma_wait3A_221] : memref<10240x128xf32, #tpu.memory_space<vmem_shared>> -> memref<40x128xf32, #tpu.memory_space<vmem_shared>>
    tpu.wait_dma2 semaphore(%arg38 : memref<!tpu.dma_semaphore, #tpu.memory_space<semaphore_mem>>) src(%arg14 : memref<40x128xf32, #tpu.memory_space<vmem>>) dst(%dma_wait3A_222 : memref<40x128xf32, #tpu.memory_space<vmem_shared>>)
    %dma_wait3A_223 = arith.constant 0 : i32
    %dma_wait3A_224 = arith.constant 0 : i32
    %dma_wait3A_225 = tpu.memref_slice %arg5[%dma_wait3A_223, %dma_wait3A_224] : memref<10240x128xf32, #tpu.memory_space<vmem_shared>> -> memref<40x128xf32, #tpu.memory_space<vmem_shared>>
    %dma_wait3A_226 = arith.constant 0 : i32
    %dma_wait3A_227 = arith.constant 0 : i32
    %dma_wait3A_228 = tpu.memref_slice %arg5[%dma_wait3A_226, %dma_wait3A_227] : memref<10240x128xf32, #tpu.memory_space<vmem_shared>> -> memref<40x128xf32, #tpu.memory_space<vmem_shared>>
    tpu.wait_dma2 semaphore(%arg38 : memref<!tpu.dma_semaphore, #tpu.memory_space<semaphore_mem>>) src(%arg14 : memref<40x128xf32, #tpu.memory_space<vmem>>) dst(%dma_wait3A_228 : memref<40x128xf32, #tpu.memory_space<vmem_shared>>)
    %barrier3A = arith.constant 0 : index
    tpu.barrier barrier_id(%barrier3A)
    %dma_start3A_229 = arith.constant 0 : i32
    %dma_start3A_230 = arith.constant 0 : i32
    %dma_start3A_231 = arith.constant 0 : i32
    %dma_start3A_232 = tpu.memref_slice %arg3[%add3A, %dma_start3A_229, %dma_start3A_230, %dma_start3A_231] : memref<32x256x2x40xi32, #tpu.memory_space<hbm>> -> memref<1x1x2x40xi32, #tpu.memory_space<hbm>>
    %dma_start3A_233 = tpu.memref_squeeze %dma_start3A_232 : memref<1x1x2x40xi32, #tpu.memory_space<hbm>> -> memref<2x40xi32, #tpu.memory_space<hbm>>
    %dma_start3A_234 = arith.constant 0 : i32
    %dma_start3A_235 = arith.constant 0 : i32
    %dma_start3A_236 = tpu.memref_slice %arg3[%add3A, %dma_start3A_229, %dma_start3A_234, %dma_start3A_235] : memref<32x256x2x40xi32, #tpu.memory_space<hbm>> -> memref<1x1x2x40xi32, #tpu.memory_space<hbm>>
    %dma_start3A_237 = tpu.memref_squeeze %dma_start3A_236 : memref<1x1x2x40xi32, #tpu.memory_space<hbm>> -> memref<2x40xi32, #tpu.memory_space<hbm>>
    tpu.enqueue_dma source(%dma_start3A_237 : memref<2x40xi32, #tpu.memory_space<hbm>>) target(%arg6 : memref<2x40xi32, #tpu.memory_space<vmem>>) target_semaphore(%arg22 : memref<!tpu.dma_semaphore, #tpu.memory_space<semaphore_mem>>)
    %dma_start3A_238 = arith.constant 1 : i32
    %dma_start3A_239 = arith.constant 0 : i32
    %dma_start3A_240 = arith.constant 0 : i32
    %dma_start3A_241 = tpu.memref_slice %arg3[%add3A, %dma_start3A_238, %dma_start3A_239, %dma_start3A_240] : memref<32x256x2x40xi32, #tpu.memory_space<hbm>> -> memref<1x1x2x40xi32, #tpu.memory_space<hbm>>
    %dma_start3A_242 = tpu.memref_squeeze %dma_start3A_241 : memref<1x1x2x40xi32, #tpu.memory_space<hbm>> -> memref<2x40xi32, #tpu.memory_space<hbm>>
    %dma_start3A_243 = arith.constant 0 : i32
    %dma_start3A_244 = arith.constant 0 : i32
    %dma_start3A_245 = tpu.memref_slice %arg3[%add3A, %dma_start3A_238, %dma_start3A_243, %dma_start3A_244] : memref<32x256x2x40xi32, #tpu.memory_space<hbm>> -> memref<1x1x2x40xi32, #tpu.memory_space<hbm>>
    %dma_start3A_246 = tpu.memref_squeeze %dma_start3A_245 : memref<1x1x2x40xi32, #tpu.memory_space<hbm>> -> memref<2x40xi32, #tpu.memory_space<hbm>>
    tpu.enqueue_dma source(%dma_start3A_246 : memref<2x40xi32, #tpu.memory_space<hbm>>) target(%arg7 : memref<2x40xi32, #tpu.memory_space<vmem>>) target_semaphore(%arg23 : memref<!tpu.dma_semaphore, #tpu.memory_space<semaphore_mem>>)
    %dma_start3A_247 = arith.constant 2 : i32
    %dma_start3A_248 = arith.constant 0 : i32
    %dma_start3A_249 = arith.constant 0 : i32
    %dma_start3A_250 = tpu.memref_slice %arg3[%add3A, %dma_start3A_247, %dma_start3A_248, %dma_start3A_249] : memref<32x256x2x40xi32, #tpu.memory_space<hbm>> -> memref<1x1x2x40xi32, #tpu.memory_space<hbm>>
    %dma_start3A_251 = tpu.memref_squeeze %dma_start3A_250 : memref<1x1x2x40xi32, #tpu.memory_space<hbm>> -> memref<2x40xi32, #tpu.memory_space<hbm>>
    %dma_start3A_252 = arith.constant 0 : i32
    %dma_start3A_253 = arith.constant 0 : i32
    %dma_start3A_254 = tpu.memref_slice %arg3[%add3A, %dma_start3A_247, %dma_start3A_252, %dma_start3A_253] : memref<32x256x2x40xi32, #tpu.memory_space<hbm>> -> memref<1x1x2x40xi32, #tpu.memory_space<hbm>>
    %dma_start3A_255 = tpu.memref_squeeze %dma_start3A_254 : memref<1x1x2x40xi32, #tpu.memory_space<hbm>> -> memref<2x40xi32, #tpu.memory_space<hbm>>
    tpu.enqueue_dma source(%dma_start3A_255 : memref<2x40xi32, #tpu.memory_space<hbm>>) target(%arg8 : memref<2x40xi32, #tpu.memory_space<vmem>>) target_semaphore(%arg24 : memref<!tpu.dma_semaphore, #tpu.memory_space<semaphore_mem>>)
    %dma_start3A_256 = arith.constant 3 : i32
    %dma_start3A_257 = arith.constant 0 : i32
    %dma_start3A_258 = arith.constant 0 : i32
    %dma_start3A_259 = tpu.memref_slice %arg3[%add3A, %dma_start3A_256, %dma_start3A_257, %dma_start3A_258] : memref<32x256x2x40xi32, #tpu.memory_space<hbm>> -> memref<1x1x2x40xi32, #tpu.memory_space<hbm>>
    %dma_start3A_260 = tpu.memref_squeeze %dma_start3A_259 : memref<1x1x2x40xi32, #tpu.memory_space<hbm>> -> memref<2x40xi32, #tpu.memory_space<hbm>>
    %dma_start3A_261 = arith.constant 0 : i32
    %dma_start3A_262 = arith.constant 0 : i32
    %dma_start3A_263 = tpu.memref_slice %arg3[%add3A, %dma_start3A_256, %dma_start3A_261, %dma_start3A_262] : memref<32x256x2x40xi32, #tpu.memory_space<hbm>> -> memref<1x1x2x40xi32, #tpu.memory_space<hbm>>
    %dma_start3A_264 = tpu.memref_squeeze %dma_start3A_263 : memref<1x1x2x40xi32, #tpu.memory_space<hbm>> -> memref<2x40xi32, #tpu.memory_space<hbm>>
    tpu.enqueue_dma source(%dma_start3A_264 : memref<2x40xi32, #tpu.memory_space<hbm>>) target(%arg9 : memref<2x40xi32, #tpu.memory_space<vmem>>) target_semaphore(%arg25 : memref<!tpu.dma_semaphore, #tpu.memory_space<semaphore_mem>>)
    %dma_start3A_265 = arith.constant 4 : i32
    %dma_start3A_266 = arith.constant 0 : i32
    %dma_start3A_267 = arith.constant 0 : i32
    %dma_start3A_268 = tpu.memref_slice %arg3[%add3A, %dma_start3A_265, %dma_start3A_266, %dma_start3A_267] : memref<32x256x2x40xi32, #tpu.memory_space<hbm>> -> memref<1x1x2x40xi32, #tpu.memory_space<hbm>>
    %dma_start3A_269 = tpu.memref_squeeze %dma_start3A_268 : memref<1x1x2x40xi32, #tpu.memory_space<hbm>> -> memref<2x40xi32, #tpu.memory_space<hbm>>
    %dma_start3A_270 = arith.constant 0 : i32
    %dma_start3A_271 = arith.constant 0 : i32
    %dma_start3A_272 = tpu.memref_slice %arg3[%add3A, %dma_start3A_265, %dma_start3A_270, %dma_start3A_271] : memref<32x256x2x40xi32, #tpu.memory_space<hbm>> -> memref<1x1x2x40xi32, #tpu.memory_space<hbm>>
    %dma_start3A_273 = tpu.memref_squeeze %dma_start3A_272 : memref<1x1x2x40xi32, #tpu.memory_space<hbm>> -> memref<2x40xi32, #tpu.memory_space<hbm>>
    tpu.enqueue_dma source(%dma_start3A_273 : memref<2x40xi32, #tpu.memory_space<hbm>>) target(%arg10 : memref<2x40xi32, #tpu.memory_space<vmem>>) target_semaphore(%arg26 : memref<!tpu.dma_semaphore, #tpu.memory_space<semaphore_mem>>)
    %dma_start3A_274 = arith.constant 5 : i32
    %dma_start3A_275 = arith.constant 0 : i32
    %dma_start3A_276 = arith.constant 0 : i32
    %dma_start3A_277 = tpu.memref_slice %arg3[%add3A, %dma_start3A_274, %dma_start3A_275, %dma_start3A_276] : memref<32x256x2x40xi32, #tpu.memory_space<hbm>> -> memref<1x1x2x40xi32, #tpu.memory_space<hbm>>
    %dma_start3A_278 = tpu.memref_squeeze %dma_start3A_277 : memref<1x1x2x40xi32, #tpu.memory_space<hbm>> -> memref<2x40xi32, #tpu.memory_space<hbm>>
    %dma_start3A_279 = arith.constant 0 : i32
    %dma_start3A_280 = arith.constant 0 : i32
    %dma_start3A_281 = tpu.memref_slice %arg3[%add3A, %dma_start3A_274, %dma_start3A_279, %dma_start3A_280] : memref<32x256x2x40xi32, #tpu.memory_space<hbm>> -> memref<1x1x2x40xi32, #tpu.memory_space<hbm>>
    %dma_start3A_282 = tpu.memref_squeeze %dma_start3A_281 : memref<1x1x2x40xi32, #tpu.memory_space<hbm>> -> memref<2x40xi32, #tpu.memory_space<hbm>>
    tpu.enqueue_dma source(%dma_start3A_282 : memref<2x40xi32, #tpu.memory_space<hbm>>) target(%arg11 : memref<2x40xi32, #tpu.memory_space<vmem>>) target_semaphore(%arg27 : memref<!tpu.dma_semaphore, #tpu.memory_space<semaphore_mem>>)
    %dma_start3A_283 = arith.constant 6 : i32
    %dma_start3A_284 = arith.constant 0 : i32
    %dma_start3A_285 = arith.constant 0 : i32
    %dma_start3A_286 = tpu.memref_slice %arg3[%add3A, %dma_start3A_283, %dma_start3A_284, %dma_start3A_285] : memref<32x256x2x40xi32, #tpu.memory_space<hbm>> -> memref<1x1x2x40xi32, #tpu.memory_space<hbm>>
    %dma_start3A_287 = tpu.memref_squeeze %dma_start3A_286 : memref<1x1x2x40xi32, #tpu.memory_space<hbm>> -> memref<2x40xi32, #tpu.memory_space<hbm>>
    %dma_start3A_288 = arith.constant 0 : i32
    %dma_start3A_289 = arith.constant 0 : i32
    %dma_start3A_290 = tpu.memref_slice %arg3[%add3A, %dma_start3A_283, %dma_start3A_288, %dma_start3A_289] : memref<32x256x2x40xi32, #tpu.memory_space<hbm>> -> memref<1x1x2x40xi32, #tpu.memory_space<hbm>>
    %dma_start3A_291 = tpu.memref_squeeze %dma_start3A_290 : memref<1x1x2x40xi32, #tpu.memory_space<hbm>> -> memref<2x40xi32, #tpu.memory_space<hbm>>
    tpu.enqueue_dma source(%dma_start3A_291 : memref<2x40xi32, #tpu.memory_space<hbm>>) target(%arg12 : memref<2x40xi32, #tpu.memory_space<vmem>>) target_semaphore(%arg28 : memref<!tpu.dma_semaphore, #tpu.memory_space<semaphore_mem>>)
    %dma_start3A_292 = arith.constant 7 : i32
    %dma_start3A_293 = arith.constant 0 : i32
    %dma_start3A_294 = arith.constant 0 : i32
    %dma_start3A_295 = tpu.memref_slice %arg3[%add3A, %dma_start3A_292, %dma_start3A_293, %dma_start3A_294] : memref<32x256x2x40xi32, #tpu.memory_space<hbm>> -> memref<1x1x2x40xi32, #tpu.memory_space<hbm>>
    %dma_start3A_296 = tpu.memref_squeeze %dma_start3A_295 : memref<1x1x2x40xi32, #tpu.memory_space<hbm>> -> memref<2x40xi32, #tpu.memory_space<hbm>>
    %dma_start3A_297 = arith.constant 0 : i32
    %dma_start3A_298 = arith.constant 0 : i32
    %dma_start3A_299 = tpu.memref_slice %arg3[%add3A, %dma_start3A_292, %dma_start3A_297, %dma_start3A_298] : memref<32x256x2x40xi32, #tpu.memory_space<hbm>> -> memref<1x1x2x40xi32, #tpu.memory_space<hbm>>
    %dma_start3A_300 = tpu.memref_squeeze %dma_start3A_299 : memref<1x1x2x40xi32, #tpu.memory_space<hbm>> -> memref<2x40xi32, #tpu.memory_space<hbm>>
    tpu.enqueue_dma source(%dma_start3A_300 : memref<2x40xi32, #tpu.memory_space<hbm>>) target(%arg13 : memref<2x40xi32, #tpu.memory_space<vmem>>) target_semaphore(%arg29 : memref<!tpu.dma_semaphore, #tpu.memory_space<semaphore_mem>>)
    %scan3A_301 = arith.constant 0 : i32
    %scan3A_302 = arith.constant 0 : i32
    %scan3A_303 = arith.constant 32 : i32
    %scan3A_304 = arith.addi %scan3A_302, %scan3A_303 : i32
    %scan3A_305 = arith.constant 1 : i32
    scf.for %scan3A_652 = %scan3A_302 to %scan3A_304 step %scan3A_305  : i32 {
      %mul3A_653 = arith.constant 8 : i32
      %mul3A_654 = arith.muli %mul3A_653, %scan3A_652 : i32
      %dma_wait3A_655 = arith.constant 0 : i32
      %dma_wait3A_656 = arith.constant 0 : i32
      %dma_wait3A_657 = arith.constant 0 : i32
      %dma_wait3A_658 = arith.constant 0 : i32
      %dma_wait3A_659 = tpu.memref_slice %arg3[%dma_wait3A_655, %dma_wait3A_656, %dma_wait3A_657, %dma_wait3A_658] : memref<32x256x2x40xi32, #tpu.memory_space<hbm>> -> memref<1x1x2x40xi32, #tpu.memory_space<hbm>>
      %dma_wait3A_660 = tpu.memref_squeeze %dma_wait3A_659 : memref<1x1x2x40xi32, #tpu.memory_space<hbm>> -> memref<2x40xi32, #tpu.memory_space<hbm>>
      %dma_wait3A_661 = arith.constant 0 : i32
      %dma_wait3A_662 = arith.constant 0 : i32
      %dma_wait3A_663 = tpu.memref_slice %arg3[%dma_wait3A_655, %dma_wait3A_656, %dma_wait3A_661, %dma_wait3A_662] : memref<32x256x2x40xi32, #tpu.memory_space<hbm>> -> memref<1x1x2x40xi32, #tpu.memory_space<hbm>>
      %dma_wait3A_664 = tpu.memref_squeeze %dma_wait3A_663 : memref<1x1x2x40xi32, #tpu.memory_space<hbm>> -> memref<2x40xi32, #tpu.memory_space<hbm>>
      tpu.wait_dma2 semaphore(%arg22 : memref<!tpu.dma_semaphore, #tpu.memory_space<semaphore_mem>>) src(%dma_wait3A_664 : memref<2x40xi32, #tpu.memory_space<hbm>>) dst(%arg6 : memref<2x40xi32, #tpu.memory_space<vmem>>)
      %dma_start3A_665 = arith.constant 0 : i32
      %dma_start3A_666 = arith.constant 0 : i32
      %dma_start3A_667 = tpu.memref_slice %arg6[%dma_start3A_665, %dma_start3A_666] : memref<2x40xi32, #tpu.memory_space<vmem>> -> memref<1x40xi32, #tpu.memory_space<vmem>>
      %dma_start3A_668 = tpu.memref_squeeze %dma_start3A_667 : memref<1x40xi32, #tpu.memory_space<vmem>> -> memref<40xi32, #tpu.memory_space<vmem>>
      %dma_start3A_669 = arith.constant 0 : i32
      %dma_start3A_670 = arith.constant 0 : i32
      %dma_start3A_671 = tpu.memref_slice %arg2[%dma_start3A_669, %dma_start3A_670] : memref<10000x128xf32, #tpu.memory_space<hbm>> -> memref<10000x128xf32, #tpu.memory_space<hbm>>
      tpu.enqueue_indirect_dma source(%dma_start3A_671 : memref<10000x128xf32, #tpu.memory_space<hbm>>) target(%arg14 : memref<40x128xf32, #tpu.memory_space<vmem>>) offsets(%dma_start3A_668 : memref<40xi32, #tpu.memory_space<vmem>>) semaphore(%arg30 : memref<!tpu.dma_semaphore, #tpu.memory_space<semaphore_mem>>)
      %dma_wait3A_672 = arith.constant 0 : i32
      %dma_wait3A_673 = arith.constant 0 : i32
      %dma_wait3A_674 = arith.constant 0 : i32
      %dma_wait3A_675 = arith.constant 0 : i32
      %dma_wait3A_676 = tpu.memref_slice %arg3[%dma_wait3A_672, %dma_wait3A_673, %dma_wait3A_674, %dma_wait3A_675] : memref<32x256x2x40xi32, #tpu.memory_space<hbm>> -> memref<1x1x2x40xi32, #tpu.memory_space<hbm>>
      %dma_wait3A_677 = tpu.memref_squeeze %dma_wait3A_676 : memref<1x1x2x40xi32, #tpu.memory_space<hbm>> -> memref<2x40xi32, #tpu.memory_space<hbm>>
      %dma_wait3A_678 = arith.constant 0 : i32
      %dma_wait3A_679 = arith.constant 0 : i32
      %dma_wait3A_680 = tpu.memref_slice %arg3[%dma_wait3A_672, %dma_wait3A_673, %dma_wait3A_678, %dma_wait3A_679] : memref<32x256x2x40xi32, #tpu.memory_space<hbm>> -> memref<1x1x2x40xi32, #tpu.memory_space<hbm>>
      %dma_wait3A_681 = tpu.memref_squeeze %dma_wait3A_680 : memref<1x1x2x40xi32, #tpu.memory_space<hbm>> -> memref<2x40xi32, #tpu.memory_space<hbm>>
      tpu.wait_dma2 semaphore(%arg23 : memref<!tpu.dma_semaphore, #tpu.memory_space<semaphore_mem>>) src(%dma_wait3A_681 : memref<2x40xi32, #tpu.memory_space<hbm>>) dst(%arg7 : memref<2x40xi32, #tpu.memory_space<vmem>>)
      %dma_start3A_682 = arith.constant 0 : i32
      %dma_start3A_683 = arith.constant 0 : i32
      %dma_start3A_684 = tpu.memref_slice %arg7[%dma_start3A_682, %dma_start3A_683] : memref<2x40xi32, #tpu.memory_space<vmem>> -> memref<1x40xi32, #tpu.memory_space<vmem>>
      %dma_start3A_685 = tpu.memref_squeeze %dma_start3A_684 : memref<1x40xi32, #tpu.memory_space<vmem>> -> memref<40xi32, #tpu.memory_space<vmem>>
      %dma_start3A_686 = arith.constant 0 : i32
      %dma_start3A_687 = arith.constant 0 : i32
      %dma_start3A_688 = tpu.memref_slice %arg2[%dma_start3A_686, %dma_start3A_687] : memref<10000x128xf32, #tpu.memory_space<hbm>> -> memref<10000x128xf32, #tpu.memory_space<hbm>>
      tpu.enqueue_indirect_dma source(%dma_start3A_688 : memref<10000x128xf32, #tpu.memory_space<hbm>>) target(%arg15 : memref<40x128xf32, #tpu.memory_space<vmem>>) offsets(%dma_start3A_685 : memref<40xi32, #tpu.memory_space<vmem>>) semaphore(%arg31 : memref<!tpu.dma_semaphore, #tpu.memory_space<semaphore_mem>>)
      %dma_wait3A_689 = arith.constant 0 : i32
      %dma_wait3A_690 = arith.constant 0 : i32
      %dma_wait3A_691 = arith.constant 0 : i32
      %dma_wait3A_692 = arith.constant 0 : i32
      %dma_wait3A_693 = tpu.memref_slice %arg3[%dma_wait3A_689, %dma_wait3A_690, %dma_wait3A_691, %dma_wait3A_692] : memref<32x256x2x40xi32, #tpu.memory_space<hbm>> -> memref<1x1x2x40xi32, #tpu.memory_space<hbm>>
      %dma_wait3A_694 = tpu.memref_squeeze %dma_wait3A_693 : memref<1x1x2x40xi32, #tpu.memory_space<hbm>> -> memref<2x40xi32, #tpu.memory_space<hbm>>
      %dma_wait3A_695 = arith.constant 0 : i32
      %dma_wait3A_696 = arith.constant 0 : i32
      %dma_wait3A_697 = tpu.memref_slice %arg3[%dma_wait3A_689, %dma_wait3A_690, %dma_wait3A_695, %dma_wait3A_696] : memref<32x256x2x40xi32, #tpu.memory_space<hbm>> -> memref<1x1x2x40xi32, #tpu.memory_space<hbm>>
      %dma_wait3A_698 = tpu.memref_squeeze %dma_wait3A_697 : memref<1x1x2x40xi32, #tpu.memory_space<hbm>> -> memref<2x40xi32, #tpu.memory_space<hbm>>
      tpu.wait_dma2 semaphore(%arg24 : memref<!tpu.dma_semaphore, #tpu.memory_space<semaphore_mem>>) src(%dma_wait3A_698 : memref<2x40xi32, #tpu.memory_space<hbm>>) dst(%arg8 : memref<2x40xi32, #tpu.memory_space<vmem>>)
      %dma_start3A_699 = arith.constant 0 : i32
      %dma_start3A_700 = arith.constant 0 : i32
      %dma_start3A_701 = tpu.memref_slice %arg8[%dma_start3A_699, %dma_start3A_700] : memref<2x40xi32, #tpu.memory_space<vmem>> -> memref<1x40xi32, #tpu.memory_space<vmem>>
      %dma_start3A_702 = tpu.memref_squeeze %dma_start3A_701 : memref<1x40xi32, #tpu.memory_space<vmem>> -> memref<40xi32, #tpu.memory_space<vmem>>
      %dma_start3A_703 = arith.constant 0 : i32
      %dma_start3A_704 = arith.constant 0 : i32
      %dma_start3A_705 = tpu.memref_slice %arg2[%dma_start3A_703, %dma_start3A_704] : memref<10000x128xf32, #tpu.memory_space<hbm>> -> memref<10000x128xf32, #tpu.memory_space<hbm>>
      tpu.enqueue_indirect_dma source(%dma_start3A_705 : memref<10000x128xf32, #tpu.memory_space<hbm>>) target(%arg16 : memref<40x128xf32, #tpu.memory_space<vmem>>) offsets(%dma_start3A_702 : memref<40xi32, #tpu.memory_space<vmem>>) semaphore(%arg32 : memref<!tpu.dma_semaphore, #tpu.memory_space<semaphore_mem>>)
      %dma_wait3A_706 = arith.constant 0 : i32
      %dma_wait3A_707 = arith.constant 0 : i32
      %dma_wait3A_708 = arith.constant 0 : i32
      %dma_wait3A_709 = arith.constant 0 : i32
      %dma_wait3A_710 = tpu.memref_slice %arg3[%dma_wait3A_706, %dma_wait3A_707, %dma_wait3A_708, %dma_wait3A_709] : memref<32x256x2x40xi32, #tpu.memory_space<hbm>> -> memref<1x1x2x40xi32, #tpu.memory_space<hbm>>
      %dma_wait3A_711 = tpu.memref_squeeze %dma_wait3A_710 : memref<1x1x2x40xi32, #tpu.memory_space<hbm>> -> memref<2x40xi32, #tpu.memory_space<hbm>>
      %dma_wait3A_712 = arith.constant 0 : i32
      %dma_wait3A_713 = arith.constant 0 : i32
      %dma_wait3A_714 = tpu.memref_slice %arg3[%dma_wait3A_706, %dma_wait3A_707, %dma_wait3A_712, %dma_wait3A_713] : memref<32x256x2x40xi32, #tpu.memory_space<hbm>> -> memref<1x1x2x40xi32, #tpu.memory_space<hbm>>
      %dma_wait3A_715 = tpu.memref_squeeze %dma_wait3A_714 : memref<1x1x2x40xi32, #tpu.memory_space<hbm>> -> memref<2x40xi32, #tpu.memory_space<hbm>>
      tpu.wait_dma2 semaphore(%arg25 : memref<!tpu.dma_semaphore, #tpu.memory_space<semaphore_mem>>) src(%dma_wait3A_715 : memref<2x40xi32, #tpu.memory_space<hbm>>) dst(%arg9 : memref<2x40xi32, #tpu.memory_space<vmem>>)
      %dma_start3A_716 = arith.constant 0 : i32
      %dma_start3A_717 = arith.constant 0 : i32
      %dma_start3A_718 = tpu.memref_slice %arg9[%dma_start3A_716, %dma_start3A_717] : memref<2x40xi32, #tpu.memory_space<vmem>> -> memref<1x40xi32, #tpu.memory_space<vmem>>
      %dma_start3A_719 = tpu.memref_squeeze %dma_start3A_718 : memref<1x40xi32, #tpu.memory_space<vmem>> -> memref<40xi32, #tpu.memory_space<vmem>>
      %dma_start3A_720 = arith.constant 0 : i32
      %dma_start3A_721 = arith.constant 0 : i32
      %dma_start3A_722 = tpu.memref_slice %arg2[%dma_start3A_720, %dma_start3A_721] : memref<10000x128xf32, #tpu.memory_space<hbm>> -> memref<10000x128xf32, #tpu.memory_space<hbm>>
      tpu.enqueue_indirect_dma source(%dma_start3A_722 : memref<10000x128xf32, #tpu.memory_space<hbm>>) target(%arg17 : memref<40x128xf32, #tpu.memory_space<vmem>>) offsets(%dma_start3A_719 : memref<40xi32, #tpu.memory_space<vmem>>) semaphore(%arg33 : memref<!tpu.dma_semaphore, #tpu.memory_space<semaphore_mem>>)
      %dma_wait3A_723 = arith.constant 0 : i32
      %dma_wait3A_724 = arith.constant 0 : i32
      %dma_wait3A_725 = arith.constant 0 : i32
      %dma_wait3A_726 = arith.constant 0 : i32
      %dma_wait3A_727 = tpu.memref_slice %arg3[%dma_wait3A_723, %dma_wait3A_724, %dma_wait3A_725, %dma_wait3A_726] : memref<32x256x2x40xi32, #tpu.memory_space<hbm>> -> memref<1x1x2x40xi32, #tpu.memory_space<hbm>>
      %dma_wait3A_728 = tpu.memref_squeeze %dma_wait3A_727 : memref<1x1x2x40xi32, #tpu.memory_space<hbm>> -> memref<2x40xi32, #tpu.memory_space<hbm>>
      %dma_wait3A_729 = arith.constant 0 : i32
      %dma_wait3A_730 = arith.constant 0 : i32
      %dma_wait3A_731 = tpu.memref_slice %arg3[%dma_wait3A_723, %dma_wait3A_724, %dma_wait3A_729, %dma_wait3A_730] : memref<32x256x2x40xi32, #tpu.memory_space<hbm>> -> memref<1x1x2x40xi32, #tpu.memory_space<hbm>>
      %dma_wait3A_732 = tpu.memref_squeeze %dma_wait3A_731 : memref<1x1x2x40xi32, #tpu.memory_space<hbm>> -> memref<2x40xi32, #tpu.memory_space<hbm>>
      tpu.wait_dma2 semaphore(%arg26 : memref<!tpu.dma_semaphore, #tpu.memory_space<semaphore_mem>>) src(%dma_wait3A_732 : memref<2x40xi32, #tpu.memory_space<hbm>>) dst(%arg10 : memref<2x40xi32, #tpu.memory_space<vmem>>)
      %dma_start3A_733 = arith.constant 0 : i32
      %dma_start3A_734 = arith.constant 0 : i32
      %dma_start3A_735 = tpu.memref_slice %arg10[%dma_start3A_733, %dma_start3A_734] : memref<2x40xi32, #tpu.memory_space<vmem>> -> memref<1x40xi32, #tpu.memory_space<vmem>>
      %dma_start3A_736 = tpu.memref_squeeze %dma_start3A_735 : memref<1x40xi32, #tpu.memory_space<vmem>> -> memref<40xi32, #tpu.memory_space<vmem>>
      %dma_start3A_737 = arith.constant 0 : i32
      %dma_start3A_738 = arith.constant 0 : i32
      %dma_start3A_739 = tpu.memref_slice %arg2[%dma_start3A_737, %dma_start3A_738] : memref<10000x128xf32, #tpu.memory_space<hbm>> -> memref<10000x128xf32, #tpu.memory_space<hbm>>
      tpu.enqueue_indirect_dma source(%dma_start3A_739 : memref<10000x128xf32, #tpu.memory_space<hbm>>) target(%arg18 : memref<40x128xf32, #tpu.memory_space<vmem>>) offsets(%dma_start3A_736 : memref<40xi32, #tpu.memory_space<vmem>>) semaphore(%arg34 : memref<!tpu.dma_semaphore, #tpu.memory_space<semaphore_mem>>)
      %dma_wait3A_740 = arith.constant 0 : i32
      %dma_wait3A_741 = arith.constant 0 : i32
      %dma_wait3A_742 = arith.constant 0 : i32
      %dma_wait3A_743 = arith.constant 0 : i32
      %dma_wait3A_744 = tpu.memref_slice %arg3[%dma_wait3A_740, %dma_wait3A_741, %dma_wait3A_742, %dma_wait3A_743] : memref<32x256x2x40xi32, #tpu.memory_space<hbm>> -> memref<1x1x2x40xi32, #tpu.memory_space<hbm>>
      %dma_wait3A_745 = tpu.memref_squeeze %dma_wait3A_744 : memref<1x1x2x40xi32, #tpu.memory_space<hbm>> -> memref<2x40xi32, #tpu.memory_space<hbm>>
      %dma_wait3A_746 = arith.constant 0 : i32
      %dma_wait3A_747 = arith.constant 0 : i32
      %dma_wait3A_748 = tpu.memref_slice %arg3[%dma_wait3A_740, %dma_wait3A_741, %dma_wait3A_746, %dma_wait3A_747] : memref<32x256x2x40xi32, #tpu.memory_space<hbm>> -> memref<1x1x2x40xi32, #tpu.memory_space<hbm>>
      %dma_wait3A_749 = tpu.memref_squeeze %dma_wait3A_748 : memref<1x1x2x40xi32, #tpu.memory_space<hbm>> -> memref<2x40xi32, #tpu.memory_space<hbm>>
      tpu.wait_dma2 semaphore(%arg27 : memref<!tpu.dma_semaphore, #tpu.memory_space<semaphore_mem>>) src(%dma_wait3A_749 : memref<2x40xi32, #tpu.memory_space<hbm>>) dst(%arg11 : memref<2x40xi32, #tpu.memory_space<vmem>>)
      %dma_start3A_750 = arith.constant 0 : i32
      %dma_start3A_751 = arith.constant 0 : i32
      %dma_start3A_752 = tpu.memref_slice %arg11[%dma_start3A_750, %dma_start3A_751] : memref<2x40xi32, #tpu.memory_space<vmem>> -> memref<1x40xi32, #tpu.memory_space<vmem>>
      %dma_start3A_753 = tpu.memref_squeeze %dma_start3A_752 : memref<1x40xi32, #tpu.memory_space<vmem>> -> memref<40xi32, #tpu.memory_space<vmem>>
      %dma_start3A_754 = arith.constant 0 : i32
      %dma_start3A_755 = arith.constant 0 : i32
      %dma_start3A_756 = tpu.memref_slice %arg2[%dma_start3A_754, %dma_start3A_755] : memref<10000x128xf32, #tpu.memory_space<hbm>> -> memref<10000x128xf32, #tpu.memory_space<hbm>>
      tpu.enqueue_indirect_dma source(%dma_start3A_756 : memref<10000x128xf32, #tpu.memory_space<hbm>>) target(%arg19 : memref<40x128xf32, #tpu.memory_space<vmem>>) offsets(%dma_start3A_753 : memref<40xi32, #tpu.memory_space<vmem>>) semaphore(%arg35 : memref<!tpu.dma_semaphore, #tpu.memory_space<semaphore_mem>>)
      %dma_wait3A_757 = arith.constant 0 : i32
      %dma_wait3A_758 = arith.constant 0 : i32
      %dma_wait3A_759 = arith.constant 0 : i32
      %dma_wait3A_760 = arith.constant 0 : i32
      %dma_wait3A_761 = tpu.memref_slice %arg3[%dma_wait3A_757, %dma_wait3A_758, %dma_wait3A_759, %dma_wait3A_760] : memref<32x256x2x40xi32, #tpu.memory_space<hbm>> -> memref<1x1x2x40xi32, #tpu.memory_space<hbm>>
      %dma_wait3A_762 = tpu.memref_squeeze %dma_wait3A_761 : memref<1x1x2x40xi32, #tpu.memory_space<hbm>> -> memref<2x40xi32, #tpu.memory_space<hbm>>
      %dma_wait3A_763 = arith.constant 0 : i32
      %dma_wait3A_764 = arith.constant 0 : i32
      %dma_wait3A_765 = tpu.memref_slice %arg3[%dma_wait3A_757, %dma_wait3A_758, %dma_wait3A_763, %dma_wait3A_764] : memref<32x256x2x40xi32, #tpu.memory_space<hbm>> -> memref<1x1x2x40xi32, #tpu.memory_space<hbm>>
      %dma_wait3A_766 = tpu.memref_squeeze %dma_wait3A_765 : memref<1x1x2x40xi32, #tpu.memory_space<hbm>> -> memref<2x40xi32, #tpu.memory_space<hbm>>
      tpu.wait_dma2 semaphore(%arg28 : memref<!tpu.dma_semaphore, #tpu.memory_space<semaphore_mem>>) src(%dma_wait3A_766 : memref<2x40xi32, #tpu.memory_space<hbm>>) dst(%arg12 : memref<2x40xi32, #tpu.memory_space<vmem>>)
      %dma_start3A_767 = arith.constant 0 : i32
      %dma_start3A_768 = arith.constant 0 : i32
      %dma_start3A_769 = tpu.memref_slice %arg12[%dma_start3A_767, %dma_start3A_768] : memref<2x40xi32, #tpu.memory_space<vmem>> -> memref<1x40xi32, #tpu.memory_space<vmem>>
      %dma_start3A_770 = tpu.memref_squeeze %dma_start3A_769 : memref<1x40xi32, #tpu.memory_space<vmem>> -> memref<40xi32, #tpu.memory_space<vmem>>
      %dma_start3A_771 = arith.constant 0 : i32
      %dma_start3A_772 = arith.constant 0 : i32
      %dma_start3A_773 = tpu.memref_slice %arg2[%dma_start3A_771, %dma_start3A_772] : memref<10000x128xf32, #tpu.memory_space<hbm>> -> memref<10000x128xf32, #tpu.memory_space<hbm>>
      tpu.enqueue_indirect_dma source(%dma_start3A_773 : memref<10000x128xf32, #tpu.memory_space<hbm>>) target(%arg20 : memref<40x128xf32, #tpu.memory_space<vmem>>) offsets(%dma_start3A_770 : memref<40xi32, #tpu.memory_space<vmem>>) semaphore(%arg36 : memref<!tpu.dma_semaphore, #tpu.memory_space<semaphore_mem>>)
      %dma_wait3A_774 = arith.constant 0 : i32
      %dma_wait3A_775 = arith.constant 0 : i32
      %dma_wait3A_776 = arith.constant 0 : i32
      %dma_wait3A_777 = arith.constant 0 : i32
      %dma_wait3A_778 = tpu.memref_slice %arg3[%dma_wait3A_774, %dma_wait3A_775, %dma_wait3A_776, %dma_wait3A_777] : memref<32x256x2x40xi32, #tpu.memory_space<hbm>> -> memref<1x1x2x40xi32, #tpu.memory_space<hbm>>
      %dma_wait3A_779 = tpu.memref_squeeze %dma_wait3A_778 : memref<1x1x2x40xi32, #tpu.memory_space<hbm>> -> memref<2x40xi32, #tpu.memory_space<hbm>>
      %dma_wait3A_780 = arith.constant 0 : i32
      %dma_wait3A_781 = arith.constant 0 : i32
      %dma_wait3A_782 = tpu.memref_slice %arg3[%dma_wait3A_774, %dma_wait3A_775, %dma_wait3A_780, %dma_wait3A_781] : memref<32x256x2x40xi32, #tpu.memory_space<hbm>> -> memref<1x1x2x40xi32, #tpu.memory_space<hbm>>
      %dma_wait3A_783 = tpu.memref_squeeze %dma_wait3A_782 : memref<1x1x2x40xi32, #tpu.memory_space<hbm>> -> memref<2x40xi32, #tpu.memory_space<hbm>>
      tpu.wait_dma2 semaphore(%arg29 : memref<!tpu.dma_semaphore, #tpu.memory_space<semaphore_mem>>) src(%dma_wait3A_783 : memref<2x40xi32, #tpu.memory_space<hbm>>) dst(%arg13 : memref<2x40xi32, #tpu.memory_space<vmem>>)
      %dma_start3A_784 = arith.constant 0 : i32
      %dma_start3A_785 = arith.constant 0 : i32
      %dma_start3A_786 = tpu.memref_slice %arg13[%dma_start3A_784, %dma_start3A_785] : memref<2x40xi32, #tpu.memory_space<vmem>> -> memref<1x40xi32, #tpu.memory_space<vmem>>
      %dma_start3A_787 = tpu.memref_squeeze %dma_start3A_786 : memref<1x40xi32, #tpu.memory_space<vmem>> -> memref<40xi32, #tpu.memory_space<vmem>>
      %dma_start3A_788 = arith.constant 0 : i32
      %dma_start3A_789 = arith.constant 0 : i32
      %dma_start3A_790 = tpu.memref_slice %arg2[%dma_start3A_788, %dma_start3A_789] : memref<10000x128xf32, #tpu.memory_space<hbm>> -> memref<10000x128xf32, #tpu.memory_space<hbm>>
      tpu.enqueue_indirect_dma source(%dma_start3A_790 : memref<10000x128xf32, #tpu.memory_space<hbm>>) target(%arg21 : memref<40x128xf32, #tpu.memory_space<vmem>>) offsets(%dma_start3A_787 : memref<40xi32, #tpu.memory_space<vmem>>) semaphore(%arg37 : memref<!tpu.dma_semaphore, #tpu.memory_space<semaphore_mem>>)
      %dma_wait3A_791 = arith.constant 0 : i32
      %dma_wait3A_792 = arith.constant 0 : i32
      %dma_wait3A_793 = tpu.memref_slice %arg6[%dma_wait3A_791, %dma_wait3A_792] : memref<2x40xi32, #tpu.memory_space<vmem>> -> memref<1x40xi32, #tpu.memory_space<vmem>>
      %dma_wait3A_794 = tpu.memref_squeeze %dma_wait3A_793 : memref<1x40xi32, #tpu.memory_space<vmem>> -> memref<40xi32, #tpu.memory_space<vmem>>
      %dma_wait3A_795 = arith.constant 0 : i32
      %dma_wait3A_796 = arith.constant 0 : i32
      %dma_wait3A_797 = tpu.memref_slice %arg2[%dma_wait3A_795, %dma_wait3A_796] : memref<10000x128xf32, #tpu.memory_space<hbm>> -> memref<10000x128xf32, #tpu.memory_space<hbm>>
      tpu.wait_indirect_dma semaphore(%arg30 : memref<!tpu.dma_semaphore, #tpu.memory_space<semaphore_mem>>) src(%dma_wait3A_797 : memref<10000x128xf32, #tpu.memory_space<hbm>>) dst(%arg14 : memref<40x128xf32, #tpu.memory_space<vmem>>)
      %dma_start3A_798 = arith.constant 1 : i32
      %dma_start3A_799 = arith.constant 0 : i32
      %dma_start3A_800 = tpu.memref_slice %arg6[%dma_start3A_798, %dma_start3A_799] : memref<2x40xi32, #tpu.memory_space<vmem>> -> memref<1x40xi32, #tpu.memory_space<vmem>>
      %dma_start3A_801 = tpu.memref_squeeze %dma_start3A_800 : memref<1x40xi32, #tpu.memory_space<vmem>> -> memref<40xi32, #tpu.memory_space<vmem>>
      %dma_start3A_802 = arith.constant 0 : i32
      %dma_start3A_803 = arith.constant 0 : i32
      %dma_start3A_804 = tpu.memref_slice %arg5[%dma_start3A_802, %dma_start3A_803] : memref<10240x128xf32, #tpu.memory_space<vmem_shared>> -> memref<10240x128xf32, #tpu.memory_space<vmem_shared>>
      tpu.enqueue_indirect_dma source(%arg14 : memref<40x128xf32, #tpu.memory_space<vmem>>) target(%dma_start3A_804 : memref<10240x128xf32, #tpu.memory_space<vmem_shared>>) offsets(%dma_start3A_801 : memref<40xi32, #tpu.memory_space<vmem>>) semaphore(%arg38 : memref<!tpu.dma_semaphore, #tpu.memory_space<semaphore_mem>>) {add = true}
      %dma_wait3A_805 = arith.constant 0 : i32
      %dma_wait3A_806 = arith.constant 0 : i32
      %dma_wait3A_807 = tpu.memref_slice %arg7[%dma_wait3A_805, %dma_wait3A_806] : memref<2x40xi32, #tpu.memory_space<vmem>> -> memref<1x40xi32, #tpu.memory_space<vmem>>
      %dma_wait3A_808 = tpu.memref_squeeze %dma_wait3A_807 : memref<1x40xi32, #tpu.memory_space<vmem>> -> memref<40xi32, #tpu.memory_space<vmem>>
      %dma_wait3A_809 = arith.constant 0 : i32
      %dma_wait3A_810 = arith.constant 0 : i32
      %dma_wait3A_811 = tpu.memref_slice %arg2[%dma_wait3A_809, %dma_wait3A_810] : memref<10000x128xf32, #tpu.memory_space<hbm>> -> memref<10000x128xf32, #tpu.memory_space<hbm>>
      tpu.wait_indirect_dma semaphore(%arg31 : memref<!tpu.dma_semaphore, #tpu.memory_space<semaphore_mem>>) src(%dma_wait3A_811 : memref<10000x128xf32, #tpu.memory_space<hbm>>) dst(%arg15 : memref<40x128xf32, #tpu.memory_space<vmem>>)
      %dma_start3A_812 = arith.constant 1 : i32
      %dma_start3A_813 = arith.constant 0 : i32
      %dma_start3A_814 = tpu.memref_slice %arg7[%dma_start3A_812, %dma_start3A_813] : memref<2x40xi32, #tpu.memory_space<vmem>> -> memref<1x40xi32, #tpu.memory_space<vmem>>
      %dma_start3A_815 = tpu.memref_squeeze %dma_start3A_814 : memref<1x40xi32, #tpu.memory_space<vmem>> -> memref<40xi32, #tpu.memory_space<vmem>>
      %dma_start3A_816 = arith.constant 0 : i32
      %dma_start3A_817 = arith.constant 0 : i32
      %dma_start3A_818 = tpu.memref_slice %arg5[%dma_start3A_816, %dma_start3A_817] : memref<10240x128xf32, #tpu.memory_space<vmem_shared>> -> memref<10240x128xf32, #tpu.memory_space<vmem_shared>>
      tpu.enqueue_indirect_dma source(%arg15 : memref<40x128xf32, #tpu.memory_space<vmem>>) target(%dma_start3A_818 : memref<10240x128xf32, #tpu.memory_space<vmem_shared>>) offsets(%dma_start3A_815 : memref<40xi32, #tpu.memory_space<vmem>>) semaphore(%arg39 : memref<!tpu.dma_semaphore, #tpu.memory_space<semaphore_mem>>) {add = true}
      %dma_wait3A_819 = arith.constant 0 : i32
      %dma_wait3A_820 = arith.constant 0 : i32
      %dma_wait3A_821 = tpu.memref_slice %arg8[%dma_wait3A_819, %dma_wait3A_820] : memref<2x40xi32, #tpu.memory_space<vmem>> -> memref<1x40xi32, #tpu.memory_space<vmem>>
      %dma_wait3A_822 = tpu.memref_squeeze %dma_wait3A_821 : memref<1x40xi32, #tpu.memory_space<vmem>> -> memref<40xi32, #tpu.memory_space<vmem>>
      %dma_wait3A_823 = arith.constant 0 : i32
      %dma_wait3A_824 = arith.constant 0 : i32
      %dma_wait3A_825 = tpu.memref_slice %arg2[%dma_wait3A_823, %dma_wait3A_824] : memref<10000x128xf32, #tpu.memory_space<hbm>> -> memref<10000x128xf32, #tpu.memory_space<hbm>>
      tpu.wait_indirect_dma semaphore(%arg32 : memref<!tpu.dma_semaphore, #tpu.memory_space<semaphore_mem>>) src(%dma_wait3A_825 : memref<10000x128xf32, #tpu.memory_space<hbm>>) dst(%arg16 : memref<40x128xf32, #tpu.memory_space<vmem>>)
      %dma_start3A_826 = arith.constant 1 : i32
      %dma_start3A_827 = arith.constant 0 : i32
      %dma_start3A_828 = tpu.memref_slice %arg8[%dma_start3A_826, %dma_start3A_827] : memref<2x40xi32, #tpu.memory_space<vmem>> -> memref<1x40xi32, #tpu.memory_space<vmem>>
      %dma_start3A_829 = tpu.memref_squeeze %dma_start3A_828 : memref<1x40xi32, #tpu.memory_space<vmem>> -> memref<40xi32, #tpu.memory_space<vmem>>
      %dma_start3A_830 = arith.constant 0 : i32
      %dma_start3A_831 = arith.constant 0 : i32
      %dma_start3A_832 = tpu.memref_slice %arg5[%dma_start3A_830, %dma_start3A_831] : memref<10240x128xf32, #tpu.memory_space<vmem_shared>> -> memref<10240x128xf32, #tpu.memory_space<vmem_shared>>
      tpu.enqueue_indirect_dma source(%arg16 : memref<40x128xf32, #tpu.memory_space<vmem>>) target(%dma_start3A_832 : memref<10240x128xf32, #tpu.memory_space<vmem_shared>>) offsets(%dma_start3A_829 : memref<40xi32, #tpu.memory_space<vmem>>) semaphore(%arg40 : memref<!tpu.dma_semaphore, #tpu.memory_space<semaphore_mem>>) {add = true}
      %dma_wait3A_833 = arith.constant 0 : i32
      %dma_wait3A_834 = arith.constant 0 : i32
      %dma_wait3A_835 = tpu.memref_slice %arg9[%dma_wait3A_833, %dma_wait3A_834] : memref<2x40xi32, #tpu.memory_space<vmem>> -> memref<1x40xi32, #tpu.memory_space<vmem>>
      %dma_wait3A_836 = tpu.memref_squeeze %dma_wait3A_835 : memref<1x40xi32, #tpu.memory_space<vmem>> -> memref<40xi32, #tpu.memory_space<vmem>>
      %dma_wait3A_837 = arith.constant 0 : i32
      %dma_wait3A_838 = arith.constant 0 : i32
      %dma_wait3A_839 = tpu.memref_slice %arg2[%dma_wait3A_837, %dma_wait3A_838] : memref<10000x128xf32, #tpu.memory_space<hbm>> -> memref<10000x128xf32, #tpu.memory_space<hbm>>
      tpu.wait_indirect_dma semaphore(%arg33 : memref<!tpu.dma_semaphore, #tpu.memory_space<semaphore_mem>>) src(%dma_wait3A_839 : memref<10000x128xf32, #tpu.memory_space<hbm>>) dst(%arg17 : memref<40x128xf32, #tpu.memory_space<vmem>>)
      %dma_start3A_840 = arith.constant 1 : i32
      %dma_start3A_841 = arith.constant 0 : i32
      %dma_start3A_842 = tpu.memref_slice %arg9[%dma_start3A_840, %dma_start3A_841] : memref<2x40xi32, #tpu.memory_space<vmem>> -> memref<1x40xi32, #tpu.memory_space<vmem>>
      %dma_start3A_843 = tpu.memref_squeeze %dma_start3A_842 : memref<1x40xi32, #tpu.memory_space<vmem>> -> memref<40xi32, #tpu.memory_space<vmem>>
      %dma_start3A_844 = arith.constant 0 : i32
      %dma_start3A_845 = arith.constant 0 : i32
      %dma_start3A_846 = tpu.memref_slice %arg5[%dma_start3A_844, %dma_start3A_845] : memref<10240x128xf32, #tpu.memory_space<vmem_shared>> -> memref<10240x128xf32, #tpu.memory_space<vmem_shared>>
      tpu.enqueue_indirect_dma source(%arg17 : memref<40x128xf32, #tpu.memory_space<vmem>>) target(%dma_start3A_846 : memref<10240x128xf32, #tpu.memory_space<vmem_shared>>) offsets(%dma_start3A_843 : memref<40xi32, #tpu.memory_space<vmem>>) semaphore(%arg41 : memref<!tpu.dma_semaphore, #tpu.memory_space<semaphore_mem>>) {add = true}
      %dma_wait3A_847 = arith.constant 0 : i32
      %dma_wait3A_848 = arith.constant 0 : i32
      %dma_wait3A_849 = tpu.memref_slice %arg10[%dma_wait3A_847, %dma_wait3A_848] : memref<2x40xi32, #tpu.memory_space<vmem>> -> memref<1x40xi32, #tpu.memory_space<vmem>>
      %dma_wait3A_850 = tpu.memref_squeeze %dma_wait3A_849 : memref<1x40xi32, #tpu.memory_space<vmem>> -> memref<40xi32, #tpu.memory_space<vmem>>
      %dma_wait3A_851 = arith.constant 0 : i32
      %dma_wait3A_852 = arith.constant 0 : i32
      %dma_wait3A_853 = tpu.memref_slice %arg2[%dma_wait3A_851, %dma_wait3A_852] : memref<10000x128xf32, #tpu.memory_space<hbm>> -> memref<10000x128xf32, #tpu.memory_space<hbm>>
      tpu.wait_indirect_dma semaphore(%arg34 : memref<!tpu.dma_semaphore, #tpu.memory_space<semaphore_mem>>) src(%dma_wait3A_853 : memref<10000x128xf32, #tpu.memory_space<hbm>>) dst(%arg18 : memref<40x128xf32, #tpu.memory_space<vmem>>)
      %dma_start3A_854 = arith.constant 1 : i32
      %dma_start3A_855 = arith.constant 0 : i32
      %dma_start3A_856 = tpu.memref_slice %arg10[%dma_start3A_854, %dma_start3A_855] : memref<2x40xi32, #tpu.memory_space<vmem>> -> memref<1x40xi32, #tpu.memory_space<vmem>>
      %dma_start3A_857 = tpu.memref_squeeze %dma_start3A_856 : memref<1x40xi32, #tpu.memory_space<vmem>> -> memref<40xi32, #tpu.memory_space<vmem>>
      %dma_start3A_858 = arith.constant 0 : i32
      %dma_start3A_859 = arith.constant 0 : i32
      %dma_start3A_860 = tpu.memref_slice %arg5[%dma_start3A_858, %dma_start3A_859] : memref<10240x128xf32, #tpu.memory_space<vmem_shared>> -> memref<10240x128xf32, #tpu.memory_space<vmem_shared>>
      tpu.enqueue_indirect_dma source(%arg18 : memref<40x128xf32, #tpu.memory_space<vmem>>) target(%dma_start3A_860 : memref<10240x128xf32, #tpu.memory_space<vmem_shared>>) offsets(%dma_start3A_857 : memref<40xi32, #tpu.memory_space<vmem>>) semaphore(%arg42 : memref<!tpu.dma_semaphore, #tpu.memory_space<semaphore_mem>>) {add = true}
      %dma_wait3A_861 = arith.constant 0 : i32
      %dma_wait3A_862 = arith.constant 0 : i32
      %dma_wait3A_863 = tpu.memref_slice %arg11[%dma_wait3A_861, %dma_wait3A_862] : memref<2x40xi32, #tpu.memory_space<vmem>> -> memref<1x40xi32, #tpu.memory_space<vmem>>
      %dma_wait3A_864 = tpu.memref_squeeze %dma_wait3A_863 : memref<1x40xi32, #tpu.memory_space<vmem>> -> memref<40xi32, #tpu.memory_space<vmem>>
      %dma_wait3A_865 = arith.constant 0 : i32
      %dma_wait3A_866 = arith.constant 0 : i32
      %dma_wait3A_867 = tpu.memref_slice %arg2[%dma_wait3A_865, %dma_wait3A_866] : memref<10000x128xf32, #tpu.memory_space<hbm>> -> memref<10000x128xf32, #tpu.memory_space<hbm>>
      tpu.wait_indirect_dma semaphore(%arg35 : memref<!tpu.dma_semaphore, #tpu.memory_space<semaphore_mem>>) src(%dma_wait3A_867 : memref<10000x128xf32, #tpu.memory_space<hbm>>) dst(%arg19 : memref<40x128xf32, #tpu.memory_space<vmem>>)
      %dma_start3A_868 = arith.constant 1 : i32
      %dma_start3A_869 = arith.constant 0 : i32
      %dma_start3A_870 = tpu.memref_slice %arg11[%dma_start3A_868, %dma_start3A_869] : memref<2x40xi32, #tpu.memory_space<vmem>> -> memref<1x40xi32, #tpu.memory_space<vmem>>
      %dma_start3A_871 = tpu.memref_squeeze %dma_start3A_870 : memref<1x40xi32, #tpu.memory_space<vmem>> -> memref<40xi32, #tpu.memory_space<vmem>>
      %dma_start3A_872 = arith.constant 0 : i32
      %dma_start3A_873 = arith.constant 0 : i32
      %dma_start3A_874 = tpu.memref_slice %arg5[%dma_start3A_872, %dma_start3A_873] : memref<10240x128xf32, #tpu.memory_space<vmem_shared>> -> memref<10240x128xf32, #tpu.memory_space<vmem_shared>>
      tpu.enqueue_indirect_dma source(%arg19 : memref<40x128xf32, #tpu.memory_space<vmem>>) target(%dma_start3A_874 : memref<10240x128xf32, #tpu.memory_space<vmem_shared>>) offsets(%dma_start3A_871 : memref<40xi32, #tpu.memory_space<vmem>>) semaphore(%arg43 : memref<!tpu.dma_semaphore, #tpu.memory_space<semaphore_mem>>) {add = true}
      %dma_wait3A_875 = arith.constant 0 : i32
      %dma_wait3A_876 = arith.constant 0 : i32
      %dma_wait3A_877 = tpu.memref_slice %arg12[%dma_wait3A_875, %dma_wait3A_876] : memref<2x40xi32, #tpu.memory_space<vmem>> -> memref<1x40xi32, #tpu.memory_space<vmem>>
      %dma_wait3A_878 = tpu.memref_squeeze %dma_wait3A_877 : memref<1x40xi32, #tpu.memory_space<vmem>> -> memref<40xi32, #tpu.memory_space<vmem>>
      %dma_wait3A_879 = arith.constant 0 : i32
      %dma_wait3A_880 = arith.constant 0 : i32
      %dma_wait3A_881 = tpu.memref_slice %arg2[%dma_wait3A_879, %dma_wait3A_880] : memref<10000x128xf32, #tpu.memory_space<hbm>> -> memref<10000x128xf32, #tpu.memory_space<hbm>>
      tpu.wait_indirect_dma semaphore(%arg36 : memref<!tpu.dma_semaphore, #tpu.memory_space<semaphore_mem>>) src(%dma_wait3A_881 : memref<10000x128xf32, #tpu.memory_space<hbm>>) dst(%arg20 : memref<40x128xf32, #tpu.memory_space<vmem>>)
      %dma_start3A_882 = arith.constant 1 : i32
      %dma_start3A_883 = arith.constant 0 : i32
      %dma_start3A_884 = tpu.memref_slice %arg12[%dma_start3A_882, %dma_start3A_883] : memref<2x40xi32, #tpu.memory_space<vmem>> -> memref<1x40xi32, #tpu.memory_space<vmem>>
      %dma_start3A_885 = tpu.memref_squeeze %dma_start3A_884 : memref<1x40xi32, #tpu.memory_space<vmem>> -> memref<40xi32, #tpu.memory_space<vmem>>
      %dma_start3A_886 = arith.constant 0 : i32
      %dma_start3A_887 = arith.constant 0 : i32
      %dma_start3A_888 = tpu.memref_slice %arg5[%dma_start3A_886, %dma_start3A_887] : memref<10240x128xf32, #tpu.memory_space<vmem_shared>> -> memref<10240x128xf32, #tpu.memory_space<vmem_shared>>
      tpu.enqueue_indirect_dma source(%arg20 : memref<40x128xf32, #tpu.memory_space<vmem>>) target(%dma_start3A_888 : memref<10240x128xf32, #tpu.memory_space<vmem_shared>>) offsets(%dma_start3A_885 : memref<40xi32, #tpu.memory_space<vmem>>) semaphore(%arg44 : memref<!tpu.dma_semaphore, #tpu.memory_space<semaphore_mem>>) {add = true}
      %dma_wait3A_889 = arith.constant 0 : i32
      %dma_wait3A_890 = arith.constant 0 : i32
      %dma_wait3A_891 = tpu.memref_slice %arg13[%dma_wait3A_889, %dma_wait3A_890] : memref<2x40xi32, #tpu.memory_space<vmem>> -> memref<1x40xi32, #tpu.memory_space<vmem>>
      %dma_wait3A_892 = tpu.memref_squeeze %dma_wait3A_891 : memref<1x40xi32, #tpu.memory_space<vmem>> -> memref<40xi32, #tpu.memory_space<vmem>>
      %dma_wait3A_893 = arith.constant 0 : i32
      %dma_wait3A_894 = arith.constant 0 : i32
      %dma_wait3A_895 = tpu.memref_slice %arg2[%dma_wait3A_893, %dma_wait3A_894] : memref<10000x128xf32, #tpu.memory_space<hbm>> -> memref<10000x128xf32, #tpu.memory_space<hbm>>
      tpu.wait_indirect_dma semaphore(%arg37 : memref<!tpu.dma_semaphore, #tpu.memory_space<semaphore_mem>>) src(%dma_wait3A_895 : memref<10000x128xf32, #tpu.memory_space<hbm>>) dst(%arg21 : memref<40x128xf32, #tpu.memory_space<vmem>>)
      %dma_start3A_896 = arith.constant 1 : i32
      %dma_start3A_897 = arith.constant 0 : i32
      %dma_start3A_898 = tpu.memref_slice %arg13[%dma_start3A_896, %dma_start3A_897] : memref<2x40xi32, #tpu.memory_space<vmem>> -> memref<1x40xi32, #tpu.memory_space<vmem>>
      %dma_start3A_899 = tpu.memref_squeeze %dma_start3A_898 : memref<1x40xi32, #tpu.memory_space<vmem>> -> memref<40xi32, #tpu.memory_space<vmem>>
      %dma_start3A_900 = arith.constant 0 : i32
      %dma_start3A_901 = arith.constant 0 : i32
      %dma_start3A_902 = tpu.memref_slice %arg5[%dma_start3A_900, %dma_start3A_901] : memref<10240x128xf32, #tpu.memory_space<vmem_shared>> -> memref<10240x128xf32, #tpu.memory_space<vmem_shared>>
      tpu.enqueue_indirect_dma source(%arg21 : memref<40x128xf32, #tpu.memory_space<vmem>>) target(%dma_start3A_902 : memref<10240x128xf32, #tpu.memory_space<vmem_shared>>) offsets(%dma_start3A_899 : memref<40xi32, #tpu.memory_space<vmem>>) semaphore(%arg45 : memref<!tpu.dma_semaphore, #tpu.memory_space<semaphore_mem>>) {add = true}
      %lt3A = arith.constant 31 : i32
      %lt3A_903 = arith.cmpi slt, %scan3A_652, %lt3A : i32
      %convert_element_type3A = arith.extui %lt3A_903 : i1 to i32
      %cond3A = arith.constant 0 : i32
      %cond3A_904 = arith.cmpi ne, %convert_element_type3A, %cond3A : i32
      scf.if %cond3A_904 {
        %dma_wait3A_905 = arith.constant 1 : i32
        %dma_wait3A_906 = arith.constant 0 : i32
        %dma_wait3A_907 = tpu.memref_slice %arg6[%dma_wait3A_905, %dma_wait3A_906] : memref<2x40xi32, #tpu.memory_space<vmem>> -> memref<1x40xi32, #tpu.memory_space<vmem>>
        %dma_wait3A_908 = tpu.memref_squeeze %dma_wait3A_907 : memref<1x40xi32, #tpu.memory_space<vmem>> -> memref<40xi32, #tpu.memory_space<vmem>>
        %dma_wait3A_909 = arith.constant 0 : i32
        %dma_wait3A_910 = arith.constant 0 : i32
        %dma_wait3A_911 = tpu.memref_slice %arg5[%dma_wait3A_909, %dma_wait3A_910] : memref<10240x128xf32, #tpu.memory_space<vmem_shared>> -> memref<10240x128xf32, #tpu.memory_space<vmem_shared>>
        tpu.wait_indirect_dma semaphore(%arg38 : memref<!tpu.dma_semaphore, #tpu.memory_space<semaphore_mem>>) src(%arg14 : memref<40x128xf32, #tpu.memory_space<vmem>>) dst(%dma_wait3A_911 : memref<10240x128xf32, #tpu.memory_space<vmem_shared>>)
        %add3A_912 = arith.constant 8 : i32
        %add3A_913 = arith.addi %mul3A_654, %add3A_912 : i32
        %add3A_914 = arith.constant 0 : i32
        %add3A_915 = arith.addi %add3A_913, %add3A_914 : i32
        %dma_start3A_916 = arith.constant 0 : i32
        %dma_start3A_917 = arith.constant 0 : i32
        %dma_start3A_918 = tpu.memref_slice %arg3[%add3A, %add3A_915, %dma_start3A_916, %dma_start3A_917] : memref<32x256x2x40xi32, #tpu.memory_space<hbm>> -> memref<1x1x2x40xi32, #tpu.memory_space<hbm>>
        %dma_start3A_919 = tpu.memref_squeeze %dma_start3A_918 : memref<1x1x2x40xi32, #tpu.memory_space<hbm>> -> memref<2x40xi32, #tpu.memory_space<hbm>>
        %dma_start3A_920 = arith.constant 0 : i32
        %dma_start3A_921 = arith.constant 0 : i32
        %dma_start3A_922 = tpu.memref_slice %arg3[%add3A, %add3A_915, %dma_start3A_920, %dma_start3A_921] : memref<32x256x2x40xi32, #tpu.memory_space<hbm>> -> memref<1x1x2x40xi32, #tpu.memory_space<hbm>>
        %dma_start3A_923 = tpu.memref_squeeze %dma_start3A_922 : memref<1x1x2x40xi32, #tpu.memory_space<hbm>> -> memref<2x40xi32, #tpu.memory_space<hbm>>
        tpu.enqueue_dma source(%dma_start3A_923 : memref<2x40xi32, #tpu.memory_space<hbm>>) target(%arg6 : memref<2x40xi32, #tpu.memory_space<vmem>>) target_semaphore(%arg22 : memref<!tpu.dma_semaphore, #tpu.memory_space<semaphore_mem>>)
        %dma_wait3A_924 = arith.constant 1 : i32
        %dma_wait3A_925 = arith.constant 0 : i32
        %dma_wait3A_926 = tpu.memref_slice %arg7[%dma_wait3A_924, %dma_wait3A_925] : memref<2x40xi32, #tpu.memory_space<vmem>> -> memref<1x40xi32, #tpu.memory_space<vmem>>
        %dma_wait3A_927 = tpu.memref_squeeze %dma_wait3A_926 : memref<1x40xi32, #tpu.memory_space<vmem>> -> memref<40xi32, #tpu.memory_space<vmem>>
        %dma_wait3A_928 = arith.constant 0 : i32
        %dma_wait3A_929 = arith.constant 0 : i32
        %dma_wait3A_930 = tpu.memref_slice %arg5[%dma_wait3A_928, %dma_wait3A_929] : memref<10240x128xf32, #tpu.memory_space<vmem_shared>> -> memref<10240x128xf32, #tpu.memory_space<vmem_shared>>
        tpu.wait_indirect_dma semaphore(%arg39 : memref<!tpu.dma_semaphore, #tpu.memory_space<semaphore_mem>>) src(%arg15 : memref<40x128xf32, #tpu.memory_space<vmem>>) dst(%dma_wait3A_930 : memref<10240x128xf32, #tpu.memory_space<vmem_shared>>)
        %add3A_931 = arith.constant 8 : i32
        %add3A_932 = arith.addi %mul3A_654, %add3A_931 : i32
        %add3A_933 = arith.constant 1 : i32
        %add3A_934 = arith.addi %add3A_932, %add3A_933 : i32
        %dma_start3A_935 = arith.constant 0 : i32
        %dma_start3A_936 = arith.constant 0 : i32
        %dma_start3A_937 = tpu.memref_slice %arg3[%add3A, %add3A_934, %dma_start3A_935, %dma_start3A_936] : memref<32x256x2x40xi32, #tpu.memory_space<hbm>> -> memref<1x1x2x40xi32, #tpu.memory_space<hbm>>
        %dma_start3A_938 = tpu.memref_squeeze %dma_start3A_937 : memref<1x1x2x40xi32, #tpu.memory_space<hbm>> -> memref<2x40xi32, #tpu.memory_space<hbm>>
        %dma_start3A_939 = arith.constant 0 : i32
        %dma_start3A_940 = arith.constant 0 : i32
        %dma_start3A_941 = tpu.memref_slice %arg3[%add3A, %add3A_934, %dma_start3A_939, %dma_start3A_940] : memref<32x256x2x40xi32, #tpu.memory_space<hbm>> -> memref<1x1x2x40xi32, #tpu.memory_space<hbm>>
        %dma_start3A_942 = tpu.memref_squeeze %dma_start3A_941 : memref<1x1x2x40xi32, #tpu.memory_space<hbm>> -> memref<2x40xi32, #tpu.memory_space<hbm>>
        tpu.enqueue_dma source(%dma_start3A_942 : memref<2x40xi32, #tpu.memory_space<hbm>>) target(%arg7 : memref<2x40xi32, #tpu.memory_space<vmem>>) target_semaphore(%arg23 : memref<!tpu.dma_semaphore, #tpu.memory_space<semaphore_mem>>)
        %dma_wait3A_943 = arith.constant 1 : i32
        %dma_wait3A_944 = arith.constant 0 : i32
        %dma_wait3A_945 = tpu.memref_slice %arg8[%dma_wait3A_943, %dma_wait3A_944] : memref<2x40xi32, #tpu.memory_space<vmem>> -> memref<1x40xi32, #tpu.memory_space<vmem>>
        %dma_wait3A_946 = tpu.memref_squeeze %dma_wait3A_945 : memref<1x40xi32, #tpu.memory_space<vmem>> -> memref<40xi32, #tpu.memory_space<vmem>>
        %dma_wait3A_947 = arith.constant 0 : i32
        %dma_wait3A_948 = arith.constant 0 : i32
        %dma_wait3A_949 = tpu.memref_slice %arg5[%dma_wait3A_947, %dma_wait3A_948] : memref<10240x128xf32, #tpu.memory_space<vmem_shared>> -> memref<10240x128xf32, #tpu.memory_space<vmem_shared>>
        tpu.wait_indirect_dma semaphore(%arg40 : memref<!tpu.dma_semaphore, #tpu.memory_space<semaphore_mem>>) src(%arg16 : memref<40x128xf32, #tpu.memory_space<vmem>>) dst(%dma_wait3A_949 : memref<10240x128xf32, #tpu.memory_space<vmem_shared>>)
        %add3A_950 = arith.constant 8 : i32
        %add3A_951 = arith.addi %mul3A_654, %add3A_950 : i32
        %add3A_952 = arith.constant 2 : i32
        %add3A_953 = arith.addi %add3A_951, %add3A_952 : i32
        %dma_start3A_954 = arith.constant 0 : i32
        %dma_start3A_955 = arith.constant 0 : i32
        %dma_start3A_956 = tpu.memref_slice %arg3[%add3A, %add3A_953, %dma_start3A_954, %dma_start3A_955] : memref<32x256x2x40xi32, #tpu.memory_space<hbm>> -> memref<1x1x2x40xi32, #tpu.memory_space<hbm>>
        %dma_start3A_957 = tpu.memref_squeeze %dma_start3A_956 : memref<1x1x2x40xi32, #tpu.memory_space<hbm>> -> memref<2x40xi32, #tpu.memory_space<hbm>>
        %dma_start3A_958 = arith.constant 0 : i32
        %dma_start3A_959 = arith.constant 0 : i32
        %dma_start3A_960 = tpu.memref_slice %arg3[%add3A, %add3A_953, %dma_start3A_958, %dma_start3A_959] : memref<32x256x2x40xi32, #tpu.memory_space<hbm>> -> memref<1x1x2x40xi32, #tpu.memory_space<hbm>>
        %dma_start3A_961 = tpu.memref_squeeze %dma_start3A_960 : memref<1x1x2x40xi32, #tpu.memory_space<hbm>> -> memref<2x40xi32, #tpu.memory_space<hbm>>
        tpu.enqueue_dma source(%dma_start3A_961 : memref<2x40xi32, #tpu.memory_space<hbm>>) target(%arg8 : memref<2x40xi32, #tpu.memory_space<vmem>>) target_semaphore(%arg24 : memref<!tpu.dma_semaphore, #tpu.memory_space<semaphore_mem>>)
        %dma_wait3A_962 = arith.constant 1 : i32
        %dma_wait3A_963 = arith.constant 0 : i32
        %dma_wait3A_964 = tpu.memref_slice %arg9[%dma_wait3A_962, %dma_wait3A_963] : memref<2x40xi32, #tpu.memory_space<vmem>> -> memref<1x40xi32, #tpu.memory_space<vmem>>
        %dma_wait3A_965 = tpu.memref_squeeze %dma_wait3A_964 : memref<1x40xi32, #tpu.memory_space<vmem>> -> memref<40xi32, #tpu.memory_space<vmem>>
        %dma_wait3A_966 = arith.constant 0 : i32
        %dma_wait3A_967 = arith.constant 0 : i32
        %dma_wait3A_968 = tpu.memref_slice %arg5[%dma_wait3A_966, %dma_wait3A_967] : memref<10240x128xf32, #tpu.memory_space<vmem_shared>> -> memref<10240x128xf32, #tpu.memory_space<vmem_shared>>
        tpu.wait_indirect_dma semaphore(%arg41 : memref<!tpu.dma_semaphore, #tpu.memory_space<semaphore_mem>>) src(%arg17 : memref<40x128xf32, #tpu.memory_space<vmem>>) dst(%dma_wait3A_968 : memref<10240x128xf32, #tpu.memory_space<vmem_shared>>)
        %add3A_969 = arith.constant 8 : i32
        %add3A_970 = arith.addi %mul3A_654, %add3A_969 : i32
        %add3A_971 = arith.constant 3 : i32
        %add3A_972 = arith.addi %add3A_970, %add3A_971 : i32
        %dma_start3A_973 = arith.constant 0 : i32
        %dma_start3A_974 = arith.constant 0 : i32
        %dma_start3A_975 = tpu.memref_slice %arg3[%add3A, %add3A_972, %dma_start3A_973, %dma_start3A_974] : memref<32x256x2x40xi32, #tpu.memory_space<hbm>> -> memref<1x1x2x40xi32, #tpu.memory_space<hbm>>
        %dma_start3A_976 = tpu.memref_squeeze %dma_start3A_975 : memref<1x1x2x40xi32, #tpu.memory_space<hbm>> -> memref<2x40xi32, #tpu.memory_space<hbm>>
        %dma_start3A_977 = arith.constant 0 : i32
        %dma_start3A_978 = arith.constant 0 : i32
        %dma_start3A_979 = tpu.memref_slice %arg3[%add3A, %add3A_972, %dma_start3A_977, %dma_start3A_978] : memref<32x256x2x40xi32, #tpu.memory_space<hbm>> -> memref<1x1x2x40xi32, #tpu.memory_space<hbm>>
        %dma_start3A_980 = tpu.memref_squeeze %dma_start3A_979 : memref<1x1x2x40xi32, #tpu.memory_space<hbm>> -> memref<2x40xi32, #tpu.memory_space<hbm>>
        tpu.enqueue_dma source(%dma_start3A_980 : memref<2x40xi32, #tpu.memory_space<hbm>>) target(%arg9 : memref<2x40xi32, #tpu.memory_space<vmem>>) target_semaphore(%arg25 : memref<!tpu.dma_semaphore, #tpu.memory_space<semaphore_mem>>)
        %dma_wait3A_981 = arith.constant 1 : i32
        %dma_wait3A_982 = arith.constant 0 : i32
        %dma_wait3A_983 = tpu.memref_slice %arg10[%dma_wait3A_981, %dma_wait3A_982] : memref<2x40xi32, #tpu.memory_space<vmem>> -> memref<1x40xi32, #tpu.memory_space<vmem>>
        %dma_wait3A_984 = tpu.memref_squeeze %dma_wait3A_983 : memref<1x40xi32, #tpu.memory_space<vmem>> -> memref<40xi32, #tpu.memory_space<vmem>>
        %dma_wait3A_985 = arith.constant 0 : i32
        %dma_wait3A_986 = arith.constant 0 : i32
        %dma_wait3A_987 = tpu.memref_slice %arg5[%dma_wait3A_985, %dma_wait3A_986] : memref<10240x128xf32, #tpu.memory_space<vmem_shared>> -> memref<10240x128xf32, #tpu.memory_space<vmem_shared>>
        tpu.wait_indirect_dma semaphore(%arg42 : memref<!tpu.dma_semaphore, #tpu.memory_space<semaphore_mem>>) src(%arg18 : memref<40x128xf32, #tpu.memory_space<vmem>>) dst(%dma_wait3A_987 : memref<10240x128xf32, #tpu.memory_space<vmem_shared>>)
        %add3A_988 = arith.constant 8 : i32
        %add3A_989 = arith.addi %mul3A_654, %add3A_988 : i32
        %add3A_990 = arith.constant 4 : i32
        %add3A_991 = arith.addi %add3A_989, %add3A_990 : i32
        %dma_start3A_992 = arith.constant 0 : i32
        %dma_start3A_993 = arith.constant 0 : i32
        %dma_start3A_994 = tpu.memref_slice %arg3[%add3A, %add3A_991, %dma_start3A_992, %dma_start3A_993] : memref<32x256x2x40xi32, #tpu.memory_space<hbm>> -> memref<1x1x2x40xi32, #tpu.memory_space<hbm>>
        %dma_start3A_995 = tpu.memref_squeeze %dma_start3A_994 : memref<1x1x2x40xi32, #tpu.memory_space<hbm>> -> memref<2x40xi32, #tpu.memory_space<hbm>>
        %dma_start3A_996 = arith.constant 0 : i32
        %dma_start3A_997 = arith.constant 0 : i32
        %dma_start3A_998 = tpu.memref_slice %arg3[%add3A, %add3A_991, %dma_start3A_996, %dma_start3A_997] : memref<32x256x2x40xi32, #tpu.memory_space<hbm>> -> memref<1x1x2x40xi32, #tpu.memory_space<hbm>>
        %dma_start3A_999 = tpu.memref_squeeze %dma_start3A_998 : memref<1x1x2x40xi32, #tpu.memory_space<hbm>> -> memref<2x40xi32, #tpu.memory_space<hbm>>
        tpu.enqueue_dma source(%dma_start3A_999 : memref<2x40xi32, #tpu.memory_space<hbm>>) target(%arg10 : memref<2x40xi32, #tpu.memory_space<vmem>>) target_semaphore(%arg26 : memref<!tpu.dma_semaphore, #tpu.memory_space<semaphore_mem>>)
        %dma_wait3A_1000 = arith.constant 1 : i32
        %dma_wait3A_1001 = arith.constant 0 : i32
        %dma_wait3A_1002 = tpu.memref_slice %arg11[%dma_wait3A_1000, %dma_wait3A_1001] : memref<2x40xi32, #tpu.memory_space<vmem>> -> memref<1x40xi32, #tpu.memory_space<vmem>>
        %dma_wait3A_1003 = tpu.memref_squeeze %dma_wait3A_1002 : memref<1x40xi32, #tpu.memory_space<vmem>> -> memref<40xi32, #tpu.memory_space<vmem>>
        %dma_wait3A_1004 = arith.constant 0 : i32
        %dma_wait3A_1005 = arith.constant 0 : i32
        %dma_wait3A_1006 = tpu.memref_slice %arg5[%dma_wait3A_1004, %dma_wait3A_1005] : memref<10240x128xf32, #tpu.memory_space<vmem_shared>> -> memref<10240x128xf32, #tpu.memory_space<vmem_shared>>
        tpu.wait_indirect_dma semaphore(%arg43 : memref<!tpu.dma_semaphore, #tpu.memory_space<semaphore_mem>>) src(%arg19 : memref<40x128xf32, #tpu.memory_space<vmem>>) dst(%dma_wait3A_1006 : memref<10240x128xf32, #tpu.memory_space<vmem_shared>>)
        %add3A_1007 = arith.constant 8 : i32
        %add3A_1008 = arith.addi %mul3A_654, %add3A_1007 : i32
        %add3A_1009 = arith.constant 5 : i32
        %add3A_1010 = arith.addi %add3A_1008, %add3A_1009 : i32
        %dma_start3A_1011 = arith.constant 0 : i32
        %dma_start3A_1012 = arith.constant 0 : i32
        %dma_start3A_1013 = tpu.memref_slice %arg3[%add3A, %add3A_1010, %dma_start3A_1011, %dma_start3A_1012] : memref<32x256x2x40xi32, #tpu.memory_space<hbm>> -> memref<1x1x2x40xi32, #tpu.memory_space<hbm>>
        %dma_start3A_1014 = tpu.memref_squeeze %dma_start3A_1013 : memref<1x1x2x40xi32, #tpu.memory_space<hbm>> -> memref<2x40xi32, #tpu.memory_space<hbm>>
        %dma_start3A_1015 = arith.constant 0 : i32
        %dma_start3A_1016 = arith.constant 0 : i32
        %dma_start3A_1017 = tpu.memref_slice %arg3[%add3A, %add3A_1010, %dma_start3A_1015, %dma_start3A_1016] : memref<32x256x2x40xi32, #tpu.memory_space<hbm>> -> memref<1x1x2x40xi32, #tpu.memory_space<hbm>>
        %dma_start3A_1018 = tpu.memref_squeeze %dma_start3A_1017 : memref<1x1x2x40xi32, #tpu.memory_space<hbm>> -> memref<2x40xi32, #tpu.memory_space<hbm>>
        tpu.enqueue_dma source(%dma_start3A_1018 : memref<2x40xi32, #tpu.memory_space<hbm>>) target(%arg11 : memref<2x40xi32, #tpu.memory_space<vmem>>) target_semaphore(%arg27 : memref<!tpu.dma_semaphore, #tpu.memory_space<semaphore_mem>>)
        %dma_wait3A_1019 = arith.constant 1 : i32
        %dma_wait3A_1020 = arith.constant 0 : i32
        %dma_wait3A_1021 = tpu.memref_slice %arg12[%dma_wait3A_1019, %dma_wait3A_1020] : memref<2x40xi32, #tpu.memory_space<vmem>> -> memref<1x40xi32, #tpu.memory_space<vmem>>
        %dma_wait3A_1022 = tpu.memref_squeeze %dma_wait3A_1021 : memref<1x40xi32, #tpu.memory_space<vmem>> -> memref<40xi32, #tpu.memory_space<vmem>>
        %dma_wait3A_1023 = arith.constant 0 : i32
        %dma_wait3A_1024 = arith.constant 0 : i32
        %dma_wait3A_1025 = tpu.memref_slice %arg5[%dma_wait3A_1023, %dma_wait3A_1024] : memref<10240x128xf32, #tpu.memory_space<vmem_shared>> -> memref<10240x128xf32, #tpu.memory_space<vmem_shared>>
        tpu.wait_indirect_dma semaphore(%arg44 : memref<!tpu.dma_semaphore, #tpu.memory_space<semaphore_mem>>) src(%arg20 : memref<40x128xf32, #tpu.memory_space<vmem>>) dst(%dma_wait3A_1025 : memref<10240x128xf32, #tpu.memory_space<vmem_shared>>)
        %add3A_1026 = arith.constant 8 : i32
        %add3A_1027 = arith.addi %mul3A_654, %add3A_1026 : i32
        %add3A_1028 = arith.constant 6 : i32
        %add3A_1029 = arith.addi %add3A_1027, %add3A_1028 : i32
        %dma_start3A_1030 = arith.constant 0 : i32
        %dma_start3A_1031 = arith.constant 0 : i32
        %dma_start3A_1032 = tpu.memref_slice %arg3[%add3A, %add3A_1029, %dma_start3A_1030, %dma_start3A_1031] : memref<32x256x2x40xi32, #tpu.memory_space<hbm>> -> memref<1x1x2x40xi32, #tpu.memory_space<hbm>>
        %dma_start3A_1033 = tpu.memref_squeeze %dma_start3A_1032 : memref<1x1x2x40xi32, #tpu.memory_space<hbm>> -> memref<2x40xi32, #tpu.memory_space<hbm>>
        %dma_start3A_1034 = arith.constant 0 : i32
        %dma_start3A_1035 = arith.constant 0 : i32
        %dma_start3A_1036 = tpu.memref_slice %arg3[%add3A, %add3A_1029, %dma_start3A_1034, %dma_start3A_1035] : memref<32x256x2x40xi32, #tpu.memory_space<hbm>> -> memref<1x1x2x40xi32, #tpu.memory_space<hbm>>
        %dma_start3A_1037 = tpu.memref_squeeze %dma_start3A_1036 : memref<1x1x2x40xi32, #tpu.memory_space<hbm>> -> memref<2x40xi32, #tpu.memory_space<hbm>>
        tpu.enqueue_dma source(%dma_start3A_1037 : memref<2x40xi32, #tpu.memory_space<hbm>>) target(%arg12 : memref<2x40xi32, #tpu.memory_space<vmem>>) target_semaphore(%arg28 : memref<!tpu.dma_semaphore, #tpu.memory_space<semaphore_mem>>)
        %dma_wait3A_1038 = arith.constant 1 : i32
        %dma_wait3A_1039 = arith.constant 0 : i32
        %dma_wait3A_1040 = tpu.memref_slice %arg13[%dma_wait3A_1038, %dma_wait3A_1039] : memref<2x40xi32, #tpu.memory_space<vmem>> -> memref<1x40xi32, #tpu.memory_space<vmem>>
        %dma_wait3A_1041 = tpu.memref_squeeze %dma_wait3A_1040 : memref<1x40xi32, #tpu.memory_space<vmem>> -> memref<40xi32, #tpu.memory_space<vmem>>
        %dma_wait3A_1042 = arith.constant 0 : i32
        %dma_wait3A_1043 = arith.constant 0 : i32
        %dma_wait3A_1044 = tpu.memref_slice %arg5[%dma_wait3A_1042, %dma_wait3A_1043] : memref<10240x128xf32, #tpu.memory_space<vmem_shared>> -> memref<10240x128xf32, #tpu.memory_space<vmem_shared>>
        tpu.wait_indirect_dma semaphore(%arg45 : memref<!tpu.dma_semaphore, #tpu.memory_space<semaphore_mem>>) src(%arg21 : memref<40x128xf32, #tpu.memory_space<vmem>>) dst(%dma_wait3A_1044 : memref<10240x128xf32, #tpu.memory_space<vmem_shared>>)
        %add3A_1045 = arith.constant 8 : i32
        %add3A_1046 = arith.addi %mul3A_654, %add3A_1045 : i32
        %add3A_1047 = arith.constant 7 : i32
        %add3A_1048 = arith.addi %add3A_1046, %add3A_1047 : i32
        %dma_start3A_1049 = arith.constant 0 : i32
        %dma_start3A_1050 = arith.constant 0 : i32
        %dma_start3A_1051 = tpu.memref_slice %arg3[%add3A, %add3A_1048, %dma_start3A_1049, %dma_start3A_1050] : memref<32x256x2x40xi32, #tpu.memory_space<hbm>> -> memref<1x1x2x40xi32, #tpu.memory_space<hbm>>
        %dma_start3A_1052 = tpu.memref_squeeze %dma_start3A_1051 : memref<1x1x2x40xi32, #tpu.memory_space<hbm>> -> memref<2x40xi32, #tpu.memory_space<hbm>>
        %dma_start3A_1053 = arith.constant 0 : i32
        %dma_start3A_1054 = arith.constant 0 : i32
        %dma_start3A_1055 = tpu.memref_slice %arg3[%add3A, %add3A_1048, %dma_start3A_1053, %dma_start3A_1054] : memref<32x256x2x40xi32, #tpu.memory_space<hbm>> -> memref<1x1x2x40xi32, #tpu.memory_space<hbm>>
        %dma_start3A_1056 = tpu.memref_squeeze %dma_start3A_1055 : memref<1x1x2x40xi32, #tpu.memory_space<hbm>> -> memref<2x40xi32, #tpu.memory_space<hbm>>
        tpu.enqueue_dma source(%dma_start3A_1056 : memref<2x40xi32, #tpu.memory_space<hbm>>) target(%arg13 : memref<2x40xi32, #tpu.memory_space<vmem>>) target_semaphore(%arg29 : memref<!tpu.dma_semaphore, #tpu.memory_space<semaphore_mem>>)
      } else {
      }
    }
    %scan3A_306 = arith.constant 32 : i32
    %dma_wait3A_307 = arith.constant 1 : i32
    %dma_wait3A_308 = arith.constant 0 : i32
    %dma_wait3A_309 = tpu.memref_slice %arg6[%dma_wait3A_307, %dma_wait3A_308] : memref<2x40xi32, #tpu.memory_space<vmem>> -> memref<1x40xi32, #tpu.memory_space<vmem>>
    %dma_wait3A_310 = tpu.memref_squeeze %dma_wait3A_309 : memref<1x40xi32, #tpu.memory_space<vmem>> -> memref<40xi32, #tpu.memory_space<vmem>>
    %dma_wait3A_311 = arith.constant 0 : i32
    %dma_wait3A_312 = arith.constant 0 : i32
    %dma_wait3A_313 = tpu.memref_slice %arg5[%dma_wait3A_311, %dma_wait3A_312] : memref<10240x128xf32, #tpu.memory_space<vmem_shared>> -> memref<10240x128xf32, #tpu.memory_space<vmem_shared>>
    tpu.wait_indirect_dma semaphore(%arg38 : memref<!tpu.dma_semaphore, #tpu.memory_space<semaphore_mem>>) src(%arg14 : memref<40x128xf32, #tpu.memory_space<vmem>>) dst(%dma_wait3A_313 : memref<10240x128xf32, #tpu.memory_space<vmem_shared>>)
    %dma_wait3A_314 = arith.constant 1 : i32
    %dma_wait3A_315 = arith.constant 0 : i32
    %dma_wait3A_316 = tpu.memref_slice %arg7[%dma_wait3A_314, %dma_wait3A_315] : memref<2x40xi32, #tpu.memory_space<vmem>> -> memref<1x40xi32, #tpu.memory_space<vmem>>
    %dma_wait3A_317 = tpu.memref_squeeze %dma_wait3A_316 : memref<1x40xi32, #tpu.memory_space<vmem>> -> memref<40xi32, #tpu.memory_space<vmem>>
    %dma_wait3A_318 = arith.constant 0 : i32
    %dma_wait3A_319 = arith.constant 0 : i32
    %dma_wait3A_320 = tpu.memref_slice %arg5[%dma_wait3A_318, %dma_wait3A_319] : memref<10240x128xf32, #tpu.memory_space<vmem_shared>> -> memref<10240x128xf32, #tpu.memory_space<vmem_shared>>
    tpu.wait_indirect_dma semaphore(%arg39 : memref<!tpu.dma_semaphore, #tpu.memory_space<semaphore_mem>>) src(%arg15 : memref<40x128xf32, #tpu.memory_space<vmem>>) dst(%dma_wait3A_320 : memref<10240x128xf32, #tpu.memory_space<vmem_shared>>)
    %dma_wait3A_321 = arith.constant 1 : i32
    %dma_wait3A_322 = arith.constant 0 : i32
    %dma_wait3A_323 = tpu.memref_slice %arg8[%dma_wait3A_321, %dma_wait3A_322] : memref<2x40xi32, #tpu.memory_space<vmem>> -> memref<1x40xi32, #tpu.memory_space<vmem>>
    %dma_wait3A_324 = tpu.memref_squeeze %dma_wait3A_323 : memref<1x40xi32, #tpu.memory_space<vmem>> -> memref<40xi32, #tpu.memory_space<vmem>>
    %dma_wait3A_325 = arith.constant 0 : i32
    %dma_wait3A_326 = arith.constant 0 : i32
    %dma_wait3A_327 = tpu.memref_slice %arg5[%dma_wait3A_325, %dma_wait3A_326] : memref<10240x128xf32, #tpu.memory_space<vmem_shared>> -> memref<10240x128xf32, #tpu.memory_space<vmem_shared>>
    tpu.wait_indirect_dma semaphore(%arg40 : memref<!tpu.dma_semaphore, #tpu.memory_space<semaphore_mem>>) src(%arg16 : memref<40x128xf32, #tpu.memory_space<vmem>>) dst(%dma_wait3A_327 : memref<10240x128xf32, #tpu.memory_space<vmem_shared>>)
    %dma_wait3A_328 = arith.constant 1 : i32
    %dma_wait3A_329 = arith.constant 0 : i32
    %dma_wait3A_330 = tpu.memref_slice %arg9[%dma_wait3A_328, %dma_wait3A_329] : memref<2x40xi32, #tpu.memory_space<vmem>> -> memref<1x40xi32, #tpu.memory_space<vmem>>
    %dma_wait3A_331 = tpu.memref_squeeze %dma_wait3A_330 : memref<1x40xi32, #tpu.memory_space<vmem>> -> memref<40xi32, #tpu.memory_space<vmem>>
    %dma_wait3A_332 = arith.constant 0 : i32
    %dma_wait3A_333 = arith.constant 0 : i32
    %dma_wait3A_334 = tpu.memref_slice %arg5[%dma_wait3A_332, %dma_wait3A_333] : memref<10240x128xf32, #tpu.memory_space<vmem_shared>> -> memref<10240x128xf32, #tpu.memory_space<vmem_shared>>
    tpu.wait_indirect_dma semaphore(%arg41 : memref<!tpu.dma_semaphore, #tpu.memory_space<semaphore_mem>>) src(%arg17 : memref<40x128xf32, #tpu.memory_space<vmem>>) dst(%dma_wait3A_334 : memref<10240x128xf32, #tpu.memory_space<vmem_shared>>)
    %dma_wait3A_335 = arith.constant 1 : i32
    %dma_wait3A_336 = arith.constant 0 : i32
    %dma_wait3A_337 = tpu.memref_slice %arg10[%dma_wait3A_335, %dma_wait3A_336] : memref<2x40xi32, #tpu.memory_space<vmem>> -> memref<1x40xi32, #tpu.memory_space<vmem>>
    %dma_wait3A_338 = tpu.memref_squeeze %dma_wait3A_337 : memref<1x40xi32, #tpu.memory_space<vmem>> -> memref<40xi32, #tpu.memory_space<vmem>>
    %dma_wait3A_339 = arith.constant 0 : i32
    %dma_wait3A_340 = arith.constant 0 : i32
    %dma_wait3A_341 = tpu.memref_slice %arg5[%dma_wait3A_339, %dma_wait3A_340] : memref<10240x128xf32, #tpu.memory_space<vmem_shared>> -> memref<10240x128xf32, #tpu.memory_space<vmem_shared>>
    tpu.wait_indirect_dma semaphore(%arg42 : memref<!tpu.dma_semaphore, #tpu.memory_space<semaphore_mem>>) src(%arg18 : memref<40x128xf32, #tpu.memory_space<vmem>>) dst(%dma_wait3A_341 : memref<10240x128xf32, #tpu.memory_space<vmem_shared>>)
    %dma_wait3A_342 = arith.constant 1 : i32
    %dma_wait3A_343 = arith.constant 0 : i32
    %dma_wait3A_344 = tpu.memref_slice %arg11[%dma_wait3A_342, %dma_wait3A_343] : memref<2x40xi32, #tpu.memory_space<vmem>> -> memref<1x40xi32, #tpu.memory_space<vmem>>
    %dma_wait3A_345 = tpu.memref_squeeze %dma_wait3A_344 : memref<1x40xi32, #tpu.memory_space<vmem>> -> memref<40xi32, #tpu.memory_space<vmem>>
    %dma_wait3A_346 = arith.constant 0 : i32
    %dma_wait3A_347 = arith.constant 0 : i32
    %dma_wait3A_348 = tpu.memref_slice %arg5[%dma_wait3A_346, %dma_wait3A_347] : memref<10240x128xf32, #tpu.memory_space<vmem_shared>> -> memref<10240x128xf32, #tpu.memory_space<vmem_shared>>
    tpu.wait_indirect_dma semaphore(%arg43 : memref<!tpu.dma_semaphore, #tpu.memory_space<semaphore_mem>>) src(%arg19 : memref<40x128xf32, #tpu.memory_space<vmem>>) dst(%dma_wait3A_348 : memref<10240x128xf32, #tpu.memory_space<vmem_shared>>)
    %dma_wait3A_349 = arith.constant 1 : i32
    %dma_wait3A_350 = arith.constant 0 : i32
    %dma_wait3A_351 = tpu.memref_slice %arg12[%dma_wait3A_349, %dma_wait3A_350] : memref<2x40xi32, #tpu.memory_space<vmem>> -> memref<1x40xi32, #tpu.memory_space<vmem>>
    %dma_wait3A_352 = tpu.memref_squeeze %dma_wait3A_351 : memref<1x40xi32, #tpu.memory_space<vmem>> -> memref<40xi32, #tpu.memory_space<vmem>>
    %dma_wait3A_353 = arith.constant 0 : i32
    %dma_wait3A_354 = arith.constant 0 : i32
    %dma_wait3A_355 = tpu.memref_slice %arg5[%dma_wait3A_353, %dma_wait3A_354] : memref<10240x128xf32, #tpu.memory_space<vmem_shared>> -> memref<10240x128xf32, #tpu.memory_space<vmem_shared>>
    tpu.wait_indirect_dma semaphore(%arg44 : memref<!tpu.dma_semaphore, #tpu.memory_space<semaphore_mem>>) src(%arg20 : memref<40x128xf32, #tpu.memory_space<vmem>>) dst(%dma_wait3A_355 : memref<10240x128xf32, #tpu.memory_space<vmem_shared>>)
    %dma_wait3A_356 = arith.constant 1 : i32
    %dma_wait3A_357 = arith.constant 0 : i32
    %dma_wait3A_358 = tpu.memref_slice %arg13[%dma_wait3A_356, %dma_wait3A_357] : memref<2x40xi32, #tpu.memory_space<vmem>> -> memref<1x40xi32, #tpu.memory_space<vmem>>
    %dma_wait3A_359 = tpu.memref_squeeze %dma_wait3A_358 : memref<1x40xi32, #tpu.memory_space<vmem>> -> memref<40xi32, #tpu.memory_space<vmem>>
    %dma_wait3A_360 = arith.constant 0 : i32
    %dma_wait3A_361 = arith.constant 0 : i32
    %dma_wait3A_362 = tpu.memref_slice %arg5[%dma_wait3A_360, %dma_wait3A_361] : memref<10240x128xf32, #tpu.memory_space<vmem_shared>> -> memref<10240x128xf32, #tpu.memory_space<vmem_shared>>
    tpu.wait_indirect_dma semaphore(%arg45 : memref<!tpu.dma_semaphore, #tpu.memory_space<semaphore_mem>>) src(%arg21 : memref<40x128xf32, #tpu.memory_space<vmem>>) dst(%dma_wait3A_362 : memref<10240x128xf32, #tpu.memory_space<vmem_shared>>)
    %barrier3A_363 = arith.constant 0 : index
    tpu.barrier barrier_id(%barrier3A_363)
    %mul3A_364 = arith.constant 640 : i32
    %mul3A_365 = arith.muli %arg1, %mul3A_364 : i32
    %add3A_366 = arith.constant 0 : i32
    %add3A_367 = arith.addi %mul3A_365, %add3A_366 : i32
    "tpu.region"() ({
      %run_scoped3A = tpu.sem_alloc : memref<!tpu.dma_semaphore, #tpu.memory_space<semaphore_mem>>
      %dma_start3A_652 = arith.constant 0 : i32
      %dma_start3A_653 = tpu.memref_slice %arg5[%add3A_367, %dma_start3A_652] : memref<10240x128xf32, #tpu.memory_space<vmem_shared>> -> memref<40x128xf32, #tpu.memory_space<vmem_shared>>
      %dma_start3A_654 = arith.constant 0 : i32
      %dma_start3A_655 = tpu.memref_slice %arg5[%add3A_367, %dma_start3A_654] : memref<10240x128xf32, #tpu.memory_space<vmem_shared>> -> memref<40x128xf32, #tpu.memory_space<vmem_shared>>
      tpu.enqueue_dma source(%dma_start3A_655 : memref<40x128xf32, #tpu.memory_space<vmem_shared>>) target(%arg14 : memref<40x128xf32, #tpu.memory_space<vmem>>) target_semaphore(%run_scoped3A : memref<!tpu.dma_semaphore, #tpu.memory_space<semaphore_mem>>)
      %dma_wait3A_656 = arith.constant 0 : i32
      %dma_wait3A_657 = tpu.memref_slice %arg5[%add3A_367, %dma_wait3A_656] : memref<10240x128xf32, #tpu.memory_space<vmem_shared>> -> memref<40x128xf32, #tpu.memory_space<vmem_shared>>
      %dma_wait3A_658 = arith.constant 0 : i32
      %dma_wait3A_659 = tpu.memref_slice %arg5[%add3A_367, %dma_wait3A_658] : memref<10240x128xf32, #tpu.memory_space<vmem_shared>> -> memref<40x128xf32, #tpu.memory_space<vmem_shared>>
      tpu.wait_dma2 semaphore(%run_scoped3A : memref<!tpu.dma_semaphore, #tpu.memory_space<semaphore_mem>>) src(%dma_wait3A_659 : memref<40x128xf32, #tpu.memory_space<vmem_shared>>) dst(%arg14 : memref<40x128xf32, #tpu.memory_space<vmem>>)
      tpu.yield
    }) : () -> ()
    %dma_start3A_368 = arith.constant 0 : i32
    %dma_start3A_369 = tpu.memref_slice %arg4[%arg0, %add3A_367, %dma_start3A_368] : memref<2x10240x128xf32, #tpu.memory_space<hbm>> -> memref<1x40x128xf32, #tpu.memory_space<hbm>>
    %dma_start3A_370 = tpu.memref_squeeze %dma_start3A_369 : memref<1x40x128xf32, #tpu.memory_space<hbm>> -> memref<40x128xf32, #tpu.memory_space<hbm>>
    %dma_start3A_371 = arith.constant 0 : i32
    %dma_start3A_372 = tpu.memref_slice %arg4[%arg0, %add3A_367, %dma_start3A_371] : memref<2x10240x128xf32, #tpu.memory_space<hbm>> -> memref<1x40x128xf32, #tpu.memory_space<hbm>>
    %dma_start3A_373 = tpu.memref_squeeze %dma_start3A_372 : memref<1x40x128xf32, #tpu.memory_space<hbm>> -> memref<40x128xf32, #tpu.memory_space<hbm>>
    tpu.enqueue_dma source(%arg14 : memref<40x128xf32, #tpu.memory_space<vmem>>) target(%dma_start3A_373 : memref<40x128xf32, #tpu.memory_space<hbm>>) target_semaphore(%arg30 : memref<!tpu.dma_semaphore, #tpu.memory_space<semaphore_mem>>)
    %mul3A_374 = arith.constant 640 : i32
    %mul3A_375 = arith.muli %arg1, %mul3A_374 : i32
    %add3A_376 = arith.constant 40 : i32
    %add3A_377 = arith.addi %mul3A_375, %add3A_376 : i32
    "tpu.region"() ({
      %run_scoped3A = tpu.sem_alloc : memref<!tpu.dma_semaphore, #tpu.memory_space<semaphore_mem>>
      %dma_start3A_652 = arith.constant 0 : i32
      %dma_start3A_653 = tpu.memref_slice %arg5[%add3A_377, %dma_start3A_652] : memref<10240x128xf32, #tpu.memory_space<vmem_shared>> -> memref<40x128xf32, #tpu.memory_space<vmem_shared>>
      %dma_start3A_654 = arith.constant 0 : i32
      %dma_start3A_655 = tpu.memref_slice %arg5[%add3A_377, %dma_start3A_654] : memref<10240x128xf32, #tpu.memory_space<vmem_shared>> -> memref<40x128xf32, #tpu.memory_space<vmem_shared>>
      tpu.enqueue_dma source(%dma_start3A_655 : memref<40x128xf32, #tpu.memory_space<vmem_shared>>) target(%arg15 : memref<40x128xf32, #tpu.memory_space<vmem>>) target_semaphore(%run_scoped3A : memref<!tpu.dma_semaphore, #tpu.memory_space<semaphore_mem>>)
      %dma_wait3A_656 = arith.constant 0 : i32
      %dma_wait3A_657 = tpu.memref_slice %arg5[%add3A_377, %dma_wait3A_656] : memref<10240x128xf32, #tpu.memory_space<vmem_shared>> -> memref<40x128xf32, #tpu.memory_space<vmem_shared>>
      %dma_wait3A_658 = arith.constant 0 : i32
      %dma_wait3A_659 = tpu.memref_slice %arg5[%add3A_377, %dma_wait3A_658] : memref<10240x128xf32, #tpu.memory_space<vmem_shared>> -> memref<40x128xf32, #tpu.memory_space<vmem_shared>>
      tpu.wait_dma2 semaphore(%run_scoped3A : memref<!tpu.dma_semaphore, #tpu.memory_space<semaphore_mem>>) src(%dma_wait3A_659 : memref<40x128xf32, #tpu.memory_space<vmem_shared>>) dst(%arg15 : memref<40x128xf32, #tpu.memory_space<vmem>>)
      tpu.yield
    }) : () -> ()
    %dma_start3A_378 = arith.constant 0 : i32
    %dma_start3A_379 = tpu.memref_slice %arg4[%arg0, %add3A_377, %dma_start3A_378] : memref<2x10240x128xf32, #tpu.memory_space<hbm>> -> memref<1x40x128xf32, #tpu.memory_space<hbm>>
    %dma_start3A_380 = tpu.memref_squeeze %dma_start3A_379 : memref<1x40x128xf32, #tpu.memory_space<hbm>> -> memref<40x128xf32, #tpu.memory_space<hbm>>
    %dma_start3A_381 = arith.constant 0 : i32
    %dma_start3A_382 = tpu.memref_slice %arg4[%arg0, %add3A_377, %dma_start3A_381] : memref<2x10240x128xf32, #tpu.memory_space<hbm>> -> memref<1x40x128xf32, #tpu.memory_space<hbm>>
    %dma_start3A_383 = tpu.memref_squeeze %dma_start3A_382 : memref<1x40x128xf32, #tpu.memory_space<hbm>> -> memref<40x128xf32, #tpu.memory_space<hbm>>
    tpu.enqueue_dma source(%arg15 : memref<40x128xf32, #tpu.memory_space<vmem>>) target(%dma_start3A_383 : memref<40x128xf32, #tpu.memory_space<hbm>>) target_semaphore(%arg31 : memref<!tpu.dma_semaphore, #tpu.memory_space<semaphore_mem>>)
    %mul3A_384 = arith.constant 640 : i32
    %mul3A_385 = arith.muli %arg1, %mul3A_384 : i32
    %add3A_386 = arith.constant 80 : i32
    %add3A_387 = arith.addi %mul3A_385, %add3A_386 : i32
    "tpu.region"() ({
      %run_scoped3A = tpu.sem_alloc : memref<!tpu.dma_semaphore, #tpu.memory_space<semaphore_mem>>
      %dma_start3A_652 = arith.constant 0 : i32
      %dma_start3A_653 = tpu.memref_slice %arg5[%add3A_387, %dma_start3A_652] : memref<10240x128xf32, #tpu.memory_space<vmem_shared>> -> memref<40x128xf32, #tpu.memory_space<vmem_shared>>
      %dma_start3A_654 = arith.constant 0 : i32
      %dma_start3A_655 = tpu.memref_slice %arg5[%add3A_387, %dma_start3A_654] : memref<10240x128xf32, #tpu.memory_space<vmem_shared>> -> memref<40x128xf32, #tpu.memory_space<vmem_shared>>
      tpu.enqueue_dma source(%dma_start3A_655 : memref<40x128xf32, #tpu.memory_space<vmem_shared>>) target(%arg16 : memref<40x128xf32, #tpu.memory_space<vmem>>) target_semaphore(%run_scoped3A : memref<!tpu.dma_semaphore, #tpu.memory_space<semaphore_mem>>)
      %dma_wait3A_656 = arith.constant 0 : i32
      %dma_wait3A_657 = tpu.memref_slice %arg5[%add3A_387, %dma_wait3A_656] : memref<10240x128xf32, #tpu.memory_space<vmem_shared>> -> memref<40x128xf32, #tpu.memory_space<vmem_shared>>
      %dma_wait3A_658 = arith.constant 0 : i32
      %dma_wait3A_659 = tpu.memref_slice %arg5[%add3A_387, %dma_wait3A_658] : memref<10240x128xf32, #tpu.memory_space<vmem_shared>> -> memref<40x128xf32, #tpu.memory_space<vmem_shared>>
      tpu.wait_dma2 semaphore(%run_scoped3A : memref<!tpu.dma_semaphore, #tpu.memory_space<semaphore_mem>>) src(%dma_wait3A_659 : memref<40x128xf32, #tpu.memory_space<vmem_shared>>) dst(%arg16 : memref<40x128xf32, #tpu.memory_space<vmem>>)
      tpu.yield
    }) : () -> ()
    %dma_start3A_388 = arith.constant 0 : i32
    %dma_start3A_389 = tpu.memref_slice %arg4[%arg0, %add3A_387, %dma_start3A_388] : memref<2x10240x128xf32, #tpu.memory_space<hbm>> -> memref<1x40x128xf32, #tpu.memory_space<hbm>>
    %dma_start3A_390 = tpu.memref_squeeze %dma_start3A_389 : memref<1x40x128xf32, #tpu.memory_space<hbm>> -> memref<40x128xf32, #tpu.memory_space<hbm>>
    %dma_start3A_391 = arith.constant 0 : i32
    %dma_start3A_392 = tpu.memref_slice %arg4[%arg0, %add3A_387, %dma_start3A_391] : memref<2x10240x128xf32, #tpu.memory_space<hbm>> -> memref<1x40x128xf32, #tpu.memory_space<hbm>>
    %dma_start3A_393 = tpu.memref_squeeze %dma_start3A_392 : memref<1x40x128xf32, #tpu.memory_space<hbm>> -> memref<40x128xf32, #tpu.memory_space<hbm>>
    tpu.enqueue_dma source(%arg16 : memref<40x128xf32, #tpu.memory_space<vmem>>) target(%dma_start3A_393 : memref<40x128xf32, #tpu.memory_space<hbm>>) target_semaphore(%arg32 : memref<!tpu.dma_semaphore, #tpu.memory_space<semaphore_mem>>)
    %mul3A_394 = arith.constant 640 : i32
    %mul3A_395 = arith.muli %arg1, %mul3A_394 : i32
    %add3A_396 = arith.constant 120 : i32
    %add3A_397 = arith.addi %mul3A_395, %add3A_396 : i32
    "tpu.region"() ({
      %run_scoped3A = tpu.sem_alloc : memref<!tpu.dma_semaphore, #tpu.memory_space<semaphore_mem>>
      %dma_start3A_652 = arith.constant 0 : i32
      %dma_start3A_653 = tpu.memref_slice %arg5[%add3A_397, %dma_start3A_652] : memref<10240x128xf32, #tpu.memory_space<vmem_shared>> -> memref<40x128xf32, #tpu.memory_space<vmem_shared>>
      %dma_start3A_654 = arith.constant 0 : i32
      %dma_start3A_655 = tpu.memref_slice %arg5[%add3A_397, %dma_start3A_654] : memref<10240x128xf32, #tpu.memory_space<vmem_shared>> -> memref<40x128xf32, #tpu.memory_space<vmem_shared>>
      tpu.enqueue_dma source(%dma_start3A_655 : memref<40x128xf32, #tpu.memory_space<vmem_shared>>) target(%arg17 : memref<40x128xf32, #tpu.memory_space<vmem>>) target_semaphore(%run_scoped3A : memref<!tpu.dma_semaphore, #tpu.memory_space<semaphore_mem>>)
      %dma_wait3A_656 = arith.constant 0 : i32
      %dma_wait3A_657 = tpu.memref_slice %arg5[%add3A_397, %dma_wait3A_656] : memref<10240x128xf32, #tpu.memory_space<vmem_shared>> -> memref<40x128xf32, #tpu.memory_space<vmem_shared>>
      %dma_wait3A_658 = arith.constant 0 : i32
      %dma_wait3A_659 = tpu.memref_slice %arg5[%add3A_397, %dma_wait3A_658] : memref<10240x128xf32, #tpu.memory_space<vmem_shared>> -> memref<40x128xf32, #tpu.memory_space<vmem_shared>>
      tpu.wait_dma2 semaphore(%run_scoped3A : memref<!tpu.dma_semaphore, #tpu.memory_space<semaphore_mem>>) src(%dma_wait3A_659 : memref<40x128xf32, #tpu.memory_space<vmem_shared>>) dst(%arg17 : memref<40x128xf32, #tpu.memory_space<vmem>>)
      tpu.yield
    }) : () -> ()
    %dma_start3A_398 = arith.constant 0 : i32
    %dma_start3A_399 = tpu.memref_slice %arg4[%arg0, %add3A_397, %dma_start3A_398] : memref<2x10240x128xf32, #tpu.memory_space<hbm>> -> memref<1x40x128xf32, #tpu.memory_space<hbm>>
    %dma_start3A_400 = tpu.memref_squeeze %dma_start3A_399 : memref<1x40x128xf32, #tpu.memory_space<hbm>> -> memref<40x128xf32, #tpu.memory_space<hbm>>
    %dma_start3A_401 = arith.constant 0 : i32
    %dma_start3A_402 = tpu.memref_slice %arg4[%arg0, %add3A_397, %dma_start3A_401] : memref<2x10240x128xf32, #tpu.memory_space<hbm>> -> memref<1x40x128xf32, #tpu.memory_space<hbm>>
    %dma_start3A_403 = tpu.memref_squeeze %dma_start3A_402 : memref<1x40x128xf32, #tpu.memory_space<hbm>> -> memref<40x128xf32, #tpu.memory_space<hbm>>
    tpu.enqueue_dma source(%arg17 : memref<40x128xf32, #tpu.memory_space<vmem>>) target(%dma_start3A_403 : memref<40x128xf32, #tpu.memory_space<hbm>>) target_semaphore(%arg33 : memref<!tpu.dma_semaphore, #tpu.memory_space<semaphore_mem>>)
    %mul3A_404 = arith.constant 640 : i32
    %mul3A_405 = arith.muli %arg1, %mul3A_404 : i32
    %add3A_406 = arith.constant 160 : i32
    %add3A_407 = arith.addi %mul3A_405, %add3A_406 : i32
    %dma_wait3A_408 = arith.constant 0 : i32
    %dma_wait3A_409 = arith.constant 0 : i32
    %dma_wait3A_410 = tpu.memref_slice %arg4[%arg0, %dma_wait3A_408, %dma_wait3A_409] : memref<2x10240x128xf32, #tpu.memory_space<hbm>> -> memref<1x40x128xf32, #tpu.memory_space<hbm>>
    %dma_wait3A_411 = tpu.memref_squeeze %dma_wait3A_410 : memref<1x40x128xf32, #tpu.memory_space<hbm>> -> memref<40x128xf32, #tpu.memory_space<hbm>>
    %dma_wait3A_412 = arith.constant 0 : i32
    %dma_wait3A_413 = arith.constant 0 : i32
    %dma_wait3A_414 = tpu.memref_slice %arg4[%arg0, %dma_wait3A_412, %dma_wait3A_413] : memref<2x10240x128xf32, #tpu.memory_space<hbm>> -> memref<1x40x128xf32, #tpu.memory_space<hbm>>
    %dma_wait3A_415 = tpu.memref_squeeze %dma_wait3A_414 : memref<1x40x128xf32, #tpu.memory_space<hbm>> -> memref<40x128xf32, #tpu.memory_space<hbm>>
    tpu.wait_dma2 semaphore(%arg30 : memref<!tpu.dma_semaphore, #tpu.memory_space<semaphore_mem>>) src(%arg14 : memref<40x128xf32, #tpu.memory_space<vmem>>) dst(%dma_wait3A_415 : memref<40x128xf32, #tpu.memory_space<hbm>>)
    "tpu.region"() ({
      %run_scoped3A = tpu.sem_alloc : memref<!tpu.dma_semaphore, #tpu.memory_space<semaphore_mem>>
      %dma_start3A_652 = arith.constant 0 : i32
      %dma_start3A_653 = tpu.memref_slice %arg5[%add3A_407, %dma_start3A_652] : memref<10240x128xf32, #tpu.memory_space<vmem_shared>> -> memref<40x128xf32, #tpu.memory_space<vmem_shared>>
      %dma_start3A_654 = arith.constant 0 : i32
      %dma_start3A_655 = tpu.memref_slice %arg5[%add3A_407, %dma_start3A_654] : memref<10240x128xf32, #tpu.memory_space<vmem_shared>> -> memref<40x128xf32, #tpu.memory_space<vmem_shared>>
      tpu.enqueue_dma source(%dma_start3A_655 : memref<40x128xf32, #tpu.memory_space<vmem_shared>>) target(%arg14 : memref<40x128xf32, #tpu.memory_space<vmem>>) target_semaphore(%run_scoped3A : memref<!tpu.dma_semaphore, #tpu.memory_space<semaphore_mem>>)
      %dma_wait3A_656 = arith.constant 0 : i32
      %dma_wait3A_657 = tpu.memref_slice %arg5[%add3A_407, %dma_wait3A_656] : memref<10240x128xf32, #tpu.memory_space<vmem_shared>> -> memref<40x128xf32, #tpu.memory_space<vmem_shared>>
      %dma_wait3A_658 = arith.constant 0 : i32
      %dma_wait3A_659 = tpu.memref_slice %arg5[%add3A_407, %dma_wait3A_658] : memref<10240x128xf32, #tpu.memory_space<vmem_shared>> -> memref<40x128xf32, #tpu.memory_space<vmem_shared>>
      tpu.wait_dma2 semaphore(%run_scoped3A : memref<!tpu.dma_semaphore, #tpu.memory_space<semaphore_mem>>) src(%dma_wait3A_659 : memref<40x128xf32, #tpu.memory_space<vmem_shared>>) dst(%arg14 : memref<40x128xf32, #tpu.memory_space<vmem>>)
      tpu.yield
    }) : () -> ()
    %dma_start3A_416 = arith.constant 0 : i32
    %dma_start3A_417 = tpu.memref_slice %arg4[%arg0, %add3A_407, %dma_start3A_416] : memref<2x10240x128xf32, #tpu.memory_space<hbm>> -> memref<1x40x128xf32, #tpu.memory_space<hbm>>
    %dma_start3A_418 = tpu.memref_squeeze %dma_start3A_417 : memref<1x40x128xf32, #tpu.memory_space<hbm>> -> memref<40x128xf32, #tpu.memory_space<hbm>>
    %dma_start3A_419 = arith.constant 0 : i32
    %dma_start3A_420 = tpu.memref_slice %arg4[%arg0, %add3A_407, %dma_start3A_419] : memref<2x10240x128xf32, #tpu.memory_space<hbm>> -> memref<1x40x128xf32, #tpu.memory_space<hbm>>
    %dma_start3A_421 = tpu.memref_squeeze %dma_start3A_420 : memref<1x40x128xf32, #tpu.memory_space<hbm>> -> memref<40x128xf32, #tpu.memory_space<hbm>>
    tpu.enqueue_dma source(%arg14 : memref<40x128xf32, #tpu.memory_space<vmem>>) target(%dma_start3A_421 : memref<40x128xf32, #tpu.memory_space<hbm>>) target_semaphore(%arg30 : memref<!tpu.dma_semaphore, #tpu.memory_space<semaphore_mem>>)
    %mul3A_422 = arith.constant 640 : i32
    %mul3A_423 = arith.muli %arg1, %mul3A_422 : i32
    %add3A_424 = arith.constant 200 : i32
    %add3A_425 = arith.addi %mul3A_423, %add3A_424 : i32
    %dma_wait3A_426 = arith.constant 0 : i32
    %dma_wait3A_427 = arith.constant 0 : i32
    %dma_wait3A_428 = tpu.memref_slice %arg4[%arg0, %dma_wait3A_426, %dma_wait3A_427] : memref<2x10240x128xf32, #tpu.memory_space<hbm>> -> memref<1x40x128xf32, #tpu.memory_space<hbm>>
    %dma_wait3A_429 = tpu.memref_squeeze %dma_wait3A_428 : memref<1x40x128xf32, #tpu.memory_space<hbm>> -> memref<40x128xf32, #tpu.memory_space<hbm>>
    %dma_wait3A_430 = arith.constant 0 : i32
    %dma_wait3A_431 = arith.constant 0 : i32
    %dma_wait3A_432 = tpu.memref_slice %arg4[%arg0, %dma_wait3A_430, %dma_wait3A_431] : memref<2x10240x128xf32, #tpu.memory_space<hbm>> -> memref<1x40x128xf32, #tpu.memory_space<hbm>>
    %dma_wait3A_433 = tpu.memref_squeeze %dma_wait3A_432 : memref<1x40x128xf32, #tpu.memory_space<hbm>> -> memref<40x128xf32, #tpu.memory_space<hbm>>
    tpu.wait_dma2 semaphore(%arg31 : memref<!tpu.dma_semaphore, #tpu.memory_space<semaphore_mem>>) src(%arg15 : memref<40x128xf32, #tpu.memory_space<vmem>>) dst(%dma_wait3A_433 : memref<40x128xf32, #tpu.memory_space<hbm>>)
    "tpu.region"() ({
      %run_scoped3A = tpu.sem_alloc : memref<!tpu.dma_semaphore, #tpu.memory_space<semaphore_mem>>
      %dma_start3A_652 = arith.constant 0 : i32
      %dma_start3A_653 = tpu.memref_slice %arg5[%add3A_425, %dma_start3A_652] : memref<10240x128xf32, #tpu.memory_space<vmem_shared>> -> memref<40x128xf32, #tpu.memory_space<vmem_shared>>
      %dma_start3A_654 = arith.constant 0 : i32
      %dma_start3A_655 = tpu.memref_slice %arg5[%add3A_425, %dma_start3A_654] : memref<10240x128xf32, #tpu.memory_space<vmem_shared>> -> memref<40x128xf32, #tpu.memory_space<vmem_shared>>
      tpu.enqueue_dma source(%dma_start3A_655 : memref<40x128xf32, #tpu.memory_space<vmem_shared>>) target(%arg15 : memref<40x128xf32, #tpu.memory_space<vmem>>) target_semaphore(%run_scoped3A : memref<!tpu.dma_semaphore, #tpu.memory_space<semaphore_mem>>)
      %dma_wait3A_656 = arith.constant 0 : i32
      %dma_wait3A_657 = tpu.memref_slice %arg5[%add3A_425, %dma_wait3A_656] : memref<10240x128xf32, #tpu.memory_space<vmem_shared>> -> memref<40x128xf32, #tpu.memory_space<vmem_shared>>
      %dma_wait3A_658 = arith.constant 0 : i32
      %dma_wait3A_659 = tpu.memref_slice %arg5[%add3A_425, %dma_wait3A_658] : memref<10240x128xf32, #tpu.memory_space<vmem_shared>> -> memref<40x128xf32, #tpu.memory_space<vmem_shared>>
      tpu.wait_dma2 semaphore(%run_scoped3A : memref<!tpu.dma_semaphore, #tpu.memory_space<semaphore_mem>>) src(%dma_wait3A_659 : memref<40x128xf32, #tpu.memory_space<vmem_shared>>) dst(%arg15 : memref<40x128xf32, #tpu.memory_space<vmem>>)
      tpu.yield
    }) : () -> ()
    %dma_start3A_434 = arith.constant 0 : i32
    %dma_start3A_435 = tpu.memref_slice %arg4[%arg0, %add3A_425, %dma_start3A_434] : memref<2x10240x128xf32, #tpu.memory_space<hbm>> -> memref<1x40x128xf32, #tpu.memory_space<hbm>>
    %dma_start3A_436 = tpu.memref_squeeze %dma_start3A_435 : memref<1x40x128xf32, #tpu.memory_space<hbm>> -> memref<40x128xf32, #tpu.memory_space<hbm>>
    %dma_start3A_437 = arith.constant 0 : i32
    %dma_start3A_438 = tpu.memref_slice %arg4[%arg0, %add3A_425, %dma_start3A_437] : memref<2x10240x128xf32, #tpu.memory_space<hbm>> -> memref<1x40x128xf32, #tpu.memory_space<hbm>>
    %dma_start3A_439 = tpu.memref_squeeze %dma_start3A_438 : memref<1x40x128xf32, #tpu.memory_space<hbm>> -> memref<40x128xf32, #tpu.memory_space<hbm>>
    tpu.enqueue_dma source(%arg15 : memref<40x128xf32, #tpu.memory_space<vmem>>) target(%dma_start3A_439 : memref<40x128xf32, #tpu.memory_space<hbm>>) target_semaphore(%arg31 : memref<!tpu.dma_semaphore, #tpu.memory_space<semaphore_mem>>)
    %mul3A_440 = arith.constant 640 : i32
    %mul3A_441 = arith.muli %arg1, %mul3A_440 : i32
    %add3A_442 = arith.constant 240 : i32
    %add3A_443 = arith.addi %mul3A_441, %add3A_442 : i32
    %dma_wait3A_444 = arith.constant 0 : i32
    %dma_wait3A_445 = arith.constant 0 : i32
    %dma_wait3A_446 = tpu.memref_slice %arg4[%arg0, %dma_wait3A_444, %dma_wait3A_445] : memref<2x10240x128xf32, #tpu.memory_space<hbm>> -> memref<1x40x128xf32, #tpu.memory_space<hbm>>
    %dma_wait3A_447 = tpu.memref_squeeze %dma_wait3A_446 : memref<1x40x128xf32, #tpu.memory_space<hbm>> -> memref<40x128xf32, #tpu.memory_space<hbm>>
    %dma_wait3A_448 = arith.constant 0 : i32
    %dma_wait3A_449 = arith.constant 0 : i32
    %dma_wait3A_450 = tpu.memref_slice %arg4[%arg0, %dma_wait3A_448, %dma_wait3A_449] : memref<2x10240x128xf32, #tpu.memory_space<hbm>> -> memref<1x40x128xf32, #tpu.memory_space<hbm>>
    %dma_wait3A_451 = tpu.memref_squeeze %dma_wait3A_450 : memref<1x40x128xf32, #tpu.memory_space<hbm>> -> memref<40x128xf32, #tpu.memory_space<hbm>>
    tpu.wait_dma2 semaphore(%arg32 : memref<!tpu.dma_semaphore, #tpu.memory_space<semaphore_mem>>) src(%arg16 : memref<40x128xf32, #tpu.memory_space<vmem>>) dst(%dma_wait3A_451 : memref<40x128xf32, #tpu.memory_space<hbm>>)
    "tpu.region"() ({
      %run_scoped3A = tpu.sem_alloc : memref<!tpu.dma_semaphore, #tpu.memory_space<semaphore_mem>>
      %dma_start3A_652 = arith.constant 0 : i32
      %dma_start3A_653 = tpu.memref_slice %arg5[%add3A_443, %dma_start3A_652] : memref<10240x128xf32, #tpu.memory_space<vmem_shared>> -> memref<40x128xf32, #tpu.memory_space<vmem_shared>>
      %dma_start3A_654 = arith.constant 0 : i32
      %dma_start3A_655 = tpu.memref_slice %arg5[%add3A_443, %dma_start3A_654] : memref<10240x128xf32, #tpu.memory_space<vmem_shared>> -> memref<40x128xf32, #tpu.memory_space<vmem_shared>>
      tpu.enqueue_dma source(%dma_start3A_655 : memref<40x128xf32, #tpu.memory_space<vmem_shared>>) target(%arg16 : memref<40x128xf32, #tpu.memory_space<vmem>>) target_semaphore(%run_scoped3A : memref<!tpu.dma_semaphore, #tpu.memory_space<semaphore_mem>>)
      %dma_wait3A_656 = arith.constant 0 : i32
      %dma_wait3A_657 = tpu.memref_slice %arg5[%add3A_443, %dma_wait3A_656] : memref<10240x128xf32, #tpu.memory_space<vmem_shared>> -> memref<40x128xf32, #tpu.memory_space<vmem_shared>>
      %dma_wait3A_658 = arith.constant 0 : i32
      %dma_wait3A_659 = tpu.memref_slice %arg5[%add3A_443, %dma_wait3A_658] : memref<10240x128xf32, #tpu.memory_space<vmem_shared>> -> memref<40x128xf32, #tpu.memory_space<vmem_shared>>
      tpu.wait_dma2 semaphore(%run_scoped3A : memref<!tpu.dma_semaphore, #tpu.memory_space<semaphore_mem>>) src(%dma_wait3A_659 : memref<40x128xf32, #tpu.memory_space<vmem_shared>>) dst(%arg16 : memref<40x128xf32, #tpu.memory_space<vmem>>)
      tpu.yield
    }) : () -> ()
    %dma_start3A_452 = arith.constant 0 : i32
    %dma_start3A_453 = tpu.memref_slice %arg4[%arg0, %add3A_443, %dma_start3A_452] : memref<2x10240x128xf32, #tpu.memory_space<hbm>> -> memref<1x40x128xf32, #tpu.memory_space<hbm>>
    %dma_start3A_454 = tpu.memref_squeeze %dma_start3A_453 : memref<1x40x128xf32, #tpu.memory_space<hbm>> -> memref<40x128xf32, #tpu.memory_space<hbm>>
    %dma_start3A_455 = arith.constant 0 : i32
    %dma_start3A_456 = tpu.memref_slice %arg4[%arg0, %add3A_443, %dma_start3A_455] : memref<2x10240x128xf32, #tpu.memory_space<hbm>> -> memref<1x40x128xf32, #tpu.memory_space<hbm>>
    %dma_start3A_457 = tpu.memref_squeeze %dma_start3A_456 : memref<1x40x128xf32, #tpu.memory_space<hbm>> -> memref<40x128xf32, #tpu.memory_space<hbm>>
    tpu.enqueue_dma source(%arg16 : memref<40x128xf32, #tpu.memory_space<vmem>>) target(%dma_start3A_457 : memref<40x128xf32, #tpu.memory_space<hbm>>) target_semaphore(%arg32 : memref<!tpu.dma_semaphore, #tpu.memory_space<semaphore_mem>>)
    %mul3A_458 = arith.constant 640 : i32
    %mul3A_459 = arith.muli %arg1, %mul3A_458 : i32
    %add3A_460 = arith.constant 280 : i32
    %add3A_461 = arith.addi %mul3A_459, %add3A_460 : i32
    %dma_wait3A_462 = arith.constant 0 : i32
    %dma_wait3A_463 = arith.constant 0 : i32
    %dma_wait3A_464 = tpu.memref_slice %arg4[%arg0, %dma_wait3A_462, %dma_wait3A_463] : memref<2x10240x128xf32, #tpu.memory_space<hbm>> -> memref<1x40x128xf32, #tpu.memory_space<hbm>>
    %dma_wait3A_465 = tpu.memref_squeeze %dma_wait3A_464 : memref<1x40x128xf32, #tpu.memory_space<hbm>> -> memref<40x128xf32, #tpu.memory_space<hbm>>
    %dma_wait3A_466 = arith.constant 0 : i32
    %dma_wait3A_467 = arith.constant 0 : i32
    %dma_wait3A_468 = tpu.memref_slice %arg4[%arg0, %dma_wait3A_466, %dma_wait3A_467] : memref<2x10240x128xf32, #tpu.memory_space<hbm>> -> memref<1x40x128xf32, #tpu.memory_space<hbm>>
    %dma_wait3A_469 = tpu.memref_squeeze %dma_wait3A_468 : memref<1x40x128xf32, #tpu.memory_space<hbm>> -> memref<40x128xf32, #tpu.memory_space<hbm>>
    tpu.wait_dma2 semaphore(%arg33 : memref<!tpu.dma_semaphore, #tpu.memory_space<semaphore_mem>>) src(%arg17 : memref<40x128xf32, #tpu.memory_space<vmem>>) dst(%dma_wait3A_469 : memref<40x128xf32, #tpu.memory_space<hbm>>)
    "tpu.region"() ({
      %run_scoped3A = tpu.sem_alloc : memref<!tpu.dma_semaphore, #tpu.memory_space<semaphore_mem>>
      %dma_start3A_652 = arith.constant 0 : i32
      %dma_start3A_653 = tpu.memref_slice %arg5[%add3A_461, %dma_start3A_652] : memref<10240x128xf32, #tpu.memory_space<vmem_shared>> -> memref<40x128xf32, #tpu.memory_space<vmem_shared>>
      %dma_start3A_654 = arith.constant 0 : i32
      %dma_start3A_655 = tpu.memref_slice %arg5[%add3A_461, %dma_start3A_654] : memref<10240x128xf32, #tpu.memory_space<vmem_shared>> -> memref<40x128xf32, #tpu.memory_space<vmem_shared>>
      tpu.enqueue_dma source(%dma_start3A_655 : memref<40x128xf32, #tpu.memory_space<vmem_shared>>) target(%arg17 : memref<40x128xf32, #tpu.memory_space<vmem>>) target_semaphore(%run_scoped3A : memref<!tpu.dma_semaphore, #tpu.memory_space<semaphore_mem>>)
      %dma_wait3A_656 = arith.constant 0 : i32
      %dma_wait3A_657 = tpu.memref_slice %arg5[%add3A_461, %dma_wait3A_656] : memref<10240x128xf32, #tpu.memory_space<vmem_shared>> -> memref<40x128xf32, #tpu.memory_space<vmem_shared>>
      %dma_wait3A_658 = arith.constant 0 : i32
      %dma_wait3A_659 = tpu.memref_slice %arg5[%add3A_461, %dma_wait3A_658] : memref<10240x128xf32, #tpu.memory_space<vmem_shared>> -> memref<40x128xf32, #tpu.memory_space<vmem_shared>>
      tpu.wait_dma2 semaphore(%run_scoped3A : memref<!tpu.dma_semaphore, #tpu.memory_space<semaphore_mem>>) src(%dma_wait3A_659 : memref<40x128xf32, #tpu.memory_space<vmem_shared>>) dst(%arg17 : memref<40x128xf32, #tpu.memory_space<vmem>>)
      tpu.yield
    }) : () -> ()
    %dma_start3A_470 = arith.constant 0 : i32
    %dma_start3A_471 = tpu.memref_slice %arg4[%arg0, %add3A_461, %dma_start3A_470] : memref<2x10240x128xf32, #tpu.memory_space<hbm>> -> memref<1x40x128xf32, #tpu.memory_space<hbm>>
    %dma_start3A_472 = tpu.memref_squeeze %dma_start3A_471 : memref<1x40x128xf32, #tpu.memory_space<hbm>> -> memref<40x128xf32, #tpu.memory_space<hbm>>
    %dma_start3A_473 = arith.constant 0 : i32
    %dma_start3A_474 = tpu.memref_slice %arg4[%arg0, %add3A_461, %dma_start3A_473] : memref<2x10240x128xf32, #tpu.memory_space<hbm>> -> memref<1x40x128xf32, #tpu.memory_space<hbm>>
    %dma_start3A_475 = tpu.memref_squeeze %dma_start3A_474 : memref<1x40x128xf32, #tpu.memory_space<hbm>> -> memref<40x128xf32, #tpu.memory_space<hbm>>
    tpu.enqueue_dma source(%arg17 : memref<40x128xf32, #tpu.memory_space<vmem>>) target(%dma_start3A_475 : memref<40x128xf32, #tpu.memory_space<hbm>>) target_semaphore(%arg33 : memref<!tpu.dma_semaphore, #tpu.memory_space<semaphore_mem>>)
    %mul3A_476 = arith.constant 640 : i32
    %mul3A_477 = arith.muli %arg1, %mul3A_476 : i32
    %add3A_478 = arith.constant 320 : i32
    %add3A_479 = arith.addi %mul3A_477, %add3A_478 : i32
    %dma_wait3A_480 = arith.constant 0 : i32
    %dma_wait3A_481 = arith.constant 0 : i32
    %dma_wait3A_482 = tpu.memref_slice %arg4[%arg0, %dma_wait3A_480, %dma_wait3A_481] : memref<2x10240x128xf32, #tpu.memory_space<hbm>> -> memref<1x40x128xf32, #tpu.memory_space<hbm>>
    %dma_wait3A_483 = tpu.memref_squeeze %dma_wait3A_482 : memref<1x40x128xf32, #tpu.memory_space<hbm>> -> memref<40x128xf32, #tpu.memory_space<hbm>>
    %dma_wait3A_484 = arith.constant 0 : i32
    %dma_wait3A_485 = arith.constant 0 : i32
    %dma_wait3A_486 = tpu.memref_slice %arg4[%arg0, %dma_wait3A_484, %dma_wait3A_485] : memref<2x10240x128xf32, #tpu.memory_space<hbm>> -> memref<1x40x128xf32, #tpu.memory_space<hbm>>
    %dma_wait3A_487 = tpu.memref_squeeze %dma_wait3A_486 : memref<1x40x128xf32, #tpu.memory_space<hbm>> -> memref<40x128xf32, #tpu.memory_space<hbm>>
    tpu.wait_dma2 semaphore(%arg30 : memref<!tpu.dma_semaphore, #tpu.memory_space<semaphore_mem>>) src(%arg14 : memref<40x128xf32, #tpu.memory_space<vmem>>) dst(%dma_wait3A_487 : memref<40x128xf32, #tpu.memory_space<hbm>>)
    "tpu.region"() ({
      %run_scoped3A = tpu.sem_alloc : memref<!tpu.dma_semaphore, #tpu.memory_space<semaphore_mem>>
      %dma_start3A_652 = arith.constant 0 : i32
      %dma_start3A_653 = tpu.memref_slice %arg5[%add3A_479, %dma_start3A_652] : memref<10240x128xf32, #tpu.memory_space<vmem_shared>> -> memref<40x128xf32, #tpu.memory_space<vmem_shared>>
      %dma_start3A_654 = arith.constant 0 : i32
      %dma_start3A_655 = tpu.memref_slice %arg5[%add3A_479, %dma_start3A_654] : memref<10240x128xf32, #tpu.memory_space<vmem_shared>> -> memref<40x128xf32, #tpu.memory_space<vmem_shared>>
      tpu.enqueue_dma source(%dma_start3A_655 : memref<40x128xf32, #tpu.memory_space<vmem_shared>>) target(%arg14 : memref<40x128xf32, #tpu.memory_space<vmem>>) target_semaphore(%run_scoped3A : memref<!tpu.dma_semaphore, #tpu.memory_space<semaphore_mem>>)
      %dma_wait3A_656 = arith.constant 0 : i32
      %dma_wait3A_657 = tpu.memref_slice %arg5[%add3A_479, %dma_wait3A_656] : memref<10240x128xf32, #tpu.memory_space<vmem_shared>> -> memref<40x128xf32, #tpu.memory_space<vmem_shared>>
      %dma_wait3A_658 = arith.constant 0 : i32
      %dma_wait3A_659 = tpu.memref_slice %arg5[%add3A_479, %dma_wait3A_658] : memref<10240x128xf32, #tpu.memory_space<vmem_shared>> -> memref<40x128xf32, #tpu.memory_space<vmem_shared>>
      tpu.wait_dma2 semaphore(%run_scoped3A : memref<!tpu.dma_semaphore, #tpu.memory_space<semaphore_mem>>) src(%dma_wait3A_659 : memref<40x128xf32, #tpu.memory_space<vmem_shared>>) dst(%arg14 : memref<40x128xf32, #tpu.memory_space<vmem>>)
      tpu.yield
    }) : () -> ()
    %dma_start3A_488 = arith.constant 0 : i32
    %dma_start3A_489 = tpu.memref_slice %arg4[%arg0, %add3A_479, %dma_start3A_488] : memref<2x10240x128xf32, #tpu.memory_space<hbm>> -> memref<1x40x128xf32, #tpu.memory_space<hbm>>
    %dma_start3A_490 = tpu.memref_squeeze %dma_start3A_489 : memref<1x40x128xf32, #tpu.memory_space<hbm>> -> memref<40x128xf32, #tpu.memory_space<hbm>>
    %dma_start3A_491 = arith.constant 0 : i32
    %dma_start3A_492 = tpu.memref_slice %arg4[%arg0, %add3A_479, %dma_start3A_491] : memref<2x10240x128xf32, #tpu.memory_space<hbm>> -> memref<1x40x128xf32, #tpu.memory_space<hbm>>
    %dma_start3A_493 = tpu.memref_squeeze %dma_start3A_492 : memref<1x40x128xf32, #tpu.memory_space<hbm>> -> memref<40x128xf32, #tpu.memory_space<hbm>>
    tpu.enqueue_dma source(%arg14 : memref<40x128xf32, #tpu.memory_space<vmem>>) target(%dma_start3A_493 : memref<40x128xf32, #tpu.memory_space<hbm>>) target_semaphore(%arg30 : memref<!tpu.dma_semaphore, #tpu.memory_space<semaphore_mem>>)
    %mul3A_494 = arith.constant 640 : i32
    %mul3A_495 = arith.muli %arg1, %mul3A_494 : i32
    %add3A_496 = arith.constant 360 : i32
    %add3A_497 = arith.addi %mul3A_495, %add3A_496 : i32
    %dma_wait3A_498 = arith.constant 0 : i32
    %dma_wait3A_499 = arith.constant 0 : i32
    %dma_wait3A_500 = tpu.memref_slice %arg4[%arg0, %dma_wait3A_498, %dma_wait3A_499] : memref<2x10240x128xf32, #tpu.memory_space<hbm>> -> memref<1x40x128xf32, #tpu.memory_space<hbm>>
    %dma_wait3A_501 = tpu.memref_squeeze %dma_wait3A_500 : memref<1x40x128xf32, #tpu.memory_space<hbm>> -> memref<40x128xf32, #tpu.memory_space<hbm>>
    %dma_wait3A_502 = arith.constant 0 : i32
    %dma_wait3A_503 = arith.constant 0 : i32
    %dma_wait3A_504 = tpu.memref_slice %arg4[%arg0, %dma_wait3A_502, %dma_wait3A_503] : memref<2x10240x128xf32, #tpu.memory_space<hbm>> -> memref<1x40x128xf32, #tpu.memory_space<hbm>>
    %dma_wait3A_505 = tpu.memref_squeeze %dma_wait3A_504 : memref<1x40x128xf32, #tpu.memory_space<hbm>> -> memref<40x128xf32, #tpu.memory_space<hbm>>
    tpu.wait_dma2 semaphore(%arg31 : memref<!tpu.dma_semaphore, #tpu.memory_space<semaphore_mem>>) src(%arg15 : memref<40x128xf32, #tpu.memory_space<vmem>>) dst(%dma_wait3A_505 : memref<40x128xf32, #tpu.memory_space<hbm>>)
    "tpu.region"() ({
      %run_scoped3A = tpu.sem_alloc : memref<!tpu.dma_semaphore, #tpu.memory_space<semaphore_mem>>
      %dma_start3A_652 = arith.constant 0 : i32
      %dma_start3A_653 = tpu.memref_slice %arg5[%add3A_497, %dma_start3A_652] : memref<10240x128xf32, #tpu.memory_space<vmem_shared>> -> memref<40x128xf32, #tpu.memory_space<vmem_shared>>
      %dma_start3A_654 = arith.constant 0 : i32
      %dma_start3A_655 = tpu.memref_slice %arg5[%add3A_497, %dma_start3A_654] : memref<10240x128xf32, #tpu.memory_space<vmem_shared>> -> memref<40x128xf32, #tpu.memory_space<vmem_shared>>
      tpu.enqueue_dma source(%dma_start3A_655 : memref<40x128xf32, #tpu.memory_space<vmem_shared>>) target(%arg15 : memref<40x128xf32, #tpu.memory_space<vmem>>) target_semaphore(%run_scoped3A : memref<!tpu.dma_semaphore, #tpu.memory_space<semaphore_mem>>)
      %dma_wait3A_656 = arith.constant 0 : i32
      %dma_wait3A_657 = tpu.memref_slice %arg5[%add3A_497, %dma_wait3A_656] : memref<10240x128xf32, #tpu.memory_space<vmem_shared>> -> memref<40x128xf32, #tpu.memory_space<vmem_shared>>
      %dma_wait3A_658 = arith.constant 0 : i32
      %dma_wait3A_659 = tpu.memref_slice %arg5[%add3A_497, %dma_wait3A_658] : memref<10240x128xf32, #tpu.memory_space<vmem_shared>> -> memref<40x128xf32, #tpu.memory_space<vmem_shared>>
      tpu.wait_dma2 semaphore(%run_scoped3A : memref<!tpu.dma_semaphore, #tpu.memory_space<semaphore_mem>>) src(%dma_wait3A_659 : memref<40x128xf32, #tpu.memory_space<vmem_shared>>) dst(%arg15 : memref<40x128xf32, #tpu.memory_space<vmem>>)
      tpu.yield
    }) : () -> ()
    %dma_start3A_506 = arith.constant 0 : i32
    %dma_start3A_507 = tpu.memref_slice %arg4[%arg0, %add3A_497, %dma_start3A_506] : memref<2x10240x128xf32, #tpu.memory_space<hbm>> -> memref<1x40x128xf32, #tpu.memory_space<hbm>>
    %dma_start3A_508 = tpu.memref_squeeze %dma_start3A_507 : memref<1x40x128xf32, #tpu.memory_space<hbm>> -> memref<40x128xf32, #tpu.memory_space<hbm>>
    %dma_start3A_509 = arith.constant 0 : i32
    %dma_start3A_510 = tpu.memref_slice %arg4[%arg0, %add3A_497, %dma_start3A_509] : memref<2x10240x128xf32, #tpu.memory_space<hbm>> -> memref<1x40x128xf32, #tpu.memory_space<hbm>>
    %dma_start3A_511 = tpu.memref_squeeze %dma_start3A_510 : memref<1x40x128xf32, #tpu.memory_space<hbm>> -> memref<40x128xf32, #tpu.memory_space<hbm>>
    tpu.enqueue_dma source(%arg15 : memref<40x128xf32, #tpu.memory_space<vmem>>) target(%dma_start3A_511 : memref<40x128xf32, #tpu.memory_space<hbm>>) target_semaphore(%arg31 : memref<!tpu.dma_semaphore, #tpu.memory_space<semaphore_mem>>)
    %mul3A_512 = arith.constant 640 : i32
    %mul3A_513 = arith.muli %arg1, %mul3A_512 : i32
    %add3A_514 = arith.constant 400 : i32
    %add3A_515 = arith.addi %mul3A_513, %add3A_514 : i32
    %dma_wait3A_516 = arith.constant 0 : i32
    %dma_wait3A_517 = arith.constant 0 : i32
    %dma_wait3A_518 = tpu.memref_slice %arg4[%arg0, %dma_wait3A_516, %dma_wait3A_517] : memref<2x10240x128xf32, #tpu.memory_space<hbm>> -> memref<1x40x128xf32, #tpu.memory_space<hbm>>
    %dma_wait3A_519 = tpu.memref_squeeze %dma_wait3A_518 : memref<1x40x128xf32, #tpu.memory_space<hbm>> -> memref<40x128xf32, #tpu.memory_space<hbm>>
    %dma_wait3A_520 = arith.constant 0 : i32
    %dma_wait3A_521 = arith.constant 0 : i32
    %dma_wait3A_522 = tpu.memref_slice %arg4[%arg0, %dma_wait3A_520, %dma_wait3A_521] : memref<2x10240x128xf32, #tpu.memory_space<hbm>> -> memref<1x40x128xf32, #tpu.memory_space<hbm>>
    %dma_wait3A_523 = tpu.memref_squeeze %dma_wait3A_522 : memref<1x40x128xf32, #tpu.memory_space<hbm>> -> memref<40x128xf32, #tpu.memory_space<hbm>>
    tpu.wait_dma2 semaphore(%arg32 : memref<!tpu.dma_semaphore, #tpu.memory_space<semaphore_mem>>) src(%arg16 : memref<40x128xf32, #tpu.memory_space<vmem>>) dst(%dma_wait3A_523 : memref<40x128xf32, #tpu.memory_space<hbm>>)
    "tpu.region"() ({
      %run_scoped3A = tpu.sem_alloc : memref<!tpu.dma_semaphore, #tpu.memory_space<semaphore_mem>>
      %dma_start3A_652 = arith.constant 0 : i32
      %dma_start3A_653 = tpu.memref_slice %arg5[%add3A_515, %dma_start3A_652] : memref<10240x128xf32, #tpu.memory_space<vmem_shared>> -> memref<40x128xf32, #tpu.memory_space<vmem_shared>>
      %dma_start3A_654 = arith.constant 0 : i32
      %dma_start3A_655 = tpu.memref_slice %arg5[%add3A_515, %dma_start3A_654] : memref<10240x128xf32, #tpu.memory_space<vmem_shared>> -> memref<40x128xf32, #tpu.memory_space<vmem_shared>>
      tpu.enqueue_dma source(%dma_start3A_655 : memref<40x128xf32, #tpu.memory_space<vmem_shared>>) target(%arg16 : memref<40x128xf32, #tpu.memory_space<vmem>>) target_semaphore(%run_scoped3A : memref<!tpu.dma_semaphore, #tpu.memory_space<semaphore_mem>>)
      %dma_wait3A_656 = arith.constant 0 : i32
      %dma_wait3A_657 = tpu.memref_slice %arg5[%add3A_515, %dma_wait3A_656] : memref<10240x128xf32, #tpu.memory_space<vmem_shared>> -> memref<40x128xf32, #tpu.memory_space<vmem_shared>>
      %dma_wait3A_658 = arith.constant 0 : i32
      %dma_wait3A_659 = tpu.memref_slice %arg5[%add3A_515, %dma_wait3A_658] : memref<10240x128xf32, #tpu.memory_space<vmem_shared>> -> memref<40x128xf32, #tpu.memory_space<vmem_shared>>
      tpu.wait_dma2 semaphore(%run_scoped3A : memref<!tpu.dma_semaphore, #tpu.memory_space<semaphore_mem>>) src(%dma_wait3A_659 : memref<40x128xf32, #tpu.memory_space<vmem_shared>>) dst(%arg16 : memref<40x128xf32, #tpu.memory_space<vmem>>)
      tpu.yield
    }) : () -> ()
    %dma_start3A_524 = arith.constant 0 : i32
    %dma_start3A_525 = tpu.memref_slice %arg4[%arg0, %add3A_515, %dma_start3A_524] : memref<2x10240x128xf32, #tpu.memory_space<hbm>> -> memref<1x40x128xf32, #tpu.memory_space<hbm>>
    %dma_start3A_526 = tpu.memref_squeeze %dma_start3A_525 : memref<1x40x128xf32, #tpu.memory_space<hbm>> -> memref<40x128xf32, #tpu.memory_space<hbm>>
    %dma_start3A_527 = arith.constant 0 : i32
    %dma_start3A_528 = tpu.memref_slice %arg4[%arg0, %add3A_515, %dma_start3A_527] : memref<2x10240x128xf32, #tpu.memory_space<hbm>> -> memref<1x40x128xf32, #tpu.memory_space<hbm>>
    %dma_start3A_529 = tpu.memref_squeeze %dma_start3A_528 : memref<1x40x128xf32, #tpu.memory_space<hbm>> -> memref<40x128xf32, #tpu.memory_space<hbm>>
    tpu.enqueue_dma source(%arg16 : memref<40x128xf32, #tpu.memory_space<vmem>>) target(%dma_start3A_529 : memref<40x128xf32, #tpu.memory_space<hbm>>) target_semaphore(%arg32 : memref<!tpu.dma_semaphore, #tpu.memory_space<semaphore_mem>>)
    %mul3A_530 = arith.constant 640 : i32
    %mul3A_531 = arith.muli %arg1, %mul3A_530 : i32
    %add3A_532 = arith.constant 440 : i32
    %add3A_533 = arith.addi %mul3A_531, %add3A_532 : i32
    %dma_wait3A_534 = arith.constant 0 : i32
    %dma_wait3A_535 = arith.constant 0 : i32
    %dma_wait3A_536 = tpu.memref_slice %arg4[%arg0, %dma_wait3A_534, %dma_wait3A_535] : memref<2x10240x128xf32, #tpu.memory_space<hbm>> -> memref<1x40x128xf32, #tpu.memory_space<hbm>>
    %dma_wait3A_537 = tpu.memref_squeeze %dma_wait3A_536 : memref<1x40x128xf32, #tpu.memory_space<hbm>> -> memref<40x128xf32, #tpu.memory_space<hbm>>
    %dma_wait3A_538 = arith.constant 0 : i32
    %dma_wait3A_539 = arith.constant 0 : i32
    %dma_wait3A_540 = tpu.memref_slice %arg4[%arg0, %dma_wait3A_538, %dma_wait3A_539] : memref<2x10240x128xf32, #tpu.memory_space<hbm>> -> memref<1x40x128xf32, #tpu.memory_space<hbm>>
    %dma_wait3A_541 = tpu.memref_squeeze %dma_wait3A_540 : memref<1x40x128xf32, #tpu.memory_space<hbm>> -> memref<40x128xf32, #tpu.memory_space<hbm>>
    tpu.wait_dma2 semaphore(%arg33 : memref<!tpu.dma_semaphore, #tpu.memory_space<semaphore_mem>>) src(%arg17 : memref<40x128xf32, #tpu.memory_space<vmem>>) dst(%dma_wait3A_541 : memref<40x128xf32, #tpu.memory_space<hbm>>)
    "tpu.region"() ({
      %run_scoped3A = tpu.sem_alloc : memref<!tpu.dma_semaphore, #tpu.memory_space<semaphore_mem>>
      %dma_start3A_652 = arith.constant 0 : i32
      %dma_start3A_653 = tpu.memref_slice %arg5[%add3A_533, %dma_start3A_652] : memref<10240x128xf32, #tpu.memory_space<vmem_shared>> -> memref<40x128xf32, #tpu.memory_space<vmem_shared>>
      %dma_start3A_654 = arith.constant 0 : i32
      %dma_start3A_655 = tpu.memref_slice %arg5[%add3A_533, %dma_start3A_654] : memref<10240x128xf32, #tpu.memory_space<vmem_shared>> -> memref<40x128xf32, #tpu.memory_space<vmem_shared>>
      tpu.enqueue_dma source(%dma_start3A_655 : memref<40x128xf32, #tpu.memory_space<vmem_shared>>) target(%arg17 : memref<40x128xf32, #tpu.memory_space<vmem>>) target_semaphore(%run_scoped3A : memref<!tpu.dma_semaphore, #tpu.memory_space<semaphore_mem>>)
      %dma_wait3A_656 = arith.constant 0 : i32
      %dma_wait3A_657 = tpu.memref_slice %arg5[%add3A_533, %dma_wait3A_656] : memref<10240x128xf32, #tpu.memory_space<vmem_shared>> -> memref<40x128xf32, #tpu.memory_space<vmem_shared>>
      %dma_wait3A_658 = arith.constant 0 : i32
      %dma_wait3A_659 = tpu.memref_slice %arg5[%add3A_533, %dma_wait3A_658] : memref<10240x128xf32, #tpu.memory_space<vmem_shared>> -> memref<40x128xf32, #tpu.memory_space<vmem_shared>>
      tpu.wait_dma2 semaphore(%run_scoped3A : memref<!tpu.dma_semaphore, #tpu.memory_space<semaphore_mem>>) src(%dma_wait3A_659 : memref<40x128xf32, #tpu.memory_space<vmem_shared>>) dst(%arg17 : memref<40x128xf32, #tpu.memory_space<vmem>>)
      tpu.yield
    }) : () -> ()
    %dma_start3A_542 = arith.constant 0 : i32
    %dma_start3A_543 = tpu.memref_slice %arg4[%arg0, %add3A_533, %dma_start3A_542] : memref<2x10240x128xf32, #tpu.memory_space<hbm>> -> memref<1x40x128xf32, #tpu.memory_space<hbm>>
    %dma_start3A_544 = tpu.memref_squeeze %dma_start3A_543 : memref<1x40x128xf32, #tpu.memory_space<hbm>> -> memref<40x128xf32, #tpu.memory_space<hbm>>
    %dma_start3A_545 = arith.constant 0 : i32
    %dma_start3A_546 = tpu.memref_slice %arg4[%arg0, %add3A_533, %dma_start3A_545] : memref<2x10240x128xf32, #tpu.memory_space<hbm>> -> memref<1x40x128xf32, #tpu.memory_space<hbm>>
    %dma_start3A_547 = tpu.memref_squeeze %dma_start3A_546 : memref<1x40x128xf32, #tpu.memory_space<hbm>> -> memref<40x128xf32, #tpu.memory_space<hbm>>
    tpu.enqueue_dma source(%arg17 : memref<40x128xf32, #tpu.memory_space<vmem>>) target(%dma_start3A_547 : memref<40x128xf32, #tpu.memory_space<hbm>>) target_semaphore(%arg33 : memref<!tpu.dma_semaphore, #tpu.memory_space<semaphore_mem>>)
    %mul3A_548 = arith.constant 640 : i32
    %mul3A_549 = arith.muli %arg1, %mul3A_548 : i32
    %add3A_550 = arith.constant 480 : i32
    %add3A_551 = arith.addi %mul3A_549, %add3A_550 : i32
    %dma_wait3A_552 = arith.constant 0 : i32
    %dma_wait3A_553 = arith.constant 0 : i32
    %dma_wait3A_554 = tpu.memref_slice %arg4[%arg0, %dma_wait3A_552, %dma_wait3A_553] : memref<2x10240x128xf32, #tpu.memory_space<hbm>> -> memref<1x40x128xf32, #tpu.memory_space<hbm>>
    %dma_wait3A_555 = tpu.memref_squeeze %dma_wait3A_554 : memref<1x40x128xf32, #tpu.memory_space<hbm>> -> memref<40x128xf32, #tpu.memory_space<hbm>>
    %dma_wait3A_556 = arith.constant 0 : i32
    %dma_wait3A_557 = arith.constant 0 : i32
    %dma_wait3A_558 = tpu.memref_slice %arg4[%arg0, %dma_wait3A_556, %dma_wait3A_557] : memref<2x10240x128xf32, #tpu.memory_space<hbm>> -> memref<1x40x128xf32, #tpu.memory_space<hbm>>
    %dma_wait3A_559 = tpu.memref_squeeze %dma_wait3A_558 : memref<1x40x128xf32, #tpu.memory_space<hbm>> -> memref<40x128xf32, #tpu.memory_space<hbm>>
    tpu.wait_dma2 semaphore(%arg30 : memref<!tpu.dma_semaphore, #tpu.memory_space<semaphore_mem>>) src(%arg14 : memref<40x128xf32, #tpu.memory_space<vmem>>) dst(%dma_wait3A_559 : memref<40x128xf32, #tpu.memory_space<hbm>>)
    "tpu.region"() ({
      %run_scoped3A = tpu.sem_alloc : memref<!tpu.dma_semaphore, #tpu.memory_space<semaphore_mem>>
      %dma_start3A_652 = arith.constant 0 : i32
      %dma_start3A_653 = tpu.memref_slice %arg5[%add3A_551, %dma_start3A_652] : memref<10240x128xf32, #tpu.memory_space<vmem_shared>> -> memref<40x128xf32, #tpu.memory_space<vmem_shared>>
      %dma_start3A_654 = arith.constant 0 : i32
      %dma_start3A_655 = tpu.memref_slice %arg5[%add3A_551, %dma_start3A_654] : memref<10240x128xf32, #tpu.memory_space<vmem_shared>> -> memref<40x128xf32, #tpu.memory_space<vmem_shared>>
      tpu.enqueue_dma source(%dma_start3A_655 : memref<40x128xf32, #tpu.memory_space<vmem_shared>>) target(%arg14 : memref<40x128xf32, #tpu.memory_space<vmem>>) target_semaphore(%run_scoped3A : memref<!tpu.dma_semaphore, #tpu.memory_space<semaphore_mem>>)
      %dma_wait3A_656 = arith.constant 0 : i32
      %dma_wait3A_657 = tpu.memref_slice %arg5[%add3A_551, %dma_wait3A_656] : memref<10240x128xf32, #tpu.memory_space<vmem_shared>> -> memref<40x128xf32, #tpu.memory_space<vmem_shared>>
      %dma_wait3A_658 = arith.constant 0 : i32
      %dma_wait3A_659 = tpu.memref_slice %arg5[%add3A_551, %dma_wait3A_658] : memref<10240x128xf32, #tpu.memory_space<vmem_shared>> -> memref<40x128xf32, #tpu.memory_space<vmem_shared>>
      tpu.wait_dma2 semaphore(%run_scoped3A : memref<!tpu.dma_semaphore, #tpu.memory_space<semaphore_mem>>) src(%dma_wait3A_659 : memref<40x128xf32, #tpu.memory_space<vmem_shared>>) dst(%arg14 : memref<40x128xf32, #tpu.memory_space<vmem>>)
      tpu.yield
    }) : () -> ()
    %dma_start3A_560 = arith.constant 0 : i32
    %dma_start3A_561 = tpu.memref_slice %arg4[%arg0, %add3A_551, %dma_start3A_560] : memref<2x10240x128xf32, #tpu.memory_space<hbm>> -> memref<1x40x128xf32, #tpu.memory_space<hbm>>
    %dma_start3A_562 = tpu.memref_squeeze %dma_start3A_561 : memref<1x40x128xf32, #tpu.memory_space<hbm>> -> memref<40x128xf32, #tpu.memory_space<hbm>>
    %dma_start3A_563 = arith.constant 0 : i32
    %dma_start3A_564 = tpu.memref_slice %arg4[%arg0, %add3A_551, %dma_start3A_563] : memref<2x10240x128xf32, #tpu.memory_space<hbm>> -> memref<1x40x128xf32, #tpu.memory_space<hbm>>
    %dma_start3A_565 = tpu.memref_squeeze %dma_start3A_564 : memref<1x40x128xf32, #tpu.memory_space<hbm>> -> memref<40x128xf32, #tpu.memory_space<hbm>>
    tpu.enqueue_dma source(%arg14 : memref<40x128xf32, #tpu.memory_space<vmem>>) target(%dma_start3A_565 : memref<40x128xf32, #tpu.memory_space<hbm>>) target_semaphore(%arg30 : memref<!tpu.dma_semaphore, #tpu.memory_space<semaphore_mem>>)
    %mul3A_566 = arith.constant 640 : i32
    %mul3A_567 = arith.muli %arg1, %mul3A_566 : i32
    %add3A_568 = arith.constant 520 : i32
    %add3A_569 = arith.addi %mul3A_567, %add3A_568 : i32
    %dma_wait3A_570 = arith.constant 0 : i32
    %dma_wait3A_571 = arith.constant 0 : i32
    %dma_wait3A_572 = tpu.memref_slice %arg4[%arg0, %dma_wait3A_570, %dma_wait3A_571] : memref<2x10240x128xf32, #tpu.memory_space<hbm>> -> memref<1x40x128xf32, #tpu.memory_space<hbm>>
    %dma_wait3A_573 = tpu.memref_squeeze %dma_wait3A_572 : memref<1x40x128xf32, #tpu.memory_space<hbm>> -> memref<40x128xf32, #tpu.memory_space<hbm>>
    %dma_wait3A_574 = arith.constant 0 : i32
    %dma_wait3A_575 = arith.constant 0 : i32
    %dma_wait3A_576 = tpu.memref_slice %arg4[%arg0, %dma_wait3A_574, %dma_wait3A_575] : memref<2x10240x128xf32, #tpu.memory_space<hbm>> -> memref<1x40x128xf32, #tpu.memory_space<hbm>>
    %dma_wait3A_577 = tpu.memref_squeeze %dma_wait3A_576 : memref<1x40x128xf32, #tpu.memory_space<hbm>> -> memref<40x128xf32, #tpu.memory_space<hbm>>
    tpu.wait_dma2 semaphore(%arg31 : memref<!tpu.dma_semaphore, #tpu.memory_space<semaphore_mem>>) src(%arg15 : memref<40x128xf32, #tpu.memory_space<vmem>>) dst(%dma_wait3A_577 : memref<40x128xf32, #tpu.memory_space<hbm>>)
    "tpu.region"() ({
      %run_scoped3A = tpu.sem_alloc : memref<!tpu.dma_semaphore, #tpu.memory_space<semaphore_mem>>
      %dma_start3A_652 = arith.constant 0 : i32
      %dma_start3A_653 = tpu.memref_slice %arg5[%add3A_569, %dma_start3A_652] : memref<10240x128xf32, #tpu.memory_space<vmem_shared>> -> memref<40x128xf32, #tpu.memory_space<vmem_shared>>
      %dma_start3A_654 = arith.constant 0 : i32
      %dma_start3A_655 = tpu.memref_slice %arg5[%add3A_569, %dma_start3A_654] : memref<10240x128xf32, #tpu.memory_space<vmem_shared>> -> memref<40x128xf32, #tpu.memory_space<vmem_shared>>
      tpu.enqueue_dma source(%dma_start3A_655 : memref<40x128xf32, #tpu.memory_space<vmem_shared>>) target(%arg15 : memref<40x128xf32, #tpu.memory_space<vmem>>) target_semaphore(%run_scoped3A : memref<!tpu.dma_semaphore, #tpu.memory_space<semaphore_mem>>)
      %dma_wait3A_656 = arith.constant 0 : i32
      %dma_wait3A_657 = tpu.memref_slice %arg5[%add3A_569, %dma_wait3A_656] : memref<10240x128xf32, #tpu.memory_space<vmem_shared>> -> memref<40x128xf32, #tpu.memory_space<vmem_shared>>
      %dma_wait3A_658 = arith.constant 0 : i32
      %dma_wait3A_659 = tpu.memref_slice %arg5[%add3A_569, %dma_wait3A_658] : memref<10240x128xf32, #tpu.memory_space<vmem_shared>> -> memref<40x128xf32, #tpu.memory_space<vmem_shared>>
      tpu.wait_dma2 semaphore(%run_scoped3A : memref<!tpu.dma_semaphore, #tpu.memory_space<semaphore_mem>>) src(%dma_wait3A_659 : memref<40x128xf32, #tpu.memory_space<vmem_shared>>) dst(%arg15 : memref<40x128xf32, #tpu.memory_space<vmem>>)
      tpu.yield
    }) : () -> ()
    %dma_start3A_578 = arith.constant 0 : i32
    %dma_start3A_579 = tpu.memref_slice %arg4[%arg0, %add3A_569, %dma_start3A_578] : memref<2x10240x128xf32, #tpu.memory_space<hbm>> -> memref<1x40x128xf32, #tpu.memory_space<hbm>>
    %dma_start3A_580 = tpu.memref_squeeze %dma_start3A_579 : memref<1x40x128xf32, #tpu.memory_space<hbm>> -> memref<40x128xf32, #tpu.memory_space<hbm>>
    %dma_start3A_581 = arith.constant 0 : i32
    %dma_start3A_582 = tpu.memref_slice %arg4[%arg0, %add3A_569, %dma_start3A_581] : memref<2x10240x128xf32, #tpu.memory_space<hbm>> -> memref<1x40x128xf32, #tpu.memory_space<hbm>>
    %dma_start3A_583 = tpu.memref_squeeze %dma_start3A_582 : memref<1x40x128xf32, #tpu.memory_space<hbm>> -> memref<40x128xf32, #tpu.memory_space<hbm>>
    tpu.enqueue_dma source(%arg15 : memref<40x128xf32, #tpu.memory_space<vmem>>) target(%dma_start3A_583 : memref<40x128xf32, #tpu.memory_space<hbm>>) target_semaphore(%arg31 : memref<!tpu.dma_semaphore, #tpu.memory_space<semaphore_mem>>)
    %mul3A_584 = arith.constant 640 : i32
    %mul3A_585 = arith.muli %arg1, %mul3A_584 : i32
    %add3A_586 = arith.constant 560 : i32
    %add3A_587 = arith.addi %mul3A_585, %add3A_586 : i32
    %dma_wait3A_588 = arith.constant 0 : i32
    %dma_wait3A_589 = arith.constant 0 : i32
    %dma_wait3A_590 = tpu.memref_slice %arg4[%arg0, %dma_wait3A_588, %dma_wait3A_589] : memref<2x10240x128xf32, #tpu.memory_space<hbm>> -> memref<1x40x128xf32, #tpu.memory_space<hbm>>
    %dma_wait3A_591 = tpu.memref_squeeze %dma_wait3A_590 : memref<1x40x128xf32, #tpu.memory_space<hbm>> -> memref<40x128xf32, #tpu.memory_space<hbm>>
    %dma_wait3A_592 = arith.constant 0 : i32
    %dma_wait3A_593 = arith.constant 0 : i32
    %dma_wait3A_594 = tpu.memref_slice %arg4[%arg0, %dma_wait3A_592, %dma_wait3A_593] : memref<2x10240x128xf32, #tpu.memory_space<hbm>> -> memref<1x40x128xf32, #tpu.memory_space<hbm>>
    %dma_wait3A_595 = tpu.memref_squeeze %dma_wait3A_594 : memref<1x40x128xf32, #tpu.memory_space<hbm>> -> memref<40x128xf32, #tpu.memory_space<hbm>>
    tpu.wait_dma2 semaphore(%arg32 : memref<!tpu.dma_semaphore, #tpu.memory_space<semaphore_mem>>) src(%arg16 : memref<40x128xf32, #tpu.memory_space<vmem>>) dst(%dma_wait3A_595 : memref<40x128xf32, #tpu.memory_space<hbm>>)
    "tpu.region"() ({
      %run_scoped3A = tpu.sem_alloc : memref<!tpu.dma_semaphore, #tpu.memory_space<semaphore_mem>>
      %dma_start3A_652 = arith.constant 0 : i32
      %dma_start3A_653 = tpu.memref_slice %arg5[%add3A_587, %dma_start3A_652] : memref<10240x128xf32, #tpu.memory_space<vmem_shared>> -> memref<40x128xf32, #tpu.memory_space<vmem_shared>>
      %dma_start3A_654 = arith.constant 0 : i32
      %dma_start3A_655 = tpu.memref_slice %arg5[%add3A_587, %dma_start3A_654] : memref<10240x128xf32, #tpu.memory_space<vmem_shared>> -> memref<40x128xf32, #tpu.memory_space<vmem_shared>>
      tpu.enqueue_dma source(%dma_start3A_655 : memref<40x128xf32, #tpu.memory_space<vmem_shared>>) target(%arg16 : memref<40x128xf32, #tpu.memory_space<vmem>>) target_semaphore(%run_scoped3A : memref<!tpu.dma_semaphore, #tpu.memory_space<semaphore_mem>>)
      %dma_wait3A_656 = arith.constant 0 : i32
      %dma_wait3A_657 = tpu.memref_slice %arg5[%add3A_587, %dma_wait3A_656] : memref<10240x128xf32, #tpu.memory_space<vmem_shared>> -> memref<40x128xf32, #tpu.memory_space<vmem_shared>>
      %dma_wait3A_658 = arith.constant 0 : i32
      %dma_wait3A_659 = tpu.memref_slice %arg5[%add3A_587, %dma_wait3A_658] : memref<10240x128xf32, #tpu.memory_space<vmem_shared>> -> memref<40x128xf32, #tpu.memory_space<vmem_shared>>
      tpu.wait_dma2 semaphore(%run_scoped3A : memref<!tpu.dma_semaphore, #tpu.memory_space<semaphore_mem>>) src(%dma_wait3A_659 : memref<40x128xf32, #tpu.memory_space<vmem_shared>>) dst(%arg16 : memref<40x128xf32, #tpu.memory_space<vmem>>)
      tpu.yield
    }) : () -> ()
    %dma_start3A_596 = arith.constant 0 : i32
    %dma_start3A_597 = tpu.memref_slice %arg4[%arg0, %add3A_587, %dma_start3A_596] : memref<2x10240x128xf32, #tpu.memory_space<hbm>> -> memref<1x40x128xf32, #tpu.memory_space<hbm>>
    %dma_start3A_598 = tpu.memref_squeeze %dma_start3A_597 : memref<1x40x128xf32, #tpu.memory_space<hbm>> -> memref<40x128xf32, #tpu.memory_space<hbm>>
    %dma_start3A_599 = arith.constant 0 : i32
    %dma_start3A_600 = tpu.memref_slice %arg4[%arg0, %add3A_587, %dma_start3A_599] : memref<2x10240x128xf32, #tpu.memory_space<hbm>> -> memref<1x40x128xf32, #tpu.memory_space<hbm>>
    %dma_start3A_601 = tpu.memref_squeeze %dma_start3A_600 : memref<1x40x128xf32, #tpu.memory_space<hbm>> -> memref<40x128xf32, #tpu.memory_space<hbm>>
    tpu.enqueue_dma source(%arg16 : memref<40x128xf32, #tpu.memory_space<vmem>>) target(%dma_start3A_601 : memref<40x128xf32, #tpu.memory_space<hbm>>) target_semaphore(%arg32 : memref<!tpu.dma_semaphore, #tpu.memory_space<semaphore_mem>>)
    %mul3A_602 = arith.constant 640 : i32
    %mul3A_603 = arith.muli %arg1, %mul3A_602 : i32
    %add3A_604 = arith.constant 600 : i32
    %add3A_605 = arith.addi %mul3A_603, %add3A_604 : i32
    %dma_wait3A_606 = arith.constant 0 : i32
    %dma_wait3A_607 = arith.constant 0 : i32
    %dma_wait3A_608 = tpu.memref_slice %arg4[%arg0, %dma_wait3A_606, %dma_wait3A_607] : memref<2x10240x128xf32, #tpu.memory_space<hbm>> -> memref<1x40x128xf32, #tpu.memory_space<hbm>>
    %dma_wait3A_609 = tpu.memref_squeeze %dma_wait3A_608 : memref<1x40x128xf32, #tpu.memory_space<hbm>> -> memref<40x128xf32, #tpu.memory_space<hbm>>
    %dma_wait3A_610 = arith.constant 0 : i32
    %dma_wait3A_611 = arith.constant 0 : i32
    %dma_wait3A_612 = tpu.memref_slice %arg4[%arg0, %dma_wait3A_610, %dma_wait3A_611] : memref<2x10240x128xf32, #tpu.memory_space<hbm>> -> memref<1x40x128xf32, #tpu.memory_space<hbm>>
    %dma_wait3A_613 = tpu.memref_squeeze %dma_wait3A_612 : memref<1x40x128xf32, #tpu.memory_space<hbm>> -> memref<40x128xf32, #tpu.memory_space<hbm>>
    tpu.wait_dma2 semaphore(%arg33 : memref<!tpu.dma_semaphore, #tpu.memory_space<semaphore_mem>>) src(%arg17 : memref<40x128xf32, #tpu.memory_space<vmem>>) dst(%dma_wait3A_613 : memref<40x128xf32, #tpu.memory_space<hbm>>)
    "tpu.region"() ({
      %run_scoped3A = tpu.sem_alloc : memref<!tpu.dma_semaphore, #tpu.memory_space<semaphore_mem>>
      %dma_start3A_652 = arith.constant 0 : i32
      %dma_start3A_653 = tpu.memref_slice %arg5[%add3A_605, %dma_start3A_652] : memref<10240x128xf32, #tpu.memory_space<vmem_shared>> -> memref<40x128xf32, #tpu.memory_space<vmem_shared>>
      %dma_start3A_654 = arith.constant 0 : i32
      %dma_start3A_655 = tpu.memref_slice %arg5[%add3A_605, %dma_start3A_654] : memref<10240x128xf32, #tpu.memory_space<vmem_shared>> -> memref<40x128xf32, #tpu.memory_space<vmem_shared>>
      tpu.enqueue_dma source(%dma_start3A_655 : memref<40x128xf32, #tpu.memory_space<vmem_shared>>) target(%arg17 : memref<40x128xf32, #tpu.memory_space<vmem>>) target_semaphore(%run_scoped3A : memref<!tpu.dma_semaphore, #tpu.memory_space<semaphore_mem>>)
      %dma_wait3A_656 = arith.constant 0 : i32
      %dma_wait3A_657 = tpu.memref_slice %arg5[%add3A_605, %dma_wait3A_656] : memref<10240x128xf32, #tpu.memory_space<vmem_shared>> -> memref<40x128xf32, #tpu.memory_space<vmem_shared>>
      %dma_wait3A_658 = arith.constant 0 : i32
      %dma_wait3A_659 = tpu.memref_slice %arg5[%add3A_605, %dma_wait3A_658] : memref<10240x128xf32, #tpu.memory_space<vmem_shared>> -> memref<40x128xf32, #tpu.memory_space<vmem_shared>>
      tpu.wait_dma2 semaphore(%run_scoped3A : memref<!tpu.dma_semaphore, #tpu.memory_space<semaphore_mem>>) src(%dma_wait3A_659 : memref<40x128xf32, #tpu.memory_space<vmem_shared>>) dst(%arg17 : memref<40x128xf32, #tpu.memory_space<vmem>>)
      tpu.yield
    }) : () -> ()
    %dma_start3A_614 = arith.constant 0 : i32
    %dma_start3A_615 = tpu.memref_slice %arg4[%arg0, %add3A_605, %dma_start3A_614] : memref<2x10240x128xf32, #tpu.memory_space<hbm>> -> memref<1x40x128xf32, #tpu.memory_space<hbm>>
    %dma_start3A_616 = tpu.memref_squeeze %dma_start3A_615 : memref<1x40x128xf32, #tpu.memory_space<hbm>> -> memref<40x128xf32, #tpu.memory_space<hbm>>
    %dma_start3A_617 = arith.constant 0 : i32
    %dma_start3A_618 = tpu.memref_slice %arg4[%arg0, %add3A_605, %dma_start3A_617] : memref<2x10240x128xf32, #tpu.memory_space<hbm>> -> memref<1x40x128xf32, #tpu.memory_space<hbm>>
    %dma_start3A_619 = tpu.memref_squeeze %dma_start3A_618 : memref<1x40x128xf32, #tpu.memory_space<hbm>> -> memref<40x128xf32, #tpu.memory_space<hbm>>
    tpu.enqueue_dma source(%arg17 : memref<40x128xf32, #tpu.memory_space<vmem>>) target(%dma_start3A_619 : memref<40x128xf32, #tpu.memory_space<hbm>>) target_semaphore(%arg33 : memref<!tpu.dma_semaphore, #tpu.memory_space<semaphore_mem>>)
    %dma_wait3A_620 = arith.constant 0 : i32
    %dma_wait3A_621 = arith.constant 0 : i32
    %dma_wait3A_622 = tpu.memref_slice %arg4[%arg0, %dma_wait3A_620, %dma_wait3A_621] : memref<2x10240x128xf32, #tpu.memory_space<hbm>> -> memref<1x40x128xf32, #tpu.memory_space<hbm>>
    %dma_wait3A_623 = tpu.memref_squeeze %dma_wait3A_622 : memref<1x40x128xf32, #tpu.memory_space<hbm>> -> memref<40x128xf32, #tpu.memory_space<hbm>>
    %dma_wait3A_624 = arith.constant 0 : i32
    %dma_wait3A_625 = arith.constant 0 : i32
    %dma_wait3A_626 = tpu.memref_slice %arg4[%arg0, %dma_wait3A_624, %dma_wait3A_625] : memref<2x10240x128xf32, #tpu.memory_space<hbm>> -> memref<1x40x128xf32, #tpu.memory_space<hbm>>
    %dma_wait3A_627 = tpu.memref_squeeze %dma_wait3A_626 : memref<1x40x128xf32, #tpu.memory_space<hbm>> -> memref<40x128xf32, #tpu.memory_space<hbm>>
    tpu.wait_dma2 semaphore(%arg30 : memref<!tpu.dma_semaphore, #tpu.memory_space<semaphore_mem>>) src(%arg14 : memref<40x128xf32, #tpu.memory_space<vmem>>) dst(%dma_wait3A_627 : memref<40x128xf32, #tpu.memory_space<hbm>>)
    %dma_wait3A_628 = arith.constant 0 : i32
    %dma_wait3A_629 = arith.constant 0 : i32
    %dma_wait3A_630 = tpu.memref_slice %arg4[%arg0, %dma_wait3A_628, %dma_wait3A_629] : memref<2x10240x128xf32, #tpu.memory_space<hbm>> -> memref<1x40x128xf32, #tpu.memory_space<hbm>>
    %dma_wait3A_631 = tpu.memref_squeeze %dma_wait3A_630 : memref<1x40x128xf32, #tpu.memory_space<hbm>> -> memref<40x128xf32, #tpu.memory_space<hbm>>
    %dma_wait3A_632 = arith.constant 0 : i32
    %dma_wait3A_633 = arith.constant 0 : i32
    %dma_wait3A_634 = tpu.memref_slice %arg4[%arg0, %dma_wait3A_632, %dma_wait3A_633] : memref<2x10240x128xf32, #tpu.memory_space<hbm>> -> memref<1x40x128xf32, #tpu.memory_space<hbm>>
    %dma_wait3A_635 = tpu.memref_squeeze %dma_wait3A_634 : memref<1x40x128xf32, #tpu.memory_space<hbm>> -> memref<40x128xf32, #tpu.memory_space<hbm>>
    tpu.wait_dma2 semaphore(%arg31 : memref<!tpu.dma_semaphore, #tpu.memory_space<semaphore_mem>>) src(%arg15 : memref<40x128xf32, #tpu.memory_space<vmem>>) dst(%dma_wait3A_635 : memref<40x128xf32, #tpu.memory_space<hbm>>)
    %dma_wait3A_636 = arith.constant 0 : i32
    %dma_wait3A_637 = arith.constant 0 : i32
    %dma_wait3A_638 = tpu.memref_slice %arg4[%arg0, %dma_wait3A_636, %dma_wait3A_637] : memref<2x10240x128xf32, #tpu.memory_space<hbm>> -> memref<1x40x128xf32, #tpu.memory_space<hbm>>
    %dma_wait3A_639 = tpu.memref_squeeze %dma_wait3A_638 : memref<1x40x128xf32, #tpu.memory_space<hbm>> -> memref<40x128xf32, #tpu.memory_space<hbm>>
    %dma_wait3A_640 = arith.constant 0 : i32
    %dma_wait3A_641 = arith.constant 0 : i32
    %dma_wait3A_642 = tpu.memref_slice %arg4[%arg0, %dma_wait3A_640, %dma_wait3A_641] : memref<2x10240x128xf32, #tpu.memory_space<hbm>> -> memref<1x40x128xf32, #tpu.memory_space<hbm>>
    %dma_wait3A_643 = tpu.memref_squeeze %dma_wait3A_642 : memref<1x40x128xf32, #tpu.memory_space<hbm>> -> memref<40x128xf32, #tpu.memory_space<hbm>>
    tpu.wait_dma2 semaphore(%arg32 : memref<!tpu.dma_semaphore, #tpu.memory_space<semaphore_mem>>) src(%arg16 : memref<40x128xf32, #tpu.memory_space<vmem>>) dst(%dma_wait3A_643 : memref<40x128xf32, #tpu.memory_space<hbm>>)
    %dma_wait3A_644 = arith.constant 0 : i32
    %dma_wait3A_645 = arith.constant 0 : i32
    %dma_wait3A_646 = tpu.memref_slice %arg4[%arg0, %dma_wait3A_644, %dma_wait3A_645] : memref<2x10240x128xf32, #tpu.memory_space<hbm>> -> memref<1x40x128xf32, #tpu.memory_space<hbm>>
    %dma_wait3A_647 = tpu.memref_squeeze %dma_wait3A_646 : memref<1x40x128xf32, #tpu.memory_space<hbm>> -> memref<40x128xf32, #tpu.memory_space<hbm>>
    %dma_wait3A_648 = arith.constant 0 : i32
    %dma_wait3A_649 = arith.constant 0 : i32
    %dma_wait3A_650 = tpu.memref_slice %arg4[%arg0, %dma_wait3A_648, %dma_wait3A_649] : memref<2x10240x128xf32, #tpu.memory_space<hbm>> -> memref<1x40x128xf32, #tpu.memory_space<hbm>>
    %dma_wait3A_651 = tpu.memref_squeeze %dma_wait3A_650 : memref<1x40x128xf32, #tpu.memory_space<hbm>> -> memref<40x128xf32, #tpu.memory_space<hbm>>
    tpu.wait_dma2 semaphore(%arg33 : memref<!tpu.dma_semaphore, #tpu.memory_space<semaphore_mem>>) src(%arg17 : memref<40x128xf32, #tpu.memory_space<vmem>>) dst(%dma_wait3A_651 : memref<40x128xf32, #tpu.memory_space<hbm>>)
    return
  }
}

#map = affine_map<(d0, d1) -> (0, 0)>
#map1 = affine_map<(d0, d1) -> (0, 0, 0, 0)>
#map2 = affine_map<(d0, d1) -> (0, 0, 0)>
module attributes {stable_mosaic.version = 14 : i64} {
  func.func @_scatter_body(%arg0: i32, %arg1: i32, %arg2: memref<10000x128xf32, #tpu.memory_space<hbm>>, %arg3: memref<32x256x2x40xi32, #tpu.memory_space<hbm>>, %arg4: memref<2x10240x128xf32, #tpu.memory_space<hbm>>, %arg5: memref<10240x128xf32, #tpu.memory_space<vmem_shared>>, %arg6: memref<2x40xi32, #tpu.memory_space<vmem>>, %arg7: memref<2x40xi32, #tpu.memory_space<vmem>>, %arg8: memref<2x40xi32, #tpu.memory_space<vmem>>, %arg9: memref<2x40xi32, #tpu.memory_space<vmem>>, %arg10: memref<2x40xi32, #tpu.memory_space<vmem>>, %arg11: memref<2x40xi32, #tpu.memory_space<vmem>>, %arg12: memref<2x40xi32, #tpu.memory_space<vmem>>, %arg13: memref<2x40xi32, #tpu.memory_space<vmem>>, %arg14: memref<40x128xf32, #tpu.memory_space<vmem>>, %arg15: memref<40x128xf32, #tpu.memory_space<vmem>>, %arg16: memref<40x128xf32, #tpu.memory_space<vmem>>, %arg17: memref<40x128xf32, #tpu.memory_space<vmem>>, %arg18: memref<40x128xf32, #tpu.memory_space<vmem>>, %arg19: memref<40x128xf32, #tpu.memory_space<vmem>>, %arg20: memref<40x128xf32, #tpu.memory_space<vmem>>, %arg21: memref<40x128xf32, #tpu.memory_space<vmem>>, %arg22: memref<!tpu.dma_semaphore, #tpu.memory_space<semaphore_mem>>, %arg23: memref<!tpu.dma_semaphore, #tpu.memory_space<semaphore_mem>>, %arg24: memref<!tpu.dma_semaphore, #tpu.memory_space<semaphore_mem>>, %arg25: memref<!tpu.dma_semaphore, #tpu.memory_space<semaphore_mem>>, %arg26: memref<!tpu.dma_semaphore, #tpu.memory_space<semaphore_mem>>, %arg27: memref<!tpu.dma_semaphore, #tpu.memory_space<semaphore_mem>>, %arg28: memref<!tpu.dma_semaphore, #tpu.memory_space<semaphore_mem>>, %arg29: memref<!tpu.dma_semaphore, #tpu.memory_space<semaphore_mem>>, %arg30: memref<!tpu.dma_semaphore, #tpu.memory_space<semaphore_mem>>, %arg31: memref<!tpu.dma_semaphore, #tpu.memory_space<semaphore_mem>>, %arg32: memref<!tpu.dma_semaphore, #tpu.memory_space<semaphore_mem>>, %arg33: memref<!tpu.dma_semaphore, #tpu.memory_space<semaphore_mem>>, %arg34: memref<!tpu.dma_semaphore, #tpu.memory_space<semaphore_mem>>, %arg35: memref<!tpu.dma_semaphore, #tpu.memory_space<semaphore_mem>>, %arg36: memref<!tpu.dma_semaphore, #tpu.memory_space<semaphore_mem>>, %arg37: memref<!tpu.dma_semaphore, #tpu.memory_space<semaphore_mem>>, %arg38: memref<!tpu.dma_semaphore, #tpu.memory_space<semaphore_mem>>, %arg39: memref<!tpu.dma_semaphore, #tpu.memory_space<semaphore_mem>>, %arg40: memref<!tpu.dma_semaphore, #tpu.memory_space<semaphore_mem>>, %arg41: memref<!tpu.dma_semaphore, #tpu.memory_space<semaphore_mem>>, %arg42: memref<!tpu.dma_semaphore, #tpu.memory_space<semaphore_mem>>, %arg43: memref<!tpu.dma_semaphore, #tpu.memory_space<semaphore_mem>>, %arg44: memref<!tpu.dma_semaphore, #tpu.memory_space<semaphore_mem>>, %arg45: memref<!tpu.dma_semaphore, #tpu.memory_space<semaphore_mem>>) attributes {dimension_semantics = [#tpu.dimension_semantics<core_parallel>, #tpu.dimension_semantics<subcore_parallel>], iteration_bounds = array<i64: 2, 16>, scalar_prefetch = 0 : i64, scratch_operands = 41 : i64, tpu.core_type = #tpu.core_type<sc_vector_subcore>, window_params = [{transform_indices = #map}, {transform_indices = #map1}, {transform_indices = #map2}]} {
    %mul3A = arith.constant 16 : i32
    %mul3A_0 = arith.muli %arg0, %mul3A : i32
    %add3A = arith.addi %mul3A_0, %arg1 : i32
    %broadcast_in_dim3A = arith.constant 0.000000e+00 : f32
    %broadcast_in_dim3A_1 = vector.broadcast %broadcast_in_dim3A : f32 to vector<16xf32>
    %scan3A = arith.constant 0 : i32
    %scan3A_2 = arith.constant 0 : i32
    %scan3A_3 = arith.constant 320 : i32
    %scan3A_4 = arith.addi %scan3A_2, %scan3A_3 : i32
    %scan3A_5 = arith.constant 1 : i32
    scf.for %scan3A_652 = %scan3A_2 to %scan3A_4 step %scan3A_5  : i32 {
      %jit3A = arith.constant 8 : i32
      %div3A = arith.divsi %scan3A_652, %jit3A : i32
      %sign3A = arith.constant 0 : i32
      %sign3A_653 = arith.cmpi sgt, %scan3A_652, %sign3A : i32
      %sign3A_654 = arith.extui %sign3A_653 : i1 to i32
      %sign3A_655 = arith.constant 0 : i32
      %sign3A_656 = arith.cmpi slt, %scan3A_652, %sign3A_655 : i32
      %sign3A_657 = arith.extui %sign3A_656 : i1 to i32
      %sign3A_658 = arith.subi %sign3A_654, %sign3A_657 : i32
      %sign3A_659 = arith.constant 0 : i32
      %sign3A_660 = arith.cmpi sgt, %jit3A, %sign3A_659 : i32
      %sign3A_661 = arith.extui %sign3A_660 : i1 to i32
      %sign3A_662 = arith.constant 0 : i32
      %sign3A_663 = arith.cmpi slt, %jit3A, %sign3A_662 : i32
      %sign3A_664 = arith.extui %sign3A_663 : i1 to i32
      %sign3A_665 = arith.subi %sign3A_661, %sign3A_664 : i32
      %ne3A = arith.cmpi ne, %sign3A_658, %sign3A_665 : i32
      %rem3A = arith.remsi %scan3A_652, %jit3A : i32
      %ne3A_666 = arith.constant 0 : i32
      %ne3A_667 = arith.cmpi ne, %rem3A, %ne3A_666 : i32
      %and3A = arith.andi %ne3A, %ne3A_667 : i1
      %sub3A = arith.constant 1 : i32
      %sub3A_668 = arith.subi %div3A, %sub3A : i32
      %select_n3A = arith.select %and3A, %sub3A_668, %div3A : i32
      %jit3A_669 = arith.constant 8 : i32
      %eq3A = arith.constant 0 : i32
      %eq3A_670 = arith.cmpi eq, %jit3A_669, %eq3A : i32
      %jit3A_671 = arith.constant 1 : i32
      %select_n3A_672 = arith.select %eq3A_670, %jit3A_671, %jit3A_669 : i32
      %rem3A_673 = arith.remsi %scan3A_652, %select_n3A_672 : i32
      %ne3A_674 = arith.constant 0 : i32
      %ne3A_675 = arith.cmpi ne, %rem3A_673, %ne3A_674 : i32
      %lt3A = arith.constant 0 : i32
      %lt3A_676 = arith.cmpi slt, %rem3A_673, %lt3A : i32
      %lt3A_677 = arith.constant 0 : i32
      %lt3A_678 = arith.cmpi slt, %select_n3A_672, %lt3A_677 : i32
      %ne3A_679 = arith.xori %lt3A_676, %lt3A_678 : i1
      %and3A_680 = arith.andi %ne3A_679, %ne3A_675 : i1
      %add3A_681 = arith.addi %rem3A_673, %select_n3A_672 : i32
      %select_n3A_682 = arith.select %and3A_680, %add3A_681, %rem3A_673 : i32
      %mul3A_683 = arith.constant 16 : i32
      %mul3A_684 = arith.muli %select_n3A_682, %mul3A_683 : i32
      %swap3A = arith.index_cast %select_n3A : i32 to index
      %swap3A_685 = arith.index_cast %mul3A_684 : i32 to index
      %swap3A_686 = tpu.vector_load %arg14[%swap3A, %swap3A_685] {strides = array<i32>} : memref<40x128xf32, #tpu.memory_space<vmem>>, vector<1x16xf32>,
      %swap3A_687 = vector.shape_cast %swap3A_686 : vector<1x16xf32> to vector<16xf32>
      %swap3A_688 = vector.shape_cast %broadcast_in_dim3A_1 : vector<16xf32> to vector<1x16xf32>
      tpu.vector_store %arg14[%swap3A, %swap3A_685], %swap3A_688 {strides = array<i32>} : memref<40x128xf32, #tpu.memory_space<vmem>>, vector<1x16xf32>,
    }
    %scan3A_6 = arith.constant 320 : i32
    %mul3A_7 = arith.constant 640 : i32
    %mul3A_8 = arith.muli %arg1, %mul3A_7 : i32
    %add3A_9 = arith.constant 0 : i32
    %add3A_10 = arith.addi %mul3A_8, %add3A_9 : i32
    %dma_start3A = arith.constant 0 : i32
    %dma_start3A_11 = tpu.memref_slice %arg5[%add3A_10, %dma_start3A] : memref<10240x128xf32, #tpu.memory_space<vmem_shared>> -> memref<40x128xf32, #tpu.memory_space<vmem_shared>>
    %dma_start3A_12 = arith.constant 0 : i32
    %dma_start3A_13 = tpu.memref_slice %arg5[%add3A_10, %dma_start3A_12] : memref<10240x128xf32, #tpu.memory_space<vmem_shared>> -> memref<40x128xf32, #tpu.memory_space<vmem_shared>>
    tpu.enqueue_dma source(%arg14 : memref<40x128xf32, #tpu.memory_space<vmem>>) target(%dma_start3A_13 : memref<40x128xf32, #tpu.memory_space<vmem_shared>>) target_semaphore(%arg38 : memref<!tpu.dma_semaphore, #tpu.memory_space<semaphore_mem>>)
    %mul3A_14 = arith.constant 640 : i32
    %mul3A_15 = arith.muli %arg1, %mul3A_14 : i32
    %add3A_16 = arith.constant 40 : i32
    %add3A_17 = arith.addi %mul3A_15, %add3A_16 : i32
    %dma_start3A_18 = arith.constant 0 : i32
    %dma_start3A_19 = tpu.memref_slice %arg5[%add3A_17, %dma_start3A_18] : memref<10240x128xf32, #tpu.memory_space<vmem_shared>> -> memref<40x128xf32, #tpu.memory_space<vmem_shared>>
    %dma_start3A_20 = arith.constant 0 : i32
    %dma_start3A_21 = tpu.memref_slice %arg5[%add3A_17, %dma_start3A_20] : memref<10240x128xf32, #tpu.memory_space<vmem_shared>> -> memref<40x128xf32, #tpu.memory_space<vmem_shared>>
    tpu.enqueue_dma source(%arg14 : memref<40x128xf32, #tpu.memory_space<vmem>>) target(%dma_start3A_21 : memref<40x128xf32, #tpu.memory_space<vmem_shared>>) target_semaphore(%arg38 : memref<!tpu.dma_semaphore, #tpu.memory_space<semaphore_mem>>)
    %mul3A_22 = arith.constant 640 : i32
    %mul3A_23 = arith.muli %arg1, %mul3A_22 : i32
    %add3A_24 = arith.constant 80 : i32
    %add3A_25 = arith.addi %mul3A_23, %add3A_24 : i32
    %dma_start3A_26 = arith.constant 0 : i32
    %dma_start3A_27 = tpu.memref_slice %arg5[%add3A_25, %dma_start3A_26] : memref<10240x128xf32, #tpu.memory_space<vmem_shared>> -> memref<40x128xf32, #tpu.memory_space<vmem_shared>>
    %dma_start3A_28 = arith.constant 0 : i32
    %dma_start3A_29 = tpu.memref_slice %arg5[%add3A_25, %dma_start3A_28] : memref<10240x128xf32, #tpu.memory_space<vmem_shared>> -> memref<40x128xf32, #tpu.memory_space<vmem_shared>>
    tpu.enqueue_dma source(%arg14 : memref<40x128xf32, #tpu.memory_space<vmem>>) target(%dma_start3A_29 : memref<40x128xf32, #tpu.memory_space<vmem_shared>>) target_semaphore(%arg38 : memref<!tpu.dma_semaphore, #tpu.memory_space<semaphore_mem>>)
    %mul3A_30 = arith.constant 640 : i32
    %mul3A_31 = arith.muli %arg1, %mul3A_30 : i32
    %add3A_32 = arith.constant 120 : i32
    %add3A_33 = arith.addi %mul3A_31, %add3A_32 : i32
    %dma_start3A_34 = arith.constant 0 : i32
    %dma_start3A_35 = tpu.memref_slice %arg5[%add3A_33, %dma_start3A_34] : memref<10240x128xf32, #tpu.memory_space<vmem_shared>> -> memref<40x128xf32, #tpu.memory_space<vmem_shared>>
    %dma_start3A_36 = arith.constant 0 : i32
    %dma_start3A_37 = tpu.memref_slice %arg5[%add3A_33, %dma_start3A_36] : memref<10240x128xf32, #tpu.memory_space<vmem_shared>> -> memref<40x128xf32, #tpu.memory_space<vmem_shared>>
    tpu.enqueue_dma source(%arg14 : memref<40x128xf32, #tpu.memory_space<vmem>>) target(%dma_start3A_37 : memref<40x128xf32, #tpu.memory_space<vmem_shared>>) target_semaphore(%arg38 : memref<!tpu.dma_semaphore, #tpu.memory_space<semaphore_mem>>)
    %mul3A_38 = arith.constant 640 : i32
    %mul3A_39 = arith.muli %arg1, %mul3A_38 : i32
    %add3A_40 = arith.constant 160 : i32
    %add3A_41 = arith.addi %mul3A_39, %add3A_40 : i32
    %dma_start3A_42 = arith.constant 0 : i32
    %dma_start3A_43 = tpu.memref_slice %arg5[%add3A_41, %dma_start3A_42] : memref<10240x128xf32, #tpu.memory_space<vmem_shared>> -> memref<40x128xf32, #tpu.memory_space<vmem_shared>>
    %dma_start3A_44 = arith.constant 0 : i32
    %dma_start3A_45 = tpu.memref_slice %arg5[%add3A_41, %dma_start3A_44] : memref<10240x128xf32, #tpu.memory_space<vmem_shared>> -> memref<40x128xf32, #tpu.memory_space<vmem_shared>>
    tpu.enqueue_dma source(%arg14 : memref<40x128xf32, #tpu.memory_space<vmem>>) target(%dma_start3A_45 : memref<40x128xf32, #tpu.memory_space<vmem_shared>>) target_semaphore(%arg38 : memref<!tpu.dma_semaphore, #tpu.memory_space<semaphore_mem>>)
    %mul3A_46 = arith.constant 640 : i32
    %mul3A_47 = arith.muli %arg1, %mul3A_46 : i32
    %add3A_48 = arith.constant 200 : i32
    %add3A_49 = arith.addi %mul3A_47, %add3A_48 : i32
    %dma_start3A_50 = arith.constant 0 : i32
    %dma_start3A_51 = tpu.memref_slice %arg5[%add3A_49, %dma_start3A_50] : memref<10240x128xf32, #tpu.memory_space<vmem_shared>> -> memref<40x128xf32, #tpu.memory_space<vmem_shared>>
    %dma_start3A_52 = arith.constant 0 : i32
    %dma_start3A_53 = tpu.memref_slice %arg5[%add3A_49, %dma_start3A_52] : memref<10240x128xf32, #tpu.memory_space<vmem_shared>> -> memref<40x128xf32, #tpu.memory_space<vmem_shared>>
    tpu.enqueue_dma source(%arg14 : memref<40x128xf32, #tpu.memory_space<vmem>>) target(%dma_start3A_53 : memref<40x128xf32, #tpu.memory_space<vmem_shared>>) target_semaphore(%arg38 : memref<!tpu.dma_semaphore, #tpu.memory_space<semaphore_mem>>)
    %mul3A_54 = arith.constant 640 : i32
    %mul3A_55 = arith.muli %arg1, %mul3A_54 : i32
    %add3A_56 = arith.constant 240 : i32
    %add3A_57 = arith.addi %mul3A_55, %add3A_56 : i32
    %dma_start3A_58 = arith.constant 0 : i32
    %dma_start3A_59 = tpu.memref_slice %arg5[%add3A_57, %dma_start3A_58] : memref<10240x128xf32, #tpu.memory_space<vmem_shared>> -> memref<40x128xf32, #tpu.memory_space<vmem_shared>>
    %dma_start3A_60 = arith.constant 0 : i32
    %dma_start3A_61 = tpu.memref_slice %arg5[%add3A_57, %dma_start3A_60] : memref<10240x128xf32, #tpu.memory_space<vmem_shared>> -> memref<40x128xf32, #tpu.memory_space<vmem_shared>>
    tpu.enqueue_dma source(%arg14 : memref<40x128xf32, #tpu.memory_space<vmem>>) target(%dma_start3A_61 : memref<40x128xf32, #tpu.memory_space<vmem_shared>>) target_semaphore(%arg38 : memref<!tpu.dma_semaphore, #tpu.memory_space<semaphore_mem>>)
    %mul3A_62 = arith.constant 640 : i32
    %mul3A_63 = arith.muli %arg1, %mul3A_62 : i32
    %add3A_64 = arith.constant 280 : i32
    %add3A_65 = arith.addi %mul3A_63, %add3A_64 : i32
    %dma_start3A_66 = arith.constant 0 : i32
    %dma_start3A_67 = tpu.memref_slice %arg5[%add3A_65, %dma_start3A_66] : memref<10240x128xf32, #tpu.memory_space<vmem_shared>> -> memref<40x128xf32, #tpu.memory_space<vmem_shared>>
    %dma_start3A_68 = arith.constant 0 : i32
    %dma_start3A_69 = tpu.memref_slice %arg5[%add3A_65, %dma_start3A_68] : memref<10240x128xf32, #tpu.memory_space<vmem_shared>> -> memref<40x128xf32, #tpu.memory_space<vmem_shared>>
    tpu.enqueue_dma source(%arg14 : memref<40x128xf32, #tpu.memory_space<vmem>>) target(%dma_start3A_69 : memref<40x128xf32, #tpu.memory_space<vmem_shared>>) target_semaphore(%arg38 : memref<!tpu.dma_semaphore, #tpu.memory_space<semaphore_mem>>)
    %mul3A_70 = arith.constant 640 : i32
    %mul3A_71 = arith.muli %arg1, %mul3A_70 : i32
    %add3A_72 = arith.constant 320 : i32
    %add3A_73 = arith.addi %mul3A_71, %add3A_72 : i32
    %dma_start3A_74 = arith.constant 0 : i32
    %dma_start3A_75 = tpu.memref_slice %arg5[%add3A_73, %dma_start3A_74] : memref<10240x128xf32, #tpu.memory_space<vmem_shared>> -> memref<40x128xf32, #tpu.memory_space<vmem_shared>>
    %dma_start3A_76 = arith.constant 0 : i32
    %dma_start3A_77 = tpu.memref_slice %arg5[%add3A_73, %dma_start3A_76] : memref<10240x128xf32, #tpu.memory_space<vmem_shared>> -> memref<40x128xf32, #tpu.memory_space<vmem_shared>>
    tpu.enqueue_dma source(%arg14 : memref<40x128xf32, #tpu.memory_space<vmem>>) target(%dma_start3A_77 : memref<40x128xf32, #tpu.memory_space<vmem_shared>>) target_semaphore(%arg38 : memref<!tpu.dma_semaphore, #tpu.memory_space<semaphore_mem>>)
    %mul3A_78 = arith.constant 640 : i32
    %mul3A_79 = arith.muli %arg1, %mul3A_78 : i32
    %add3A_80 = arith.constant 360 : i32
    %add3A_81 = arith.addi %mul3A_79, %add3A_80 : i32
    %dma_start3A_82 = arith.constant 0 : i32
    %dma_start3A_83 = tpu.memref_slice %arg5[%add3A_81, %dma_start3A_82] : memref<10240x128xf32, #tpu.memory_space<vmem_shared>> -> memref<40x128xf32, #tpu.memory_space<vmem_shared>>
    %dma_start3A_84 = arith.constant 0 : i32
    %dma_start3A_85 = tpu.memref_slice %arg5[%add3A_81, %dma_start3A_84] : memref<10240x128xf32, #tpu.memory_space<vmem_shared>> -> memref<40x128xf32, #tpu.memory_space<vmem_shared>>
    tpu.enqueue_dma source(%arg14 : memref<40x128xf32, #tpu.memory_space<vmem>>) target(%dma_start3A_85 : memref<40x128xf32, #tpu.memory_space<vmem_shared>>) target_semaphore(%arg38 : memref<!tpu.dma_semaphore, #tpu.memory_space<semaphore_mem>>)
    %mul3A_86 = arith.constant 640 : i32
    %mul3A_87 = arith.muli %arg1, %mul3A_86 : i32
    %add3A_88 = arith.constant 400 : i32
    %add3A_89 = arith.addi %mul3A_87, %add3A_88 : i32
    %dma_start3A_90 = arith.constant 0 : i32
    %dma_start3A_91 = tpu.memref_slice %arg5[%add3A_89, %dma_start3A_90] : memref<10240x128xf32, #tpu.memory_space<vmem_shared>> -> memref<40x128xf32, #tpu.memory_space<vmem_shared>>
    %dma_start3A_92 = arith.constant 0 : i32
    %dma_start3A_93 = tpu.memref_slice %arg5[%add3A_89, %dma_start3A_92] : memref<10240x128xf32, #tpu.memory_space<vmem_shared>> -> memref<40x128xf32, #tpu.memory_space<vmem_shared>>
    tpu.enqueue_dma source(%arg14 : memref<40x128xf32, #tpu.memory_space<vmem>>) target(%dma_start3A_93 : memref<40x128xf32, #tpu.memory_space<vmem_shared>>) target_semaphore(%arg38 : memref<!tpu.dma_semaphore, #tpu.memory_space<semaphore_mem>>)
    %mul3A_94 = arith.constant 640 : i32
    %mul3A_95 = arith.muli %arg1, %mul3A_94 : i32
    %add3A_96 = arith.constant 440 : i32
    %add3A_97 = arith.addi %mul3A_95, %add3A_96 : i32
    %dma_start3A_98 = arith.constant 0 : i32
    %dma_start3A_99 = tpu.memref_slice %arg5[%add3A_97, %dma_start3A_98] : memref<10240x128xf32, #tpu.memory_space<vmem_shared>> -> memref<40x128xf32, #tpu.memory_space<vmem_shared>>
    %dma_start3A_100 = arith.constant 0 : i32
    %dma_start3A_101 = tpu.memref_slice %arg5[%add3A_97, %dma_start3A_100] : memref<10240x128xf32, #tpu.memory_space<vmem_shared>> -> memref<40x128xf32, #tpu.memory_space<vmem_shared>>
    tpu.enqueue_dma source(%arg14 : memref<40x128xf32, #tpu.memory_space<vmem>>) target(%dma_start3A_101 : memref<40x128xf32, #tpu.memory_space<vmem_shared>>) target_semaphore(%arg38 : memref<!tpu.dma_semaphore, #tpu.memory_space<semaphore_mem>>)
    %mul3A_102 = arith.constant 640 : i32
    %mul3A_103 = arith.muli %arg1, %mul3A_102 : i32
    %add3A_104 = arith.constant 480 : i32
    %add3A_105 = arith.addi %mul3A_103, %add3A_104 : i32
    %dma_start3A_106 = arith.constant 0 : i32
    %dma_start3A_107 = tpu.memref_slice %arg5[%add3A_105, %dma_start3A_106] : memref<10240x128xf32, #tpu.memory_space<vmem_shared>> -> memref<40x128xf32, #tpu.memory_space<vmem_shared>>
    %dma_start3A_108 = arith.constant 0 : i32
    %dma_start3A_109 = tpu.memref_slice %arg5[%add3A_105, %dma_start3A_108] : memref<10240x128xf32, #tpu.memory_space<vmem_shared>> -> memref<40x128xf32, #tpu.memory_space<vmem_shared>>
    tpu.enqueue_dma source(%arg14 : memref<40x128xf32, #tpu.memory_space<vmem>>) target(%dma_start3A_109 : memref<40x128xf32, #tpu.memory_space<vmem_shared>>) target_semaphore(%arg38 : memref<!tpu.dma_semaphore, #tpu.memory_space<semaphore_mem>>)
    %mul3A_110 = arith.constant 640 : i32
    %mul3A_111 = arith.muli %arg1, %mul3A_110 : i32
    %add3A_112 = arith.constant 520 : i32
    %add3A_113 = arith.addi %mul3A_111, %add3A_112 : i32
    %dma_start3A_114 = arith.constant 0 : i32
    %dma_start3A_115 = tpu.memref_slice %arg5[%add3A_113, %dma_start3A_114] : memref<10240x128xf32, #tpu.memory_space<vmem_shared>> -> memref<40x128xf32, #tpu.memory_space<vmem_shared>>
    %dma_start3A_116 = arith.constant 0 : i32
    %dma_start3A_117 = tpu.memref_slice %arg5[%add3A_113, %dma_start3A_116] : memref<10240x128xf32, #tpu.memory_space<vmem_shared>> -> memref<40x128xf32, #tpu.memory_space<vmem_shared>>
    tpu.enqueue_dma source(%arg14 : memref<40x128xf32, #tpu.memory_space<vmem>>) target(%dma_start3A_117 : memref<40x128xf32, #tpu.memory_space<vmem_shared>>) target_semaphore(%arg38 : memref<!tpu.dma_semaphore, #tpu.memory_space<semaphore_mem>>)
    %mul3A_118 = arith.constant 640 : i32
    %mul3A_119 = arith.muli %arg1, %mul3A_118 : i32
    %add3A_120 = arith.constant 560 : i32
    %add3A_121 = arith.addi %mul3A_119, %add3A_120 : i32
    %dma_start3A_122 = arith.constant 0 : i32
    %dma_start3A_123 = tpu.memref_slice %arg5[%add3A_121, %dma_start3A_122] : memref<10240x128xf32, #tpu.memory_space<vmem_shared>> -> memref<40x128xf32, #tpu.memory_space<vmem_shared>>
    %dma_start3A_124 = arith.constant 0 : i32
    %dma_start3A_125 = tpu.memref_slice %arg5[%add3A_121, %dma_start3A_124] : memref<10240x128xf32, #tpu.memory_space<vmem_shared>> -> memref<40x128xf32, #tpu.memory_space<vmem_shared>>
    tpu.enqueue_dma source(%arg14 : memref<40x128xf32, #tpu.memory_space<vmem>>) target(%dma_start3A_125 : memref<40x128xf32, #tpu.memory_space<vmem_shared>>) target_semaphore(%arg38 : memref<!tpu.dma_semaphore, #tpu.memory_space<semaphore_mem>>)
    %mul3A_126 = arith.constant 640 : i32
    %mul3A_127 = arith.muli %arg1, %mul3A_126 : i32
    %add3A_128 = arith.constant 600 : i32
    %add3A_129 = arith.addi %mul3A_127, %add3A_128 : i32
    %dma_start3A_130 = arith.constant 0 : i32
    %dma_start3A_131 = tpu.memref_slice %arg5[%add3A_129, %dma_start3A_130] : memref<10240x128xf32, #tpu.memory_space<vmem_shared>> -> memref<40x128xf32, #tpu.memory_space<vmem_shared>>
    %dma_start3A_132 = arith.constant 0 : i32
    %dma_start3A_133 = tpu.memref_slice %arg5[%add3A_129, %dma_start3A_132] : memref<10240x128xf32, #tpu.memory_space<vmem_shared>> -> memref<40x128xf32, #tpu.memory_space<vmem_shared>>
    tpu.enqueue_dma source(%arg14 : memref<40x128xf32, #tpu.memory_space<vmem>>) target(%dma_start3A_133 : memref<40x128xf32, #tpu.memory_space<vmem_shared>>) target_semaphore(%arg38 : memref<!tpu.dma_semaphore, #tpu.memory_space<semaphore_mem>>)
    %dma_wait3A = arith.constant 0 : i32
    %dma_wait3A_134 = arith.constant 0 : i32
    %dma_wait3A_135 = tpu.memref_slice %arg5[%dma_wait3A, %dma_wait3A_134] : memref<10240x128xf32, #tpu.memory_space<vmem_shared>> -> memref<40x128xf32, #tpu.memory_space<vmem_shared>>
    %dma_wait3A_136 = arith.constant 0 : i32
    %dma_wait3A_137 = arith.constant 0 : i32
    %dma_wait3A_138 = tpu.memref_slice %arg5[%dma_wait3A_136, %dma_wait3A_137] : memref<10240x128xf32, #tpu.memory_space<vmem_shared>> -> memref<40x128xf32, #tpu.memory_space<vmem_shared>>
    tpu.wait_dma2 semaphore(%arg38 : memref<!tpu.dma_semaphore, #tpu.memory_space<semaphore_mem>>) src(%arg14 : memref<40x128xf32, #tpu.memory_space<vmem>>) dst(%dma_wait3A_138 : memref<40x128xf32, #tpu.memory_space<vmem_shared>>)
    %dma_wait3A_139 = arith.constant 0 : i32
    %dma_wait3A_140 = arith.constant 0 : i32
    %dma_wait3A_141 = tpu.memref_slice %arg5[%dma_wait3A_139, %dma_wait3A_140] : memref<10240x128xf32, #tpu.memory_space<vmem_shared>> -> memref<40x128xf32, #tpu.memory_space<vmem_shared>>
    %dma_wait3A_142 = arith.constant 0 : i32
    %dma_wait3A_143 = arith.constant 0 : i32
    %dma_wait3A_144 = tpu.memref_slice %arg5[%dma_wait3A_142, %dma_wait3A_143] : memref<10240x128xf32, #tpu.memory_space<vmem_shared>> -> memref<40x128xf32, #tpu.memory_space<vmem_shared>>
    tpu.wait_dma2 semaphore(%arg38 : memref<!tpu.dma_semaphore, #tpu.memory_space<semaphore_mem>>) src(%arg14 : memref<40x128xf32, #tpu.memory_space<vmem>>) dst(%dma_wait3A_144 : memref<40x128xf32, #tpu.memory_space<vmem_shared>>)
    %dma_wait3A_145 = arith.constant 0 : i32
    %dma_wait3A_146 = arith.constant 0 : i32
    %dma_wait3A_147 = tpu.memref_slice %arg5[%dma_wait3A_145, %dma_wait3A_146] : memref<10240x128xf32, #tpu.memory_space<vmem_shared>> -> memref<40x128xf32, #tpu.memory_space<vmem_shared>>
    %dma_wait3A_148 = arith.constant 0 : i32
    %dma_wait3A_149 = arith.constant 0 : i32
    %dma_wait3A_150 = tpu.memref_slice %arg5[%dma_wait3A_148, %dma_wait3A_149] : memref<10240x128xf32, #tpu.memory_space<vmem_shared>> -> memref<40x128xf32, #tpu.memory_space<vmem_shared>>
    tpu.wait_dma2 semaphore(%arg38 : memref<!tpu.dma_semaphore, #tpu.memory_space<semaphore_mem>>) src(%arg14 : memref<40x128xf32, #tpu.memory_space<vmem>>) dst(%dma_wait3A_150 : memref<40x128xf32, #tpu.memory_space<vmem_shared>>)
    %dma_wait3A_151 = arith.constant 0 : i32
    %dma_wait3A_152 = arith.constant 0 : i32
    %dma_wait3A_153 = tpu.memref_slice %arg5[%dma_wait3A_151, %dma_wait3A_152] : memref<10240x128xf32, #tpu.memory_space<vmem_shared>> -> memref<40x128xf32, #tpu.memory_space<vmem_shared>>
    %dma_wait3A_154 = arith.constant 0 : i32
    %dma_wait3A_155 = arith.constant 0 : i32
    %dma_wait3A_156 = tpu.memref_slice %arg5[%dma_wait3A_154, %dma_wait3A_155] : memref<10240x128xf32, #tpu.memory_space<vmem_shared>> -> memref<40x128xf32, #tpu.memory_space<vmem_shared>>
    tpu.wait_dma2 semaphore(%arg38 : memref<!tpu.dma_semaphore, #tpu.memory_space<semaphore_mem>>) src(%arg14 : memref<40x128xf32, #tpu.memory_space<vmem>>) dst(%dma_wait3A_156 : memref<40x128xf32, #tpu.memory_space<vmem_shared>>)
    %dma_wait3A_157 = arith.constant 0 : i32
    %dma_wait3A_158 = arith.constant 0 : i32
    %dma_wait3A_159 = tpu.memref_slice %arg5[%dma_wait3A_157, %dma_wait3A_158] : memref<10240x128xf32, #tpu.memory_space<vmem_shared>> -> memref<40x128xf32, #tpu.memory_space<vmem_shared>>
    %dma_wait3A_160 = arith.constant 0 : i32
    %dma_wait3A_161 = arith.constant 0 : i32
    %dma_wait3A_162 = tpu.memref_slice %arg5[%dma_wait3A_160, %dma_wait3A_161] : memref<10240x128xf32, #tpu.memory_space<vmem_shared>> -> memref<40x128xf32, #tpu.memory_space<vmem_shared>>
    tpu.wait_dma2 semaphore(%arg38 : memref<!tpu.dma_semaphore, #tpu.memory_space<semaphore_mem>>) src(%arg14 : memref<40x128xf32, #tpu.memory_space<vmem>>) dst(%dma_wait3A_162 : memref<40x128xf32, #tpu.memory_space<vmem_shared>>)
    %dma_wait3A_163 = arith.constant 0 : i32
    %dma_wait3A_164 = arith.constant 0 : i32
    %dma_wait3A_165 = tpu.memref_slice %arg5[%dma_wait3A_163, %dma_wait3A_164] : memref<10240x128xf32, #tpu.memory_space<vmem_shared>> -> memref<40x128xf32, #tpu.memory_space<vmem_shared>>
    %dma_wait3A_166 = arith.constant 0 : i32
    %dma_wait3A_167 = arith.constant 0 : i32
    %dma_wait3A_168 = tpu.memref_slice %arg5[%dma_wait3A_166, %dma_wait3A_167] : memref<10240x128xf32, #tpu.memory_space<vmem_shared>> -> memref<40x128xf32, #tpu.memory_space<vmem_shared>>
    tpu.wait_dma2 semaphore(%arg38 : memref<!tpu.dma_semaphore, #tpu.memory_space<semaphore_mem>>) src(%arg14 : memref<40x128xf32, #tpu.memory_space<vmem>>) dst(%dma_wait3A_168 : memref<40x128xf32, #tpu.memory_space<vmem_shared>>)
    %dma_wait3A_169 = arith.constant 0 : i32
    %dma_wait3A_170 = arith.constant 0 : i32
    %dma_wait3A_171 = tpu.memref_slice %arg5[%dma_wait3A_169, %dma_wait3A_170] : memref<10240x128xf32, #tpu.memory_space<vmem_shared>> -> memref<40x128xf32, #tpu.memory_space<vmem_shared>>
    %dma_wait3A_172 = arith.constant 0 : i32
    %dma_wait3A_173 = arith.constant 0 : i32
    %dma_wait3A_174 = tpu.memref_slice %arg5[%dma_wait3A_172, %dma_wait3A_173] : memref<10240x128xf32, #tpu.memory_space<vmem_shared>> -> memref<40x128xf32, #tpu.memory_space<vmem_shared>>
    tpu.wait_dma2 semaphore(%arg38 : memref<!tpu.dma_semaphore, #tpu.memory_space<semaphore_mem>>) src(%arg14 : memref<40x128xf32, #tpu.memory_space<vmem>>) dst(%dma_wait3A_174 : memref<40x128xf32, #tpu.memory_space<vmem_shared>>)
    %dma_wait3A_175 = arith.constant 0 : i32
    %dma_wait3A_176 = arith.constant 0 : i32
    %dma_wait3A_177 = tpu.memref_slice %arg5[%dma_wait3A_175, %dma_wait3A_176] : memref<10240x128xf32, #tpu.memory_space<vmem_shared>> -> memref<40x128xf32, #tpu.memory_space<vmem_shared>>
    %dma_wait3A_178 = arith.constant 0 : i32
    %dma_wait3A_179 = arith.constant 0 : i32
    %dma_wait3A_180 = tpu.memref_slice %arg5[%dma_wait3A_178, %dma_wait3A_179] : memref<10240x128xf32, #tpu.memory_space<vmem_shared>> -> memref<40x128xf32, #tpu.memory_space<vmem_shared>>
    tpu.wait_dma2 semaphore(%arg38 : memref<!tpu.dma_semaphore, #tpu.memory_space<semaphore_mem>>) src(%arg14 : memref<40x128xf32, #tpu.memory_space<vmem>>) dst(%dma_wait3A_180 : memref<40x128xf32, #tpu.memory_space<vmem_shared>>)
    %dma_wait3A_181 = arith.constant 0 : i32
    %dma_wait3A_182 = arith.constant 0 : i32
    %dma_wait3A_183 = tpu.memref_slice %arg5[%dma_wait3A_181, %dma_wait3A_182] : memref<10240x128xf32, #tpu.memory_space<vmem_shared>> -> memref<40x128xf32, #tpu.memory_space<vmem_shared>>
    %dma_wait3A_184 = arith.constant 0 : i32
    %dma_wait3A_185 = arith.constant 0 : i32
    %dma_wait3A_186 = tpu.memref_slice %arg5[%dma_wait3A_184, %dma_wait3A_185] : memref<10240x128xf32, #tpu.memory_space<vmem_shared>> -> memref<40x128xf32, #tpu.memory_space<vmem_shared>>
    tpu.wait_dma2 semaphore(%arg38 : memref<!tpu.dma_semaphore, #tpu.memory_space<semaphore_mem>>) src(%arg14 : memref<40x128xf32, #tpu.memory_space<vmem>>) dst(%dma_wait3A_186 : memref<40x128xf32, #tpu.memory_space<vmem_shared>>)
    %dma_wait3A_187 = arith.constant 0 : i32
    %dma_wait3A_188 = arith.constant 0 : i32
    %dma_wait3A_189 = tpu.memref_slice %arg5[%dma_wait3A_187, %dma_wait3A_188] : memref<10240x128xf32, #tpu.memory_space<vmem_shared>> -> memref<40x128xf32, #tpu.memory_space<vmem_shared>>
    %dma_wait3A_190 = arith.constant 0 : i32
    %dma_wait3A_191 = arith.constant 0 : i32
    %dma_wait3A_192 = tpu.memref_slice %arg5[%dma_wait3A_190, %dma_wait3A_191] : memref<10240x128xf32, #tpu.memory_space<vmem_shared>> -> memref<40x128xf32, #tpu.memory_space<vmem_shared>>
    tpu.wait_dma2 semaphore(%arg38 : memref<!tpu.dma_semaphore, #tpu.memory_space<semaphore_mem>>) src(%arg14 : memref<40x128xf32, #tpu.memory_space<vmem>>) dst(%dma_wait3A_192 : memref<40x128xf32, #tpu.memory_space<vmem_shared>>)
    %dma_wait3A_193 = arith.constant 0 : i32
    %dma_wait3A_194 = arith.constant 0 : i32
    %dma_wait3A_195 = tpu.memref_slice %arg5[%dma_wait3A_193, %dma_wait3A_194] : memref<10240x128xf32, #tpu.memory_space<vmem_shared>> -> memref<40x128xf32, #tpu.memory_space<vmem_shared>>
    %dma_wait3A_196 = arith.constant 0 : i32
    %dma_wait3A_197 = arith.constant 0 : i32
    %dma_wait3A_198 = tpu.memref_slice %arg5[%dma_wait3A_196, %dma_wait3A_197] : memref<10240x128xf32, #tpu.memory_space<vmem_shared>> -> memref<40x128xf32, #tpu.memory_space<vmem_shared>>
    tpu.wait_dma2 semaphore(%arg38 : memref<!tpu.dma_semaphore, #tpu.memory_space<semaphore_mem>>) src(%arg14 : memref<40x128xf32, #tpu.memory_space<vmem>>) dst(%dma_wait3A_198 : memref<40x128xf32, #tpu.memory_space<vmem_shared>>)
    %dma_wait3A_199 = arith.constant 0 : i32
    %dma_wait3A_200 = arith.constant 0 : i32
    %dma_wait3A_201 = tpu.memref_slice %arg5[%dma_wait3A_199, %dma_wait3A_200] : memref<10240x128xf32, #tpu.memory_space<vmem_shared>> -> memref<40x128xf32, #tpu.memory_space<vmem_shared>>
    %dma_wait3A_202 = arith.constant 0 : i32
    %dma_wait3A_203 = arith.constant 0 : i32
    %dma_wait3A_204 = tpu.memref_slice %arg5[%dma_wait3A_202, %dma_wait3A_203] : memref<10240x128xf32, #tpu.memory_space<vmem_shared>> -> memref<40x128xf32, #tpu.memory_space<vmem_shared>>
    tpu.wait_dma2 semaphore(%arg38 : memref<!tpu.dma_semaphore, #tpu.memory_space<semaphore_mem>>) src(%arg14 : memref<40x128xf32, #tpu.memory_space<vmem>>) dst(%dma_wait3A_204 : memref<40x128xf32, #tpu.memory_space<vmem_shared>>)
    %dma_wait3A_205 = arith.constant 0 : i32
    %dma_wait3A_206 = arith.constant 0 : i32
    %dma_wait3A_207 = tpu.memref_slice %arg5[%dma_wait3A_205, %dma_wait3A_206] : memref<10240x128xf32, #tpu.memory_space<vmem_shared>> -> memref<40x128xf32, #tpu.memory_space<vmem_shared>>
    %dma_wait3A_208 = arith.constant 0 : i32
    %dma_wait3A_209 = arith.constant 0 : i32
    %dma_wait3A_210 = tpu.memref_slice %arg5[%dma_wait3A_208, %dma_wait3A_209] : memref<10240x128xf32, #tpu.memory_space<vmem_shared>> -> memref<40x128xf32, #tpu.memory_space<vmem_shared>>
    tpu.wait_dma2 semaphore(%arg38 : memref<!tpu.dma_semaphore, #tpu.memory_space<semaphore_mem>>) src(%arg14 : memref<40x128xf32, #tpu.memory_space<vmem>>) dst(%dma_wait3A_210 : memref<40x128xf32, #tpu.memory_space<vmem_shared>>)
    %dma_wait3A_211 = arith.constant 0 : i32
    %dma_wait3A_212 = arith.constant 0 : i32
    %dma_wait3A_213 = tpu.memref_slice %arg5[%dma_wait3A_211, %dma_wait3A_212] : memref<10240x128xf32, #tpu.memory_space<vmem_shared>> -> memref<40x128xf32, #tpu.memory_space<vmem_shared>>
    %dma_wait3A_214 = arith.constant 0 : i32
    %dma_wait3A_215 = arith.constant 0 : i32
    %dma_wait3A_216 = tpu.memref_slice %arg5[%dma_wait3A_214, %dma_wait3A_215] : memref<10240x128xf32, #tpu.memory_space<vmem_shared>> -> memref<40x128xf32, #tpu.memory_space<vmem_shared>>
    tpu.wait_dma2 semaphore(%arg38 : memref<!tpu.dma_semaphore, #tpu.memory_space<semaphore_mem>>) src(%arg14 : memref<40x128xf32, #tpu.memory_space<vmem>>) dst(%dma_wait3A_216 : memref<40x128xf32, #tpu.memory_space<vmem_shared>>)
    %dma_wait3A_217 = arith.constant 0 : i32
    %dma_wait3A_218 = arith.constant 0 : i32
    %dma_wait3A_219 = tpu.memref_slice %arg5[%dma_wait3A_217, %dma_wait3A_218] : memref<10240x128xf32, #tpu.memory_space<vmem_shared>> -> memref<40x128xf32, #tpu.memory_space<vmem_shared>>
    %dma_wait3A_220 = arith.constant 0 : i32
    %dma_wait3A_221 = arith.constant 0 : i32
    %dma_wait3A_222 = tpu.memref_slice %arg5[%dma_wait3A_220, %dma_wait3A_221] : memref<10240x128xf32, #tpu.memory_space<vmem_shared>> -> memref<40x128xf32, #tpu.memory_space<vmem_shared>>
    tpu.wait_dma2 semaphore(%arg38 : memref<!tpu.dma_semaphore, #tpu.memory_space<semaphore_mem>>) src(%arg14 : memref<40x128xf32, #tpu.memory_space<vmem>>) dst(%dma_wait3A_222 : memref<40x128xf32, #tpu.memory_space<vmem_shared>>)
    %dma_wait3A_223 = arith.constant 0 : i32
    %dma_wait3A_224 = arith.constant 0 : i32
    %dma_wait3A_225 = tpu.memref_slice %arg5[%dma_wait3A_223, %dma_wait3A_224] : memref<10240x128xf32, #tpu.memory_space<vmem_shared>> -> memref<40x128xf32, #tpu.memory_space<vmem_shared>>
    %dma_wait3A_226 = arith.constant 0 : i32
    %dma_wait3A_227 = arith.constant 0 : i32
    %dma_wait3A_228 = tpu.memref_slice %arg5[%dma_wait3A_226, %dma_wait3A_227] : memref<10240x128xf32, #tpu.memory_space<vmem_shared>> -> memref<40x128xf32, #tpu.memory_space<vmem_shared>>
    tpu.wait_dma2 semaphore(%arg38 : memref<!tpu.dma_semaphore, #tpu.memory_space<semaphore_mem>>) src(%arg14 : memref<40x128xf32, #tpu.memory_space<vmem>>) dst(%dma_wait3A_228 : memref<40x128xf32, #tpu.memory_space<vmem_shared>>)
    %barrier3A = arith.constant 0 : index
    tpu.barrier barrier_id(%barrier3A)
    %dma_start3A_229 = arith.constant 0 : i32
    %dma_start3A_230 = arith.constant 0 : i32
    %dma_start3A_231 = arith.constant 0 : i32
    %dma_start3A_232 = tpu.memref_slice %arg3[%add3A, %dma_start3A_229, %dma_start3A_230, %dma_start3A_231] : memref<32x256x2x40xi32, #tpu.memory_space<hbm>> -> memref<1x1x2x40xi32, #tpu.memory_space<hbm>>
    %dma_start3A_233 = tpu.memref_squeeze %dma_start3A_232 : memref<1x1x2x40xi32, #tpu.memory_space<hbm>> -> memref<2x40xi32, #tpu.memory_space<hbm>>
    %dma_start3A_234 = arith.constant 0 : i32
    %dma_start3A_235 = arith.constant 0 : i32
    %dma_start3A_236 = tpu.memref_slice %arg3[%add3A, %dma_start3A_229, %dma_start3A_234, %dma_start3A_235] : memref<32x256x2x40xi32, #tpu.memory_space<hbm>> -> memref<1x1x2x40xi32, #tpu.memory_space<hbm>>
    %dma_start3A_237 = tpu.memref_squeeze %dma_start3A_236 : memref<1x1x2x40xi32, #tpu.memory_space<hbm>> -> memref<2x40xi32, #tpu.memory_space<hbm>>
    tpu.enqueue_dma source(%dma_start3A_237 : memref<2x40xi32, #tpu.memory_space<hbm>>) target(%arg6 : memref<2x40xi32, #tpu.memory_space<vmem>>) target_semaphore(%arg22 : memref<!tpu.dma_semaphore, #tpu.memory_space<semaphore_mem>>)
    %dma_start3A_238 = arith.constant 1 : i32
    %dma_start3A_239 = arith.constant 0 : i32
    %dma_start3A_240 = arith.constant 0 : i32
    %dma_start3A_241 = tpu.memref_slice %arg3[%add3A, %dma_start3A_238, %dma_start3A_239, %dma_start3A_240] : memref<32x256x2x40xi32, #tpu.memory_space<hbm>> -> memref<1x1x2x40xi32, #tpu.memory_space<hbm>>
    %dma_start3A_242 = tpu.memref_squeeze %dma_start3A_241 : memref<1x1x2x40xi32, #tpu.memory_space<hbm>> -> memref<2x40xi32, #tpu.memory_space<hbm>>
    %dma_start3A_243 = arith.constant 0 : i32
    %dma_start3A_244 = arith.constant 0 : i32
    %dma_start3A_245 = tpu.memref_slice %arg3[%add3A, %dma_start3A_238, %dma_start3A_243, %dma_start3A_244] : memref<32x256x2x40xi32, #tpu.memory_space<hbm>> -> memref<1x1x2x40xi32, #tpu.memory_space<hbm>>
    %dma_start3A_246 = tpu.memref_squeeze %dma_start3A_245 : memref<1x1x2x40xi32, #tpu.memory_space<hbm>> -> memref<2x40xi32, #tpu.memory_space<hbm>>
    tpu.enqueue_dma source(%dma_start3A_246 : memref<2x40xi32, #tpu.memory_space<hbm>>) target(%arg7 : memref<2x40xi32, #tpu.memory_space<vmem>>) target_semaphore(%arg23 : memref<!tpu.dma_semaphore, #tpu.memory_space<semaphore_mem>>)
    %dma_start3A_247 = arith.constant 2 : i32
    %dma_start3A_248 = arith.constant 0 : i32
    %dma_start3A_249 = arith.constant 0 : i32
    %dma_start3A_250 = tpu.memref_slice %arg3[%add3A, %dma_start3A_247, %dma_start3A_248, %dma_start3A_249] : memref<32x256x2x40xi32, #tpu.memory_space<hbm>> -> memref<1x1x2x40xi32, #tpu.memory_space<hbm>>
    %dma_start3A_251 = tpu.memref_squeeze %dma_start3A_250 : memref<1x1x2x40xi32, #tpu.memory_space<hbm>> -> memref<2x40xi32, #tpu.memory_space<hbm>>
    %dma_start3A_252 = arith.constant 0 : i32
    %dma_start3A_253 = arith.constant 0 : i32
    %dma_start3A_254 = tpu.memref_slice %arg3[%add3A, %dma_start3A_247, %dma_start3A_252, %dma_start3A_253] : memref<32x256x2x40xi32, #tpu.memory_space<hbm>> -> memref<1x1x2x40xi32, #tpu.memory_space<hbm>>
    %dma_start3A_255 = tpu.memref_squeeze %dma_start3A_254 : memref<1x1x2x40xi32, #tpu.memory_space<hbm>> -> memref<2x40xi32, #tpu.memory_space<hbm>>
    tpu.enqueue_dma source(%dma_start3A_255 : memref<2x40xi32, #tpu.memory_space<hbm>>) target(%arg8 : memref<2x40xi32, #tpu.memory_space<vmem>>) target_semaphore(%arg24 : memref<!tpu.dma_semaphore, #tpu.memory_space<semaphore_mem>>)
    %dma_start3A_256 = arith.constant 3 : i32
    %dma_start3A_257 = arith.constant 0 : i32
    %dma_start3A_258 = arith.constant 0 : i32
    %dma_start3A_259 = tpu.memref_slice %arg3[%add3A, %dma_start3A_256, %dma_start3A_257, %dma_start3A_258] : memref<32x256x2x40xi32, #tpu.memory_space<hbm>> -> memref<1x1x2x40xi32, #tpu.memory_space<hbm>>
    %dma_start3A_260 = tpu.memref_squeeze %dma_start3A_259 : memref<1x1x2x40xi32, #tpu.memory_space<hbm>> -> memref<2x40xi32, #tpu.memory_space<hbm>>
    %dma_start3A_261 = arith.constant 0 : i32
    %dma_start3A_262 = arith.constant 0 : i32
    %dma_start3A_263 = tpu.memref_slice %arg3[%add3A, %dma_start3A_256, %dma_start3A_261, %dma_start3A_262] : memref<32x256x2x40xi32, #tpu.memory_space<hbm>> -> memref<1x1x2x40xi32, #tpu.memory_space<hbm>>
    %dma_start3A_264 = tpu.memref_squeeze %dma_start3A_263 : memref<1x1x2x40xi32, #tpu.memory_space<hbm>> -> memref<2x40xi32, #tpu.memory_space<hbm>>
    tpu.enqueue_dma source(%dma_start3A_264 : memref<2x40xi32, #tpu.memory_space<hbm>>) target(%arg9 : memref<2x40xi32, #tpu.memory_space<vmem>>) target_semaphore(%arg25 : memref<!tpu.dma_semaphore, #tpu.memory_space<semaphore_mem>>)
    %dma_start3A_265 = arith.constant 4 : i32
    %dma_start3A_266 = arith.constant 0 : i32
    %dma_start3A_267 = arith.constant 0 : i32
    %dma_start3A_268 = tpu.memref_slice %arg3[%add3A, %dma_start3A_265, %dma_start3A_266, %dma_start3A_267] : memref<32x256x2x40xi32, #tpu.memory_space<hbm>> -> memref<1x1x2x40xi32, #tpu.memory_space<hbm>>
    %dma_start3A_269 = tpu.memref_squeeze %dma_start3A_268 : memref<1x1x2x40xi32, #tpu.memory_space<hbm>> -> memref<2x40xi32, #tpu.memory_space<hbm>>
    %dma_start3A_270 = arith.constant 0 : i32
    %dma_start3A_271 = arith.constant 0 : i32
    %dma_start3A_272 = tpu.memref_slice %arg3[%add3A, %dma_start3A_265, %dma_start3A_270, %dma_start3A_271] : memref<32x256x2x40xi32, #tpu.memory_space<hbm>> -> memref<1x1x2x40xi32, #tpu.memory_space<hbm>>
    %dma_start3A_273 = tpu.memref_squeeze %dma_start3A_272 : memref<1x1x2x40xi32, #tpu.memory_space<hbm>> -> memref<2x40xi32, #tpu.memory_space<hbm>>
    tpu.enqueue_dma source(%dma_start3A_273 : memref<2x40xi32, #tpu.memory_space<hbm>>) target(%arg10 : memref<2x40xi32, #tpu.memory_space<vmem>>) target_semaphore(%arg26 : memref<!tpu.dma_semaphore, #tpu.memory_space<semaphore_mem>>)
    %dma_start3A_274 = arith.constant 5 : i32
    %dma_start3A_275 = arith.constant 0 : i32
    %dma_start3A_276 = arith.constant 0 : i32
    %dma_start3A_277 = tpu.memref_slice %arg3[%add3A, %dma_start3A_274, %dma_start3A_275, %dma_start3A_276] : memref<32x256x2x40xi32, #tpu.memory_space<hbm>> -> memref<1x1x2x40xi32, #tpu.memory_space<hbm>>
    %dma_start3A_278 = tpu.memref_squeeze %dma_start3A_277 : memref<1x1x2x40xi32, #tpu.memory_space<hbm>> -> memref<2x40xi32, #tpu.memory_space<hbm>>
    %dma_start3A_279 = arith.constant 0 : i32
    %dma_start3A_280 = arith.constant 0 : i32
    %dma_start3A_281 = tpu.memref_slice %arg3[%add3A, %dma_start3A_274, %dma_start3A_279, %dma_start3A_280] : memref<32x256x2x40xi32, #tpu.memory_space<hbm>> -> memref<1x1x2x40xi32, #tpu.memory_space<hbm>>
    %dma_start3A_282 = tpu.memref_squeeze %dma_start3A_281 : memref<1x1x2x40xi32, #tpu.memory_space<hbm>> -> memref<2x40xi32, #tpu.memory_space<hbm>>
    tpu.enqueue_dma source(%dma_start3A_282 : memref<2x40xi32, #tpu.memory_space<hbm>>) target(%arg11 : memref<2x40xi32, #tpu.memory_space<vmem>>) target_semaphore(%arg27 : memref<!tpu.dma_semaphore, #tpu.memory_space<semaphore_mem>>)
    %dma_start3A_283 = arith.constant 6 : i32
    %dma_start3A_284 = arith.constant 0 : i32
    %dma_start3A_285 = arith.constant 0 : i32
    %dma_start3A_286 = tpu.memref_slice %arg3[%add3A, %dma_start3A_283, %dma_start3A_284, %dma_start3A_285] : memref<32x256x2x40xi32, #tpu.memory_space<hbm>> -> memref<1x1x2x40xi32, #tpu.memory_space<hbm>>
    %dma_start3A_287 = tpu.memref_squeeze %dma_start3A_286 : memref<1x1x2x40xi32, #tpu.memory_space<hbm>> -> memref<2x40xi32, #tpu.memory_space<hbm>>
    %dma_start3A_288 = arith.constant 0 : i32
    %dma_start3A_289 = arith.constant 0 : i32
    %dma_start3A_290 = tpu.memref_slice %arg3[%add3A, %dma_start3A_283, %dma_start3A_288, %dma_start3A_289] : memref<32x256x2x40xi32, #tpu.memory_space<hbm>> -> memref<1x1x2x40xi32, #tpu.memory_space<hbm>>
    %dma_start3A_291 = tpu.memref_squeeze %dma_start3A_290 : memref<1x1x2x40xi32, #tpu.memory_space<hbm>> -> memref<2x40xi32, #tpu.memory_space<hbm>>
    tpu.enqueue_dma source(%dma_start3A_291 : memref<2x40xi32, #tpu.memory_space<hbm>>) target(%arg12 : memref<2x40xi32, #tpu.memory_space<vmem>>) target_semaphore(%arg28 : memref<!tpu.dma_semaphore, #tpu.memory_space<semaphore_mem>>)
    %dma_start3A_292 = arith.constant 7 : i32
    %dma_start3A_293 = arith.constant 0 : i32
    %dma_start3A_294 = arith.constant 0 : i32
    %dma_start3A_295 = tpu.memref_slice %arg3[%add3A, %dma_start3A_292, %dma_start3A_293, %dma_start3A_294] : memref<32x256x2x40xi32, #tpu.memory_space<hbm>> -> memref<1x1x2x40xi32, #tpu.memory_space<hbm>>
    %dma_start3A_296 = tpu.memref_squeeze %dma_start3A_295 : memref<1x1x2x40xi32, #tpu.memory_space<hbm>> -> memref<2x40xi32, #tpu.memory_space<hbm>>
    %dma_start3A_297 = arith.constant 0 : i32
    %dma_start3A_298 = arith.constant 0 : i32
    %dma_start3A_299 = tpu.memref_slice %arg3[%add3A, %dma_start3A_292, %dma_start3A_297, %dma_start3A_298] : memref<32x256x2x40xi32, #tpu.memory_space<hbm>> -> memref<1x1x2x40xi32, #tpu.memory_space<hbm>>
    %dma_start3A_300 = tpu.memref_squeeze %dma_start3A_299 : memref<1x1x2x40xi32, #tpu.memory_space<hbm>> -> memref<2x40xi32, #tpu.memory_space<hbm>>
    tpu.enqueue_dma source(%dma_start3A_300 : memref<2x40xi32, #tpu.memory_space<hbm>>) target(%arg13 : memref<2x40xi32, #tpu.memory_space<vmem>>) target_semaphore(%arg29 : memref<!tpu.dma_semaphore, #tpu.memory_space<semaphore_mem>>)
    %scan3A_301 = arith.constant 0 : i32
    %scan3A_302 = arith.constant 0 : i32
    %scan3A_303 = arith.constant 32 : i32
    %scan3A_304 = arith.addi %scan3A_302, %scan3A_303 : i32
    %scan3A_305 = arith.constant 1 : i32
    scf.for %scan3A_652 = %scan3A_302 to %scan3A_304 step %scan3A_305  : i32 {
      %mul3A_653 = arith.constant 8 : i32
      %mul3A_654 = arith.muli %mul3A_653, %scan3A_652 : i32
      %dma_wait3A_655 = arith.constant 0 : i32
      %dma_wait3A_656 = arith.constant 0 : i32
      %dma_wait3A_657 = arith.constant 0 : i32
      %dma_wait3A_658 = arith.constant 0 : i32
      %dma_wait3A_659 = tpu.memref_slice %arg3[%dma_wait3A_655, %dma_wait3A_656, %dma_wait3A_657, %dma_wait3A_658] : memref<32x256x2x40xi32, #tpu.memory_space<hbm>> -> memref<1x1x2x40xi32, #tpu.memory_space<hbm>>
      %dma_wait3A_660 = tpu.memref_squeeze %dma_wait3A_659 : memref<1x1x2x40xi32, #tpu.memory_space<hbm>> -> memref<2x40xi32, #tpu.memory_space<hbm>>
      %dma_wait3A_661 = arith.constant 0 : i32
      %dma_wait3A_662 = arith.constant 0 : i32
      %dma_wait3A_663 = tpu.memref_slice %arg3[%dma_wait3A_655, %dma_wait3A_656, %dma_wait3A_661, %dma_wait3A_662] : memref<32x256x2x40xi32, #tpu.memory_space<hbm>> -> memref<1x1x2x40xi32, #tpu.memory_space<hbm>>
      %dma_wait3A_664 = tpu.memref_squeeze %dma_wait3A_663 : memref<1x1x2x40xi32, #tpu.memory_space<hbm>> -> memref<2x40xi32, #tpu.memory_space<hbm>>
      tpu.wait_dma2 semaphore(%arg22 : memref<!tpu.dma_semaphore, #tpu.memory_space<semaphore_mem>>) src(%dma_wait3A_664 : memref<2x40xi32, #tpu.memory_space<hbm>>) dst(%arg6 : memref<2x40xi32, #tpu.memory_space<vmem>>)
      %dma_start3A_665 = arith.constant 0 : i32
      %dma_start3A_666 = arith.constant 0 : i32
      %dma_start3A_667 = tpu.memref_slice %arg6[%dma_start3A_665, %dma_start3A_666] : memref<2x40xi32, #tpu.memory_space<vmem>> -> memref<1x40xi32, #tpu.memory_space<vmem>>
      %dma_start3A_668 = tpu.memref_squeeze %dma_start3A_667 : memref<1x40xi32, #tpu.memory_space<vmem>> -> memref<40xi32, #tpu.memory_space<vmem>>
      %dma_start3A_669 = arith.constant 0 : i32
      %dma_start3A_670 = arith.constant 0 : i32
      %dma_start3A_671 = tpu.memref_slice %arg2[%dma_start3A_669, %dma_start3A_670] : memref<10000x128xf32, #tpu.memory_space<hbm>> -> memref<10000x128xf32, #tpu.memory_space<hbm>>
      tpu.enqueue_indirect_dma source(%dma_start3A_671 : memref<10000x128xf32, #tpu.memory_space<hbm>>) target(%arg14 : memref<40x128xf32, #tpu.memory_space<vmem>>) offsets(%dma_start3A_668 : memref<40xi32, #tpu.memory_space<vmem>>) semaphore(%arg30 : memref<!tpu.dma_semaphore, #tpu.memory_space<semaphore_mem>>)
      %dma_wait3A_672 = arith.constant 0 : i32
      %dma_wait3A_673 = arith.constant 0 : i32
      %dma_wait3A_674 = arith.constant 0 : i32
      %dma_wait3A_675 = arith.constant 0 : i32
      %dma_wait3A_676 = tpu.memref_slice %arg3[%dma_wait3A_672, %dma_wait3A_673, %dma_wait3A_674, %dma_wait3A_675] : memref<32x256x2x40xi32, #tpu.memory_space<hbm>> -> memref<1x1x2x40xi32, #tpu.memory_space<hbm>>
      %dma_wait3A_677 = tpu.memref_squeeze %dma_wait3A_676 : memref<1x1x2x40xi32, #tpu.memory_space<hbm>> -> memref<2x40xi32, #tpu.memory_space<hbm>>
      %dma_wait3A_678 = arith.constant 0 : i32
      %dma_wait3A_679 = arith.constant 0 : i32
      %dma_wait3A_680 = tpu.memref_slice %arg3[%dma_wait3A_672, %dma_wait3A_673, %dma_wait3A_678, %dma_wait3A_679] : memref<32x256x2x40xi32, #tpu.memory_space<hbm>> -> memref<1x1x2x40xi32, #tpu.memory_space<hbm>>
      %dma_wait3A_681 = tpu.memref_squeeze %dma_wait3A_680 : memref<1x1x2x40xi32, #tpu.memory_space<hbm>> -> memref<2x40xi32, #tpu.memory_space<hbm>>
      tpu.wait_dma2 semaphore(%arg23 : memref<!tpu.dma_semaphore, #tpu.memory_space<semaphore_mem>>) src(%dma_wait3A_681 : memref<2x40xi32, #tpu.memory_space<hbm>>) dst(%arg7 : memref<2x40xi32, #tpu.memory_space<vmem>>)
      %dma_start3A_682 = arith.constant 0 : i32
      %dma_start3A_683 = arith.constant 0 : i32
      %dma_start3A_684 = tpu.memref_slice %arg7[%dma_start3A_682, %dma_start3A_683] : memref<2x40xi32, #tpu.memory_space<vmem>> -> memref<1x40xi32, #tpu.memory_space<vmem>>
      %dma_start3A_685 = tpu.memref_squeeze %dma_start3A_684 : memref<1x40xi32, #tpu.memory_space<vmem>> -> memref<40xi32, #tpu.memory_space<vmem>>
      %dma_start3A_686 = arith.constant 0 : i32
      %dma_start3A_687 = arith.constant 0 : i32
      %dma_start3A_688 = tpu.memref_slice %arg2[%dma_start3A_686, %dma_start3A_687] : memref<10000x128xf32, #tpu.memory_space<hbm>> -> memref<10000x128xf32, #tpu.memory_space<hbm>>
      tpu.enqueue_indirect_dma source(%dma_start3A_688 : memref<10000x128xf32, #tpu.memory_space<hbm>>) target(%arg15 : memref<40x128xf32, #tpu.memory_space<vmem>>) offsets(%dma_start3A_685 : memref<40xi32, #tpu.memory_space<vmem>>) semaphore(%arg31 : memref<!tpu.dma_semaphore, #tpu.memory_space<semaphore_mem>>)
      %dma_wait3A_689 = arith.constant 0 : i32
      %dma_wait3A_690 = arith.constant 0 : i32
      %dma_wait3A_691 = arith.constant 0 : i32
      %dma_wait3A_692 = arith.constant 0 : i32
      %dma_wait3A_693 = tpu.memref_slice %arg3[%dma_wait3A_689, %dma_wait3A_690, %dma_wait3A_691, %dma_wait3A_692] : memref<32x256x2x40xi32, #tpu.memory_space<hbm>> -> memref<1x1x2x40xi32, #tpu.memory_space<hbm>>
      %dma_wait3A_694 = tpu.memref_squeeze %dma_wait3A_693 : memref<1x1x2x40xi32, #tpu.memory_space<hbm>> -> memref<2x40xi32, #tpu.memory_space<hbm>>
      %dma_wait3A_695 = arith.constant 0 : i32
      %dma_wait3A_696 = arith.constant 0 : i32
      %dma_wait3A_697 = tpu.memref_slice %arg3[%dma_wait3A_689, %dma_wait3A_690, %dma_wait3A_695, %dma_wait3A_696] : memref<32x256x2x40xi32, #tpu.memory_space<hbm>> -> memref<1x1x2x40xi32, #tpu.memory_space<hbm>>
      %dma_wait3A_698 = tpu.memref_squeeze %dma_wait3A_697 : memref<1x1x2x40xi32, #tpu.memory_space<hbm>> -> memref<2x40xi32, #tpu.memory_space<hbm>>
      tpu.wait_dma2 semaphore(%arg24 : memref<!tpu.dma_semaphore, #tpu.memory_space<semaphore_mem>>) src(%dma_wait3A_698 : memref<2x40xi32, #tpu.memory_space<hbm>>) dst(%arg8 : memref<2x40xi32, #tpu.memory_space<vmem>>)
      %dma_start3A_699 = arith.constant 0 : i32
      %dma_start3A_700 = arith.constant 0 : i32
      %dma_start3A_701 = tpu.memref_slice %arg8[%dma_start3A_699, %dma_start3A_700] : memref<2x40xi32, #tpu.memory_space<vmem>> -> memref<1x40xi32, #tpu.memory_space<vmem>>
      %dma_start3A_702 = tpu.memref_squeeze %dma_start3A_701 : memref<1x40xi32, #tpu.memory_space<vmem>> -> memref<40xi32, #tpu.memory_space<vmem>>
      %dma_start3A_703 = arith.constant 0 : i32
      %dma_start3A_704 = arith.constant 0 : i32
      %dma_start3A_705 = tpu.memref_slice %arg2[%dma_start3A_703, %dma_start3A_704] : memref<10000x128xf32, #tpu.memory_space<hbm>> -> memref<10000x128xf32, #tpu.memory_space<hbm>>
      tpu.enqueue_indirect_dma source(%dma_start3A_705 : memref<10000x128xf32, #tpu.memory_space<hbm>>) target(%arg16 : memref<40x128xf32, #tpu.memory_space<vmem>>) offsets(%dma_start3A_702 : memref<40xi32, #tpu.memory_space<vmem>>) semaphore(%arg32 : memref<!tpu.dma_semaphore, #tpu.memory_space<semaphore_mem>>)
      %dma_wait3A_706 = arith.constant 0 : i32
      %dma_wait3A_707 = arith.constant 0 : i32
      %dma_wait3A_708 = arith.constant 0 : i32
      %dma_wait3A_709 = arith.constant 0 : i32
      %dma_wait3A_710 = tpu.memref_slice %arg3[%dma_wait3A_706, %dma_wait3A_707, %dma_wait3A_708, %dma_wait3A_709] : memref<32x256x2x40xi32, #tpu.memory_space<hbm>> -> memref<1x1x2x40xi32, #tpu.memory_space<hbm>>
      %dma_wait3A_711 = tpu.memref_squeeze %dma_wait3A_710 : memref<1x1x2x40xi32, #tpu.memory_space<hbm>> -> memref<2x40xi32, #tpu.memory_space<hbm>>
      %dma_wait3A_712 = arith.constant 0 : i32
      %dma_wait3A_713 = arith.constant 0 : i32
      %dma_wait3A_714 = tpu.memref_slice %arg3[%dma_wait3A_706, %dma_wait3A_707, %dma_wait3A_712, %dma_wait3A_713] : memref<32x256x2x40xi32, #tpu.memory_space<hbm>> -> memref<1x1x2x40xi32, #tpu.memory_space<hbm>>
      %dma_wait3A_715 = tpu.memref_squeeze %dma_wait3A_714 : memref<1x1x2x40xi32, #tpu.memory_space<hbm>> -> memref<2x40xi32, #tpu.memory_space<hbm>>
      tpu.wait_dma2 semaphore(%arg25 : memref<!tpu.dma_semaphore, #tpu.memory_space<semaphore_mem>>) src(%dma_wait3A_715 : memref<2x40xi32, #tpu.memory_space<hbm>>) dst(%arg9 : memref<2x40xi32, #tpu.memory_space<vmem>>)
      %dma_start3A_716 = arith.constant 0 : i32
      %dma_start3A_717 = arith.constant 0 : i32
      %dma_start3A_718 = tpu.memref_slice %arg9[%dma_start3A_716, %dma_start3A_717] : memref<2x40xi32, #tpu.memory_space<vmem>> -> memref<1x40xi32, #tpu.memory_space<vmem>>
      %dma_start3A_719 = tpu.memref_squeeze %dma_start3A_718 : memref<1x40xi32, #tpu.memory_space<vmem>> -> memref<40xi32, #tpu.memory_space<vmem>>
      %dma_start3A_720 = arith.constant 0 : i32
      %dma_start3A_721 = arith.constant 0 : i32
      %dma_start3A_722 = tpu.memref_slice %arg2[%dma_start3A_720, %dma_start3A_721] : memref<10000x128xf32, #tpu.memory_space<hbm>> -> memref<10000x128xf32, #tpu.memory_space<hbm>>
      tpu.enqueue_indirect_dma source(%dma_start3A_722 : memref<10000x128xf32, #tpu.memory_space<hbm>>) target(%arg17 : memref<40x128xf32, #tpu.memory_space<vmem>>) offsets(%dma_start3A_719 : memref<40xi32, #tpu.memory_space<vmem>>) semaphore(%arg33 : memref<!tpu.dma_semaphore, #tpu.memory_space<semaphore_mem>>)
      %dma_wait3A_723 = arith.constant 0 : i32
      %dma_wait3A_724 = arith.constant 0 : i32
      %dma_wait3A_725 = arith.constant 0 : i32
      %dma_wait3A_726 = arith.constant 0 : i32
      %dma_wait3A_727 = tpu.memref_slice %arg3[%dma_wait3A_723, %dma_wait3A_724, %dma_wait3A_725, %dma_wait3A_726] : memref<32x256x2x40xi32, #tpu.memory_space<hbm>> -> memref<1x1x2x40xi32, #tpu.memory_space<hbm>>
      %dma_wait3A_728 = tpu.memref_squeeze %dma_wait3A_727 : memref<1x1x2x40xi32, #tpu.memory_space<hbm>> -> memref<2x40xi32, #tpu.memory_space<hbm>>
      %dma_wait3A_729 = arith.constant 0 : i32
      %dma_wait3A_730 = arith.constant 0 : i32
      %dma_wait3A_731 = tpu.memref_slice %arg3[%dma_wait3A_723, %dma_wait3A_724, %dma_wait3A_729, %dma_wait3A_730] : memref<32x256x2x40xi32, #tpu.memory_space<hbm>> -> memref<1x1x2x40xi32, #tpu.memory_space<hbm>>
      %dma_wait3A_732 = tpu.memref_squeeze %dma_wait3A_731 : memref<1x1x2x40xi32, #tpu.memory_space<hbm>> -> memref<2x40xi32, #tpu.memory_space<hbm>>
      tpu.wait_dma2 semaphore(%arg26 : memref<!tpu.dma_semaphore, #tpu.memory_space<semaphore_mem>>) src(%dma_wait3A_732 : memref<2x40xi32, #tpu.memory_space<hbm>>) dst(%arg10 : memref<2x40xi32, #tpu.memory_space<vmem>>)
      %dma_start3A_733 = arith.constant 0 : i32
      %dma_start3A_734 = arith.constant 0 : i32
      %dma_start3A_735 = tpu.memref_slice %arg10[%dma_start3A_733, %dma_start3A_734] : memref<2x40xi32, #tpu.memory_space<vmem>> -> memref<1x40xi32, #tpu.memory_space<vmem>>
      %dma_start3A_736 = tpu.memref_squeeze %dma_start3A_735 : memref<1x40xi32, #tpu.memory_space<vmem>> -> memref<40xi32, #tpu.memory_space<vmem>>
      %dma_start3A_737 = arith.constant 0 : i32
      %dma_start3A_738 = arith.constant 0 : i32
      %dma_start3A_739 = tpu.memref_slice %arg2[%dma_start3A_737, %dma_start3A_738] : memref<10000x128xf32, #tpu.memory_space<hbm>> -> memref<10000x128xf32, #tpu.memory_space<hbm>>
      tpu.enqueue_indirect_dma source(%dma_start3A_739 : memref<10000x128xf32, #tpu.memory_space<hbm>>) target(%arg18 : memref<40x128xf32, #tpu.memory_space<vmem>>) offsets(%dma_start3A_736 : memref<40xi32, #tpu.memory_space<vmem>>) semaphore(%arg34 : memref<!tpu.dma_semaphore, #tpu.memory_space<semaphore_mem>>)
      %dma_wait3A_740 = arith.constant 0 : i32
      %dma_wait3A_741 = arith.constant 0 : i32
      %dma_wait3A_742 = arith.constant 0 : i32
      %dma_wait3A_743 = arith.constant 0 : i32
      %dma_wait3A_744 = tpu.memref_slice %arg3[%dma_wait3A_740, %dma_wait3A_741, %dma_wait3A_742, %dma_wait3A_743] : memref<32x256x2x40xi32, #tpu.memory_space<hbm>> -> memref<1x1x2x40xi32, #tpu.memory_space<hbm>>
      %dma_wait3A_745 = tpu.memref_squeeze %dma_wait3A_744 : memref<1x1x2x40xi32, #tpu.memory_space<hbm>> -> memref<2x40xi32, #tpu.memory_space<hbm>>
      %dma_wait3A_746 = arith.constant 0 : i32
      %dma_wait3A_747 = arith.constant 0 : i32
      %dma_wait3A_748 = tpu.memref_slice %arg3[%dma_wait3A_740, %dma_wait3A_741, %dma_wait3A_746, %dma_wait3A_747] : memref<32x256x2x40xi32, #tpu.memory_space<hbm>> -> memref<1x1x2x40xi32, #tpu.memory_space<hbm>>
      %dma_wait3A_749 = tpu.memref_squeeze %dma_wait3A_748 : memref<1x1x2x40xi32, #tpu.memory_space<hbm>> -> memref<2x40xi32, #tpu.memory_space<hbm>>
      tpu.wait_dma2 semaphore(%arg27 : memref<!tpu.dma_semaphore, #tpu.memory_space<semaphore_mem>>) src(%dma_wait3A_749 : memref<2x40xi32, #tpu.memory_space<hbm>>) dst(%arg11 : memref<2x40xi32, #tpu.memory_space<vmem>>)
      %dma_start3A_750 = arith.constant 0 : i32
      %dma_start3A_751 = arith.constant 0 : i32
      %dma_start3A_752 = tpu.memref_slice %arg11[%dma_start3A_750, %dma_start3A_751] : memref<2x40xi32, #tpu.memory_space<vmem>> -> memref<1x40xi32, #tpu.memory_space<vmem>>
      %dma_start3A_753 = tpu.memref_squeeze %dma_start3A_752 : memref<1x40xi32, #tpu.memory_space<vmem>> -> memref<40xi32, #tpu.memory_space<vmem>>
      %dma_start3A_754 = arith.constant 0 : i32
      %dma_start3A_755 = arith.constant 0 : i32
      %dma_start3A_756 = tpu.memref_slice %arg2[%dma_start3A_754, %dma_start3A_755] : memref<10000x128xf32, #tpu.memory_space<hbm>> -> memref<10000x128xf32, #tpu.memory_space<hbm>>
      tpu.enqueue_indirect_dma source(%dma_start3A_756 : memref<10000x128xf32, #tpu.memory_space<hbm>>) target(%arg19 : memref<40x128xf32, #tpu.memory_space<vmem>>) offsets(%dma_start3A_753 : memref<40xi32, #tpu.memory_space<vmem>>) semaphore(%arg35 : memref<!tpu.dma_semaphore, #tpu.memory_space<semaphore_mem>>)
      %dma_wait3A_757 = arith.constant 0 : i32
      %dma_wait3A_758 = arith.constant 0 : i32
      %dma_wait3A_759 = arith.constant 0 : i32
      %dma_wait3A_760 = arith.constant 0 : i32
      %dma_wait3A_761 = tpu.memref_slice %arg3[%dma_wait3A_757, %dma_wait3A_758, %dma_wait3A_759, %dma_wait3A_760] : memref<32x256x2x40xi32, #tpu.memory_space<hbm>> -> memref<1x1x2x40xi32, #tpu.memory_space<hbm>>
      %dma_wait3A_762 = tpu.memref_squeeze %dma_wait3A_761 : memref<1x1x2x40xi32, #tpu.memory_space<hbm>> -> memref<2x40xi32, #tpu.memory_space<hbm>>
      %dma_wait3A_763 = arith.constant 0 : i32
      %dma_wait3A_764 = arith.constant 0 : i32
      %dma_wait3A_765 = tpu.memref_slice %arg3[%dma_wait3A_757, %dma_wait3A_758, %dma_wait3A_763, %dma_wait3A_764] : memref<32x256x2x40xi32, #tpu.memory_space<hbm>> -> memref<1x1x2x40xi32, #tpu.memory_space<hbm>>
      %dma_wait3A_766 = tpu.memref_squeeze %dma_wait3A_765 : memref<1x1x2x40xi32, #tpu.memory_space<hbm>> -> memref<2x40xi32, #tpu.memory_space<hbm>>
      tpu.wait_dma2 semaphore(%arg28 : memref<!tpu.dma_semaphore, #tpu.memory_space<semaphore_mem>>) src(%dma_wait3A_766 : memref<2x40xi32, #tpu.memory_space<hbm>>) dst(%arg12 : memref<2x40xi32, #tpu.memory_space<vmem>>)
      %dma_start3A_767 = arith.constant 0 : i32
      %dma_start3A_768 = arith.constant 0 : i32
      %dma_start3A_769 = tpu.memref_slice %arg12[%dma_start3A_767, %dma_start3A_768] : memref<2x40xi32, #tpu.memory_space<vmem>> -> memref<1x40xi32, #tpu.memory_space<vmem>>
      %dma_start3A_770 = tpu.memref_squeeze %dma_start3A_769 : memref<1x40xi32, #tpu.memory_space<vmem>> -> memref<40xi32, #tpu.memory_space<vmem>>
      %dma_start3A_771 = arith.constant 0 : i32
      %dma_start3A_772 = arith.constant 0 : i32
      %dma_start3A_773 = tpu.memref_slice %arg2[%dma_start3A_771, %dma_start3A_772] : memref<10000x128xf32, #tpu.memory_space<hbm>> -> memref<10000x128xf32, #tpu.memory_space<hbm>>
      tpu.enqueue_indirect_dma source(%dma_start3A_773 : memref<10000x128xf32, #tpu.memory_space<hbm>>) target(%arg20 : memref<40x128xf32, #tpu.memory_space<vmem>>) offsets(%dma_start3A_770 : memref<40xi32, #tpu.memory_space<vmem>>) semaphore(%arg36 : memref<!tpu.dma_semaphore, #tpu.memory_space<semaphore_mem>>)
      %dma_wait3A_774 = arith.constant 0 : i32
      %dma_wait3A_775 = arith.constant 0 : i32
      %dma_wait3A_776 = arith.constant 0 : i32
      %dma_wait3A_777 = arith.constant 0 : i32
      %dma_wait3A_778 = tpu.memref_slice %arg3[%dma_wait3A_774, %dma_wait3A_775, %dma_wait3A_776, %dma_wait3A_777] : memref<32x256x2x40xi32, #tpu.memory_space<hbm>> -> memref<1x1x2x40xi32, #tpu.memory_space<hbm>>
      %dma_wait3A_779 = tpu.memref_squeeze %dma_wait3A_778 : memref<1x1x2x40xi32, #tpu.memory_space<hbm>> -> memref<2x40xi32, #tpu.memory_space<hbm>>
      %dma_wait3A_780 = arith.constant 0 : i32
      %dma_wait3A_781 = arith.constant 0 : i32
      %dma_wait3A_782 = tpu.memref_slice %arg3[%dma_wait3A_774, %dma_wait3A_775, %dma_wait3A_780, %dma_wait3A_781] : memref<32x256x2x40xi32, #tpu.memory_space<hbm>> -> memref<1x1x2x40xi32, #tpu.memory_space<hbm>>
      %dma_wait3A_783 = tpu.memref_squeeze %dma_wait3A_782 : memref<1x1x2x40xi32, #tpu.memory_space<hbm>> -> memref<2x40xi32, #tpu.memory_space<hbm>>
      tpu.wait_dma2 semaphore(%arg29 : memref<!tpu.dma_semaphore, #tpu.memory_space<semaphore_mem>>) src(%dma_wait3A_783 : memref<2x40xi32, #tpu.memory_space<hbm>>) dst(%arg13 : memref<2x40xi32, #tpu.memory_space<vmem>>)
      %dma_start3A_784 = arith.constant 0 : i32
      %dma_start3A_785 = arith.constant 0 : i32
      %dma_start3A_786 = tpu.memref_slice %arg13[%dma_start3A_784, %dma_start3A_785] : memref<2x40xi32, #tpu.memory_space<vmem>> -> memref<1x40xi32, #tpu.memory_space<vmem>>
      %dma_start3A_787 = tpu.memref_squeeze %dma_start3A_786 : memref<1x40xi32, #tpu.memory_space<vmem>> -> memref<40xi32, #tpu.memory_space<vmem>>
      %dma_start3A_788 = arith.constant 0 : i32
      %dma_start3A_789 = arith.constant 0 : i32
      %dma_start3A_790 = tpu.memref_slice %arg2[%dma_start3A_788, %dma_start3A_789] : memref<10000x128xf32, #tpu.memory_space<hbm>> -> memref<10000x128xf32, #tpu.memory_space<hbm>>
      tpu.enqueue_indirect_dma source(%dma_start3A_790 : memref<10000x128xf32, #tpu.memory_space<hbm>>) target(%arg21 : memref<40x128xf32, #tpu.memory_space<vmem>>) offsets(%dma_start3A_787 : memref<40xi32, #tpu.memory_space<vmem>>) semaphore(%arg37 : memref<!tpu.dma_semaphore, #tpu.memory_space<semaphore_mem>>)
      %dma_wait3A_791 = arith.constant 0 : i32
      %dma_wait3A_792 = arith.constant 0 : i32
      %dma_wait3A_793 = tpu.memref_slice %arg6[%dma_wait3A_791, %dma_wait3A_792] : memref<2x40xi32, #tpu.memory_space<vmem>> -> memref<1x40xi32, #tpu.memory_space<vmem>>
      %dma_wait3A_794 = tpu.memref_squeeze %dma_wait3A_793 : memref<1x40xi32, #tpu.memory_space<vmem>> -> memref<40xi32, #tpu.memory_space<vmem>>
      %dma_wait3A_795 = arith.constant 0 : i32
      %dma_wait3A_796 = arith.constant 0 : i32
      %dma_wait3A_797 = tpu.memref_slice %arg2[%dma_wait3A_795, %dma_wait3A_796] : memref<10000x128xf32, #tpu.memory_space<hbm>> -> memref<10000x128xf32, #tpu.memory_space<hbm>>
      tpu.wait_indirect_dma semaphore(%arg30 : memref<!tpu.dma_semaphore, #tpu.memory_space<semaphore_mem>>) src(%dma_wait3A_797 : memref<10000x128xf32, #tpu.memory_space<hbm>>) dst(%arg14 : memref<40x128xf32, #tpu.memory_space<vmem>>)
      %dma_start3A_798 = arith.constant 1 : i32
      %dma_start3A_799 = arith.constant 0 : i32
      %dma_start3A_800 = tpu.memref_slice %arg6[%dma_start3A_798, %dma_start3A_799] : memref<2x40xi32, #tpu.memory_space<vmem>> -> memref<1x40xi32, #tpu.memory_space<vmem>>
      %dma_start3A_801 = tpu.memref_squeeze %dma_start3A_800 : memref<1x40xi32, #tpu.memory_space<vmem>> -> memref<40xi32, #tpu.memory_space<vmem>>
      %dma_start3A_802 = arith.constant 0 : i32
      %dma_start3A_803 = arith.constant 0 : i32
      %dma_start3A_804 = tpu.memref_slice %arg5[%dma_start3A_802, %dma_start3A_803] : memref<10240x128xf32, #tpu.memory_space<vmem_shared>> -> memref<10240x128xf32, #tpu.memory_space<vmem_shared>>
      tpu.enqueue_indirect_dma source(%arg14 : memref<40x128xf32, #tpu.memory_space<vmem>>) target(%dma_start3A_804 : memref<10240x128xf32, #tpu.memory_space<vmem_shared>>) offsets(%dma_start3A_801 : memref<40xi32, #tpu.memory_space<vmem>>) semaphore(%arg38 : memref<!tpu.dma_semaphore, #tpu.memory_space<semaphore_mem>>) {add = true}
      %dma_wait3A_805 = arith.constant 0 : i32
      %dma_wait3A_806 = arith.constant 0 : i32
      %dma_wait3A_807 = tpu.memref_slice %arg7[%dma_wait3A_805, %dma_wait3A_806] : memref<2x40xi32, #tpu.memory_space<vmem>> -> memref<1x40xi32, #tpu.memory_space<vmem>>
      %dma_wait3A_808 = tpu.memref_squeeze %dma_wait3A_807 : memref<1x40xi32, #tpu.memory_space<vmem>> -> memref<40xi32, #tpu.memory_space<vmem>>
      %dma_wait3A_809 = arith.constant 0 : i32
      %dma_wait3A_810 = arith.constant 0 : i32
      %dma_wait3A_811 = tpu.memref_slice %arg2[%dma_wait3A_809, %dma_wait3A_810] : memref<10000x128xf32, #tpu.memory_space<hbm>> -> memref<10000x128xf32, #tpu.memory_space<hbm>>
      tpu.wait_indirect_dma semaphore(%arg31 : memref<!tpu.dma_semaphore, #tpu.memory_space<semaphore_mem>>) src(%dma_wait3A_811 : memref<10000x128xf32, #tpu.memory_space<hbm>>) dst(%arg15 : memref<40x128xf32, #tpu.memory_space<vmem>>)
      %dma_start3A_812 = arith.constant 1 : i32
      %dma_start3A_813 = arith.constant 0 : i32
      %dma_start3A_814 = tpu.memref_slice %arg7[%dma_start3A_812, %dma_start3A_813] : memref<2x40xi32, #tpu.memory_space<vmem>> -> memref<1x40xi32, #tpu.memory_space<vmem>>
      %dma_start3A_815 = tpu.memref_squeeze %dma_start3A_814 : memref<1x40xi32, #tpu.memory_space<vmem>> -> memref<40xi32, #tpu.memory_space<vmem>>
      %dma_start3A_816 = arith.constant 0 : i32
      %dma_start3A_817 = arith.constant 0 : i32
      %dma_start3A_818 = tpu.memref_slice %arg5[%dma_start3A_816, %dma_start3A_817] : memref<10240x128xf32, #tpu.memory_space<vmem_shared>> -> memref<10240x128xf32, #tpu.memory_space<vmem_shared>>
      tpu.enqueue_indirect_dma source(%arg15 : memref<40x128xf32, #tpu.memory_space<vmem>>) target(%dma_start3A_818 : memref<10240x128xf32, #tpu.memory_space<vmem_shared>>) offsets(%dma_start3A_815 : memref<40xi32, #tpu.memory_space<vmem>>) semaphore(%arg39 : memref<!tpu.dma_semaphore, #tpu.memory_space<semaphore_mem>>) {add = true}
      %dma_wait3A_819 = arith.constant 0 : i32
      %dma_wait3A_820 = arith.constant 0 : i32
      %dma_wait3A_821 = tpu.memref_slice %arg8[%dma_wait3A_819, %dma_wait3A_820] : memref<2x40xi32, #tpu.memory_space<vmem>> -> memref<1x40xi32, #tpu.memory_space<vmem>>
      %dma_wait3A_822 = tpu.memref_squeeze %dma_wait3A_821 : memref<1x40xi32, #tpu.memory_space<vmem>> -> memref<40xi32, #tpu.memory_space<vmem>>
      %dma_wait3A_823 = arith.constant 0 : i32
      %dma_wait3A_824 = arith.constant 0 : i32
      %dma_wait3A_825 = tpu.memref_slice %arg2[%dma_wait3A_823, %dma_wait3A_824] : memref<10000x128xf32, #tpu.memory_space<hbm>> -> memref<10000x128xf32, #tpu.memory_space<hbm>>
      tpu.wait_indirect_dma semaphore(%arg32 : memref<!tpu.dma_semaphore, #tpu.memory_space<semaphore_mem>>) src(%dma_wait3A_825 : memref<10000x128xf32, #tpu.memory_space<hbm>>) dst(%arg16 : memref<40x128xf32, #tpu.memory_space<vmem>>)
      %dma_start3A_826 = arith.constant 1 : i32
      %dma_start3A_827 = arith.constant 0 : i32
      %dma_start3A_828 = tpu.memref_slice %arg8[%dma_start3A_826, %dma_start3A_827] : memref<2x40xi32, #tpu.memory_space<vmem>> -> memref<1x40xi32, #tpu.memory_space<vmem>>
      %dma_start3A_829 = tpu.memref_squeeze %dma_start3A_828 : memref<1x40xi32, #tpu.memory_space<vmem>> -> memref<40xi32, #tpu.memory_space<vmem>>
      %dma_start3A_830 = arith.constant 0 : i32
      %dma_start3A_831 = arith.constant 0 : i32
      %dma_start3A_832 = tpu.memref_slice %arg5[%dma_start3A_830, %dma_start3A_831] : memref<10240x128xf32, #tpu.memory_space<vmem_shared>> -> memref<10240x128xf32, #tpu.memory_space<vmem_shared>>
      tpu.enqueue_indirect_dma source(%arg16 : memref<40x128xf32, #tpu.memory_space<vmem>>) target(%dma_start3A_832 : memref<10240x128xf32, #tpu.memory_space<vmem_shared>>) offsets(%dma_start3A_829 : memref<40xi32, #tpu.memory_space<vmem>>) semaphore(%arg40 : memref<!tpu.dma_semaphore, #tpu.memory_space<semaphore_mem>>) {add = true}
      %dma_wait3A_833 = arith.constant 0 : i32
      %dma_wait3A_834 = arith.constant 0 : i32
      %dma_wait3A_835 = tpu.memref_slice %arg9[%dma_wait3A_833, %dma_wait3A_834] : memref<2x40xi32, #tpu.memory_space<vmem>> -> memref<1x40xi32, #tpu.memory_space<vmem>>
      %dma_wait3A_836 = tpu.memref_squeeze %dma_wait3A_835 : memref<1x40xi32, #tpu.memory_space<vmem>> -> memref<40xi32, #tpu.memory_space<vmem>>
      %dma_wait3A_837 = arith.constant 0 : i32
      %dma_wait3A_838 = arith.constant 0 : i32
      %dma_wait3A_839 = tpu.memref_slice %arg2[%dma_wait3A_837, %dma_wait3A_838] : memref<10000x128xf32, #tpu.memory_space<hbm>> -> memref<10000x128xf32, #tpu.memory_space<hbm>>
      tpu.wait_indirect_dma semaphore(%arg33 : memref<!tpu.dma_semaphore, #tpu.memory_space<semaphore_mem>>) src(%dma_wait3A_839 : memref<10000x128xf32, #tpu.memory_space<hbm>>) dst(%arg17 : memref<40x128xf32, #tpu.memory_space<vmem>>)
      %dma_start3A_840 = arith.constant 1 : i32
      %dma_start3A_841 = arith.constant 0 : i32
      %dma_start3A_842 = tpu.memref_slice %arg9[%dma_start3A_840, %dma_start3A_841] : memref<2x40xi32, #tpu.memory_space<vmem>> -> memref<1x40xi32, #tpu.memory_space<vmem>>
      %dma_start3A_843 = tpu.memref_squeeze %dma_start3A_842 : memref<1x40xi32, #tpu.memory_space<vmem>> -> memref<40xi32, #tpu.memory_space<vmem>>
      %dma_start3A_844 = arith.constant 0 : i32
      %dma_start3A_845 = arith.constant 0 : i32
      %dma_start3A_846 = tpu.memref_slice %arg5[%dma_start3A_844, %dma_start3A_845] : memref<10240x128xf32, #tpu.memory_space<vmem_shared>> -> memref<10240x128xf32, #tpu.memory_space<vmem_shared>>
      tpu.enqueue_indirect_dma source(%arg17 : memref<40x128xf32, #tpu.memory_space<vmem>>) target(%dma_start3A_846 : memref<10240x128xf32, #tpu.memory_space<vmem_shared>>) offsets(%dma_start3A_843 : memref<40xi32, #tpu.memory_space<vmem>>) semaphore(%arg41 : memref<!tpu.dma_semaphore, #tpu.memory_space<semaphore_mem>>) {add = true}
      %dma_wait3A_847 = arith.constant 0 : i32
      %dma_wait3A_848 = arith.constant 0 : i32
      %dma_wait3A_849 = tpu.memref_slice %arg10[%dma_wait3A_847, %dma_wait3A_848] : memref<2x40xi32, #tpu.memory_space<vmem>> -> memref<1x40xi32, #tpu.memory_space<vmem>>
      %dma_wait3A_850 = tpu.memref_squeeze %dma_wait3A_849 : memref<1x40xi32, #tpu.memory_space<vmem>> -> memref<40xi32, #tpu.memory_space<vmem>>
      %dma_wait3A_851 = arith.constant 0 : i32
      %dma_wait3A_852 = arith.constant 0 : i32
      %dma_wait3A_853 = tpu.memref_slice %arg2[%dma_wait3A_851, %dma_wait3A_852] : memref<10000x128xf32, #tpu.memory_space<hbm>> -> memref<10000x128xf32, #tpu.memory_space<hbm>>
      tpu.wait_indirect_dma semaphore(%arg34 : memref<!tpu.dma_semaphore, #tpu.memory_space<semaphore_mem>>) src(%dma_wait3A_853 : memref<10000x128xf32, #tpu.memory_space<hbm>>) dst(%arg18 : memref<40x128xf32, #tpu.memory_space<vmem>>)
      %dma_start3A_854 = arith.constant 1 : i32
      %dma_start3A_855 = arith.constant 0 : i32
      %dma_start3A_856 = tpu.memref_slice %arg10[%dma_start3A_854, %dma_start3A_855] : memref<2x40xi32, #tpu.memory_space<vmem>> -> memref<1x40xi32, #tpu.memory_space<vmem>>
      %dma_start3A_857 = tpu.memref_squeeze %dma_start3A_856 : memref<1x40xi32, #tpu.memory_space<vmem>> -> memref<40xi32, #tpu.memory_space<vmem>>
      %dma_start3A_858 = arith.constant 0 : i32
      %dma_start3A_859 = arith.constant 0 : i32
      %dma_start3A_860 = tpu.memref_slice %arg5[%dma_start3A_858, %dma_start3A_859] : memref<10240x128xf32, #tpu.memory_space<vmem_shared>> -> memref<10240x128xf32, #tpu.memory_space<vmem_shared>>
      tpu.enqueue_indirect_dma source(%arg18 : memref<40x128xf32, #tpu.memory_space<vmem>>) target(%dma_start3A_860 : memref<10240x128xf32, #tpu.memory_space<vmem_shared>>) offsets(%dma_start3A_857 : memref<40xi32, #tpu.memory_space<vmem>>) semaphore(%arg42 : memref<!tpu.dma_semaphore, #tpu.memory_space<semaphore_mem>>) {add = true}
      %dma_wait3A_861 = arith.constant 0 : i32
      %dma_wait3A_862 = arith.constant 0 : i32
      %dma_wait3A_863 = tpu.memref_slice %arg11[%dma_wait3A_861, %dma_wait3A_862] : memref<2x40xi32, #tpu.memory_space<vmem>> -> memref<1x40xi32, #tpu.memory_space<vmem>>
      %dma_wait3A_864 = tpu.memref_squeeze %dma_wait3A_863 : memref<1x40xi32, #tpu.memory_space<vmem>> -> memref<40xi32, #tpu.memory_space<vmem>>
      %dma_wait3A_865 = arith.constant 0 : i32
      %dma_wait3A_866 = arith.constant 0 : i32
      %dma_wait3A_867 = tpu.memref_slice %arg2[%dma_wait3A_865, %dma_wait3A_866] : memref<10000x128xf32, #tpu.memory_space<hbm>> -> memref<10000x128xf32, #tpu.memory_space<hbm>>
      tpu.wait_indirect_dma semaphore(%arg35 : memref<!tpu.dma_semaphore, #tpu.memory_space<semaphore_mem>>) src(%dma_wait3A_867 : memref<10000x128xf32, #tpu.memory_space<hbm>>) dst(%arg19 : memref<40x128xf32, #tpu.memory_space<vmem>>)
      %dma_start3A_868 = arith.constant 1 : i32
      %dma_start3A_869 = arith.constant 0 : i32
      %dma_start3A_870 = tpu.memref_slice %arg11[%dma_start3A_868, %dma_start3A_869] : memref<2x40xi32, #tpu.memory_space<vmem>> -> memref<1x40xi32, #tpu.memory_space<vmem>>
      %dma_start3A_871 = tpu.memref_squeeze %dma_start3A_870 : memref<1x40xi32, #tpu.memory_space<vmem>> -> memref<40xi32, #tpu.memory_space<vmem>>
      %dma_start3A_872 = arith.constant 0 : i32
      %dma_start3A_873 = arith.constant 0 : i32
      %dma_start3A_874 = tpu.memref_slice %arg5[%dma_start3A_872, %dma_start3A_873] : memref<10240x128xf32, #tpu.memory_space<vmem_shared>> -> memref<10240x128xf32, #tpu.memory_space<vmem_shared>>
      tpu.enqueue_indirect_dma source(%arg19 : memref<40x128xf32, #tpu.memory_space<vmem>>) target(%dma_start3A_874 : memref<10240x128xf32, #tpu.memory_space<vmem_shared>>) offsets(%dma_start3A_871 : memref<40xi32, #tpu.memory_space<vmem>>) semaphore(%arg43 : memref<!tpu.dma_semaphore, #tpu.memory_space<semaphore_mem>>) {add = true}
      %dma_wait3A_875 = arith.constant 0 : i32
      %dma_wait3A_876 = arith.constant 0 : i32
      %dma_wait3A_877 = tpu.memref_slice %arg12[%dma_wait3A_875, %dma_wait3A_876] : memref<2x40xi32, #tpu.memory_space<vmem>> -> memref<1x40xi32, #tpu.memory_space<vmem>>
      %dma_wait3A_878 = tpu.memref_squeeze %dma_wait3A_877 : memref<1x40xi32, #tpu.memory_space<vmem>> -> memref<40xi32, #tpu.memory_space<vmem>>
      %dma_wait3A_879 = arith.constant 0 : i32
      %dma_wait3A_880 = arith.constant 0 : i32
      %dma_wait3A_881 = tpu.memref_slice %arg2[%dma_wait3A_879, %dma_wait3A_880] : memref<10000x128xf32, #tpu.memory_space<hbm>> -> memref<10000x128xf32, #tpu.memory_space<hbm>>
      tpu.wait_indirect_dma semaphore(%arg36 : memref<!tpu.dma_semaphore, #tpu.memory_space<semaphore_mem>>) src(%dma_wait3A_881 : memref<10000x128xf32, #tpu.memory_space<hbm>>) dst(%arg20 : memref<40x128xf32, #tpu.memory_space<vmem>>)
      %dma_start3A_882 = arith.constant 1 : i32
      %dma_start3A_883 = arith.constant 0 : i32
      %dma_start3A_884 = tpu.memref_slice %arg12[%dma_start3A_882, %dma_start3A_883] : memref<2x40xi32, #tpu.memory_space<vmem>> -> memref<1x40xi32, #tpu.memory_space<vmem>>
      %dma_start3A_885 = tpu.memref_squeeze %dma_start3A_884 : memref<1x40xi32, #tpu.memory_space<vmem>> -> memref<40xi32, #tpu.memory_space<vmem>>
      %dma_start3A_886 = arith.constant 0 : i32
      %dma_start3A_887 = arith.constant 0 : i32
      %dma_start3A_888 = tpu.memref_slice %arg5[%dma_start3A_886, %dma_start3A_887] : memref<10240x128xf32, #tpu.memory_space<vmem_shared>> -> memref<10240x128xf32, #tpu.memory_space<vmem_shared>>
      tpu.enqueue_indirect_dma source(%arg20 : memref<40x128xf32, #tpu.memory_space<vmem>>) target(%dma_start3A_888 : memref<10240x128xf32, #tpu.memory_space<vmem_shared>>) offsets(%dma_start3A_885 : memref<40xi32, #tpu.memory_space<vmem>>) semaphore(%arg44 : memref<!tpu.dma_semaphore, #tpu.memory_space<semaphore_mem>>) {add = true}
      %dma_wait3A_889 = arith.constant 0 : i32
      %dma_wait3A_890 = arith.constant 0 : i32
      %dma_wait3A_891 = tpu.memref_slice %arg13[%dma_wait3A_889, %dma_wait3A_890] : memref<2x40xi32, #tpu.memory_space<vmem>> -> memref<1x40xi32, #tpu.memory_space<vmem>>
      %dma_wait3A_892 = tpu.memref_squeeze %dma_wait3A_891 : memref<1x40xi32, #tpu.memory_space<vmem>> -> memref<40xi32, #tpu.memory_space<vmem>>
      %dma_wait3A_893 = arith.constant 0 : i32
      %dma_wait3A_894 = arith.constant 0 : i32
      %dma_wait3A_895 = tpu.memref_slice %arg2[%dma_wait3A_893, %dma_wait3A_894] : memref<10000x128xf32, #tpu.memory_space<hbm>> -> memref<10000x128xf32, #tpu.memory_space<hbm>>
      tpu.wait_indirect_dma semaphore(%arg37 : memref<!tpu.dma_semaphore, #tpu.memory_space<semaphore_mem>>) src(%dma_wait3A_895 : memref<10000x128xf32, #tpu.memory_space<hbm>>) dst(%arg21 : memref<40x128xf32, #tpu.memory_space<vmem>>)
      %dma_start3A_896 = arith.constant 1 : i32
      %dma_start3A_897 = arith.constant 0 : i32
      %dma_start3A_898 = tpu.memref_slice %arg13[%dma_start3A_896, %dma_start3A_897] : memref<2x40xi32, #tpu.memory_space<vmem>> -> memref<1x40xi32, #tpu.memory_space<vmem>>
      %dma_start3A_899 = tpu.memref_squeeze %dma_start3A_898 : memref<1x40xi32, #tpu.memory_space<vmem>> -> memref<40xi32, #tpu.memory_space<vmem>>
      %dma_start3A_900 = arith.constant 0 : i32
      %dma_start3A_901 = arith.constant 0 : i32
      %dma_start3A_902 = tpu.memref_slice %arg5[%dma_start3A_900, %dma_start3A_901] : memref<10240x128xf32, #tpu.memory_space<vmem_shared>> -> memref<10240x128xf32, #tpu.memory_space<vmem_shared>>
      tpu.enqueue_indirect_dma source(%arg21 : memref<40x128xf32, #tpu.memory_space<vmem>>) target(%dma_start3A_902 : memref<10240x128xf32, #tpu.memory_space<vmem_shared>>) offsets(%dma_start3A_899 : memref<40xi32, #tpu.memory_space<vmem>>) semaphore(%arg45 : memref<!tpu.dma_semaphore, #tpu.memory_space<semaphore_mem>>) {add = true}
      %lt3A = arith.constant 31 : i32
      %lt3A_903 = arith.cmpi slt, %scan3A_652, %lt3A : i32
      %convert_element_type3A = arith.extui %lt3A_903 : i1 to i32
      %cond3A = arith.constant 0 : i32
      %cond3A_904 = arith.cmpi ne, %convert_element_type3A, %cond3A : i32
      scf.if %cond3A_904 {
        %dma_wait3A_905 = arith.constant 1 : i32
        %dma_wait3A_906 = arith.constant 0 : i32
        %dma_wait3A_907 = tpu.memref_slice %arg6[%dma_wait3A_905, %dma_wait3A_906] : memref<2x40xi32, #tpu.memory_space<vmem>> -> memref<1x40xi32, #tpu.memory_space<vmem>>
        %dma_wait3A_908 = tpu.memref_squeeze %dma_wait3A_907 : memref<1x40xi32, #tpu.memory_space<vmem>> -> memref<40xi32, #tpu.memory_space<vmem>>
        %dma_wait3A_909 = arith.constant 0 : i32
        %dma_wait3A_910 = arith.constant 0 : i32
        %dma_wait3A_911 = tpu.memref_slice %arg5[%dma_wait3A_909, %dma_wait3A_910] : memref<10240x128xf32, #tpu.memory_space<vmem_shared>> -> memref<10240x128xf32, #tpu.memory_space<vmem_shared>>
        tpu.wait_indirect_dma semaphore(%arg38 : memref<!tpu.dma_semaphore, #tpu.memory_space<semaphore_mem>>) src(%arg14 : memref<40x128xf32, #tpu.memory_space<vmem>>) dst(%dma_wait3A_911 : memref<10240x128xf32, #tpu.memory_space<vmem_shared>>)
        %add3A_912 = arith.constant 8 : i32
        %add3A_913 = arith.addi %mul3A_654, %add3A_912 : i32
        %add3A_914 = arith.constant 0 : i32
        %add3A_915 = arith.addi %add3A_913, %add3A_914 : i32
        %dma_start3A_916 = arith.constant 0 : i32
        %dma_start3A_917 = arith.constant 0 : i32
        %dma_start3A_918 = tpu.memref_slice %arg3[%add3A, %add3A_915, %dma_start3A_916, %dma_start3A_917] : memref<32x256x2x40xi32, #tpu.memory_space<hbm>> -> memref<1x1x2x40xi32, #tpu.memory_space<hbm>>
        %dma_start3A_919 = tpu.memref_squeeze %dma_start3A_918 : memref<1x1x2x40xi32, #tpu.memory_space<hbm>> -> memref<2x40xi32, #tpu.memory_space<hbm>>
        %dma_start3A_920 = arith.constant 0 : i32
        %dma_start3A_921 = arith.constant 0 : i32
        %dma_start3A_922 = tpu.memref_slice %arg3[%add3A, %add3A_915, %dma_start3A_920, %dma_start3A_921] : memref<32x256x2x40xi32, #tpu.memory_space<hbm>> -> memref<1x1x2x40xi32, #tpu.memory_space<hbm>>
        %dma_start3A_923 = tpu.memref_squeeze %dma_start3A_922 : memref<1x1x2x40xi32, #tpu.memory_space<hbm>> -> memref<2x40xi32, #tpu.memory_space<hbm>>
        tpu.enqueue_dma source(%dma_start3A_923 : memref<2x40xi32, #tpu.memory_space<hbm>>) target(%arg6 : memref<2x40xi32, #tpu.memory_space<vmem>>) target_semaphore(%arg22 : memref<!tpu.dma_semaphore, #tpu.memory_space<semaphore_mem>>)
        %dma_wait3A_924 = arith.constant 1 : i32
        %dma_wait3A_925 = arith.constant 0 : i32
        %dma_wait3A_926 = tpu.memref_slice %arg7[%dma_wait3A_924, %dma_wait3A_925] : memref<2x40xi32, #tpu.memory_space<vmem>> -> memref<1x40xi32, #tpu.memory_space<vmem>>
        %dma_wait3A_927 = tpu.memref_squeeze %dma_wait3A_926 : memref<1x40xi32, #tpu.memory_space<vmem>> -> memref<40xi32, #tpu.memory_space<vmem>>
        %dma_wait3A_928 = arith.constant 0 : i32
        %dma_wait3A_929 = arith.constant 0 : i32
        %dma_wait3A_930 = tpu.memref_slice %arg5[%dma_wait3A_928, %dma_wait3A_929] : memref<10240x128xf32, #tpu.memory_space<vmem_shared>> -> memref<10240x128xf32, #tpu.memory_space<vmem_shared>>
        tpu.wait_indirect_dma semaphore(%arg39 : memref<!tpu.dma_semaphore, #tpu.memory_space<semaphore_mem>>) src(%arg15 : memref<40x128xf32, #tpu.memory_space<vmem>>) dst(%dma_wait3A_930 : memref<10240x128xf32, #tpu.memory_space<vmem_shared>>)
        %add3A_931 = arith.constant 8 : i32
        %add3A_932 = arith.addi %mul3A_654, %add3A_931 : i32
        %add3A_933 = arith.constant 1 : i32
        %add3A_934 = arith.addi %add3A_932, %add3A_933 : i32
        %dma_start3A_935 = arith.constant 0 : i32
        %dma_start3A_936 = arith.constant 0 : i32
        %dma_start3A_937 = tpu.memref_slice %arg3[%add3A, %add3A_934, %dma_start3A_935, %dma_start3A_936] : memref<32x256x2x40xi32, #tpu.memory_space<hbm>> -> memref<1x1x2x40xi32, #tpu.memory_space<hbm>>
        %dma_start3A_938 = tpu.memref_squeeze %dma_start3A_937 : memref<1x1x2x40xi32, #tpu.memory_space<hbm>> -> memref<2x40xi32, #tpu.memory_space<hbm>>
        %dma_start3A_939 = arith.constant 0 : i32
        %dma_start3A_940 = arith.constant 0 : i32
        %dma_start3A_941 = tpu.memref_slice %arg3[%add3A, %add3A_934, %dma_start3A_939, %dma_start3A_940] : memref<32x256x2x40xi32, #tpu.memory_space<hbm>> -> memref<1x1x2x40xi32, #tpu.memory_space<hbm>>
        %dma_start3A_942 = tpu.memref_squeeze %dma_start3A_941 : memref<1x1x2x40xi32, #tpu.memory_space<hbm>> -> memref<2x40xi32, #tpu.memory_space<hbm>>
        tpu.enqueue_dma source(%dma_start3A_942 : memref<2x40xi32, #tpu.memory_space<hbm>>) target(%arg7 : memref<2x40xi32, #tpu.memory_space<vmem>>) target_semaphore(%arg23 : memref<!tpu.dma_semaphore, #tpu.memory_space<semaphore_mem>>)
        %dma_wait3A_943 = arith.constant 1 : i32
        %dma_wait3A_944 = arith.constant 0 : i32
        %dma_wait3A_945 = tpu.memref_slice %arg8[%dma_wait3A_943, %dma_wait3A_944] : memref<2x40xi32, #tpu.memory_space<vmem>> -> memref<1x40xi32, #tpu.memory_space<vmem>>
        %dma_wait3A_946 = tpu.memref_squeeze %dma_wait3A_945 : memref<1x40xi32, #tpu.memory_space<vmem>> -> memref<40xi32, #tpu.memory_space<vmem>>
        %dma_wait3A_947 = arith.constant 0 : i32
        %dma_wait3A_948 = arith.constant 0 : i32
        %dma_wait3A_949 = tpu.memref_slice %arg5[%dma_wait3A_947, %dma_wait3A_948] : memref<10240x128xf32, #tpu.memory_space<vmem_shared>> -> memref<10240x128xf32, #tpu.memory_space<vmem_shared>>
        tpu.wait_indirect_dma semaphore(%arg40 : memref<!tpu.dma_semaphore, #tpu.memory_space<semaphore_mem>>) src(%arg16 : memref<40x128xf32, #tpu.memory_space<vmem>>) dst(%dma_wait3A_949 : memref<10240x128xf32, #tpu.memory_space<vmem_shared>>)
        %add3A_950 = arith.constant 8 : i32
        %add3A_951 = arith.addi %mul3A_654, %add3A_950 : i32
        %add3A_952 = arith.constant 2 : i32
        %add3A_953 = arith.addi %add3A_951, %add3A_952 : i32
        %dma_start3A_954 = arith.constant 0 : i32
        %dma_start3A_955 = arith.constant 0 : i32
        %dma_start3A_956 = tpu.memref_slice %arg3[%add3A, %add3A_953, %dma_start3A_954, %dma_start3A_955] : memref<32x256x2x40xi32, #tpu.memory_space<hbm>> -> memref<1x1x2x40xi32, #tpu.memory_space<hbm>>
        %dma_start3A_957 = tpu.memref_squeeze %dma_start3A_956 : memref<1x1x2x40xi32, #tpu.memory_space<hbm>> -> memref<2x40xi32, #tpu.memory_space<hbm>>
        %dma_start3A_958 = arith.constant 0 : i32
        %dma_start3A_959 = arith.constant 0 : i32
        %dma_start3A_960 = tpu.memref_slice %arg3[%add3A, %add3A_953, %dma_start3A_958, %dma_start3A_959] : memref<32x256x2x40xi32, #tpu.memory_space<hbm>> -> memref<1x1x2x40xi32, #tpu.memory_space<hbm>>
        %dma_start3A_961 = tpu.memref_squeeze %dma_start3A_960 : memref<1x1x2x40xi32, #tpu.memory_space<hbm>> -> memref<2x40xi32, #tpu.memory_space<hbm>>
        tpu.enqueue_dma source(%dma_start3A_961 : memref<2x40xi32, #tpu.memory_space<hbm>>) target(%arg8 : memref<2x40xi32, #tpu.memory_space<vmem>>) target_semaphore(%arg24 : memref<!tpu.dma_semaphore, #tpu.memory_space<semaphore_mem>>)
        %dma_wait3A_962 = arith.constant 1 : i32
        %dma_wait3A_963 = arith.constant 0 : i32
        %dma_wait3A_964 = tpu.memref_slice %arg9[%dma_wait3A_962, %dma_wait3A_963] : memref<2x40xi32, #tpu.memory_space<vmem>> -> memref<1x40xi32, #tpu.memory_space<vmem>>
        %dma_wait3A_965 = tpu.memref_squeeze %dma_wait3A_964 : memref<1x40xi32, #tpu.memory_space<vmem>> -> memref<40xi32, #tpu.memory_space<vmem>>
        %dma_wait3A_966 = arith.constant 0 : i32
        %dma_wait3A_967 = arith.constant 0 : i32
        %dma_wait3A_968 = tpu.memref_slice %arg5[%dma_wait3A_966, %dma_wait3A_967] : memref<10240x128xf32, #tpu.memory_space<vmem_shared>> -> memref<10240x128xf32, #tpu.memory_space<vmem_shared>>
        tpu.wait_indirect_dma semaphore(%arg41 : memref<!tpu.dma_semaphore, #tpu.memory_space<semaphore_mem>>) src(%arg17 : memref<40x128xf32, #tpu.memory_space<vmem>>) dst(%dma_wait3A_968 : memref<10240x128xf32, #tpu.memory_space<vmem_shared>>)
        %add3A_969 = arith.constant 8 : i32
        %add3A_970 = arith.addi %mul3A_654, %add3A_969 : i32
        %add3A_971 = arith.constant 3 : i32
        %add3A_972 = arith.addi %add3A_970, %add3A_971 : i32
        %dma_start3A_973 = arith.constant 0 : i32
        %dma_start3A_974 = arith.constant 0 : i32
        %dma_start3A_975 = tpu.memref_slice %arg3[%add3A, %add3A_972, %dma_start3A_973, %dma_start3A_974] : memref<32x256x2x40xi32, #tpu.memory_space<hbm>> -> memref<1x1x2x40xi32, #tpu.memory_space<hbm>>
        %dma_start3A_976 = tpu.memref_squeeze %dma_start3A_975 : memref<1x1x2x40xi32, #tpu.memory_space<hbm>> -> memref<2x40xi32, #tpu.memory_space<hbm>>
        %dma_start3A_977 = arith.constant 0 : i32
        %dma_start3A_978 = arith.constant 0 : i32
        %dma_start3A_979 = tpu.memref_slice %arg3[%add3A, %add3A_972, %dma_start3A_977, %dma_start3A_978] : memref<32x256x2x40xi32, #tpu.memory_space<hbm>> -> memref<1x1x2x40xi32, #tpu.memory_space<hbm>>
        %dma_start3A_980 = tpu.memref_squeeze %dma_start3A_979 : memref<1x1x2x40xi32, #tpu.memory_space<hbm>> -> memref<2x40xi32, #tpu.memory_space<hbm>>
        tpu.enqueue_dma source(%dma_start3A_980 : memref<2x40xi32, #tpu.memory_space<hbm>>) target(%arg9 : memref<2x40xi32, #tpu.memory_space<vmem>>) target_semaphore(%arg25 : memref<!tpu.dma_semaphore, #tpu.memory_space<semaphore_mem>>)
        %dma_wait3A_981 = arith.constant 1 : i32
        %dma_wait3A_982 = arith.constant 0 : i32
        %dma_wait3A_983 = tpu.memref_slice %arg10[%dma_wait3A_981, %dma_wait3A_982] : memref<2x40xi32, #tpu.memory_space<vmem>> -> memref<1x40xi32, #tpu.memory_space<vmem>>
        %dma_wait3A_984 = tpu.memref_squeeze %dma_wait3A_983 : memref<1x40xi32, #tpu.memory_space<vmem>> -> memref<40xi32, #tpu.memory_space<vmem>>
        %dma_wait3A_985 = arith.constant 0 : i32
        %dma_wait3A_986 = arith.constant 0 : i32
        %dma_wait3A_987 = tpu.memref_slice %arg5[%dma_wait3A_985, %dma_wait3A_986] : memref<10240x128xf32, #tpu.memory_space<vmem_shared>> -> memref<10240x128xf32, #tpu.memory_space<vmem_shared>>
        tpu.wait_indirect_dma semaphore(%arg42 : memref<!tpu.dma_semaphore, #tpu.memory_space<semaphore_mem>>) src(%arg18 : memref<40x128xf32, #tpu.memory_space<vmem>>) dst(%dma_wait3A_987 : memref<10240x128xf32, #tpu.memory_space<vmem_shared>>)
        %add3A_988 = arith.constant 8 : i32
        %add3A_989 = arith.addi %mul3A_654, %add3A_988 : i32
        %add3A_990 = arith.constant 4 : i32
        %add3A_991 = arith.addi %add3A_989, %add3A_990 : i32
        %dma_start3A_992 = arith.constant 0 : i32
        %dma_start3A_993 = arith.constant 0 : i32
        %dma_start3A_994 = tpu.memref_slice %arg3[%add3A, %add3A_991, %dma_start3A_992, %dma_start3A_993] : memref<32x256x2x40xi32, #tpu.memory_space<hbm>> -> memref<1x1x2x40xi32, #tpu.memory_space<hbm>>
        %dma_start3A_995 = tpu.memref_squeeze %dma_start3A_994 : memref<1x1x2x40xi32, #tpu.memory_space<hbm>> -> memref<2x40xi32, #tpu.memory_space<hbm>>
        %dma_start3A_996 = arith.constant 0 : i32
        %dma_start3A_997 = arith.constant 0 : i32
        %dma_start3A_998 = tpu.memref_slice %arg3[%add3A, %add3A_991, %dma_start3A_996, %dma_start3A_997] : memref<32x256x2x40xi32, #tpu.memory_space<hbm>> -> memref<1x1x2x40xi32, #tpu.memory_space<hbm>>
        %dma_start3A_999 = tpu.memref_squeeze %dma_start3A_998 : memref<1x1x2x40xi32, #tpu.memory_space<hbm>> -> memref<2x40xi32, #tpu.memory_space<hbm>>
        tpu.enqueue_dma source(%dma_start3A_999 : memref<2x40xi32, #tpu.memory_space<hbm>>) target(%arg10 : memref<2x40xi32, #tpu.memory_space<vmem>>) target_semaphore(%arg26 : memref<!tpu.dma_semaphore, #tpu.memory_space<semaphore_mem>>)
        %dma_wait3A_1000 = arith.constant 1 : i32
        %dma_wait3A_1001 = arith.constant 0 : i32
        %dma_wait3A_1002 = tpu.memref_slice %arg11[%dma_wait3A_1000, %dma_wait3A_1001] : memref<2x40xi32, #tpu.memory_space<vmem>> -> memref<1x40xi32, #tpu.memory_space<vmem>>
        %dma_wait3A_1003 = tpu.memref_squeeze %dma_wait3A_1002 : memref<1x40xi32, #tpu.memory_space<vmem>> -> memref<40xi32, #tpu.memory_space<vmem>>
        %dma_wait3A_1004 = arith.constant 0 : i32
        %dma_wait3A_1005 = arith.constant 0 : i32
        %dma_wait3A_1006 = tpu.memref_slice %arg5[%dma_wait3A_1004, %dma_wait3A_1005] : memref<10240x128xf32, #tpu.memory_space<vmem_shared>> -> memref<10240x128xf32, #tpu.memory_space<vmem_shared>>
        tpu.wait_indirect_dma semaphore(%arg43 : memref<!tpu.dma_semaphore, #tpu.memory_space<semaphore_mem>>) src(%arg19 : memref<40x128xf32, #tpu.memory_space<vmem>>) dst(%dma_wait3A_1006 : memref<10240x128xf32, #tpu.memory_space<vmem_shared>>)
        %add3A_1007 = arith.constant 8 : i32
        %add3A_1008 = arith.addi %mul3A_654, %add3A_1007 : i32
        %add3A_1009 = arith.constant 5 : i32
        %add3A_1010 = arith.addi %add3A_1008, %add3A_1009 : i32
        %dma_start3A_1011 = arith.constant 0 : i32
        %dma_start3A_1012 = arith.constant 0 : i32
        %dma_start3A_1013 = tpu.memref_slice %arg3[%add3A, %add3A_1010, %dma_start3A_1011, %dma_start3A_1012] : memref<32x256x2x40xi32, #tpu.memory_space<hbm>> -> memref<1x1x2x40xi32, #tpu.memory_space<hbm>>
        %dma_start3A_1014 = tpu.memref_squeeze %dma_start3A_1013 : memref<1x1x2x40xi32, #tpu.memory_space<hbm>> -> memref<2x40xi32, #tpu.memory_space<hbm>>
        %dma_start3A_1015 = arith.constant 0 : i32
        %dma_start3A_1016 = arith.constant 0 : i32
        %dma_start3A_1017 = tpu.memref_slice %arg3[%add3A, %add3A_1010, %dma_start3A_1015, %dma_start3A_1016] : memref<32x256x2x40xi32, #tpu.memory_space<hbm>> -> memref<1x1x2x40xi32, #tpu.memory_space<hbm>>
        %dma_start3A_1018 = tpu.memref_squeeze %dma_start3A_1017 : memref<1x1x2x40xi32, #tpu.memory_space<hbm>> -> memref<2x40xi32, #tpu.memory_space<hbm>>
        tpu.enqueue_dma source(%dma_start3A_1018 : memref<2x40xi32, #tpu.memory_space<hbm>>) target(%arg11 : memref<2x40xi32, #tpu.memory_space<vmem>>) target_semaphore(%arg27 : memref<!tpu.dma_semaphore, #tpu.memory_space<semaphore_mem>>)
        %dma_wait3A_1019 = arith.constant 1 : i32
        %dma_wait3A_1020 = arith.constant 0 : i32
        %dma_wait3A_1021 = tpu.memref_slice %arg12[%dma_wait3A_1019, %dma_wait3A_1020] : memref<2x40xi32, #tpu.memory_space<vmem>> -> memref<1x40xi32, #tpu.memory_space<vmem>>
        %dma_wait3A_1022 = tpu.memref_squeeze %dma_wait3A_1021 : memref<1x40xi32, #tpu.memory_space<vmem>> -> memref<40xi32, #tpu.memory_space<vmem>>
        %dma_wait3A_1023 = arith.constant 0 : i32
        %dma_wait3A_1024 = arith.constant 0 : i32
        %dma_wait3A_1025 = tpu.memref_slice %arg5[%dma_wait3A_1023, %dma_wait3A_1024] : memref<10240x128xf32, #tpu.memory_space<vmem_shared>> -> memref<10240x128xf32, #tpu.memory_space<vmem_shared>>
        tpu.wait_indirect_dma semaphore(%arg44 : memref<!tpu.dma_semaphore, #tpu.memory_space<semaphore_mem>>) src(%arg20 : memref<40x128xf32, #tpu.memory_space<vmem>>) dst(%dma_wait3A_1025 : memref<10240x128xf32, #tpu.memory_space<vmem_shared>>)
        %add3A_1026 = arith.constant 8 : i32
        %add3A_1027 = arith.addi %mul3A_654, %add3A_1026 : i32
        %add3A_1028 = arith.constant 6 : i32
        %add3A_1029 = arith.addi %add3A_1027, %add3A_1028 : i32
        %dma_start3A_1030 = arith.constant 0 : i32
        %dma_start3A_1031 = arith.constant 0 : i32
        %dma_start3A_1032 = tpu.memref_slice %arg3[%add3A, %add3A_1029, %dma_start3A_1030, %dma_start3A_1031] : memref<32x256x2x40xi32, #tpu.memory_space<hbm>> -> memref<1x1x2x40xi32, #tpu.memory_space<hbm>>
        %dma_start3A_1033 = tpu.memref_squeeze %dma_start3A_1032 : memref<1x1x2x40xi32, #tpu.memory_space<hbm>> -> memref<2x40xi32, #tpu.memory_space<hbm>>
        %dma_start3A_1034 = arith.constant 0 : i32
        %dma_start3A_1035 = arith.constant 0 : i32
        %dma_start3A_1036 = tpu.memref_slice %arg3[%add3A, %add3A_1029, %dma_start3A_1034, %dma_start3A_1035] : memref<32x256x2x40xi32, #tpu.memory_space<hbm>> -> memref<1x1x2x40xi32, #tpu.memory_space<hbm>>
        %dma_start3A_1037 = tpu.memref_squeeze %dma_start3A_1036 : memref<1x1x2x40xi32, #tpu.memory_space<hbm>> -> memref<2x40xi32, #tpu.memory_space<hbm>>
        tpu.enqueue_dma source(%dma_start3A_1037 : memref<2x40xi32, #tpu.memory_space<hbm>>) target(%arg12 : memref<2x40xi32, #tpu.memory_space<vmem>>) target_semaphore(%arg28 : memref<!tpu.dma_semaphore, #tpu.memory_space<semaphore_mem>>)
        %dma_wait3A_1038 = arith.constant 1 : i32
        %dma_wait3A_1039 = arith.constant 0 : i32
        %dma_wait3A_1040 = tpu.memref_slice %arg13[%dma_wait3A_1038, %dma_wait3A_1039] : memref<2x40xi32, #tpu.memory_space<vmem>> -> memref<1x40xi32, #tpu.memory_space<vmem>>
        %dma_wait3A_1041 = tpu.memref_squeeze %dma_wait3A_1040 : memref<1x40xi32, #tpu.memory_space<vmem>> -> memref<40xi32, #tpu.memory_space<vmem>>
        %dma_wait3A_1042 = arith.constant 0 : i32
        %dma_wait3A_1043 = arith.constant 0 : i32
        %dma_wait3A_1044 = tpu.memref_slice %arg5[%dma_wait3A_1042, %dma_wait3A_1043] : memref<10240x128xf32, #tpu.memory_space<vmem_shared>> -> memref<10240x128xf32, #tpu.memory_space<vmem_shared>>
        tpu.wait_indirect_dma semaphore(%arg45 : memref<!tpu.dma_semaphore, #tpu.memory_space<semaphore_mem>>) src(%arg21 : memref<40x128xf32, #tpu.memory_space<vmem>>) dst(%dma_wait3A_1044 : memref<10240x128xf32, #tpu.memory_space<vmem_shared>>)
        %add3A_1045 = arith.constant 8 : i32
        %add3A_1046 = arith.addi %mul3A_654, %add3A_1045 : i32
        %add3A_1047 = arith.constant 7 : i32
        %add3A_1048 = arith.addi %add3A_1046, %add3A_1047 : i32
        %dma_start3A_1049 = arith.constant 0 : i32
        %dma_start3A_1050 = arith.constant 0 : i32
        %dma_start3A_1051 = tpu.memref_slice %arg3[%add3A, %add3A_1048, %dma_start3A_1049, %dma_start3A_1050] : memref<32x256x2x40xi32, #tpu.memory_space<hbm>> -> memref<1x1x2x40xi32, #tpu.memory_space<hbm>>
        %dma_start3A_1052 = tpu.memref_squeeze %dma_start3A_1051 : memref<1x1x2x40xi32, #tpu.memory_space<hbm>> -> memref<2x40xi32, #tpu.memory_space<hbm>>
        %dma_start3A_1053 = arith.constant 0 : i32
        %dma_start3A_1054 = arith.constant 0 : i32
        %dma_start3A_1055 = tpu.memref_slice %arg3[%add3A, %add3A_1048, %dma_start3A_1053, %dma_start3A_1054] : memref<32x256x2x40xi32, #tpu.memory_space<hbm>> -> memref<1x1x2x40xi32, #tpu.memory_space<hbm>>
        %dma_start3A_1056 = tpu.memref_squeeze %dma_start3A_1055 : memref<1x1x2x40xi32, #tpu.memory_space<hbm>> -> memref<2x40xi32, #tpu.memory_space<hbm>>
        tpu.enqueue_dma source(%dma_start3A_1056 : memref<2x40xi32, #tpu.memory_space<hbm>>) target(%arg13 : memref<2x40xi32, #tpu.memory_space<vmem>>) target_semaphore(%arg29 : memref<!tpu.dma_semaphore, #tpu.memory_space<semaphore_mem>>)
      } else {
      }
    }
    %scan3A_306 = arith.constant 32 : i32
    %dma_wait3A_307 = arith.constant 1 : i32
    %dma_wait3A_308 = arith.constant 0 : i32
    %dma_wait3A_309 = tpu.memref_slice %arg6[%dma_wait3A_307, %dma_wait3A_308] : memref<2x40xi32, #tpu.memory_space<vmem>> -> memref<1x40xi32, #tpu.memory_space<vmem>>
    %dma_wait3A_310 = tpu.memref_squeeze %dma_wait3A_309 : memref<1x40xi32, #tpu.memory_space<vmem>> -> memref<40xi32, #tpu.memory_space<vmem>>
    %dma_wait3A_311 = arith.constant 0 : i32
    %dma_wait3A_312 = arith.constant 0 : i32
    %dma_wait3A_313 = tpu.memref_slice %arg5[%dma_wait3A_311, %dma_wait3A_312] : memref<10240x128xf32, #tpu.memory_space<vmem_shared>> -> memref<10240x128xf32, #tpu.memory_space<vmem_shared>>
    tpu.wait_indirect_dma semaphore(%arg38 : memref<!tpu.dma_semaphore, #tpu.memory_space<semaphore_mem>>) src(%arg14 : memref<40x128xf32, #tpu.memory_space<vmem>>) dst(%dma_wait3A_313 : memref<10240x128xf32, #tpu.memory_space<vmem_shared>>)
    %dma_wait3A_314 = arith.constant 1 : i32
    %dma_wait3A_315 = arith.constant 0 : i32
    %dma_wait3A_316 = tpu.memref_slice %arg7[%dma_wait3A_314, %dma_wait3A_315] : memref<2x40xi32, #tpu.memory_space<vmem>> -> memref<1x40xi32, #tpu.memory_space<vmem>>
    %dma_wait3A_317 = tpu.memref_squeeze %dma_wait3A_316 : memref<1x40xi32, #tpu.memory_space<vmem>> -> memref<40xi32, #tpu.memory_space<vmem>>
    %dma_wait3A_318 = arith.constant 0 : i32
    %dma_wait3A_319 = arith.constant 0 : i32
    %dma_wait3A_320 = tpu.memref_slice %arg5[%dma_wait3A_318, %dma_wait3A_319] : memref<10240x128xf32, #tpu.memory_space<vmem_shared>> -> memref<10240x128xf32, #tpu.memory_space<vmem_shared>>
    tpu.wait_indirect_dma semaphore(%arg39 : memref<!tpu.dma_semaphore, #tpu.memory_space<semaphore_mem>>) src(%arg15 : memref<40x128xf32, #tpu.memory_space<vmem>>) dst(%dma_wait3A_320 : memref<10240x128xf32, #tpu.memory_space<vmem_shared>>)
    %dma_wait3A_321 = arith.constant 1 : i32
    %dma_wait3A_322 = arith.constant 0 : i32
    %dma_wait3A_323 = tpu.memref_slice %arg8[%dma_wait3A_321, %dma_wait3A_322] : memref<2x40xi32, #tpu.memory_space<vmem>> -> memref<1x40xi32, #tpu.memory_space<vmem>>
    %dma_wait3A_324 = tpu.memref_squeeze %dma_wait3A_323 : memref<1x40xi32, #tpu.memory_space<vmem>> -> memref<40xi32, #tpu.memory_space<vmem>>
    %dma_wait3A_325 = arith.constant 0 : i32
    %dma_wait3A_326 = arith.constant 0 : i32
    %dma_wait3A_327 = tpu.memref_slice %arg5[%dma_wait3A_325, %dma_wait3A_326] : memref<10240x128xf32, #tpu.memory_space<vmem_shared>> -> memref<10240x128xf32, #tpu.memory_space<vmem_shared>>
    tpu.wait_indirect_dma semaphore(%arg40 : memref<!tpu.dma_semaphore, #tpu.memory_space<semaphore_mem>>) src(%arg16 : memref<40x128xf32, #tpu.memory_space<vmem>>) dst(%dma_wait3A_327 : memref<10240x128xf32, #tpu.memory_space<vmem_shared>>)
    %dma_wait3A_328 = arith.constant 1 : i32
    %dma_wait3A_329 = arith.constant 0 : i32
    %dma_wait3A_330 = tpu.memref_slice %arg9[%dma_wait3A_328, %dma_wait3A_329] : memref<2x40xi32, #tpu.memory_space<vmem>> -> memref<1x40xi32, #tpu.memory_space<vmem>>
    %dma_wait3A_331 = tpu.memref_squeeze %dma_wait3A_330 : memref<1x40xi32, #tpu.memory_space<vmem>> -> memref<40xi32, #tpu.memory_space<vmem>>
    %dma_wait3A_332 = arith.constant 0 : i32
    %dma_wait3A_333 = arith.constant 0 : i32
    %dma_wait3A_334 = tpu.memref_slice %arg5[%dma_wait3A_332, %dma_wait3A_333] : memref<10240x128xf32, #tpu.memory_space<vmem_shared>> -> memref<10240x128xf32, #tpu.memory_space<vmem_shared>>
    tpu.wait_indirect_dma semaphore(%arg41 : memref<!tpu.dma_semaphore, #tpu.memory_space<semaphore_mem>>) src(%arg17 : memref<40x128xf32, #tpu.memory_space<vmem>>) dst(%dma_wait3A_334 : memref<10240x128xf32, #tpu.memory_space<vmem_shared>>)
    %dma_wait3A_335 = arith.constant 1 : i32
    %dma_wait3A_336 = arith.constant 0 : i32
    %dma_wait3A_337 = tpu.memref_slice %arg10[%dma_wait3A_335, %dma_wait3A_336] : memref<2x40xi32, #tpu.memory_space<vmem>> -> memref<1x40xi32, #tpu.memory_space<vmem>>
    %dma_wait3A_338 = tpu.memref_squeeze %dma_wait3A_337 : memref<1x40xi32, #tpu.memory_space<vmem>> -> memref<40xi32, #tpu.memory_space<vmem>>
    %dma_wait3A_339 = arith.constant 0 : i32
    %dma_wait3A_340 = arith.constant 0 : i32
    %dma_wait3A_341 = tpu.memref_slice %arg5[%dma_wait3A_339, %dma_wait3A_340] : memref<10240x128xf32, #tpu.memory_space<vmem_shared>> -> memref<10240x128xf32, #tpu.memory_space<vmem_shared>>
    tpu.wait_indirect_dma semaphore(%arg42 : memref<!tpu.dma_semaphore, #tpu.memory_space<semaphore_mem>>) src(%arg18 : memref<40x128xf32, #tpu.memory_space<vmem>>) dst(%dma_wait3A_341 : memref<10240x128xf32, #tpu.memory_space<vmem_shared>>)
    %dma_wait3A_342 = arith.constant 1 : i32
    %dma_wait3A_343 = arith.constant 0 : i32
    %dma_wait3A_344 = tpu.memref_slice %arg11[%dma_wait3A_342, %dma_wait3A_343] : memref<2x40xi32, #tpu.memory_space<vmem>> -> memref<1x40xi32, #tpu.memory_space<vmem>>
    %dma_wait3A_345 = tpu.memref_squeeze %dma_wait3A_344 : memref<1x40xi32, #tpu.memory_space<vmem>> -> memref<40xi32, #tpu.memory_space<vmem>>
    %dma_wait3A_346 = arith.constant 0 : i32
    %dma_wait3A_347 = arith.constant 0 : i32
    %dma_wait3A_348 = tpu.memref_slice %arg5[%dma_wait3A_346, %dma_wait3A_347] : memref<10240x128xf32, #tpu.memory_space<vmem_shared>> -> memref<10240x128xf32, #tpu.memory_space<vmem_shared>>
    tpu.wait_indirect_dma semaphore(%arg43 : memref<!tpu.dma_semaphore, #tpu.memory_space<semaphore_mem>>) src(%arg19 : memref<40x128xf32, #tpu.memory_space<vmem>>) dst(%dma_wait3A_348 : memref<10240x128xf32, #tpu.memory_space<vmem_shared>>)
    %dma_wait3A_349 = arith.constant 1 : i32
    %dma_wait3A_350 = arith.constant 0 : i32
    %dma_wait3A_351 = tpu.memref_slice %arg12[%dma_wait3A_349, %dma_wait3A_350] : memref<2x40xi32, #tpu.memory_space<vmem>> -> memref<1x40xi32, #tpu.memory_space<vmem>>
    %dma_wait3A_352 = tpu.memref_squeeze %dma_wait3A_351 : memref<1x40xi32, #tpu.memory_space<vmem>> -> memref<40xi32, #tpu.memory_space<vmem>>
    %dma_wait3A_353 = arith.constant 0 : i32
    %dma_wait3A_354 = arith.constant 0 : i32
    %dma_wait3A_355 = tpu.memref_slice %arg5[%dma_wait3A_353, %dma_wait3A_354] : memref<10240x128xf32, #tpu.memory_space<vmem_shared>> -> memref<10240x128xf32, #tpu.memory_space<vmem_shared>>
    tpu.wait_indirect_dma semaphore(%arg44 : memref<!tpu.dma_semaphore, #tpu.memory_space<semaphore_mem>>) src(%arg20 : memref<40x128xf32, #tpu.memory_space<vmem>>) dst(%dma_wait3A_355 : memref<10240x128xf32, #tpu.memory_space<vmem_shared>>)
    %dma_wait3A_356 = arith.constant 1 : i32
    %dma_wait3A_357 = arith.constant 0 : i32
    %dma_wait3A_358 = tpu.memref_slice %arg13[%dma_wait3A_356, %dma_wait3A_357] : memref<2x40xi32, #tpu.memory_space<vmem>> -> memref<1x40xi32, #tpu.memory_space<vmem>>
    %dma_wait3A_359 = tpu.memref_squeeze %dma_wait3A_358 : memref<1x40xi32, #tpu.memory_space<vmem>> -> memref<40xi32, #tpu.memory_space<vmem>>
    %dma_wait3A_360 = arith.constant 0 : i32
    %dma_wait3A_361 = arith.constant 0 : i32
    %dma_wait3A_362 = tpu.memref_slice %arg5[%dma_wait3A_360, %dma_wait3A_361] : memref<10240x128xf32, #tpu.memory_space<vmem_shared>> -> memref<10240x128xf32, #tpu.memory_space<vmem_shared>>
    tpu.wait_indirect_dma semaphore(%arg45 : memref<!tpu.dma_semaphore, #tpu.memory_space<semaphore_mem>>) src(%arg21 : memref<40x128xf32, #tpu.memory_space<vmem>>) dst(%dma_wait3A_362 : memref<10240x128xf32, #tpu.memory_space<vmem_shared>>)
    %barrier3A_363 = arith.constant 0 : index
    tpu.barrier barrier_id(%barrier3A_363)
    %mul3A_364 = arith.constant 640 : i32
    %mul3A_365 = arith.muli %arg1, %mul3A_364 : i32
    %add3A_366 = arith.constant 0 : i32
    %add3A_367 = arith.addi %mul3A_365, %add3A_366 : i32
    "tpu.region"() ({
      %run_scoped3A = tpu.sem_alloc : memref<!tpu.dma_semaphore, #tpu.memory_space<semaphore_mem>>
      %dma_start3A_652 = arith.constant 0 : i32
      %dma_start3A_653 = tpu.memref_slice %arg5[%add3A_367, %dma_start3A_652] : memref<10240x128xf32, #tpu.memory_space<vmem_shared>> -> memref<40x128xf32, #tpu.memory_space<vmem_shared>>
      %dma_start3A_654 = arith.constant 0 : i32
      %dma_start3A_655 = tpu.memref_slice %arg5[%add3A_367, %dma_start3A_654] : memref<10240x128xf32, #tpu.memory_space<vmem_shared>> -> memref<40x128xf32, #tpu.memory_space<vmem_shared>>
      tpu.enqueue_dma source(%dma_start3A_655 : memref<40x128xf32, #tpu.memory_space<vmem_shared>>) target(%arg14 : memref<40x128xf32, #tpu.memory_space<vmem>>) target_semaphore(%run_scoped3A : memref<!tpu.dma_semaphore, #tpu.memory_space<semaphore_mem>>)
      %dma_wait3A_656 = arith.constant 0 : i32
      %dma_wait3A_657 = tpu.memref_slice %arg5[%add3A_367, %dma_wait3A_656] : memref<10240x128xf32, #tpu.memory_space<vmem_shared>> -> memref<40x128xf32, #tpu.memory_space<vmem_shared>>
      %dma_wait3A_658 = arith.constant 0 : i32
      %dma_wait3A_659 = tpu.memref_slice %arg5[%add3A_367, %dma_wait3A_658] : memref<10240x128xf32, #tpu.memory_space<vmem_shared>> -> memref<40x128xf32, #tpu.memory_space<vmem_shared>>
      tpu.wait_dma2 semaphore(%run_scoped3A : memref<!tpu.dma_semaphore, #tpu.memory_space<semaphore_mem>>) src(%dma_wait3A_659 : memref<40x128xf32, #tpu.memory_space<vmem_shared>>) dst(%arg14 : memref<40x128xf32, #tpu.memory_space<vmem>>)
      tpu.yield
    }) : () -> ()
    %dma_start3A_368 = arith.constant 0 : i32
    %dma_start3A_369 = tpu.memref_slice %arg4[%arg0, %add3A_367, %dma_start3A_368] : memref<2x10240x128xf32, #tpu.memory_space<hbm>> -> memref<1x40x128xf32, #tpu.memory_space<hbm>>
    %dma_start3A_370 = tpu.memref_squeeze %dma_start3A_369 : memref<1x40x128xf32, #tpu.memory_space<hbm>> -> memref<40x128xf32, #tpu.memory_space<hbm>>
    %dma_start3A_371 = arith.constant 0 : i32
    %dma_start3A_372 = tpu.memref_slice %arg4[%arg0, %add3A_367, %dma_start3A_371] : memref<2x10240x128xf32, #tpu.memory_space<hbm>> -> memref<1x40x128xf32, #tpu.memory_space<hbm>>
    %dma_start3A_373 = tpu.memref_squeeze %dma_start3A_372 : memref<1x40x128xf32, #tpu.memory_space<hbm>> -> memref<40x128xf32, #tpu.memory_space<hbm>>
    tpu.enqueue_dma source(%arg14 : memref<40x128xf32, #tpu.memory_space<vmem>>) target(%dma_start3A_373 : memref<40x128xf32, #tpu.memory_space<hbm>>) target_semaphore(%arg30 : memref<!tpu.dma_semaphore, #tpu.memory_space<semaphore_mem>>)
    %mul3A_374 = arith.constant 640 : i32
    %mul3A_375 = arith.muli %arg1, %mul3A_374 : i32
    %add3A_376 = arith.constant 40 : i32
    %add3A_377 = arith.addi %mul3A_375, %add3A_376 : i32
    "tpu.region"() ({
      %run_scoped3A = tpu.sem_alloc : memref<!tpu.dma_semaphore, #tpu.memory_space<semaphore_mem>>
      %dma_start3A_652 = arith.constant 0 : i32
      %dma_start3A_653 = tpu.memref_slice %arg5[%add3A_377, %dma_start3A_652] : memref<10240x128xf32, #tpu.memory_space<vmem_shared>> -> memref<40x128xf32, #tpu.memory_space<vmem_shared>>
      %dma_start3A_654 = arith.constant 0 : i32
      %dma_start3A_655 = tpu.memref_slice %arg5[%add3A_377, %dma_start3A_654] : memref<10240x128xf32, #tpu.memory_space<vmem_shared>> -> memref<40x128xf32, #tpu.memory_space<vmem_shared>>
      tpu.enqueue_dma source(%dma_start3A_655 : memref<40x128xf32, #tpu.memory_space<vmem_shared>>) target(%arg15 : memref<40x128xf32, #tpu.memory_space<vmem>>) target_semaphore(%run_scoped3A : memref<!tpu.dma_semaphore, #tpu.memory_space<semaphore_mem>>)
      %dma_wait3A_656 = arith.constant 0 : i32
      %dma_wait3A_657 = tpu.memref_slice %arg5[%add3A_377, %dma_wait3A_656] : memref<10240x128xf32, #tpu.memory_space<vmem_shared>> -> memref<40x128xf32, #tpu.memory_space<vmem_shared>>
      %dma_wait3A_658 = arith.constant 0 : i32
      %dma_wait3A_659 = tpu.memref_slice %arg5[%add3A_377, %dma_wait3A_658] : memref<10240x128xf32, #tpu.memory_space<vmem_shared>> -> memref<40x128xf32, #tpu.memory_space<vmem_shared>>
      tpu.wait_dma2 semaphore(%run_scoped3A : memref<!tpu.dma_semaphore, #tpu.memory_space<semaphore_mem>>) src(%dma_wait3A_659 : memref<40x128xf32, #tpu.memory_space<vmem_shared>>) dst(%arg15 : memref<40x128xf32, #tpu.memory_space<vmem>>)
      tpu.yield
    }) : () -> ()
    %dma_start3A_378 = arith.constant 0 : i32
    %dma_start3A_379 = tpu.memref_slice %arg4[%arg0, %add3A_377, %dma_start3A_378] : memref<2x10240x128xf32, #tpu.memory_space<hbm>> -> memref<1x40x128xf32, #tpu.memory_space<hbm>>
    %dma_start3A_380 = tpu.memref_squeeze %dma_start3A_379 : memref<1x40x128xf32, #tpu.memory_space<hbm>> -> memref<40x128xf32, #tpu.memory_space<hbm>>
    %dma_start3A_381 = arith.constant 0 : i32
    %dma_start3A_382 = tpu.memref_slice %arg4[%arg0, %add3A_377, %dma_start3A_381] : memref<2x10240x128xf32, #tpu.memory_space<hbm>> -> memref<1x40x128xf32, #tpu.memory_space<hbm>>
    %dma_start3A_383 = tpu.memref_squeeze %dma_start3A_382 : memref<1x40x128xf32, #tpu.memory_space<hbm>> -> memref<40x128xf32, #tpu.memory_space<hbm>>
    tpu.enqueue_dma source(%arg15 : memref<40x128xf32, #tpu.memory_space<vmem>>) target(%dma_start3A_383 : memref<40x128xf32, #tpu.memory_space<hbm>>) target_semaphore(%arg31 : memref<!tpu.dma_semaphore, #tpu.memory_space<semaphore_mem>>)
    %mul3A_384 = arith.constant 640 : i32
    %mul3A_385 = arith.muli %arg1, %mul3A_384 : i32
    %add3A_386 = arith.constant 80 : i32
    %add3A_387 = arith.addi %mul3A_385, %add3A_386 : i32
    "tpu.region"() ({
      %run_scoped3A = tpu.sem_alloc : memref<!tpu.dma_semaphore, #tpu.memory_space<semaphore_mem>>
      %dma_start3A_652 = arith.constant 0 : i32
      %dma_start3A_653 = tpu.memref_slice %arg5[%add3A_387, %dma_start3A_652] : memref<10240x128xf32, #tpu.memory_space<vmem_shared>> -> memref<40x128xf32, #tpu.memory_space<vmem_shared>>
      %dma_start3A_654 = arith.constant 0 : i32
      %dma_start3A_655 = tpu.memref_slice %arg5[%add3A_387, %dma_start3A_654] : memref<10240x128xf32, #tpu.memory_space<vmem_shared>> -> memref<40x128xf32, #tpu.memory_space<vmem_shared>>
      tpu.enqueue_dma source(%dma_start3A_655 : memref<40x128xf32, #tpu.memory_space<vmem_shared>>) target(%arg16 : memref<40x128xf32, #tpu.memory_space<vmem>>) target_semaphore(%run_scoped3A : memref<!tpu.dma_semaphore, #tpu.memory_space<semaphore_mem>>)
      %dma_wait3A_656 = arith.constant 0 : i32
      %dma_wait3A_657 = tpu.memref_slice %arg5[%add3A_387, %dma_wait3A_656] : memref<10240x128xf32, #tpu.memory_space<vmem_shared>> -> memref<40x128xf32, #tpu.memory_space<vmem_shared>>
      %dma_wait3A_658 = arith.constant 0 : i32
      %dma_wait3A_659 = tpu.memref_slice %arg5[%add3A_387, %dma_wait3A_658] : memref<10240x128xf32, #tpu.memory_space<vmem_shared>> -> memref<40x128xf32, #tpu.memory_space<vmem_shared>>
      tpu.wait_dma2 semaphore(%run_scoped3A : memref<!tpu.dma_semaphore, #tpu.memory_space<semaphore_mem>>) src(%dma_wait3A_659 : memref<40x128xf32, #tpu.memory_space<vmem_shared>>) dst(%arg16 : memref<40x128xf32, #tpu.memory_space<vmem>>)
      tpu.yield
    }) : () -> ()
    %dma_start3A_388 = arith.constant 0 : i32
    %dma_start3A_389 = tpu.memref_slice %arg4[%arg0, %add3A_387, %dma_start3A_388] : memref<2x10240x128xf32, #tpu.memory_space<hbm>> -> memref<1x40x128xf32, #tpu.memory_space<hbm>>
    %dma_start3A_390 = tpu.memref_squeeze %dma_start3A_389 : memref<1x40x128xf32, #tpu.memory_space<hbm>> -> memref<40x128xf32, #tpu.memory_space<hbm>>
    %dma_start3A_391 = arith.constant 0 : i32
    %dma_start3A_392 = tpu.memref_slice %arg4[%arg0, %add3A_387, %dma_start3A_391] : memref<2x10240x128xf32, #tpu.memory_space<hbm>> -> memref<1x40x128xf32, #tpu.memory_space<hbm>>
    %dma_start3A_393 = tpu.memref_squeeze %dma_start3A_392 : memref<1x40x128xf32, #tpu.memory_space<hbm>> -> memref<40x128xf32, #tpu.memory_space<hbm>>
    tpu.enqueue_dma source(%arg16 : memref<40x128xf32, #tpu.memory_space<vmem>>) target(%dma_start3A_393 : memref<40x128xf32, #tpu.memory_space<hbm>>) target_semaphore(%arg32 : memref<!tpu.dma_semaphore, #tpu.memory_space<semaphore_mem>>)
    %mul3A_394 = arith.constant 640 : i32
    %mul3A_395 = arith.muli %arg1, %mul3A_394 : i32
    %add3A_396 = arith.constant 120 : i32
    %add3A_397 = arith.addi %mul3A_395, %add3A_396 : i32
    "tpu.region"() ({
      %run_scoped3A = tpu.sem_alloc : memref<!tpu.dma_semaphore, #tpu.memory_space<semaphore_mem>>
      %dma_start3A_652 = arith.constant 0 : i32
      %dma_start3A_653 = tpu.memref_slice %arg5[%add3A_397, %dma_start3A_652] : memref<10240x128xf32, #tpu.memory_space<vmem_shared>> -> memref<40x128xf32, #tpu.memory_space<vmem_shared>>
      %dma_start3A_654 = arith.constant 0 : i32
      %dma_start3A_655 = tpu.memref_slice %arg5[%add3A_397, %dma_start3A_654] : memref<10240x128xf32, #tpu.memory_space<vmem_shared>> -> memref<40x128xf32, #tpu.memory_space<vmem_shared>>
      tpu.enqueue_dma source(%dma_start3A_655 : memref<40x128xf32, #tpu.memory_space<vmem_shared>>) target(%arg17 : memref<40x128xf32, #tpu.memory_space<vmem>>) target_semaphore(%run_scoped3A : memref<!tpu.dma_semaphore, #tpu.memory_space<semaphore_mem>>)
      %dma_wait3A_656 = arith.constant 0 : i32
      %dma_wait3A_657 = tpu.memref_slice %arg5[%add3A_397, %dma_wait3A_656] : memref<10240x128xf32, #tpu.memory_space<vmem_shared>> -> memref<40x128xf32, #tpu.memory_space<vmem_shared>>
      %dma_wait3A_658 = arith.constant 0 : i32
      %dma_wait3A_659 = tpu.memref_slice %arg5[%add3A_397, %dma_wait3A_658] : memref<10240x128xf32, #tpu.memory_space<vmem_shared>> -> memref<40x128xf32, #tpu.memory_space<vmem_shared>>
      tpu.wait_dma2 semaphore(%run_scoped3A : memref<!tpu.dma_semaphore, #tpu.memory_space<semaphore_mem>>) src(%dma_wait3A_659 : memref<40x128xf32, #tpu.memory_space<vmem_shared>>) dst(%arg17 : memref<40x128xf32, #tpu.memory_space<vmem>>)
      tpu.yield
    }) : () -> ()
    %dma_start3A_398 = arith.constant 0 : i32
    %dma_start3A_399 = tpu.memref_slice %arg4[%arg0, %add3A_397, %dma_start3A_398] : memref<2x10240x128xf32, #tpu.memory_space<hbm>> -> memref<1x40x128xf32, #tpu.memory_space<hbm>>
    %dma_start3A_400 = tpu.memref_squeeze %dma_start3A_399 : memref<1x40x128xf32, #tpu.memory_space<hbm>> -> memref<40x128xf32, #tpu.memory_space<hbm>>
    %dma_start3A_401 = arith.constant 0 : i32
    %dma_start3A_402 = tpu.memref_slice %arg4[%arg0, %add3A_397, %dma_start3A_401] : memref<2x10240x128xf32, #tpu.memory_space<hbm>> -> memref<1x40x128xf32, #tpu.memory_space<hbm>>
    %dma_start3A_403 = tpu.memref_squeeze %dma_start3A_402 : memref<1x40x128xf32, #tpu.memory_space<hbm>> -> memref<40x128xf32, #tpu.memory_space<hbm>>
    tpu.enqueue_dma source(%arg17 : memref<40x128xf32, #tpu.memory_space<vmem>>) target(%dma_start3A_403 : memref<40x128xf32, #tpu.memory_space<hbm>>) target_semaphore(%arg33 : memref<!tpu.dma_semaphore, #tpu.memory_space<semaphore_mem>>)
    %mul3A_404 = arith.constant 640 : i32
    %mul3A_405 = arith.muli %arg1, %mul3A_404 : i32
    %add3A_406 = arith.constant 160 : i32
    %add3A_407 = arith.addi %mul3A_405, %add3A_406 : i32
    %dma_wait3A_408 = arith.constant 0 : i32
    %dma_wait3A_409 = arith.constant 0 : i32
    %dma_wait3A_410 = tpu.memref_slice %arg4[%arg0, %dma_wait3A_408, %dma_wait3A_409] : memref<2x10240x128xf32, #tpu.memory_space<hbm>> -> memref<1x40x128xf32, #tpu.memory_space<hbm>>
    %dma_wait3A_411 = tpu.memref_squeeze %dma_wait3A_410 : memref<1x40x128xf32, #tpu.memory_space<hbm>> -> memref<40x128xf32, #tpu.memory_space<hbm>>
    %dma_wait3A_412 = arith.constant 0 : i32
    %dma_wait3A_413 = arith.constant 0 : i32
    %dma_wait3A_414 = tpu.memref_slice %arg4[%arg0, %dma_wait3A_412, %dma_wait3A_413] : memref<2x10240x128xf32, #tpu.memory_space<hbm>> -> memref<1x40x128xf32, #tpu.memory_space<hbm>>
    %dma_wait3A_415 = tpu.memref_squeeze %dma_wait3A_414 : memref<1x40x128xf32, #tpu.memory_space<hbm>> -> memref<40x128xf32, #tpu.memory_space<hbm>>
    tpu.wait_dma2 semaphore(%arg30 : memref<!tpu.dma_semaphore, #tpu.memory_space<semaphore_mem>>) src(%arg14 : memref<40x128xf32, #tpu.memory_space<vmem>>) dst(%dma_wait3A_415 : memref<40x128xf32, #tpu.memory_space<hbm>>)
    "tpu.region"() ({
      %run_scoped3A = tpu.sem_alloc : memref<!tpu.dma_semaphore, #tpu.memory_space<semaphore_mem>>
      %dma_start3A_652 = arith.constant 0 : i32
      %dma_start3A_653 = tpu.memref_slice %arg5[%add3A_407, %dma_start3A_652] : memref<10240x128xf32, #tpu.memory_space<vmem_shared>> -> memref<40x128xf32, #tpu.memory_space<vmem_shared>>
      %dma_start3A_654 = arith.constant 0 : i32
      %dma_start3A_655 = tpu.memref_slice %arg5[%add3A_407, %dma_start3A_654] : memref<10240x128xf32, #tpu.memory_space<vmem_shared>> -> memref<40x128xf32, #tpu.memory_space<vmem_shared>>
      tpu.enqueue_dma source(%dma_start3A_655 : memref<40x128xf32, #tpu.memory_space<vmem_shared>>) target(%arg14 : memref<40x128xf32, #tpu.memory_space<vmem>>) target_semaphore(%run_scoped3A : memref<!tpu.dma_semaphore, #tpu.memory_space<semaphore_mem>>)
      %dma_wait3A_656 = arith.constant 0 : i32
      %dma_wait3A_657 = tpu.memref_slice %arg5[%add3A_407, %dma_wait3A_656] : memref<10240x128xf32, #tpu.memory_space<vmem_shared>> -> memref<40x128xf32, #tpu.memory_space<vmem_shared>>
      %dma_wait3A_658 = arith.constant 0 : i32
      %dma_wait3A_659 = tpu.memref_slice %arg5[%add3A_407, %dma_wait3A_658] : memref<10240x128xf32, #tpu.memory_space<vmem_shared>> -> memref<40x128xf32, #tpu.memory_space<vmem_shared>>
      tpu.wait_dma2 semaphore(%run_scoped3A : memref<!tpu.dma_semaphore, #tpu.memory_space<semaphore_mem>>) src(%dma_wait3A_659 : memref<40x128xf32, #tpu.memory_space<vmem_shared>>) dst(%arg14 : memref<40x128xf32, #tpu.memory_space<vmem>>)
      tpu.yield
    }) : () -> ()
    %dma_start3A_416 = arith.constant 0 : i32
    %dma_start3A_417 = tpu.memref_slice %arg4[%arg0, %add3A_407, %dma_start3A_416] : memref<2x10240x128xf32, #tpu.memory_space<hbm>> -> memref<1x40x128xf32, #tpu.memory_space<hbm>>
    %dma_start3A_418 = tpu.memref_squeeze %dma_start3A_417 : memref<1x40x128xf32, #tpu.memory_space<hbm>> -> memref<40x128xf32, #tpu.memory_space<hbm>>
    %dma_start3A_419 = arith.constant 0 : i32
    %dma_start3A_420 = tpu.memref_slice %arg4[%arg0, %add3A_407, %dma_start3A_419] : memref<2x10240x128xf32, #tpu.memory_space<hbm>> -> memref<1x40x128xf32, #tpu.memory_space<hbm>>
    %dma_start3A_421 = tpu.memref_squeeze %dma_start3A_420 : memref<1x40x128xf32, #tpu.memory_space<hbm>> -> memref<40x128xf32, #tpu.memory_space<hbm>>
    tpu.enqueue_dma source(%arg14 : memref<40x128xf32, #tpu.memory_space<vmem>>) target(%dma_start3A_421 : memref<40x128xf32, #tpu.memory_space<hbm>>) target_semaphore(%arg30 : memref<!tpu.dma_semaphore, #tpu.memory_space<semaphore_mem>>)
    %mul3A_422 = arith.constant 640 : i32
    %mul3A_423 = arith.muli %arg1, %mul3A_422 : i32
    %add3A_424 = arith.constant 200 : i32
    %add3A_425 = arith.addi %mul3A_423, %add3A_424 : i32
    %dma_wait3A_426 = arith.constant 0 : i32
    %dma_wait3A_427 = arith.constant 0 : i32
    %dma_wait3A_428 = tpu.memref_slice %arg4[%arg0, %dma_wait3A_426, %dma_wait3A_427] : memref<2x10240x128xf32, #tpu.memory_space<hbm>> -> memref<1x40x128xf32, #tpu.memory_space<hbm>>
    %dma_wait3A_429 = tpu.memref_squeeze %dma_wait3A_428 : memref<1x40x128xf32, #tpu.memory_space<hbm>> -> memref<40x128xf32, #tpu.memory_space<hbm>>
    %dma_wait3A_430 = arith.constant 0 : i32
    %dma_wait3A_431 = arith.constant 0 : i32
    %dma_wait3A_432 = tpu.memref_slice %arg4[%arg0, %dma_wait3A_430, %dma_wait3A_431] : memref<2x10240x128xf32, #tpu.memory_space<hbm>> -> memref<1x40x128xf32, #tpu.memory_space<hbm>>
    %dma_wait3A_433 = tpu.memref_squeeze %dma_wait3A_432 : memref<1x40x128xf32, #tpu.memory_space<hbm>> -> memref<40x128xf32, #tpu.memory_space<hbm>>
    tpu.wait_dma2 semaphore(%arg31 : memref<!tpu.dma_semaphore, #tpu.memory_space<semaphore_mem>>) src(%arg15 : memref<40x128xf32, #tpu.memory_space<vmem>>) dst(%dma_wait3A_433 : memref<40x128xf32, #tpu.memory_space<hbm>>)
    "tpu.region"() ({
      %run_scoped3A = tpu.sem_alloc : memref<!tpu.dma_semaphore, #tpu.memory_space<semaphore_mem>>
      %dma_start3A_652 = arith.constant 0 : i32
      %dma_start3A_653 = tpu.memref_slice %arg5[%add3A_425, %dma_start3A_652] : memref<10240x128xf32, #tpu.memory_space<vmem_shared>> -> memref<40x128xf32, #tpu.memory_space<vmem_shared>>
      %dma_start3A_654 = arith.constant 0 : i32
      %dma_start3A_655 = tpu.memref_slice %arg5[%add3A_425, %dma_start3A_654] : memref<10240x128xf32, #tpu.memory_space<vmem_shared>> -> memref<40x128xf32, #tpu.memory_space<vmem_shared>>
      tpu.enqueue_dma source(%dma_start3A_655 : memref<40x128xf32, #tpu.memory_space<vmem_shared>>) target(%arg15 : memref<40x128xf32, #tpu.memory_space<vmem>>) target_semaphore(%run_scoped3A : memref<!tpu.dma_semaphore, #tpu.memory_space<semaphore_mem>>)
      %dma_wait3A_656 = arith.constant 0 : i32
      %dma_wait3A_657 = tpu.memref_slice %arg5[%add3A_425, %dma_wait3A_656] : memref<10240x128xf32, #tpu.memory_space<vmem_shared>> -> memref<40x128xf32, #tpu.memory_space<vmem_shared>>
      %dma_wait3A_658 = arith.constant 0 : i32
      %dma_wait3A_659 = tpu.memref_slice %arg5[%add3A_425, %dma_wait3A_658] : memref<10240x128xf32, #tpu.memory_space<vmem_shared>> -> memref<40x128xf32, #tpu.memory_space<vmem_shared>>
      tpu.wait_dma2 semaphore(%run_scoped3A : memref<!tpu.dma_semaphore, #tpu.memory_space<semaphore_mem>>) src(%dma_wait3A_659 : memref<40x128xf32, #tpu.memory_space<vmem_shared>>) dst(%arg15 : memref<40x128xf32, #tpu.memory_space<vmem>>)
      tpu.yield
    }) : () -> ()
    %dma_start3A_434 = arith.constant 0 : i32
    %dma_start3A_435 = tpu.memref_slice %arg4[%arg0, %add3A_425, %dma_start3A_434] : memref<2x10240x128xf32, #tpu.memory_space<hbm>> -> memref<1x40x128xf32, #tpu.memory_space<hbm>>
    %dma_start3A_436 = tpu.memref_squeeze %dma_start3A_435 : memref<1x40x128xf32, #tpu.memory_space<hbm>> -> memref<40x128xf32, #tpu.memory_space<hbm>>
    %dma_start3A_437 = arith.constant 0 : i32
    %dma_start3A_438 = tpu.memref_slice %arg4[%arg0, %add3A_425, %dma_start3A_437] : memref<2x10240x128xf32, #tpu.memory_space<hbm>> -> memref<1x40x128xf32, #tpu.memory_space<hbm>>
    %dma_start3A_439 = tpu.memref_squeeze %dma_start3A_438 : memref<1x40x128xf32, #tpu.memory_space<hbm>> -> memref<40x128xf32, #tpu.memory_space<hbm>>
    tpu.enqueue_dma source(%arg15 : memref<40x128xf32, #tpu.memory_space<vmem>>) target(%dma_start3A_439 : memref<40x128xf32, #tpu.memory_space<hbm>>) target_semaphore(%arg31 : memref<!tpu.dma_semaphore, #tpu.memory_space<semaphore_mem>>)
    %mul3A_440 = arith.constant 640 : i32
    %mul3A_441 = arith.muli %arg1, %mul3A_440 : i32
    %add3A_442 = arith.constant 240 : i32
    %add3A_443 = arith.addi %mul3A_441, %add3A_442 : i32
    %dma_wait3A_444 = arith.constant 0 : i32
    %dma_wait3A_445 = arith.constant 0 : i32
    %dma_wait3A_446 = tpu.memref_slice %arg4[%arg0, %dma_wait3A_444, %dma_wait3A_445] : memref<2x10240x128xf32, #tpu.memory_space<hbm>> -> memref<1x40x128xf32, #tpu.memory_space<hbm>>
    %dma_wait3A_447 = tpu.memref_squeeze %dma_wait3A_446 : memref<1x40x128xf32, #tpu.memory_space<hbm>> -> memref<40x128xf32, #tpu.memory_space<hbm>>
    %dma_wait3A_448 = arith.constant 0 : i32
    %dma_wait3A_449 = arith.constant 0 : i32
    %dma_wait3A_450 = tpu.memref_slice %arg4[%arg0, %dma_wait3A_448, %dma_wait3A_449] : memref<2x10240x128xf32, #tpu.memory_space<hbm>> -> memref<1x40x128xf32, #tpu.memory_space<hbm>>
    %dma_wait3A_451 = tpu.memref_squeeze %dma_wait3A_450 : memref<1x40x128xf32, #tpu.memory_space<hbm>> -> memref<40x128xf32, #tpu.memory_space<hbm>>
    tpu.wait_dma2 semaphore(%arg32 : memref<!tpu.dma_semaphore, #tpu.memory_space<semaphore_mem>>) src(%arg16 : memref<40x128xf32, #tpu.memory_space<vmem>>) dst(%dma_wait3A_451 : memref<40x128xf32, #tpu.memory_space<hbm>>)
    "tpu.region"() ({
      %run_scoped3A = tpu.sem_alloc : memref<!tpu.dma_semaphore, #tpu.memory_space<semaphore_mem>>
      %dma_start3A_652 = arith.constant 0 : i32
      %dma_start3A_653 = tpu.memref_slice %arg5[%add3A_443, %dma_start3A_652] : memref<10240x128xf32, #tpu.memory_space<vmem_shared>> -> memref<40x128xf32, #tpu.memory_space<vmem_shared>>
      %dma_start3A_654 = arith.constant 0 : i32
      %dma_start3A_655 = tpu.memref_slice %arg5[%add3A_443, %dma_start3A_654] : memref<10240x128xf32, #tpu.memory_space<vmem_shared>> -> memref<40x128xf32, #tpu.memory_space<vmem_shared>>
      tpu.enqueue_dma source(%dma_start3A_655 : memref<40x128xf32, #tpu.memory_space<vmem_shared>>) target(%arg16 : memref<40x128xf32, #tpu.memory_space<vmem>>) target_semaphore(%run_scoped3A : memref<!tpu.dma_semaphore, #tpu.memory_space<semaphore_mem>>)
      %dma_wait3A_656 = arith.constant 0 : i32
      %dma_wait3A_657 = tpu.memref_slice %arg5[%add3A_443, %dma_wait3A_656] : memref<10240x128xf32, #tpu.memory_space<vmem_shared>> -> memref<40x128xf32, #tpu.memory_space<vmem_shared>>
      %dma_wait3A_658 = arith.constant 0 : i32
      %dma_wait3A_659 = tpu.memref_slice %arg5[%add3A_443, %dma_wait3A_658] : memref<10240x128xf32, #tpu.memory_space<vmem_shared>> -> memref<40x128xf32, #tpu.memory_space<vmem_shared>>
      tpu.wait_dma2 semaphore(%run_scoped3A : memref<!tpu.dma_semaphore, #tpu.memory_space<semaphore_mem>>) src(%dma_wait3A_659 : memref<40x128xf32, #tpu.memory_space<vmem_shared>>) dst(%arg16 : memref<40x128xf32, #tpu.memory_space<vmem>>)
      tpu.yield
    }) : () -> ()
    %dma_start3A_452 = arith.constant 0 : i32
    %dma_start3A_453 = tpu.memref_slice %arg4[%arg0, %add3A_443, %dma_start3A_452] : memref<2x10240x128xf32, #tpu.memory_space<hbm>> -> memref<1x40x128xf32, #tpu.memory_space<hbm>>
    %dma_start3A_454 = tpu.memref_squeeze %dma_start3A_453 : memref<1x40x128xf32, #tpu.memory_space<hbm>> -> memref<40x128xf32, #tpu.memory_space<hbm>>
    %dma_start3A_455 = arith.constant 0 : i32
    %dma_start3A_456 = tpu.memref_slice %arg4[%arg0, %add3A_443, %dma_start3A_455] : memref<2x10240x128xf32, #tpu.memory_space<hbm>> -> memref<1x40x128xf32, #tpu.memory_space<hbm>>
    %dma_start3A_457 = tpu.memref_squeeze %dma_start3A_456 : memref<1x40x128xf32, #tpu.memory_space<hbm>> -> memref<40x128xf32, #tpu.memory_space<hbm>>
    tpu.enqueue_dma source(%arg16 : memref<40x128xf32, #tpu.memory_space<vmem>>) target(%dma_start3A_457 : memref<40x128xf32, #tpu.memory_space<hbm>>) target_semaphore(%arg32 : memref<!tpu.dma_semaphore, #tpu.memory_space<semaphore_mem>>)
    %mul3A_458 = arith.constant 640 : i32
    %mul3A_459 = arith.muli %arg1, %mul3A_458 : i32
    %add3A_460 = arith.constant 280 : i32
    %add3A_461 = arith.addi %mul3A_459, %add3A_460 : i32
    %dma_wait3A_462 = arith.constant 0 : i32
    %dma_wait3A_463 = arith.constant 0 : i32
    %dma_wait3A_464 = tpu.memref_slice %arg4[%arg0, %dma_wait3A_462, %dma_wait3A_463] : memref<2x10240x128xf32, #tpu.memory_space<hbm>> -> memref<1x40x128xf32, #tpu.memory_space<hbm>>
    %dma_wait3A_465 = tpu.memref_squeeze %dma_wait3A_464 : memref<1x40x128xf32, #tpu.memory_space<hbm>> -> memref<40x128xf32, #tpu.memory_space<hbm>>
    %dma_wait3A_466 = arith.constant 0 : i32
    %dma_wait3A_467 = arith.constant 0 : i32
    %dma_wait3A_468 = tpu.memref_slice %arg4[%arg0, %dma_wait3A_466, %dma_wait3A_467] : memref<2x10240x128xf32, #tpu.memory_space<hbm>> -> memref<1x40x128xf32, #tpu.memory_space<hbm>>
    %dma_wait3A_469 = tpu.memref_squeeze %dma_wait3A_468 : memref<1x40x128xf32, #tpu.memory_space<hbm>> -> memref<40x128xf32, #tpu.memory_space<hbm>>
    tpu.wait_dma2 semaphore(%arg33 : memref<!tpu.dma_semaphore, #tpu.memory_space<semaphore_mem>>) src(%arg17 : memref<40x128xf32, #tpu.memory_space<vmem>>) dst(%dma_wait3A_469 : memref<40x128xf32, #tpu.memory_space<hbm>>)
    "tpu.region"() ({
      %run_scoped3A = tpu.sem_alloc : memref<!tpu.dma_semaphore, #tpu.memory_space<semaphore_mem>>
      %dma_start3A_652 = arith.constant 0 : i32
      %dma_start3A_653 = tpu.memref_slice %arg5[%add3A_461, %dma_start3A_652] : memref<10240x128xf32, #tpu.memory_space<vmem_shared>> -> memref<40x128xf32, #tpu.memory_space<vmem_shared>>
      %dma_start3A_654 = arith.constant 0 : i32
      %dma_start3A_655 = tpu.memref_slice %arg5[%add3A_461, %dma_start3A_654] : memref<10240x128xf32, #tpu.memory_space<vmem_shared>> -> memref<40x128xf32, #tpu.memory_space<vmem_shared>>
      tpu.enqueue_dma source(%dma_start3A_655 : memref<40x128xf32, #tpu.memory_space<vmem_shared>>) target(%arg17 : memref<40x128xf32, #tpu.memory_space<vmem>>) target_semaphore(%run_scoped3A : memref<!tpu.dma_semaphore, #tpu.memory_space<semaphore_mem>>)
      %dma_wait3A_656 = arith.constant 0 : i32
      %dma_wait3A_657 = tpu.memref_slice %arg5[%add3A_461, %dma_wait3A_656] : memref<10240x128xf32, #tpu.memory_space<vmem_shared>> -> memref<40x128xf32, #tpu.memory_space<vmem_shared>>
      %dma_wait3A_658 = arith.constant 0 : i32
      %dma_wait3A_659 = tpu.memref_slice %arg5[%add3A_461, %dma_wait3A_658] : memref<10240x128xf32, #tpu.memory_space<vmem_shared>> -> memref<40x128xf32, #tpu.memory_space<vmem_shared>>
      tpu.wait_dma2 semaphore(%run_scoped3A : memref<!tpu.dma_semaphore, #tpu.memory_space<semaphore_mem>>) src(%dma_wait3A_659 : memref<40x128xf32, #tpu.memory_space<vmem_shared>>) dst(%arg17 : memref<40x128xf32, #tpu.memory_space<vmem>>)
      tpu.yield
    }) : () -> ()
    %dma_start3A_470 = arith.constant 0 : i32
    %dma_start3A_471 = tpu.memref_slice %arg4[%arg0, %add3A_461, %dma_start3A_470] : memref<2x10240x128xf32, #tpu.memory_space<hbm>> -> memref<1x40x128xf32, #tpu.memory_space<hbm>>
    %dma_start3A_472 = tpu.memref_squeeze %dma_start3A_471 : memref<1x40x128xf32, #tpu.memory_space<hbm>> -> memref<40x128xf32, #tpu.memory_space<hbm>>
    %dma_start3A_473 = arith.constant 0 : i32
    %dma_start3A_474 = tpu.memref_slice %arg4[%arg0, %add3A_461, %dma_start3A_473] : memref<2x10240x128xf32, #tpu.memory_space<hbm>> -> memref<1x40x128xf32, #tpu.memory_space<hbm>>
    %dma_start3A_475 = tpu.memref_squeeze %dma_start3A_474 : memref<1x40x128xf32, #tpu.memory_space<hbm>> -> memref<40x128xf32, #tpu.memory_space<hbm>>
    tpu.enqueue_dma source(%arg17 : memref<40x128xf32, #tpu.memory_space<vmem>>) target(%dma_start3A_475 : memref<40x128xf32, #tpu.memory_space<hbm>>) target_semaphore(%arg33 : memref<!tpu.dma_semaphore, #tpu.memory_space<semaphore_mem>>)
    %mul3A_476 = arith.constant 640 : i32
    %mul3A_477 = arith.muli %arg1, %mul3A_476 : i32
    %add3A_478 = arith.constant 320 : i32
    %add3A_479 = arith.addi %mul3A_477, %add3A_478 : i32
    %dma_wait3A_480 = arith.constant 0 : i32
    %dma_wait3A_481 = arith.constant 0 : i32
    %dma_wait3A_482 = tpu.memref_slice %arg4[%arg0, %dma_wait3A_480, %dma_wait3A_481] : memref<2x10240x128xf32, #tpu.memory_space<hbm>> -> memref<1x40x128xf32, #tpu.memory_space<hbm>>
    %dma_wait3A_483 = tpu.memref_squeeze %dma_wait3A_482 : memref<1x40x128xf32, #tpu.memory_space<hbm>> -> memref<40x128xf32, #tpu.memory_space<hbm>>
    %dma_wait3A_484 = arith.constant 0 : i32
    %dma_wait3A_485 = arith.constant 0 : i32
    %dma_wait3A_486 = tpu.memref_slice %arg4[%arg0, %dma_wait3A_484, %dma_wait3A_485] : memref<2x10240x128xf32, #tpu.memory_space<hbm>> -> memref<1x40x128xf32, #tpu.memory_space<hbm>>
    %dma_wait3A_487 = tpu.memref_squeeze %dma_wait3A_486 : memref<1x40x128xf32, #tpu.memory_space<hbm>> -> memref<40x128xf32, #tpu.memory_space<hbm>>
    tpu.wait_dma2 semaphore(%arg30 : memref<!tpu.dma_semaphore, #tpu.memory_space<semaphore_mem>>) src(%arg14 : memref<40x128xf32, #tpu.memory_space<vmem>>) dst(%dma_wait3A_487 : memref<40x128xf32, #tpu.memory_space<hbm>>)
    "tpu.region"() ({
      %run_scoped3A = tpu.sem_alloc : memref<!tpu.dma_semaphore, #tpu.memory_space<semaphore_mem>>
      %dma_start3A_652 = arith.constant 0 : i32
      %dma_start3A_653 = tpu.memref_slice %arg5[%add3A_479, %dma_start3A_652] : memref<10240x128xf32, #tpu.memory_space<vmem_shared>> -> memref<40x128xf32, #tpu.memory_space<vmem_shared>>
      %dma_start3A_654 = arith.constant 0 : i32
      %dma_start3A_655 = tpu.memref_slice %arg5[%add3A_479, %dma_start3A_654] : memref<10240x128xf32, #tpu.memory_space<vmem_shared>> -> memref<40x128xf32, #tpu.memory_space<vmem_shared>>
      tpu.enqueue_dma source(%dma_start3A_655 : memref<40x128xf32, #tpu.memory_space<vmem_shared>>) target(%arg14 : memref<40x128xf32, #tpu.memory_space<vmem>>) target_semaphore(%run_scoped3A : memref<!tpu.dma_semaphore, #tpu.memory_space<semaphore_mem>>)
      %dma_wait3A_656 = arith.constant 0 : i32
      %dma_wait3A_657 = tpu.memref_slice %arg5[%add3A_479, %dma_wait3A_656] : memref<10240x128xf32, #tpu.memory_space<vmem_shared>> -> memref<40x128xf32, #tpu.memory_space<vmem_shared>>
      %dma_wait3A_658 = arith.constant 0 : i32
      %dma_wait3A_659 = tpu.memref_slice %arg5[%add3A_479, %dma_wait3A_658] : memref<10240x128xf32, #tpu.memory_space<vmem_shared>> -> memref<40x128xf32, #tpu.memory_space<vmem_shared>>
      tpu.wait_dma2 semaphore(%run_scoped3A : memref<!tpu.dma_semaphore, #tpu.memory_space<semaphore_mem>>) src(%dma_wait3A_659 : memref<40x128xf32, #tpu.memory_space<vmem_shared>>) dst(%arg14 : memref<40x128xf32, #tpu.memory_space<vmem>>)
      tpu.yield
    }) : () -> ()
    %dma_start3A_488 = arith.constant 0 : i32
    %dma_start3A_489 = tpu.memref_slice %arg4[%arg0, %add3A_479, %dma_start3A_488] : memref<2x10240x128xf32, #tpu.memory_space<hbm>> -> memref<1x40x128xf32, #tpu.memory_space<hbm>>
    %dma_start3A_490 = tpu.memref_squeeze %dma_start3A_489 : memref<1x40x128xf32, #tpu.memory_space<hbm>> -> memref<40x128xf32, #tpu.memory_space<hbm>>
    %dma_start3A_491 = arith.constant 0 : i32
    %dma_start3A_492 = tpu.memref_slice %arg4[%arg0, %add3A_479, %dma_start3A_491] : memref<2x10240x128xf32, #tpu.memory_space<hbm>> -> memref<1x40x128xf32, #tpu.memory_space<hbm>>
    %dma_start3A_493 = tpu.memref_squeeze %dma_start3A_492 : memref<1x40x128xf32, #tpu.memory_space<hbm>> -> memref<40x128xf32, #tpu.memory_space<hbm>>
    tpu.enqueue_dma source(%arg14 : memref<40x128xf32, #tpu.memory_space<vmem>>) target(%dma_start3A_493 : memref<40x128xf32, #tpu.memory_space<hbm>>) target_semaphore(%arg30 : memref<!tpu.dma_semaphore, #tpu.memory_space<semaphore_mem>>)
    %mul3A_494 = arith.constant 640 : i32
    %mul3A_495 = arith.muli %arg1, %mul3A_494 : i32
    %add3A_496 = arith.constant 360 : i32
    %add3A_497 = arith.addi %mul3A_495, %add3A_496 : i32
    %dma_wait3A_498 = arith.constant 0 : i32
    %dma_wait3A_499 = arith.constant 0 : i32
    %dma_wait3A_500 = tpu.memref_slice %arg4[%arg0, %dma_wait3A_498, %dma_wait3A_499] : memref<2x10240x128xf32, #tpu.memory_space<hbm>> -> memref<1x40x128xf32, #tpu.memory_space<hbm>>
    %dma_wait3A_501 = tpu.memref_squeeze %dma_wait3A_500 : memref<1x40x128xf32, #tpu.memory_space<hbm>> -> memref<40x128xf32, #tpu.memory_space<hbm>>
    %dma_wait3A_502 = arith.constant 0 : i32
    %dma_wait3A_503 = arith.constant 0 : i32
    %dma_wait3A_504 = tpu.memref_slice %arg4[%arg0, %dma_wait3A_502, %dma_wait3A_503] : memref<2x10240x128xf32, #tpu.memory_space<hbm>> -> memref<1x40x128xf32, #tpu.memory_space<hbm>>
    %dma_wait3A_505 = tpu.memref_squeeze %dma_wait3A_504 : memref<1x40x128xf32, #tpu.memory_space<hbm>> -> memref<40x128xf32, #tpu.memory_space<hbm>>
    tpu.wait_dma2 semaphore(%arg31 : memref<!tpu.dma_semaphore, #tpu.memory_space<semaphore_mem>>) src(%arg15 : memref<40x128xf32, #tpu.memory_space<vmem>>) dst(%dma_wait3A_505 : memref<40x128xf32, #tpu.memory_space<hbm>>)
    "tpu.region"() ({
      %run_scoped3A = tpu.sem_alloc : memref<!tpu.dma_semaphore, #tpu.memory_space<semaphore_mem>>
      %dma_start3A_652 = arith.constant 0 : i32
      %dma_start3A_653 = tpu.memref_slice %arg5[%add3A_497, %dma_start3A_652] : memref<10240x128xf32, #tpu.memory_space<vmem_shared>> -> memref<40x128xf32, #tpu.memory_space<vmem_shared>>
      %dma_start3A_654 = arith.constant 0 : i32
      %dma_start3A_655 = tpu.memref_slice %arg5[%add3A_497, %dma_start3A_654] : memref<10240x128xf32, #tpu.memory_space<vmem_shared>> -> memref<40x128xf32, #tpu.memory_space<vmem_shared>>
      tpu.enqueue_dma source(%dma_start3A_655 : memref<40x128xf32, #tpu.memory_space<vmem_shared>>) target(%arg15 : memref<40x128xf32, #tpu.memory_space<vmem>>) target_semaphore(%run_scoped3A : memref<!tpu.dma_semaphore, #tpu.memory_space<semaphore_mem>>)
      %dma_wait3A_656 = arith.constant 0 : i32
      %dma_wait3A_657 = tpu.memref_slice %arg5[%add3A_497, %dma_wait3A_656] : memref<10240x128xf32, #tpu.memory_space<vmem_shared>> -> memref<40x128xf32, #tpu.memory_space<vmem_shared>>
      %dma_wait3A_658 = arith.constant 0 : i32
      %dma_wait3A_659 = tpu.memref_slice %arg5[%add3A_497, %dma_wait3A_658] : memref<10240x128xf32, #tpu.memory_space<vmem_shared>> -> memref<40x128xf32, #tpu.memory_space<vmem_shared>>
      tpu.wait_dma2 semaphore(%run_scoped3A : memref<!tpu.dma_semaphore, #tpu.memory_space<semaphore_mem>>) src(%dma_wait3A_659 : memref<40x128xf32, #tpu.memory_space<vmem_shared>>) dst(%arg15 : memref<40x128xf32, #tpu.memory_space<vmem>>)
      tpu.yield
    }) : () -> ()
    %dma_start3A_506 = arith.constant 0 : i32
    %dma_start3A_507 = tpu.memref_slice %arg4[%arg0, %add3A_497, %dma_start3A_506] : memref<2x10240x128xf32, #tpu.memory_space<hbm>> -> memref<1x40x128xf32, #tpu.memory_space<hbm>>
    %dma_start3A_508 = tpu.memref_squeeze %dma_start3A_507 : memref<1x40x128xf32, #tpu.memory_space<hbm>> -> memref<40x128xf32, #tpu.memory_space<hbm>>
    %dma_start3A_509 = arith.constant 0 : i32
    %dma_start3A_510 = tpu.memref_slice %arg4[%arg0, %add3A_497, %dma_start3A_509] : memref<2x10240x128xf32, #tpu.memory_space<hbm>> -> memref<1x40x128xf32, #tpu.memory_space<hbm>>
    %dma_start3A_511 = tpu.memref_squeeze %dma_start3A_510 : memref<1x40x128xf32, #tpu.memory_space<hbm>> -> memref<40x128xf32, #tpu.memory_space<hbm>>
    tpu.enqueue_dma source(%arg15 : memref<40x128xf32, #tpu.memory_space<vmem>>) target(%dma_start3A_511 : memref<40x128xf32, #tpu.memory_space<hbm>>) target_semaphore(%arg31 : memref<!tpu.dma_semaphore, #tpu.memory_space<semaphore_mem>>)
    %mul3A_512 = arith.constant 640 : i32
    %mul3A_513 = arith.muli %arg1, %mul3A_512 : i32
    %add3A_514 = arith.constant 400 : i32
    %add3A_515 = arith.addi %mul3A_513, %add3A_514 : i32
    %dma_wait3A_516 = arith.constant 0 : i32
    %dma_wait3A_517 = arith.constant 0 : i32
    %dma_wait3A_518 = tpu.memref_slice %arg4[%arg0, %dma_wait3A_516, %dma_wait3A_517] : memref<2x10240x128xf32, #tpu.memory_space<hbm>> -> memref<1x40x128xf32, #tpu.memory_space<hbm>>
    %dma_wait3A_519 = tpu.memref_squeeze %dma_wait3A_518 : memref<1x40x128xf32, #tpu.memory_space<hbm>> -> memref<40x128xf32, #tpu.memory_space<hbm>>
    %dma_wait3A_520 = arith.constant 0 : i32
    %dma_wait3A_521 = arith.constant 0 : i32
    %dma_wait3A_522 = tpu.memref_slice %arg4[%arg0, %dma_wait3A_520, %dma_wait3A_521] : memref<2x10240x128xf32, #tpu.memory_space<hbm>> -> memref<1x40x128xf32, #tpu.memory_space<hbm>>
    %dma_wait3A_523 = tpu.memref_squeeze %dma_wait3A_522 : memref<1x40x128xf32, #tpu.memory_space<hbm>> -> memref<40x128xf32, #tpu.memory_space<hbm>>
    tpu.wait_dma2 semaphore(%arg32 : memref<!tpu.dma_semaphore, #tpu.memory_space<semaphore_mem>>) src(%arg16 : memref<40x128xf32, #tpu.memory_space<vmem>>) dst(%dma_wait3A_523 : memref<40x128xf32, #tpu.memory_space<hbm>>)
    "tpu.region"() ({
      %run_scoped3A = tpu.sem_alloc : memref<!tpu.dma_semaphore, #tpu.memory_space<semaphore_mem>>
      %dma_start3A_652 = arith.constant 0 : i32
      %dma_start3A_653 = tpu.memref_slice %arg5[%add3A_515, %dma_start3A_652] : memref<10240x128xf32, #tpu.memory_space<vmem_shared>> -> memref<40x128xf32, #tpu.memory_space<vmem_shared>>
      %dma_start3A_654 = arith.constant 0 : i32
      %dma_start3A_655 = tpu.memref_slice %arg5[%add3A_515, %dma_start3A_654] : memref<10240x128xf32, #tpu.memory_space<vmem_shared>> -> memref<40x128xf32, #tpu.memory_space<vmem_shared>>
      tpu.enqueue_dma source(%dma_start3A_655 : memref<40x128xf32, #tpu.memory_space<vmem_shared>>) target(%arg16 : memref<40x128xf32, #tpu.memory_space<vmem>>) target_semaphore(%run_scoped3A : memref<!tpu.dma_semaphore, #tpu.memory_space<semaphore_mem>>)
      %dma_wait3A_656 = arith.constant 0 : i32
      %dma_wait3A_657 = tpu.memref_slice %arg5[%add3A_515, %dma_wait3A_656] : memref<10240x128xf32, #tpu.memory_space<vmem_shared>> -> memref<40x128xf32, #tpu.memory_space<vmem_shared>>
      %dma_wait3A_658 = arith.constant 0 : i32
      %dma_wait3A_659 = tpu.memref_slice %arg5[%add3A_515, %dma_wait3A_658] : memref<10240x128xf32, #tpu.memory_space<vmem_shared>> -> memref<40x128xf32, #tpu.memory_space<vmem_shared>>
      tpu.wait_dma2 semaphore(%run_scoped3A : memref<!tpu.dma_semaphore, #tpu.memory_space<semaphore_mem>>) src(%dma_wait3A_659 : memref<40x128xf32, #tpu.memory_space<vmem_shared>>) dst(%arg16 : memref<40x128xf32, #tpu.memory_space<vmem>>)
      tpu.yield
    }) : () -> ()
    %dma_start3A_524 = arith.constant 0 : i32
    %dma_start3A_525 = tpu.memref_slice %arg4[%arg0, %add3A_515, %dma_start3A_524] : memref<2x10240x128xf32, #tpu.memory_space<hbm>> -> memref<1x40x128xf32, #tpu.memory_space<hbm>>
    %dma_start3A_526 = tpu.memref_squeeze %dma_start3A_525 : memref<1x40x128xf32, #tpu.memory_space<hbm>> -> memref<40x128xf32, #tpu.memory_space<hbm>>
    %dma_start3A_527 = arith.constant 0 : i32
    %dma_start3A_528 = tpu.memref_slice %arg4[%arg0, %add3A_515, %dma_start3A_527] : memref<2x10240x128xf32, #tpu.memory_space<hbm>> -> memref<1x40x128xf32, #tpu.memory_space<hbm>>
    %dma_start3A_529 = tpu.memref_squeeze %dma_start3A_528 : memref<1x40x128xf32, #tpu.memory_space<hbm>> -> memref<40x128xf32, #tpu.memory_space<hbm>>
    tpu.enqueue_dma source(%arg16 : memref<40x128xf32, #tpu.memory_space<vmem>>) target(%dma_start3A_529 : memref<40x128xf32, #tpu.memory_space<hbm>>) target_semaphore(%arg32 : memref<!tpu.dma_semaphore, #tpu.memory_space<semaphore_mem>>)
    %mul3A_530 = arith.constant 640 : i32
    %mul3A_531 = arith.muli %arg1, %mul3A_530 : i32
    %add3A_532 = arith.constant 440 : i32
    %add3A_533 = arith.addi %mul3A_531, %add3A_532 : i32
    %dma_wait3A_534 = arith.constant 0 : i32
    %dma_wait3A_535 = arith.constant 0 : i32
    %dma_wait3A_536 = tpu.memref_slice %arg4[%arg0, %dma_wait3A_534, %dma_wait3A_535] : memref<2x10240x128xf32, #tpu.memory_space<hbm>> -> memref<1x40x128xf32, #tpu.memory_space<hbm>>
    %dma_wait3A_537 = tpu.memref_squeeze %dma_wait3A_536 : memref<1x40x128xf32, #tpu.memory_space<hbm>> -> memref<40x128xf32, #tpu.memory_space<hbm>>
    %dma_wait3A_538 = arith.constant 0 : i32
    %dma_wait3A_539 = arith.constant 0 : i32
    %dma_wait3A_540 = tpu.memref_slice %arg4[%arg0, %dma_wait3A_538, %dma_wait3A_539] : memref<2x10240x128xf32, #tpu.memory_space<hbm>> -> memref<1x40x128xf32, #tpu.memory_space<hbm>>
    %dma_wait3A_541 = tpu.memref_squeeze %dma_wait3A_540 : memref<1x40x128xf32, #tpu.memory_space<hbm>> -> memref<40x128xf32, #tpu.memory_space<hbm>>
    tpu.wait_dma2 semaphore(%arg33 : memref<!tpu.dma_semaphore, #tpu.memory_space<semaphore_mem>>) src(%arg17 : memref<40x128xf32, #tpu.memory_space<vmem>>) dst(%dma_wait3A_541 : memref<40x128xf32, #tpu.memory_space<hbm>>)
    "tpu.region"() ({
      %run_scoped3A = tpu.sem_alloc : memref<!tpu.dma_semaphore, #tpu.memory_space<semaphore_mem>>
      %dma_start3A_652 = arith.constant 0 : i32
      %dma_start3A_653 = tpu.memref_slice %arg5[%add3A_533, %dma_start3A_652] : memref<10240x128xf32, #tpu.memory_space<vmem_shared>> -> memref<40x128xf32, #tpu.memory_space<vmem_shared>>
      %dma_start3A_654 = arith.constant 0 : i32
      %dma_start3A_655 = tpu.memref_slice %arg5[%add3A_533, %dma_start3A_654] : memref<10240x128xf32, #tpu.memory_space<vmem_shared>> -> memref<40x128xf32, #tpu.memory_space<vmem_shared>>
      tpu.enqueue_dma source(%dma_start3A_655 : memref<40x128xf32, #tpu.memory_space<vmem_shared>>) target(%arg17 : memref<40x128xf32, #tpu.memory_space<vmem>>) target_semaphore(%run_scoped3A : memref<!tpu.dma_semaphore, #tpu.memory_space<semaphore_mem>>)
      %dma_wait3A_656 = arith.constant 0 : i32
      %dma_wait3A_657 = tpu.memref_slice %arg5[%add3A_533, %dma_wait3A_656] : memref<10240x128xf32, #tpu.memory_space<vmem_shared>> -> memref<40x128xf32, #tpu.memory_space<vmem_shared>>
      %dma_wait3A_658 = arith.constant 0 : i32
      %dma_wait3A_659 = tpu.memref_slice %arg5[%add3A_533, %dma_wait3A_658] : memref<10240x128xf32, #tpu.memory_space<vmem_shared>> -> memref<40x128xf32, #tpu.memory_space<vmem_shared>>
      tpu.wait_dma2 semaphore(%run_scoped3A : memref<!tpu.dma_semaphore, #tpu.memory_space<semaphore_mem>>) src(%dma_wait3A_659 : memref<40x128xf32, #tpu.memory_space<vmem_shared>>) dst(%arg17 : memref<40x128xf32, #tpu.memory_space<vmem>>)
      tpu.yield
    }) : () -> ()
    %dma_start3A_542 = arith.constant 0 : i32
    %dma_start3A_543 = tpu.memref_slice %arg4[%arg0, %add3A_533, %dma_start3A_542] : memref<2x10240x128xf32, #tpu.memory_space<hbm>> -> memref<1x40x128xf32, #tpu.memory_space<hbm>>
    %dma_start3A_544 = tpu.memref_squeeze %dma_start3A_543 : memref<1x40x128xf32, #tpu.memory_space<hbm>> -> memref<40x128xf32, #tpu.memory_space<hbm>>
    %dma_start3A_545 = arith.constant 0 : i32
    %dma_start3A_546 = tpu.memref_slice %arg4[%arg0, %add3A_533, %dma_start3A_545] : memref<2x10240x128xf32, #tpu.memory_space<hbm>> -> memref<1x40x128xf32, #tpu.memory_space<hbm>>
    %dma_start3A_547 = tpu.memref_squeeze %dma_start3A_546 : memref<1x40x128xf32, #tpu.memory_space<hbm>> -> memref<40x128xf32, #tpu.memory_space<hbm>>
    tpu.enqueue_dma source(%arg17 : memref<40x128xf32, #tpu.memory_space<vmem>>) target(%dma_start3A_547 : memref<40x128xf32, #tpu.memory_space<hbm>>) target_semaphore(%arg33 : memref<!tpu.dma_semaphore, #tpu.memory_space<semaphore_mem>>)
    %mul3A_548 = arith.constant 640 : i32
    %mul3A_549 = arith.muli %arg1, %mul3A_548 : i32
    %add3A_550 = arith.constant 480 : i32
    %add3A_551 = arith.addi %mul3A_549, %add3A_550 : i32
    %dma_wait3A_552 = arith.constant 0 : i32
    %dma_wait3A_553 = arith.constant 0 : i32
    %dma_wait3A_554 = tpu.memref_slice %arg4[%arg0, %dma_wait3A_552, %dma_wait3A_553] : memref<2x10240x128xf32, #tpu.memory_space<hbm>> -> memref<1x40x128xf32, #tpu.memory_space<hbm>>
    %dma_wait3A_555 = tpu.memref_squeeze %dma_wait3A_554 : memref<1x40x128xf32, #tpu.memory_space<hbm>> -> memref<40x128xf32, #tpu.memory_space<hbm>>
    %dma_wait3A_556 = arith.constant 0 : i32
    %dma_wait3A_557 = arith.constant 0 : i32
    %dma_wait3A_558 = tpu.memref_slice %arg4[%arg0, %dma_wait3A_556, %dma_wait3A_557] : memref<2x10240x128xf32, #tpu.memory_space<hbm>> -> memref<1x40x128xf32, #tpu.memory_space<hbm>>
    %dma_wait3A_559 = tpu.memref_squeeze %dma_wait3A_558 : memref<1x40x128xf32, #tpu.memory_space<hbm>> -> memref<40x128xf32, #tpu.memory_space<hbm>>
    tpu.wait_dma2 semaphore(%arg30 : memref<!tpu.dma_semaphore, #tpu.memory_space<semaphore_mem>>) src(%arg14 : memref<40x128xf32, #tpu.memory_space<vmem>>) dst(%dma_wait3A_559 : memref<40x128xf32, #tpu.memory_space<hbm>>)
    "tpu.region"() ({
      %run_scoped3A = tpu.sem_alloc : memref<!tpu.dma_semaphore, #tpu.memory_space<semaphore_mem>>
      %dma_start3A_652 = arith.constant 0 : i32
      %dma_start3A_653 = tpu.memref_slice %arg5[%add3A_551, %dma_start3A_652] : memref<10240x128xf32, #tpu.memory_space<vmem_shared>> -> memref<40x128xf32, #tpu.memory_space<vmem_shared>>
      %dma_start3A_654 = arith.constant 0 : i32
      %dma_start3A_655 = tpu.memref_slice %arg5[%add3A_551, %dma_start3A_654] : memref<10240x128xf32, #tpu.memory_space<vmem_shared>> -> memref<40x128xf32, #tpu.memory_space<vmem_shared>>
      tpu.enqueue_dma source(%dma_start3A_655 : memref<40x128xf32, #tpu.memory_space<vmem_shared>>) target(%arg14 : memref<40x128xf32, #tpu.memory_space<vmem>>) target_semaphore(%run_scoped3A : memref<!tpu.dma_semaphore, #tpu.memory_space<semaphore_mem>>)
      %dma_wait3A_656 = arith.constant 0 : i32
      %dma_wait3A_657 = tpu.memref_slice %arg5[%add3A_551, %dma_wait3A_656] : memref<10240x128xf32, #tpu.memory_space<vmem_shared>> -> memref<40x128xf32, #tpu.memory_space<vmem_shared>>
      %dma_wait3A_658 = arith.constant 0 : i32
      %dma_wait3A_659 = tpu.memref_slice %arg5[%add3A_551, %dma_wait3A_658] : memref<10240x128xf32, #tpu.memory_space<vmem_shared>> -> memref<40x128xf32, #tpu.memory_space<vmem_shared>>
      tpu.wait_dma2 semaphore(%run_scoped3A : memref<!tpu.dma_semaphore, #tpu.memory_space<semaphore_mem>>) src(%dma_wait3A_659 : memref<40x128xf32, #tpu.memory_space<vmem_shared>>) dst(%arg14 : memref<40x128xf32, #tpu.memory_space<vmem>>)
      tpu.yield
    }) : () -> ()
    %dma_start3A_560 = arith.constant 0 : i32
    %dma_start3A_561 = tpu.memref_slice %arg4[%arg0, %add3A_551, %dma_start3A_560] : memref<2x10240x128xf32, #tpu.memory_space<hbm>> -> memref<1x40x128xf32, #tpu.memory_space<hbm>>
    %dma_start3A_562 = tpu.memref_squeeze %dma_start3A_561 : memref<1x40x128xf32, #tpu.memory_space<hbm>> -> memref<40x128xf32, #tpu.memory_space<hbm>>
    %dma_start3A_563 = arith.constant 0 : i32
    %dma_start3A_564 = tpu.memref_slice %arg4[%arg0, %add3A_551, %dma_start3A_563] : memref<2x10240x128xf32, #tpu.memory_space<hbm>> -> memref<1x40x128xf32, #tpu.memory_space<hbm>>
    %dma_start3A_565 = tpu.memref_squeeze %dma_start3A_564 : memref<1x40x128xf32, #tpu.memory_space<hbm>> -> memref<40x128xf32, #tpu.memory_space<hbm>>
    tpu.enqueue_dma source(%arg14 : memref<40x128xf32, #tpu.memory_space<vmem>>) target(%dma_start3A_565 : memref<40x128xf32, #tpu.memory_space<hbm>>) target_semaphore(%arg30 : memref<!tpu.dma_semaphore, #tpu.memory_space<semaphore_mem>>)
    %mul3A_566 = arith.constant 640 : i32
    %mul3A_567 = arith.muli %arg1, %mul3A_566 : i32
    %add3A_568 = arith.constant 520 : i32
    %add3A_569 = arith.addi %mul3A_567, %add3A_568 : i32
    %dma_wait3A_570 = arith.constant 0 : i32
    %dma_wait3A_571 = arith.constant 0 : i32
    %dma_wait3A_572 = tpu.memref_slice %arg4[%arg0, %dma_wait3A_570, %dma_wait3A_571] : memref<2x10240x128xf32, #tpu.memory_space<hbm>> -> memref<1x40x128xf32, #tpu.memory_space<hbm>>
    %dma_wait3A_573 = tpu.memref_squeeze %dma_wait3A_572 : memref<1x40x128xf32, #tpu.memory_space<hbm>> -> memref<40x128xf32, #tpu.memory_space<hbm>>
    %dma_wait3A_574 = arith.constant 0 : i32
    %dma_wait3A_575 = arith.constant 0 : i32
    %dma_wait3A_576 = tpu.memref_slice %arg4[%arg0, %dma_wait3A_574, %dma_wait3A_575] : memref<2x10240x128xf32, #tpu.memory_space<hbm>> -> memref<1x40x128xf32, #tpu.memory_space<hbm>>
    %dma_wait3A_577 = tpu.memref_squeeze %dma_wait3A_576 : memref<1x40x128xf32, #tpu.memory_space<hbm>> -> memref<40x128xf32, #tpu.memory_space<hbm>>
    tpu.wait_dma2 semaphore(%arg31 : memref<!tpu.dma_semaphore, #tpu.memory_space<semaphore_mem>>) src(%arg15 : memref<40x128xf32, #tpu.memory_space<vmem>>) dst(%dma_wait3A_577 : memref<40x128xf32, #tpu.memory_space<hbm>>)
    "tpu.region"() ({
      %run_scoped3A = tpu.sem_alloc : memref<!tpu.dma_semaphore, #tpu.memory_space<semaphore_mem>>
      %dma_start3A_652 = arith.constant 0 : i32
      %dma_start3A_653 = tpu.memref_slice %arg5[%add3A_569, %dma_start3A_652] : memref<10240x128xf32, #tpu.memory_space<vmem_shared>> -> memref<40x128xf32, #tpu.memory_space<vmem_shared>>
      %dma_start3A_654 = arith.constant 0 : i32
      %dma_start3A_655 = tpu.memref_slice %arg5[%add3A_569, %dma_start3A_654] : memref<10240x128xf32, #tpu.memory_space<vmem_shared>> -> memref<40x128xf32, #tpu.memory_space<vmem_shared>>
      tpu.enqueue_dma source(%dma_start3A_655 : memref<40x128xf32, #tpu.memory_space<vmem_shared>>) target(%arg15 : memref<40x128xf32, #tpu.memory_space<vmem>>) target_semaphore(%run_scoped3A : memref<!tpu.dma_semaphore, #tpu.memory_space<semaphore_mem>>)
      %dma_wait3A_656 = arith.constant 0 : i32
      %dma_wait3A_657 = tpu.memref_slice %arg5[%add3A_569, %dma_wait3A_656] : memref<10240x128xf32, #tpu.memory_space<vmem_shared>> -> memref<40x128xf32, #tpu.memory_space<vmem_shared>>
      %dma_wait3A_658 = arith.constant 0 : i32
      %dma_wait3A_659 = tpu.memref_slice %arg5[%add3A_569, %dma_wait3A_658] : memref<10240x128xf32, #tpu.memory_space<vmem_shared>> -> memref<40x128xf32, #tpu.memory_space<vmem_shared>>
      tpu.wait_dma2 semaphore(%run_scoped3A : memref<!tpu.dma_semaphore, #tpu.memory_space<semaphore_mem>>) src(%dma_wait3A_659 : memref<40x128xf32, #tpu.memory_space<vmem_shared>>) dst(%arg15 : memref<40x128xf32, #tpu.memory_space<vmem>>)
      tpu.yield
    }) : () -> ()
    %dma_start3A_578 = arith.constant 0 : i32
    %dma_start3A_579 = tpu.memref_slice %arg4[%arg0, %add3A_569, %dma_start3A_578] : memref<2x10240x128xf32, #tpu.memory_space<hbm>> -> memref<1x40x128xf32, #tpu.memory_space<hbm>>
    %dma_start3A_580 = tpu.memref_squeeze %dma_start3A_579 : memref<1x40x128xf32, #tpu.memory_space<hbm>> -> memref<40x128xf32, #tpu.memory_space<hbm>>
    %dma_start3A_581 = arith.constant 0 : i32
    %dma_start3A_582 = tpu.memref_slice %arg4[%arg0, %add3A_569, %dma_start3A_581] : memref<2x10240x128xf32, #tpu.memory_space<hbm>> -> memref<1x40x128xf32, #tpu.memory_space<hbm>>
    %dma_start3A_583 = tpu.memref_squeeze %dma_start3A_582 : memref<1x40x128xf32, #tpu.memory_space<hbm>> -> memref<40x128xf32, #tpu.memory_space<hbm>>
    tpu.enqueue_dma source(%arg15 : memref<40x128xf32, #tpu.memory_space<vmem>>) target(%dma_start3A_583 : memref<40x128xf32, #tpu.memory_space<hbm>>) target_semaphore(%arg31 : memref<!tpu.dma_semaphore, #tpu.memory_space<semaphore_mem>>)
    %mul3A_584 = arith.constant 640 : i32
    %mul3A_585 = arith.muli %arg1, %mul3A_584 : i32
    %add3A_586 = arith.constant 560 : i32
    %add3A_587 = arith.addi %mul3A_585, %add3A_586 : i32
    %dma_wait3A_588 = arith.constant 0 : i32
    %dma_wait3A_589 = arith.constant 0 : i32
    %dma_wait3A_590 = tpu.memref_slice %arg4[%arg0, %dma_wait3A_588, %dma_wait3A_589] : memref<2x10240x128xf32, #tpu.memory_space<hbm>> -> memref<1x40x128xf32, #tpu.memory_space<hbm>>
    %dma_wait3A_591 = tpu.memref_squeeze %dma_wait3A_590 : memref<1x40x128xf32, #tpu.memory_space<hbm>> -> memref<40x128xf32, #tpu.memory_space<hbm>>
    %dma_wait3A_592 = arith.constant 0 : i32
    %dma_wait3A_593 = arith.constant 0 : i32
    %dma_wait3A_594 = tpu.memref_slice %arg4[%arg0, %dma_wait3A_592, %dma_wait3A_593] : memref<2x10240x128xf32, #tpu.memory_space<hbm>> -> memref<1x40x128xf32, #tpu.memory_space<hbm>>
    %dma_wait3A_595 = tpu.memref_squeeze %dma_wait3A_594 : memref<1x40x128xf32, #tpu.memory_space<hbm>> -> memref<40x128xf32, #tpu.memory_space<hbm>>
    tpu.wait_dma2 semaphore(%arg32 : memref<!tpu.dma_semaphore, #tpu.memory_space<semaphore_mem>>) src(%arg16 : memref<40x128xf32, #tpu.memory_space<vmem>>) dst(%dma_wait3A_595 : memref<40x128xf32, #tpu.memory_space<hbm>>)
    "tpu.region"() ({
      %run_scoped3A = tpu.sem_alloc : memref<!tpu.dma_semaphore, #tpu.memory_space<semaphore_mem>>
      %dma_start3A_652 = arith.constant 0 : i32
      %dma_start3A_653 = tpu.memref_slice %arg5[%add3A_587, %dma_start3A_652] : memref<10240x128xf32, #tpu.memory_space<vmem_shared>> -> memref<40x128xf32, #tpu.memory_space<vmem_shared>>
      %dma_start3A_654 = arith.constant 0 : i32
      %dma_start3A_655 = tpu.memref_slice %arg5[%add3A_587, %dma_start3A_654] : memref<10240x128xf32, #tpu.memory_space<vmem_shared>> -> memref<40x128xf32, #tpu.memory_space<vmem_shared>>
      tpu.enqueue_dma source(%dma_start3A_655 : memref<40x128xf32, #tpu.memory_space<vmem_shared>>) target(%arg16 : memref<40x128xf32, #tpu.memory_space<vmem>>) target_semaphore(%run_scoped3A : memref<!tpu.dma_semaphore, #tpu.memory_space<semaphore_mem>>)
      %dma_wait3A_656 = arith.constant 0 : i32
      %dma_wait3A_657 = tpu.memref_slice %arg5[%add3A_587, %dma_wait3A_656] : memref<10240x128xf32, #tpu.memory_space<vmem_shared>> -> memref<40x128xf32, #tpu.memory_space<vmem_shared>>
      %dma_wait3A_658 = arith.constant 0 : i32
      %dma_wait3A_659 = tpu.memref_slice %arg5[%add3A_587, %dma_wait3A_658] : memref<10240x128xf32, #tpu.memory_space<vmem_shared>> -> memref<40x128xf32, #tpu.memory_space<vmem_shared>>
      tpu.wait_dma2 semaphore(%run_scoped3A : memref<!tpu.dma_semaphore, #tpu.memory_space<semaphore_mem>>) src(%dma_wait3A_659 : memref<40x128xf32, #tpu.memory_space<vmem_shared>>) dst(%arg16 : memref<40x128xf32, #tpu.memory_space<vmem>>)
      tpu.yield
    }) : () -> ()
    %dma_start3A_596 = arith.constant 0 : i32
    %dma_start3A_597 = tpu.memref_slice %arg4[%arg0, %add3A_587, %dma_start3A_596] : memref<2x10240x128xf32, #tpu.memory_space<hbm>> -> memref<1x40x128xf32, #tpu.memory_space<hbm>>
    %dma_start3A_598 = tpu.memref_squeeze %dma_start3A_597 : memref<1x40x128xf32, #tpu.memory_space<hbm>> -> memref<40x128xf32, #tpu.memory_space<hbm>>
    %dma_start3A_599 = arith.constant 0 : i32
    %dma_start3A_600 = tpu.memref_slice %arg4[%arg0, %add3A_587, %dma_start3A_599] : memref<2x10240x128xf32, #tpu.memory_space<hbm>> -> memref<1x40x128xf32, #tpu.memory_space<hbm>>
    %dma_start3A_601 = tpu.memref_squeeze %dma_start3A_600 : memref<1x40x128xf32, #tpu.memory_space<hbm>> -> memref<40x128xf32, #tpu.memory_space<hbm>>
    tpu.enqueue_dma source(%arg16 : memref<40x128xf32, #tpu.memory_space<vmem>>) target(%dma_start3A_601 : memref<40x128xf32, #tpu.memory_space<hbm>>) target_semaphore(%arg32 : memref<!tpu.dma_semaphore, #tpu.memory_space<semaphore_mem>>)
    %mul3A_602 = arith.constant 640 : i32
    %mul3A_603 = arith.muli %arg1, %mul3A_602 : i32
    %add3A_604 = arith.constant 600 : i32
    %add3A_605 = arith.addi %mul3A_603, %add3A_604 : i32
    %dma_wait3A_606 = arith.constant 0 : i32
    %dma_wait3A_607 = arith.constant 0 : i32
    %dma_wait3A_608 = tpu.memref_slice %arg4[%arg0, %dma_wait3A_606, %dma_wait3A_607] : memref<2x10240x128xf32, #tpu.memory_space<hbm>> -> memref<1x40x128xf32, #tpu.memory_space<hbm>>
    %dma_wait3A_609 = tpu.memref_squeeze %dma_wait3A_608 : memref<1x40x128xf32, #tpu.memory_space<hbm>> -> memref<40x128xf32, #tpu.memory_space<hbm>>
    %dma_wait3A_610 = arith.constant 0 : i32
    %dma_wait3A_611 = arith.constant 0 : i32
    %dma_wait3A_612 = tpu.memref_slice %arg4[%arg0, %dma_wait3A_610, %dma_wait3A_611] : memref<2x10240x128xf32, #tpu.memory_space<hbm>> -> memref<1x40x128xf32, #tpu.memory_space<hbm>>
    %dma_wait3A_613 = tpu.memref_squeeze %dma_wait3A_612 : memref<1x40x128xf32, #tpu.memory_space<hbm>> -> memref<40x128xf32, #tpu.memory_space<hbm>>
    tpu.wait_dma2 semaphore(%arg33 : memref<!tpu.dma_semaphore, #tpu.memory_space<semaphore_mem>>) src(%arg17 : memref<40x128xf32, #tpu.memory_space<vmem>>) dst(%dma_wait3A_613 : memref<40x128xf32, #tpu.memory_space<hbm>>)
    "tpu.region"() ({
      %run_scoped3A = tpu.sem_alloc : memref<!tpu.dma_semaphore, #tpu.memory_space<semaphore_mem>>
      %dma_start3A_652 = arith.constant 0 : i32
      %dma_start3A_653 = tpu.memref_slice %arg5[%add3A_605, %dma_start3A_652] : memref<10240x128xf32, #tpu.memory_space<vmem_shared>> -> memref<40x128xf32, #tpu.memory_space<vmem_shared>>
      %dma_start3A_654 = arith.constant 0 : i32
      %dma_start3A_655 = tpu.memref_slice %arg5[%add3A_605, %dma_start3A_654] : memref<10240x128xf32, #tpu.memory_space<vmem_shared>> -> memref<40x128xf32, #tpu.memory_space<vmem_shared>>
      tpu.enqueue_dma source(%dma_start3A_655 : memref<40x128xf32, #tpu.memory_space<vmem_shared>>) target(%arg17 : memref<40x128xf32, #tpu.memory_space<vmem>>) target_semaphore(%run_scoped3A : memref<!tpu.dma_semaphore, #tpu.memory_space<semaphore_mem>>)
      %dma_wait3A_656 = arith.constant 0 : i32
      %dma_wait3A_657 = tpu.memref_slice %arg5[%add3A_605, %dma_wait3A_656] : memref<10240x128xf32, #tpu.memory_space<vmem_shared>> -> memref<40x128xf32, #tpu.memory_space<vmem_shared>>
      %dma_wait3A_658 = arith.constant 0 : i32
      %dma_wait3A_659 = tpu.memref_slice %arg5[%add3A_605, %dma_wait3A_658] : memref<10240x128xf32, #tpu.memory_space<vmem_shared>> -> memref<40x128xf32, #tpu.memory_space<vmem_shared>>
      tpu.wait_dma2 semaphore(%run_scoped3A : memref<!tpu.dma_semaphore, #tpu.memory_space<semaphore_mem>>) src(%dma_wait3A_659 : memref<40x128xf32, #tpu.memory_space<vmem_shared>>) dst(%arg17 : memref<40x128xf32, #tpu.memory_space<vmem>>)
      tpu.yield
    }) : () -> ()
    %dma_start3A_614 = arith.constant 0 : i32
    %dma_start3A_615 = tpu.memref_slice %arg4[%arg0, %add3A_605, %dma_start3A_614] : memref<2x10240x128xf32, #tpu.memory_space<hbm>> -> memref<1x40x128xf32, #tpu.memory_space<hbm>>
    %dma_start3A_616 = tpu.memref_squeeze %dma_start3A_615 : memref<1x40x128xf32, #tpu.memory_space<hbm>> -> memref<40x128xf32, #tpu.memory_space<hbm>>
    %dma_start3A_617 = arith.constant 0 : i32
    %dma_start3A_618 = tpu.memref_slice %arg4[%arg0, %add3A_605, %dma_start3A_617] : memref<2x10240x128xf32, #tpu.memory_space<hbm>> -> memref<1x40x128xf32, #tpu.memory_space<hbm>>
    %dma_start3A_619 = tpu.memref_squeeze %dma_start3A_618 : memref<1x40x128xf32, #tpu.memory_space<hbm>> -> memref<40x128xf32, #tpu.memory_space<hbm>>
    tpu.enqueue_dma source(%arg17 : memref<40x128xf32, #tpu.memory_space<vmem>>) target(%dma_start3A_619 : memref<40x128xf32, #tpu.memory_space<hbm>>) target_semaphore(%arg33 : memref<!tpu.dma_semaphore, #tpu.memory_space<semaphore_mem>>)
    %dma_wait3A_620 = arith.constant 0 : i32
    %dma_wait3A_621 = arith.constant 0 : i32
    %dma_wait3A_622 = tpu.memref_slice %arg4[%arg0, %dma_wait3A_620, %dma_wait3A_621] : memref<2x10240x128xf32, #tpu.memory_space<hbm>> -> memref<1x40x128xf32, #tpu.memory_space<hbm>>
    %dma_wait3A_623 = tpu.memref_squeeze %dma_wait3A_622 : memref<1x40x128xf32, #tpu.memory_space<hbm>> -> memref<40x128xf32, #tpu.memory_space<hbm>>
    %dma_wait3A_624 = arith.constant 0 : i32
    %dma_wait3A_625 = arith.constant 0 : i32
    %dma_wait3A_626 = tpu.memref_slice %arg4[%arg0, %dma_wait3A_624, %dma_wait3A_625] : memref<2x10240x128xf32, #tpu.memory_space<hbm>> -> memref<1x40x128xf32, #tpu.memory_space<hbm>>
    %dma_wait3A_627 = tpu.memref_squeeze %dma_wait3A_626 : memref<1x40x128xf32, #tpu.memory_space<hbm>> -> memref<40x128xf32, #tpu.memory_space<hbm>>
    tpu.wait_dma2 semaphore(%arg30 : memref<!tpu.dma_semaphore, #tpu.memory_space<semaphore_mem>>) src(%arg14 : memref<40x128xf32, #tpu.memory_space<vmem>>) dst(%dma_wait3A_627 : memref<40x128xf32, #tpu.memory_space<hbm>>)
    %dma_wait3A_628 = arith.constant 0 : i32
    %dma_wait3A_629 = arith.constant 0 : i32
    %dma_wait3A_630 = tpu.memref_slice %arg4[%arg0, %dma_wait3A_628, %dma_wait3A_629] : memref<2x10240x128xf32, #tpu.memory_space<hbm>> -> memref<1x40x128xf32, #tpu.memory_space<hbm>>
    %dma_wait3A_631 = tpu.memref_squeeze %dma_wait3A_630 : memref<1x40x128xf32, #tpu.memory_space<hbm>> -> memref<40x128xf32, #tpu.memory_space<hbm>>
    %dma_wait3A_632 = arith.constant 0 : i32
    %dma_wait3A_633 = arith.constant 0 : i32
    %dma_wait3A_634 = tpu.memref_slice %arg4[%arg0, %dma_wait3A_632, %dma_wait3A_633] : memref<2x10240x128xf32, #tpu.memory_space<hbm>> -> memref<1x40x128xf32, #tpu.memory_space<hbm>>
    %dma_wait3A_635 = tpu.memref_squeeze %dma_wait3A_634 : memref<1x40x128xf32, #tpu.memory_space<hbm>> -> memref<40x128xf32, #tpu.memory_space<hbm>>
    tpu.wait_dma2 semaphore(%arg31 : memref<!tpu.dma_semaphore, #tpu.memory_space<semaphore_mem>>) src(%arg15 : memref<40x128xf32, #tpu.memory_space<vmem>>) dst(%dma_wait3A_635 : memref<40x128xf32, #tpu.memory_space<hbm>>)
    %dma_wait3A_636 = arith.constant 0 : i32
    %dma_wait3A_637 = arith.constant 0 : i32
    %dma_wait3A_638 = tpu.memref_slice %arg4[%arg0, %dma_wait3A_636, %dma_wait3A_637] : memref<2x10240x128xf32, #tpu.memory_space<hbm>> -> memref<1x40x128xf32, #tpu.memory_space<hbm>>
    %dma_wait3A_639 = tpu.memref_squeeze %dma_wait3A_638 : memref<1x40x128xf32, #tpu.memory_space<hbm>> -> memref<40x128xf32, #tpu.memory_space<hbm>>
    %dma_wait3A_640 = arith.constant 0 : i32
    %dma_wait3A_641 = arith.constant 0 : i32
    %dma_wait3A_642 = tpu.memref_slice %arg4[%arg0, %dma_wait3A_640, %dma_wait3A_641] : memref<2x10240x128xf32, #tpu.memory_space<hbm>> -> memref<1x40x128xf32, #tpu.memory_space<hbm>>
    %dma_wait3A_643 = tpu.memref_squeeze %dma_wait3A_642 : memref<1x40x128xf32, #tpu.memory_space<hbm>> -> memref<40x128xf32, #tpu.memory_space<hbm>>
    tpu.wait_dma2 semaphore(%arg32 : memref<!tpu.dma_semaphore, #tpu.memory_space<semaphore_mem>>) src(%arg16 : memref<40x128xf32, #tpu.memory_space<vmem>>) dst(%dma_wait3A_643 : memref<40x128xf32, #tpu.memory_space<hbm>>)
    %dma_wait3A_644 = arith.constant 0 : i32
    %dma_wait3A_645 = arith.constant 0 : i32
    %dma_wait3A_646 = tpu.memref_slice %arg4[%arg0, %dma_wait3A_644, %dma_wait3A_645] : memref<2x10240x128xf32, #tpu.memory_space<hbm>> -> memref<1x40x128xf32, #tpu.memory_space<hbm>>
    %dma_wait3A_647 = tpu.memref_squeeze %dma_wait3A_646 : memref<1x40x128xf32, #tpu.memory_space<hbm>> -> memref<40x128xf32, #tpu.memory_space<hbm>>
    %dma_wait3A_648 = arith.constant 0 : i32
    %dma_wait3A_649 = arith.constant 0 : i32
    %dma_wait3A_650 = tpu.memref_slice %arg4[%arg0, %dma_wait3A_648, %dma_wait3A_649] : memref<2x10240x128xf32, #tpu.memory_space<hbm>> -> memref<1x40x128xf32, #tpu.memory_space<hbm>>
    %dma_wait3A_651 = tpu.memref_squeeze %dma_wait3A_650 : memref<1x40x128xf32, #tpu.memory_space<hbm>> -> memref<40x128xf32, #tpu.memory_space<hbm>>
    tpu.wait_dma2 semaphore(%arg33 : memref<!tpu.dma_semaphore, #tpu.memory_space<semaphore_mem>>) src(%arg17 : memref<40x128xf32, #tpu.memory_space<vmem>>) dst(%dma_wait3A_651 : memref<40x128xf32, #tpu.memory_space<hbm>>)
    return
  }
}

module attributes {stable_mosaic.version = 14 : i64} {
  func.func @_pre_body(%arg0: i32, %arg1: memref<1000x128xf32, #tpu.memory_space<vmem>>, %arg2: memref<128x128xf32, #tpu.memory_space<vmem>>, %arg3: memref<1000x2xf32, #tpu.memory_space<vmem>>, %arg4: memref<1000x128xf32, #tpu.memory_space<vmem>>) attributes {dimension_semantics = [#tpu.dimension_semantics<arbitrary>], iteration_bounds = array<i64: 10>, scalar_prefetch = 0 : i64, scratch_operands = 0 : i64, tpu.core_type = #tpu.core_type<tc>, window_params = [{transform_indices = @transform_0, window_bounds = array<i64: 1000, 128>}, {pipeline_mode = #tpu.pipeline_mode<synchronous>, transform_indices = @transform_1, window_bounds = array<i64: 128, 128>}, {transform_indices = @transform_2, window_bounds = array<i64: 1000, 2>}, {transform_indices = @transform_3, window_bounds = array<i64: 1000, 128>}]} {
    %get3A = arith.constant 0 : index
    %get3A_0 = arith.constant 0 : index
    %get3A_1 = vector.load %arg3[%get3A, %get3A_0] : memref<1000x2xf32, #tpu.memory_space<vmem>>, vector<1000x2xf32>
    %slice3A = vector.extract_strided_slice %get3A_1 {offsets = [0, 0], sizes = [1000, 1], strides = [1, 1]} : vector<1000x2xf32> to vector<1000x1xf32>
    %slice3A_2 = vector.extract_strided_slice %get3A_1 {offsets = [0, 1], sizes = [1000, 1], strides = [1, 1]} : vector<1000x2xf32> to vector<1000x1xf32>
    %add3A = arith.addf %slice3A, %slice3A_2 : vector<1000x1xf32>
    %add3A_3 = arith.constant 1.000000e+00 : f32
    %add3A_4 = vector.broadcast %add3A_3 : f32 to vector<1000x1xf32>
    %add3A_5 = arith.addf %add3A, %add3A_4 : vector<1000x1xf32>
    %sqrt3A = math.sqrt %add3A_5 : vector<1000x1xf32>
    %div3A = arith.constant 1.000000e+00 : f32
    %div3A_6 = vector.broadcast %div3A : f32 to vector<1000x1xf32>
    %div3A_7 = arith.divf %div3A_6, %sqrt3A : vector<1000x1xf32>
    %get3A_8 = arith.constant 0 : index
    %get3A_9 = arith.constant 0 : index
    %get3A_10 = vector.load %arg1[%get3A_8, %get3A_9] : memref<1000x128xf32, #tpu.memory_space<vmem>>, vector<1000x128xf32>
    %get3A_11 = arith.constant 0 : index
    %get3A_12 = arith.constant 0 : index
    %get3A_13 = vector.load %arg2[%get3A_11, %get3A_12] : memref<128x128xf32, #tpu.memory_space<vmem>>, vector<128x128xf32>
    %dot_general3A = arith.constant dense<0.000000e+00> : vector<1000x128xf32>
    %dot_general3A_14 = tpu.matmul %get3A_10, %get3A_13, %dot_general3A {dimension_numbers = #tpu.dot_dimension_numbers<[1], [0], [0], [1], [0, 0, 1, 1], [], []>, transpose_lhs_hint = false} : vector<1000x128xf32>, vector<128x128xf32>, vector<1000x128xf32> -> vector<1000x128xf32>
    %mul3A = vector.broadcast %div3A_7 : vector<1000x1xf32> to vector<1000x128xf32>
    %mul3A_15 = arith.mulf %dot_general3A_14, %mul3A : vector<1000x128xf32>
    %swap3A = arith.constant 0 : index
    %swap3A_16 = arith.constant 0 : index
    %swap3A_17 = vector.load %arg4[%swap3A, %swap3A_16] : memref<1000x128xf32, #tpu.memory_space<vmem>>, vector<1000x128xf32>
    tpu.vector_store %arg4[%swap3A, %swap3A_16], %mul3A_15 {strides = array<i32>} : memref<1000x128xf32, #tpu.memory_space<vmem>>, vector<1000x128xf32>,
    return
  }
  func.func @transform_0(%arg0: i32) -> (i32, i32) {
    %c0_i32 = arith.constant 0 : i32
    %c0_i32_0 = arith.constant 0 : i32
    return %arg0, %c0_i32 : i32, i32
  }
  func.func @transform_1(%arg0: i32) -> (i32, i32) {
    %c0_i32 = arith.constant 0 : i32
    %c0_i32_0 = arith.constant 0 : i32
    %c0_i32_1 = arith.constant 0 : i32
    return %c0_i32, %c0_i32_0 : i32, i32
  }
  func.func @transform_2(%arg0: i32) -> (i32, i32) {
    %c0_i32 = arith.constant 0 : i32
    %c0_i32_0 = arith.constant 0 : i32
    return %arg0, %c0_i32 : i32, i32
  }
  func.func @transform_3(%arg0: i32) -> (i32, i32) {
    %c0_i32 = arith.constant 0 : i32
    %c0_i32_0 = arith.constant 0 : i32
    return %arg0, %c0_i32 : i32, i32
  }
}

module attributes {stable_mosaic.version = 14 : i64} {
  func.func @_mid_body(%arg0: i32, %arg1: memref<2x1000x128xf32, #tpu.memory_space<vmem>>, %arg2: memref<1000x128xf32, #tpu.memory_space<vmem>>, %arg3: memref<1000x2xf32, #tpu.memory_space<vmem>>, %arg4: memref<1x128xf32, #tpu.memory_space<vmem>>, %arg5: memref<1x128xf32, #tpu.memory_space<vmem>>, %arg6: memref<1x128xf32, #tpu.memory_space<vmem>>, %arg7: memref<128x128xf32, #tpu.memory_space<vmem>>, %arg8: memref<1000x128xf32, #tpu.memory_space<vmem>>) attributes {dimension_semantics = [#tpu.dimension_semantics<arbitrary>], iteration_bounds = array<i64: 10>, scalar_prefetch = 0 : i64, scratch_operands = 0 : i64, tpu.core_type = #tpu.core_type<tc>, window_params = [{transform_indices = @transform_0, window_bounds = array<i64: 2, 1000, 128>}, {transform_indices = @transform_1, window_bounds = array<i64: 1000, 128>}, {transform_indices = @transform_2, window_bounds = array<i64: 1000, 2>}, {pipeline_mode = #tpu.pipeline_mode<synchronous>, transform_indices = @transform_3, window_bounds = array<i64: 1, 128>}, {pipeline_mode = #tpu.pipeline_mode<synchronous>, transform_indices = @transform_4, window_bounds = array<i64: 1, 128>}, {pipeline_mode = #tpu.pipeline_mode<synchronous>, transform_indices = @transform_5, window_bounds = array<i64: 1, 128>}, {pipeline_mode = #tpu.pipeline_mode<synchronous>, transform_indices = @transform_6, window_bounds = array<i64: 128, 128>}, {transform_indices = @transform_7, window_bounds = array<i64: 1000, 128>}]} {
    %get3A = arith.constant 0 : index
    %get3A_0 = arith.constant 0 : index
    %get3A_1 = vector.load %arg3[%get3A, %get3A_0] : memref<1000x2xf32, #tpu.memory_space<vmem>>, vector<1000x2xf32>
    %slice3A = vector.extract_strided_slice %get3A_1 {offsets = [0, 0], sizes = [1000, 1], strides = [1, 1]} : vector<1000x2xf32> to vector<1000x1xf32>
    %slice3A_2 = vector.extract_strided_slice %get3A_1 {offsets = [0, 1], sizes = [1000, 1], strides = [1, 1]} : vector<1000x2xf32> to vector<1000x1xf32>
    %add3A = arith.addf %slice3A, %slice3A_2 : vector<1000x1xf32>
    %add3A_3 = arith.constant 1.000000e+00 : f32
    %add3A_4 = vector.broadcast %add3A_3 : f32 to vector<1000x1xf32>
    %add3A_5 = arith.addf %add3A, %add3A_4 : vector<1000x1xf32>
    %sqrt3A = math.sqrt %add3A_5 : vector<1000x1xf32>
    %div3A = arith.constant 1.000000e+00 : f32
    %div3A_6 = vector.broadcast %div3A : f32 to vector<1000x1xf32>
    %div3A_7 = arith.divf %div3A_6, %sqrt3A : vector<1000x1xf32>
    %get3A_8 = arith.constant 0 : index
    %get3A_9 = arith.constant 0 : index
    %get3A_10 = arith.constant 0 : index
    %get3A_11 = vector.load %arg1[%get3A_8, %get3A_9, %get3A_10] : memref<2x1000x128xf32, #tpu.memory_space<vmem>>, vector<1x1000x128xf32>
    %get3A_12 = vector.shape_cast %get3A_11 : vector<1x1000x128xf32> to vector<1000x128xf32>
    %get3A_13 = arith.constant 1 : index
    %get3A_14 = arith.constant 0 : index
    %get3A_15 = arith.constant 0 : index
    %get3A_16 = vector.load %arg1[%get3A_13, %get3A_14, %get3A_15] : memref<2x1000x128xf32, #tpu.memory_space<vmem>>, vector<1x1000x128xf32>
    %get3A_17 = vector.shape_cast %get3A_16 : vector<1x1000x128xf32> to vector<1000x128xf32>
    %add3A_18 = arith.addf %get3A_12, %get3A_17 : vector<1000x128xf32>
    %get3A_19 = arith.constant 0 : index
    %get3A_20 = arith.constant 0 : index
    %get3A_21 = vector.load %arg2[%get3A_19, %get3A_20] : memref<1000x128xf32, #tpu.memory_space<vmem>>, vector<1000x128xf32>
    %add3A_22 = arith.addf %add3A_18, %get3A_21 : vector<1000x128xf32>
    %mul3A = vector.broadcast %div3A_7 : vector<1000x1xf32> to vector<1000x128xf32>
    %mul3A_23 = arith.mulf %add3A_22, %mul3A : vector<1000x128xf32>
    %get3A_24 = arith.constant 0 : index
    %get3A_25 = arith.constant 0 : index
    %get3A_26 = vector.load %arg4[%get3A_24, %get3A_25] : memref<1x128xf32, #tpu.memory_space<vmem>>, vector<1x128xf32>
    %add3A_27 = vector.broadcast %get3A_26 : vector<1x128xf32> to vector<1000x128xf32>
    %add3A_28 = arith.addf %mul3A_23, %add3A_27 : vector<1000x128xf32>
    %get3A_29 = arith.constant 0 : index
    %get3A_30 = arith.constant 0 : index
    %get3A_31 = vector.load %arg5[%get3A_29, %get3A_30] : memref<1x128xf32, #tpu.memory_space<vmem>>, vector<1x128xf32>
    %get3A_32 = arith.constant 0 : index
    %get3A_33 = arith.constant 0 : index
    %get3A_34 = vector.load %arg6[%get3A_32, %get3A_33] : memref<1x128xf32, #tpu.memory_space<vmem>>, vector<1x128xf32>
    %reduce_sum3A = arith.constant dense<0.000000e+00> : vector<1000xf32>
    %reduce_sum3A_35 = vector.multi_reduction <add>, %add3A_28, %reduce_sum3A [1] : vector<1000x128xf32> to vector<1000xf32>
    %broadcast_in_dim3A = vector.shape_cast %reduce_sum3A_35 : vector<1000xf32> to vector<1000x1xf32>
    %div3A_36 = arith.constant 1.280000e+02 : f32
    %div3A_37 = vector.broadcast %div3A_36 : f32 to vector<1000x1xf32>
    %div3A_38 = arith.divf %broadcast_in_dim3A, %div3A_37 : vector<1000x1xf32>
    %sub3A = vector.broadcast %div3A_38 : vector<1000x1xf32> to vector<1000x128xf32>
    %sub3A_39 = arith.subf %add3A_28, %sub3A : vector<1000x128xf32>
    %integer_pow3A = arith.mulf %sub3A_39, %sub3A_39 : vector<1000x128xf32>
    %reduce_sum3A_40 = arith.constant dense<0.000000e+00> : vector<1000xf32>
    %reduce_sum3A_41 = vector.multi_reduction <add>, %integer_pow3A, %reduce_sum3A_40 [1] : vector<1000x128xf32> to vector<1000xf32>
    %broadcast_in_dim3A_42 = vector.shape_cast %reduce_sum3A_41 : vector<1000xf32> to vector<1000x1xf32>
    %div3A_43 = arith.constant 1.280000e+02 : f32
    %div3A_44 = vector.broadcast %div3A_43 : f32 to vector<1000x1xf32>
    %div3A_45 = arith.divf %broadcast_in_dim3A_42, %div3A_44 : vector<1000x1xf32>
    %sub3A_46 = vector.broadcast %div3A_38 : vector<1000x1xf32> to vector<1000x128xf32>
    %sub3A_47 = arith.subf %add3A_28, %sub3A_46 : vector<1000x128xf32>
    %add3A_48 = arith.constant 9.99999974E-6 : f32
    %add3A_49 = vector.broadcast %add3A_48 : f32 to vector<1000x1xf32>
    %add3A_50 = arith.addf %div3A_45, %add3A_49 : vector<1000x1xf32>
    %sqrt3A_51 = math.sqrt %add3A_50 : vector<1000x1xf32>
    %div3A_52 = vector.broadcast %sqrt3A_51 : vector<1000x1xf32> to vector<1000x128xf32>
    %div3A_53 = arith.divf %sub3A_47, %div3A_52 : vector<1000x128xf32>
    %mul3A_54 = vector.broadcast %get3A_31 : vector<1x128xf32> to vector<1000x128xf32>
    %mul3A_55 = arith.mulf %div3A_53, %mul3A_54 : vector<1000x128xf32>
    %add3A_56 = vector.broadcast %get3A_34 : vector<1x128xf32> to vector<1000x128xf32>
    %add3A_57 = arith.addf %mul3A_55, %add3A_56 : vector<1000x128xf32>
    %max3A = arith.constant 0.000000e+00 : f32
    %max3A_58 = vector.broadcast %max3A : f32 to vector<1000x128xf32>
    %max3A_59 = arith.maximumf %add3A_57, %max3A_58 : vector<1000x128xf32>
    %get3A_60 = arith.constant 0 : index
    %get3A_61 = arith.constant 0 : index
    %get3A_62 = vector.load %arg7[%get3A_60, %get3A_61] : memref<128x128xf32, #tpu.memory_space<vmem>>, vector<128x128xf32>
    %dot_general3A = arith.constant dense<0.000000e+00> : vector<1000x128xf32>
    %dot_general3A_63 = tpu.matmul %max3A_59, %get3A_62, %dot_general3A {dimension_numbers = #tpu.dot_dimension_numbers<[1], [0], [0], [1], [0, 0, 1, 1], [], []>, transpose_lhs_hint = false} : vector<1000x128xf32>, vector<128x128xf32>, vector<1000x128xf32> -> vector<1000x128xf32>
    %mul3A_64 = vector.broadcast %div3A_7 : vector<1000x1xf32> to vector<1000x128xf32>
    %mul3A_65 = arith.mulf %dot_general3A_63, %mul3A_64 : vector<1000x128xf32>
    %swap3A = arith.constant 0 : index
    %swap3A_66 = arith.constant 0 : index
    %swap3A_67 = vector.load %arg8[%swap3A, %swap3A_66] : memref<1000x128xf32, #tpu.memory_space<vmem>>, vector<1000x128xf32>
    tpu.vector_store %arg8[%swap3A, %swap3A_66], %mul3A_65 {strides = array<i32>} : memref<1000x128xf32, #tpu.memory_space<vmem>>, vector<1000x128xf32>,
    return
  }
  func.func @transform_0(%arg0: i32) -> (i32, i32, i32) {
    %c0_i32 = arith.constant 0 : i32
    %c0_i32_0 = arith.constant 0 : i32
    %c0_i32_1 = arith.constant 0 : i32
    return %c0_i32, %arg0, %c0_i32_0 : i32, i32, i32
  }
  func.func @transform_1(%arg0: i32) -> (i32, i32) {
    %c0_i32 = arith.constant 0 : i32
    %c0_i32_0 = arith.constant 0 : i32
    return %arg0, %c0_i32 : i32, i32
  }
  func.func @transform_2(%arg0: i32) -> (i32, i32) {
    %c0_i32 = arith.constant 0 : i32
    %c0_i32_0 = arith.constant 0 : i32
    return %arg0, %c0_i32 : i32, i32
  }
  func.func @transform_3(%arg0: i32) -> (i32, i32) {
    %c0_i32 = arith.constant 0 : i32
    %c0_i32_0 = arith.constant 0 : i32
    %c0_i32_1 = arith.constant 0 : i32
    return %c0_i32, %c0_i32_0 : i32, i32
  }
  func.func @transform_4(%arg0: i32) -> (i32, i32) {
    %c0_i32 = arith.constant 0 : i32
    %c0_i32_0 = arith.constant 0 : i32
    %c0_i32_1 = arith.constant 0 : i32
    return %c0_i32, %c0_i32_0 : i32, i32
  }
  func.func @transform_5(%arg0: i32) -> (i32, i32) {
    %c0_i32 = arith.constant 0 : i32
    %c0_i32_0 = arith.constant 0 : i32
    %c0_i32_1 = arith.constant 0 : i32
    return %c0_i32, %c0_i32_0 : i32, i32
  }
  func.func @transform_6(%arg0: i32) -> (i32, i32) {
    %c0_i32 = arith.constant 0 : i32
    %c0_i32_0 = arith.constant 0 : i32
    %c0_i32_1 = arith.constant 0 : i32
    return %c0_i32, %c0_i32_0 : i32, i32
  }
  func.func @transform_7(%arg0: i32) -> (i32, i32) {
    %c0_i32 = arith.constant 0 : i32
    %c0_i32_0 = arith.constant 0 : i32
    return %arg0, %c0_i32 : i32, i32
  }
}

module attributes {stable_mosaic.version = 14 : i64} {
  func.func @_final_body(%arg0: i32, %arg1: memref<2x1000x128xf32, #tpu.memory_space<vmem>>, %arg2: memref<1000x128xf32, #tpu.memory_space<vmem>>, %arg3: memref<1000x2xf32, #tpu.memory_space<vmem>>, %arg4: memref<1x128xf32, #tpu.memory_space<vmem>>, %arg5: memref<1x128xf32, #tpu.memory_space<vmem>>, %arg6: memref<1x128xf32, #tpu.memory_space<vmem>>, %arg7: memref<1000x128xf32, #tpu.memory_space<vmem>>) attributes {dimension_semantics = [#tpu.dimension_semantics<arbitrary>], iteration_bounds = array<i64: 10>, scalar_prefetch = 0 : i64, scratch_operands = 0 : i64, tpu.core_type = #tpu.core_type<tc>, window_params = [{transform_indices = @transform_0, window_bounds = array<i64: 2, 1000, 128>}, {transform_indices = @transform_1, window_bounds = array<i64: 1000, 128>}, {transform_indices = @transform_2, window_bounds = array<i64: 1000, 2>}, {pipeline_mode = #tpu.pipeline_mode<synchronous>, transform_indices = @transform_3, window_bounds = array<i64: 1, 128>}, {pipeline_mode = #tpu.pipeline_mode<synchronous>, transform_indices = @transform_4, window_bounds = array<i64: 1, 128>}, {pipeline_mode = #tpu.pipeline_mode<synchronous>, transform_indices = @transform_5, window_bounds = array<i64: 1, 128>}, {transform_indices = @transform_6, window_bounds = array<i64: 1000, 128>}]} {
    %get3A = arith.constant 0 : index
    %get3A_0 = arith.constant 0 : index
    %get3A_1 = vector.load %arg3[%get3A, %get3A_0] : memref<1000x2xf32, #tpu.memory_space<vmem>>, vector<1000x2xf32>
    %slice3A = vector.extract_strided_slice %get3A_1 {offsets = [0, 0], sizes = [1000, 1], strides = [1, 1]} : vector<1000x2xf32> to vector<1000x1xf32>
    %slice3A_2 = vector.extract_strided_slice %get3A_1 {offsets = [0, 1], sizes = [1000, 1], strides = [1, 1]} : vector<1000x2xf32> to vector<1000x1xf32>
    %add3A = arith.addf %slice3A, %slice3A_2 : vector<1000x1xf32>
    %add3A_3 = arith.constant 1.000000e+00 : f32
    %add3A_4 = vector.broadcast %add3A_3 : f32 to vector<1000x1xf32>
    %add3A_5 = arith.addf %add3A, %add3A_4 : vector<1000x1xf32>
    %sqrt3A = math.sqrt %add3A_5 : vector<1000x1xf32>
    %div3A = arith.constant 1.000000e+00 : f32
    %div3A_6 = vector.broadcast %div3A : f32 to vector<1000x1xf32>
    %div3A_7 = arith.divf %div3A_6, %sqrt3A : vector<1000x1xf32>
    %get3A_8 = arith.constant 0 : index
    %get3A_9 = arith.constant 0 : index
    %get3A_10 = arith.constant 0 : index
    %get3A_11 = vector.load %arg1[%get3A_8, %get3A_9, %get3A_10] : memref<2x1000x128xf32, #tpu.memory_space<vmem>>, vector<1x1000x128xf32>
    %get3A_12 = vector.shape_cast %get3A_11 : vector<1x1000x128xf32> to vector<1000x128xf32>
    %get3A_13 = arith.constant 1 : index
    %get3A_14 = arith.constant 0 : index
    %get3A_15 = arith.constant 0 : index
    %get3A_16 = vector.load %arg1[%get3A_13, %get3A_14, %get3A_15] : memref<2x1000x128xf32, #tpu.memory_space<vmem>>, vector<1x1000x128xf32>
    %get3A_17 = vector.shape_cast %get3A_16 : vector<1x1000x128xf32> to vector<1000x128xf32>
    %add3A_18 = arith.addf %get3A_12, %get3A_17 : vector<1000x128xf32>
    %get3A_19 = arith.constant 0 : index
    %get3A_20 = arith.constant 0 : index
    %get3A_21 = vector.load %arg2[%get3A_19, %get3A_20] : memref<1000x128xf32, #tpu.memory_space<vmem>>, vector<1000x128xf32>
    %add3A_22 = arith.addf %add3A_18, %get3A_21 : vector<1000x128xf32>
    %mul3A = vector.broadcast %div3A_7 : vector<1000x1xf32> to vector<1000x128xf32>
    %mul3A_23 = arith.mulf %add3A_22, %mul3A : vector<1000x128xf32>
    %get3A_24 = arith.constant 0 : index
    %get3A_25 = arith.constant 0 : index
    %get3A_26 = vector.load %arg4[%get3A_24, %get3A_25] : memref<1x128xf32, #tpu.memory_space<vmem>>, vector<1x128xf32>
    %add3A_27 = vector.broadcast %get3A_26 : vector<1x128xf32> to vector<1000x128xf32>
    %add3A_28 = arith.addf %mul3A_23, %add3A_27 : vector<1000x128xf32>
    %get3A_29 = arith.constant 0 : index
    %get3A_30 = arith.constant 0 : index
    %get3A_31 = vector.load %arg5[%get3A_29, %get3A_30] : memref<1x128xf32, #tpu.memory_space<vmem>>, vector<1x128xf32>
    %get3A_32 = arith.constant 0 : index
    %get3A_33 = arith.constant 0 : index
    %get3A_34 = vector.load %arg6[%get3A_32, %get3A_33] : memref<1x128xf32, #tpu.memory_space<vmem>>, vector<1x128xf32>
    %reduce_sum3A = arith.constant dense<0.000000e+00> : vector<1000xf32>
    %reduce_sum3A_35 = vector.multi_reduction <add>, %add3A_28, %reduce_sum3A [1] : vector<1000x128xf32> to vector<1000xf32>
    %broadcast_in_dim3A = vector.shape_cast %reduce_sum3A_35 : vector<1000xf32> to vector<1000x1xf32>
    %div3A_36 = arith.constant 1.280000e+02 : f32
    %div3A_37 = vector.broadcast %div3A_36 : f32 to vector<1000x1xf32>
    %div3A_38 = arith.divf %broadcast_in_dim3A, %div3A_37 : vector<1000x1xf32>
    %sub3A = vector.broadcast %div3A_38 : vector<1000x1xf32> to vector<1000x128xf32>
    %sub3A_39 = arith.subf %add3A_28, %sub3A : vector<1000x128xf32>
    %integer_pow3A = arith.mulf %sub3A_39, %sub3A_39 : vector<1000x128xf32>
    %reduce_sum3A_40 = arith.constant dense<0.000000e+00> : vector<1000xf32>
    %reduce_sum3A_41 = vector.multi_reduction <add>, %integer_pow3A, %reduce_sum3A_40 [1] : vector<1000x128xf32> to vector<1000xf32>
    %broadcast_in_dim3A_42 = vector.shape_cast %reduce_sum3A_41 : vector<1000xf32> to vector<1000x1xf32>
    %div3A_43 = arith.constant 1.280000e+02 : f32
    %div3A_44 = vector.broadcast %div3A_43 : f32 to vector<1000x1xf32>
    %div3A_45 = arith.divf %broadcast_in_dim3A_42, %div3A_44 : vector<1000x1xf32>
    %sub3A_46 = vector.broadcast %div3A_38 : vector<1000x1xf32> to vector<1000x128xf32>
    %sub3A_47 = arith.subf %add3A_28, %sub3A_46 : vector<1000x128xf32>
    %add3A_48 = arith.constant 9.99999974E-6 : f32
    %add3A_49 = vector.broadcast %add3A_48 : f32 to vector<1000x1xf32>
    %add3A_50 = arith.addf %div3A_45, %add3A_49 : vector<1000x1xf32>
    %sqrt3A_51 = math.sqrt %add3A_50 : vector<1000x1xf32>
    %div3A_52 = vector.broadcast %sqrt3A_51 : vector<1000x1xf32> to vector<1000x128xf32>
    %div3A_53 = arith.divf %sub3A_47, %div3A_52 : vector<1000x128xf32>
    %mul3A_54 = vector.broadcast %get3A_31 : vector<1x128xf32> to vector<1000x128xf32>
    %mul3A_55 = arith.mulf %div3A_53, %mul3A_54 : vector<1000x128xf32>
    %add3A_56 = vector.broadcast %get3A_34 : vector<1x128xf32> to vector<1000x128xf32>
    %add3A_57 = arith.addf %mul3A_55, %add3A_56 : vector<1000x128xf32>
    %max3A = arith.constant 0.000000e+00 : f32
    %max3A_58 = vector.broadcast %max3A : f32 to vector<1000x128xf32>
    %max3A_59 = arith.maximumf %add3A_57, %max3A_58 : vector<1000x128xf32>
    %swap3A = arith.constant 0 : index
    %swap3A_60 = arith.constant 0 : index
    %swap3A_61 = vector.load %arg7[%swap3A, %swap3A_60] : memref<1000x128xf32, #tpu.memory_space<vmem>>, vector<1000x128xf32>
    tpu.vector_store %arg7[%swap3A, %swap3A_60], %max3A_59 {strides = array<i32>} : memref<1000x128xf32, #tpu.memory_space<vmem>>, vector<1000x128xf32>,
    return
  }
  func.func @transform_0(%arg0: i32) -> (i32, i32, i32) {
    %c0_i32 = arith.constant 0 : i32
    %c0_i32_0 = arith.constant 0 : i32
    %c0_i32_1 = arith.constant 0 : i32
    return %c0_i32, %arg0, %c0_i32_0 : i32, i32, i32
  }
  func.func @transform_1(%arg0: i32) -> (i32, i32) {
    %c0_i32 = arith.constant 0 : i32
    %c0_i32_0 = arith.constant 0 : i32
    return %arg0, %c0_i32 : i32, i32
  }
  func.func @transform_2(%arg0: i32) -> (i32, i32) {
    %c0_i32 = arith.constant 0 : i32
    %c0_i32_0 = arith.constant 0 : i32
    return %arg0, %c0_i32 : i32, i32
  }
  func.func @transform_3(%arg0: i32) -> (i32, i32) {
    %c0_i32 = arith.constant 0 : i32
    %c0_i32_0 = arith.constant 0 : i32
    %c0_i32_1 = arith.constant 0 : i32
    return %c0_i32, %c0_i32_0 : i32, i32
  }
  func.func @transform_4(%arg0: i32) -> (i32, i32) {
    %c0_i32 = arith.constant 0 : i32
    %c0_i32_0 = arith.constant 0 : i32
    %c0_i32_1 = arith.constant 0 : i32
    return %c0_i32, %c0_i32_0 : i32, i32
  }
  func.func @transform_5(%arg0: i32) -> (i32, i32) {
    %c0_i32 = arith.constant 0 : i32
    %c0_i32_0 = arith.constant 0 : i32
    %c0_i32_1 = arith.constant 0 : i32
    return %c0_i32, %c0_i32_0 : i32, i32
  }
  func.func @transform_6(%arg0: i32) -> (i32, i32) {
    %c0_i32 = arith.constant 0 : i32
    %c0_i32_0 = arith.constant 0 : i32
    return %arg0, %c0_i32 : i32, i32
  }
}

</mosaic_0001>

<sc_bundles>
// kernel: kernel.11.cloned.1.call-start
scs
__scs_entry_jumppad:
0x0: {  	(pc) =	sbr.rel $0x88, $3  }
0x1: {  	(tag) =	ssettag $0x0;
	lr =	simm.s32 $0x1  }
0x2: {  	[smem:$0x3F97] =	sst lr;
	_ =	strace $0xD0000000  }
0x3: {  	_ = 	snop  }
0x4: {  	_ = 	snop  }
0x5: {  	_ = 	snop  }
0x6: {  	_ = 	snop  }
0x7: {  	_ = 	snop  }
__scs_overlays_trampoline_lowered:
0x8: {  	[smem:$0x3FA6] =	sst s0  }
0x9: {  	[smem:$0x3FA7] =	sst s1  }
0xa: {  	[smem:$0x3FA8] =	sst s2  }
0xb: {  	[smem:$0x3FA9] =	sst s3  }
0xc: {  	[smem:$0x3FAA] =	sst s4  }
0xd: {  	[smem:$0x3FAB] =	sst s5  }
0xe: {  	[smem:$0x3FAC] =	sst s6  }
0xf: {  	[smem:$0x3FAD] =	sst s7  }
0x10: {  	[smem:$0x3FAE] =	sst s8  }
0x11: {  	[smem:$0x3FAF] =	sst s9;
	s0 =	simm.s32 @!p0 $0x0  }
0x12: {  	s1 =	sld [smem:$0x3F95];
	s0 =	simm.s32 @p0 $0x1  }
0x13: {  	[smem:$0x3FB0] =	sst s0;
	s0 =	simm.s32 @!p1 $0x0  }
0x14: {  	s2 =	sld [smem:$0x3F94];
	s0 =	simm.s32 @p1 $0x1  }
0x15: {  	[smem:$0x3FB1] =	sst s0;
	s0 =	simm.s32 @!p2 $0x0  }
0x16: {  	s3 =	sld [smem:$0x3FDB];
	s0 =	simm.s32 @p2 $0x1  }
0x17: {  	s4 =	simm.s32 $0x1BF5;
	[smem:$0x3FB3] =	sst s0  }
0x18: {  	s0 =	sld [smem:$0x3F96];
	_ =	swait.ge [sflag:s4], $0x0  }
0x19: {  	s7 =	sld [smem:$0x3F97]  }
0x1a: {  	s8 =	sadd.s32 $0xFFFFE003, lr  }
0x1b: {  	s9 =	sadd.s32 $0xFFFFFEF7, lr;
	s5 =	simm.s32 $0xFFFFFFFF;
	p2 =	slt.u32 s8, $0xFFFFF086  }
0x1c: {  	p1 =	slt.u32 s9, $0xF7A;
	s5 =	simm.s32 @!p2 $0x0  }
0x1d: {  	s5 =	simm.s32 @p1 $0x1;
	p0 =	seq.s32 s7, s2  }
0x1e: {  	s7 =	smul.u32 @!p0 $0xF7A, s2;
	p2 =	seq.s32 @!p0 s5, $0x0  }
0x1f: {  	s9 =	smul.u32 $0xF7A, s1;
	s8 =	simm.s32 @!p0 $0x1BF5;
	p2 =	por !p2, p0  }
0x20: {  	[sflag:s8] =	ssyncset.s32 @!p0 $0xFFFFF086;
	s6 =	sadd.s32 @!p0 s3, s7;
	s7 =	simm.s32 @!p0 $0x108  }
0x21: {  	s3 =	sadd.s32 s3, s9;
	s6 =	sadd.s32 @!p0 $0x88, s6;
	s7 =	simm.s32 @p2 $0x1082  }
0x22: {  	[simem:s7], [sflag:s8] =	dma.local @!p0 [hbm:s6], $0xF7A  }
0x23: {  	s9 =	sor.u32 $0xD0000000, s2;
	s6 =	simm.s32 $0x108;
	_ =	swait.ge @!p0 [sflag:s8], $0x0  }
0x24: {  	s3 =	sadd.s32 $0x88, s3;
	s6 =	simm.s32 @!p1 $0x1082;
	[sflag:s4] =	ssyncset.s32 $0xFFFFF086  }
0x25: {  	[simem:s6], [sflag:s4] =	dma.local [hbm:s3], $0xF7A  }
0x26: {  	[smem:$0x3F97] =	sst s1;
	(tag) =	ssettag s2;
	_ =	strace s9  }
0x27: {  	s1 =	sld [smem:$0x3FA7]  }
0x28: {  	s2 =	sld [smem:$0x3FA8]  }
0x29: {  	s4 =	sld [smem:$0x3FAA]  }
0x2a: {  	p0 =	seq.s32 s5, $0x0;
	s5 =	sld [smem:$0x3FAB]  }
0x2b: {  	s6 =	sld [smem:$0x3FAC]  }
0x2c: {  	s7 =	sld [smem:$0x3FAD]  }
0x2d: {  	s3 =	simm.s32 $0x108;
	s8 =	sld [smem:$0x3FAE]  }
0x2e: {  	s3 =	simm.s32 @!p0 $0x1082;
	s9 =	sld [smem:$0x3FAF]  }
0x2f: {  	lr =	sadd.s32 s0, s3;
	s0 =	sld [smem:$0x3FA6]  }
0x30: {  	s3 =	sld [smem:$0x3FA9]  }
0x31: {  	[smem:$0x3FB2] =	sst s10  }
0x32: {  	s10 =	sld [smem:$0x3FB0];
	_ =	sdelay $0x3  }
0x33: {  	p0 =	seq.s32 s10, $0x1;
	s10 =	sld [smem:$0x3FB2];
	_ =	sdelay $0x3  }
0x34: {  	[smem:$0x3FB2] =	sst s10  }
0x35: {  	s10 =	sld [smem:$0x3FB1];
	_ =	sdelay $0x3  }
0x36: {  	p1 =	seq.s32 s10, $0x1;
	s10 =	sld [smem:$0x3FB2];
	_ =	sdelay $0x3  }
0x37: {  	[smem:$0x3FB2] =	sst s10  }
0x38: {  	s10 =	sld [smem:$0x3FB3]  }
0x39: {  	_ = 	snop;
	(pc) =	sbr.ind lr, $3  }
0x3a: {  	_ = 	snop  }
0x3b: {  	_ = 	snop  }
0x3c: {  	p2 =	seq.s32 s10, $0x1;
	s10 =	sld [smem:$0x3FB2]  }
0x3d: {  	_ =	shalt  }
0x3e: {  	_ =	shalt  }
0x3f: {  	_ =	shalt  }
0x40: {  	_ =	shalt  }
0x41: {  	_ =	shalt  }
0x42: {  	_ =	shalt  }
0x43: {  	_ =	shalt  }
0x44: {  	_ =	shalt  }
0x45: {  	_ =	shalt  }
0x46: {  	_ =	shalt  }
0x47: {  	_ =	shalt  }
0x48: {  	_ =	shalt  }
0x49: {  	_ =	shalt  }
0x4a: {  	_ =	shalt  }
0x4b: {  	_ =	shalt  }
0x4c: {  	_ =	shalt  }
0x4d: {  	_ =	shalt  }
0x4e: {  	_ =	shalt  }
0x4f: {  	_ =	shalt  }
0x50: {  	_ =	shalt  }
0x51: {  	_ =	shalt  }
0x52: {  	_ =	shalt  }
0x53: {  	_ =	shalt  }
0x54: {  	_ =	shalt  }
0x55: {  	_ =	shalt  }
0x56: {  	_ =	shalt  }
0x57: {  	_ =	shalt  }
0x58: {  	_ =	shalt  }
0x59: {  	_ =	shalt  }
0x5a: {  	_ =	shalt  }
0x5b: {  	_ =	shalt  }
0x5c: {  	_ =	shalt  }
0x5d: {  	_ =	shalt  }
0x5e: {  	_ =	shalt  }
0x5f: {  	_ =	shalt  }
0x60: {  	_ =	shalt  }
0x61: {  	_ =	shalt  }
0x62: {  	_ =	shalt  }
0x63: {  	_ =	shalt  }
0x64: {  	_ =	shalt  }
0x65: {  	_ =	shalt  }
0x66: {  	_ =	shalt  }
0x67: {  	_ =	shalt  }
0x68: {  	_ =	shalt  }
0x69: {  	_ =	shalt  }
0x6a: {  	_ =	shalt  }
0x6b: {  	_ =	shalt  }
0x6c: {  	_ =	shalt  }
0x6d: {  	_ =	shalt  }
0x6e: {  	_ =	shalt  }
0x6f: {  	_ =	shalt  }
0x70: {  	_ =	shalt  }
0x71: {  	_ =	shalt  }
0x72: {  	_ =	shalt  }
0x73: {  	_ =	shalt  }
0x74: {  	_ =	shalt  }
0x75: {  	_ =	shalt  }
0x76: {  	_ =	shalt  }
0x77: {  	_ =	shalt  }
0x78: {  	_ =	shalt  }
0x79: {  	_ =	shalt  }
0x7a: {  	_ =	shalt  }
0x7b: {  	_ =	shalt  }
0x7c: {  	_ =	shalt  }
0x7d: {  	_ =	shalt  }
0x7e: {  	_ =	shalt  }
0x7f: {  	_ =	shalt  }
0x80: {  	_ =	shalt  }
0x81: {  	_ =	shalt  }
0x82: {  	_ =	shalt  }
0x83: {  	_ =	shalt  }
0x84: {  	_ =	shalt  }
0x85: {  	_ =	shalt  }
0x86: {  	_ =	shalt  }
0x87: {  	_ =	shalt  }
.Lfunc_end0:
.L_simem_size_0:
called_computation.1_lowered:
.L_overlay_start_0:
0x88: {  	s2 =	sld [smem:$0x3FD9]  }
0x89: {  	s3 =	sld [smem:$0x3FFE];
	_ =	sdelay $0x1  }
0x8a: {  	s1 =	srdreg.scid  }
0x8b: {  	s0 =	sand.u32 $0x1, s1  }
0x8c: {  	s17 =	sshll.u32 s0, $0xA;
	s2 =	sadd.s32 s3, s2  }
0x8d: {  	s2 =	sadd.s32 s2, s17  }
0x8e: {  	[smem:$0x3FBE] =	sst s2  }
0x8f: {  	_ = 	snop  }
0x90: {  	s2 =	sld [smem:$0x3FD0];
	(tm) =	ssettm $0x1  }
0x91: {  	s18 =	sld [smem:$0x3FFB];
	_ =	sdelay $0x3  }
0x92: {  	_ =	strace s18  }
0x93: {  	s3 =	sld [smem:$0x3FFC];
	_ =	sdelay $0x3  }
0x94: {  	_ =	strace s3  }
0x95: {  	s3 =	sld [smem:$0x3FFD];
	_ =	sdelay $0x3  }
0x96: {  	_ =	strace s3  }
0x97: {  	_ =	strace $0x8FFFFFFF  }
0x98: {  	s19 =	sld [smem:$0x3FDB];
	_ =	sdelay $0x1  }
0x99: {  	s4 =	simm.s32 $_scs_section_size  }
0x9a: {  	s5 =	simm.s32 $_size__tile_overlayer_lowered;
	s6 =	simm.s32 $_tile_overlayer_lowered  }
0x9b: {  	s22 =	simm.s32 $0x1BFF;
	s21 =	sshll.u32 s6, $0x1;
	s3 =	sadd.s32 s4, s19  }
0x9c: {  	s7 =	simm.s32 $0x0;
	s20 =	sshll.u32 s5, $0x1;
	s5 =	sadd.s32 s21, s3  }
0x9d: {  	[timem:s7], [sflag:s22] =	dma.local [hbm:s5], s20  }
0x9e: {  	_ =	swait.ge [sflag:s22], s20  }
0x9f: {  	s4 =	ssub.s32 $0x0, s20;
	[sflag:s22] =	ssyncset.done $0x0  }
0xa0: {  	[sflag:s22] =	ssyncadd.s32 s4;
	_ =	sdelay $0x1  }
0xa1: {  	s23 =	simm.s32 $0x1B8B  }
0xa2: {  	_ =	swait.ge [sflag:s23], $0x1  }
0xa3: {  	[sflag:s23] =	ssyncset.done $0x0  }
0xa4: {  	s25 =	simm.s32 $0x1B8E;
	s24 =	sld [smem:$0x3FFE];
	[sflag:s23] =	ssyncadd.s32 $0xFFFFFFFF  }
0xa5: {  	s26 =	simm.s32 $execute0_lowered;
	[smem:$0x3FD2] =	sst s25  }
0xa6: {  	s5 =	sshll.u32 s26, $0x1;
	_ =	strace $0x80000049;
	[dreg:$0x1] =	wrdreg $0xFFFFFFFF  }
0xa7: {  	s28 =	simm.s32 $_size_execute0_lowered;
	s3 =	sadd.s32 s3, s5;
	[dreg:$0x0] =	wrdreg $0x0  }
0xa8: {  	s5 =	sshll.u32 s28, $0x1;
	[dreg:$0x2] =	wrdreg s3  }
0xa9: {  	[dreg:$0x3] =	wrdreg s5  }
0xaa: {  	[dreg:$0x4] =	wrdreg $0xC0  }
0xab: {  	_ =	task [dreg:s7], $0x5FFFF  }
0xac: {  	[dreg:$0x1] =	wrdreg $0xFFFFFFFF  }
0xad: {  	[dreg:$0x0] =	wrdreg $0x60  }
0xae: {  	[dreg:$0x2] =	wrdreg s2  }
0xaf: {  	[dreg:$0x3] =	wrdreg s24  }
0xb0: {  	[dreg:$0x4] =	wrdreg $0x0  }
0xb1: {  	[dreg:$0x5] =	wrdreg $0x9  }
0xb2: {  	_ =	task.clear_ibuf [dreg:s7], $0x6FFFF;
	_ =	strace $0x90000049  }
0xb3: {  	s29 =	simm.s32 $0x9;
	_ =	strace $0x8000004B  }
0xb4: {  	_ =	swait.ge [sflag:s29], $0x1  }
0xb5: {  	[sflag:s29] =	ssyncadd.s32 $0xFFFFFFFF  }
0xb6: {  	_ =	strace $0x9000004B  }
0xb7: {  	_ =	sfence  }
0xb8: {  	s30 =	sld [smem:$0x0];
	_ =	sdelay $0x2  }
0xb9: {  	s31 =	sshll.u32 s1, $0xD;
	s1 =	sshrl.u32 s1, $0x2  }
0xba: {  	s3 =	sand.u32 $0x4000, s31;
	s1 =	sadd.s32 s1, s30  }
0xbb: {  	s0 =	sor.u32 s3, s0;
	s1 =	sshll.u32 s1, $0x11  }
0xbc: {  	s0 =	sor.u32 s1, s0  }
0xbd: {  	s0 =	sadd.s32 $0x8F2B, s0  }
0xbe: {  	[sflag:s0] =	ssyncadd.remote.s32 $0x1  }
0xbf: {  	_ =	sfence.sel $0xFFFF  }
0xc0: {  	[dreg:$0x0] =	wrdreg $0xFFFFFFFF;
	(pc) =	sbr.abs _section_cstart, $3  }
0xc1: {  	[dreg:$0x1] =	wrdreg $0xFFFFFFFF  }
0xc2: {  	_ =	task.clear_ibuf [dreg:s7], $0x2FFFF;
	_ =	strace $0x9FFFFFFF  }
0xc3: {  	(tm) =	ssettm $0x7FFFFFFF  }
tec
execute0_lowered:
.L_overlay_start_1:
0x0: {  	(tag) =	ssettag $0x1  }
0x1: {  	s0 =	srdreg.scid  }
0x2: {  	s24 =	stileid.u32;
	s17 =	rddreg [dreg:$0x1]  }
0x3: {  	s28 =	rddreg [dreg:$0x2];
	s15 =	sand.u32 $0x1, s0;
	s18 =	smul.u32 $0x14000, s24  }
0x4: {  	s19 =	sadd.s32 $0x43200, s17;
	s21 =	sshll.u32 s24, $0x10;
	s17 =	sadd.s32 $0x3200, s17  }
0x5: {  	s0 =	ssub.s32 $0x2, s15;
	s20 =	smul.u32 $0x140000, s15;
	s15 =	sshll.u32 s15, $0x14  }
0x6: {  	s1 =	sshrl.u32 s0, $0x1;
	s2 =	sor.u32 $0x2800, s18;
	s3 =	sor.u32 $0x3C00, s18  }
0x7: {  	s4 =	sadd.s32 $0x5000, s18;
	s5 =	sadd.s32 $0x6400, s18;
	s6 =	sadd.s32 $0x7800, s18  }
0x8: {  	s7 =	sadd.s32 $0x8C00, s18;
	s8 =	sadd.s32 $0xA000, s18;
	s9 =	sadd.s32 $0xB400, s18  }
0x9: {  	s10 =	sadd.s32 $0xC800, s18;
	s11 =	sadd.s32 $0xDC00, s18;
	s12 =	sadd.s32 $0xF000, s18  }
0xa: {  	s13 =	sadd.s32 $0x10400, s18;
	s14 =	sadd.s32 $0x11800, s18;
	s16 =	sadd.s32 $0x12C00, s18  }
0xb: {  	s0 =	ssub.s32 s0, s1;
	s1 =	sor.u32 $0x1400, s18;
	s18 =	sadd.s32 s18, s20  }
0xc: {  	s25 =	sadd.s32 s20, s3;
	s26 =	sadd.s32 s20, s4;
	s22 =	sshrl.u32 s18, $0x3  }
0xd: {  	s23 =	sadd.s32 s20, s1;
	s18 =	sor.u32 s21, s15;
	s21 =	sadd.s32 s19, s22  }
0xe: {  	s22 =	sshrl.u32 s23, $0x3;
	s23 =	sadd.s32 s20, s2;
	[dreg:$0x4] =	wrdreg s21  }
0xf: {  	s15 =	sadd.s32 s19, s22;
	s21 =	sshrl.u32 s25, $0x3;
	s22 =	sshrl.u32 s26, $0x3  }
0x10: {  	s25 =	sadd.s32 s20, s6;
	s26 =	sadd.s32 s20, s7;
	[dreg:$0x5] =	wrdreg s15  }
0x11: {  	s15 =	sshrl.u32 s23, $0x3;
	s21 =	sadd.s32 s19, s21;
	s23 =	sadd.s32 s20, s5  }
0x12: {  	s15 =	sadd.s32 s19, s15;
	[dreg:$0x7] =	wrdreg s21;
	s21 =	sshrl.u32 s25, $0x3  }
0x13: {  	s25 =	sadd.s32 s20, s9;
	[dreg:$0x6] =	wrdreg s15;
	s15 =	sadd.s32 s19, s22  }
0x14: {  	s21 =	sadd.s32 s19, s21;
	s22 =	sshrl.u32 s26, $0x3;
	[dreg:$0x8] =	wrdreg s15  }
0x15: {  	s26 =	sadd.s32 s20, s10;
	s15 =	sshrl.u32 s23, $0x3;
	[dreg:$0xa] =	wrdreg s21  }
0x16: {  	s23 =	sadd.s32 s20, s8;
	s21 =	sshrl.u32 s25, $0x3;
	s15 =	sadd.s32 s19, s15  }
0x17: {  	s25 =	sadd.s32 s20, s12;
	s21 =	sadd.s32 s19, s21;
	[dreg:$0x9] =	wrdreg s15  }
0x18: {  	s15 =	sadd.s32 s19, s22;
	[dreg:$0xd] =	wrdreg s21;
	s22 =	sshrl.u32 s26, $0x3  }
0x19: {  	s21 =	sshrl.u32 s25, $0x3;
	s26 =	sadd.s32 s20, s13;
	s25 =	sadd.s32 s20, s14  }
0x1a: {  	[dreg:$0xb] =	wrdreg s15;
	s15 =	sshrl.u32 s23, $0x3;
	s21 =	sadd.s32 s19, s21  }
0x1b: {  	s23 =	sadd.s32 s20, s11;
	s15 =	sadd.s32 s19, s15;
	[dreg:$0x10] =	wrdreg s21  }
0x1c: {  	s20 =	sadd.s32 s20, s16;
	[dreg:$0xc] =	wrdreg s15;
	s15 =	sadd.s32 s19, s22  }
0x1d: {  	s24 =	smul.u32 $0x50000, s24;
	s20 =	sshrl.u32 s20, $0x3;
	[dreg:$0xe] =	wrdreg s15  }
0x1e: {  	s15 =	sshrl.u32 s23, $0x3;
	s23 =	sshrl.u32 s26, $0x3;
	s26 =	sshrl.u32 s25, $0x3  }
0x1f: {  	s22 =	sshrl.u32 s18, $0x3;
	s15 =	sadd.s32 s19, s15;
	s21 =	sadd.s32 s19, s26  }
0x20: {  	s26 =	sor.u32 $0xE00, s18;
	[dreg:$0xf] =	wrdreg s15;
	s15 =	sadd.s32 s19, s23  }
0x21: {  	[dreg:$0x12] =	wrdreg s21;
	s19 =	sadd.s32 s19, s20;
	s23 =	sor.u32 $0xF00, s18  }
0x22: {  	s21 =	sadd.s32 s17, s22;
	s22 =	sshrl.u32 s26, $0x3;
	[dreg:$0x11] =	wrdreg s15  }
0x23: {  	s26 =	sor.u32 $0xC00, s18;
	s15 =	simm.s32 $0x0;
	[dreg:$0x13] =	wrdreg s19  }
0x24: {  	s25 =	sshrl.u32 s23, $0x3;
	s23 =	sor.u32 $0xD00, s18;
	[smem:$0x7FF] =	sst s15  }
0x25: {  	s19 =	sadd.s32 s25, s17;
	s25 =	sshrl.u32 s23, $0x3;
	s23 =	sor.u32 $0xB00, s18  }
0x26: {  	[dreg:$0x15] =	wrdreg s19;
	s19 =	sadd.s32 s22, s17;
	s22 =	sshrl.u32 s26, $0x3  }
0x27: {  	s26 =	sor.u32 $0xA00, s18;
	[dreg:$0x16] =	wrdreg s19;
	s19 =	sadd.s32 s25, s17  }
0x28: {  	s25 =	sshrl.u32 s23, $0x3;
	s20 =	sshrl.u32 s26, $0x3;
	s26 =	rddreg [dreg:$0x0]  }
0x29: {  	[dreg:$0x17] =	wrdreg s19;
	s19 =	sadd.s32 s22, s17;
	s22 =	sor.u32 $0x900, s18  }
0x2a: {  	s18 =	sor.u32 $0x800, s18;
	[dreg:$0x18] =	wrdreg s19;
	s19 =	sadd.s32 s25, s17  }
0x2b: {  	s23 =	sshrl.u32 s22, $0x3;
	[dreg:$0x19] =	wrdreg s19;
	s19 =	sadd.s32 s20, s17  }
0x2c: {  	s18 =	sshrl.u32 s18, $0x3;
	[dreg:$0x1a] =	wrdreg s19;
	s19 =	sadd.s32 s23, s17  }
0x2d: {  	s25 =	sshrl.u32 s24, $0x2;
	s17 =	sadd.s32 s18, s17;
	[dreg:$0x1b] =	wrdreg s19  }
0x2e: {  	[dreg:$0x1c] =	wrdreg s17;
	s17 =	sadd.s32 s25, s28  }
0x2f: {  	s1 =	sadd.s32 s1, s28;
	_ =	strace $0x8000004A;
	[dreg:$0x1d] =	wrdreg s17  }
0x30: {  	s2 =	sadd.s32 s2, s28;
	[dreg:$0x1e] =	wrdreg s1  }
0x31: {  	s3 =	sadd.s32 s3, s28;
	[dreg:$0x1f] =	wrdreg s2  }
0x32: {  	s4 =	sadd.s32 s4, s28;
	[smem:$0x7E9] =	sst s3  }
0x33: {  	s5 =	sadd.s32 s5, s28;
	[smem:$0x7EA] =	sst s4  }
0x34: {  	s6 =	sadd.s32 s6, s28;
	[smem:$0x7EB] =	sst s5  }
0x35: {  	s7 =	sadd.s32 s7, s28;
	[smem:$0x7EC] =	sst s6  }
0x36: {  	s8 =	sadd.s32 s8, s28;
	[smem:$0x7ED] =	sst s7  }
0x37: {  	s9 =	sadd.s32 s9, s28;
	[smem:$0x7EE] =	sst s8  }
0x38: {  	s10 =	sadd.s32 s10, s28;
	[smem:$0x7EF] =	sst s9  }
0x39: {  	s11 =	sadd.s32 s11, s28;
	[smem:$0x7F0] =	sst s10  }
0x3a: {  	s12 =	sadd.s32 s12, s28;
	[smem:$0x7F1] =	sst s11  }
0x3b: {  	s13 =	sadd.s32 s13, s28;
	[smem:$0x7F2] =	sst s12  }
0x3c: {  	s14 =	sadd.s32 s14, s28;
	[smem:$0x7F3] =	sst s13  }
0x3d: {  	s0 =	smax.u32 s0, $0x1;
	[smem:$0x7F4] =	sst s14  }
0x3e: {  	s18 =	sadd.s32 $0x20, s21;
	[smem:$0x7F6] =	sst s0  }
0x3f: {  	s19 =	sadd.s32 $0x40, s21;
	[smem:$0x7F7] =	sst s18  }
0x40: {  	s20 =	sadd.s32 $0x60, s21;
	[smem:$0x7F8] =	sst s19  }
0x41: {  	s22 =	sadd.s32 $0x80, s21;
	[smem:$0x7F9] =	sst s20  }
0x42: {  	s23 =	sadd.s32 $0xA0, s21;
	[smem:$0x7FA] =	sst s22  }
0x43: {  	s24 =	sadd.s32 $0xC0, s21;
	[smem:$0x7FB] =	sst s23  }
0x44: {  	s29 =	simm.s32 $0x9;
	s30 =	simm.s32 $0xA;
	[smem:$0x7FC] =	sst s24  }
0x45: {  	s31 =	simm.s32 $0x14700;
	s25 =	sadd.s32 $0xE0, s21;
	[dreg:$0x14] =	wrdreg s21  }
0x46: {  	s17 =	sadd.s32 s16, s28;
	[smem:$0x7FD] =	sst s25;
	s14 =	simm.s32 $0x11  }
.Ltmp0:
0x47: {  	s5 =	simm.s32 $0x28;
	s16 =	simm.s32 $0xB;
	(pc) =	sbr.rel .LBB2_1-.Ltmp0, $4  }
0x48: {  	s18 =	simm.s32 $0xC;
	s24 =	simm.s32 $0x17;
	s7 =	simm.s32 $0x18  }
0x49: {  	s0 =	simm.s32 $0x0;
	s8 =	simm.s32 $0x14100;
	s10 =	simm.s32 $0x14200  }
0x4a: {  	s12 =	simm.s32 $0x14300;
	s19 =	simm.s32 $0x14400;
	s21 =	simm.s32 $0x14500  }
0x4b: {  	v0 =	vimm.f32 $0.0e+00;
	s23 =	simm.s32 $0x14600;
	s22 =	simm.s32 $0x14080;
	[smem:$0x7F5] =	sst s17  }
.LBB2_6:
0x4c: {  	_ =	swait.ge [sflag:s14], $0x1400  }
0x4d: {  	[sflag:s14] =	ssyncset.done $0x0  }
0x4e: {  	s0 =	simm.s32 $0x12;
	[sflag:s14] =	ssyncadd.s32 $0xFFFFEC00  }
0x4f: {  	_ =	swait.ge [sflag:s0], $0x1400  }
0x50: {  	[sflag:s0] =	ssyncset.done $0x0  }
0x51: {  	s13 =	simm.s32 $0x13;
	[sflag:s0] =	ssyncadd.s32 $0xFFFFEC00  }
0x52: {  	_ =	swait.ge [sflag:s13], $0x1400  }
0x53: {  	[sflag:s13] =	ssyncset.done $0x0  }
0x54: {  	s17 =	simm.s32 $0x14;
	[sflag:s13] =	ssyncadd.s32 $0xFFFFEC00  }
0x55: {  	_ =	swait.ge [sflag:s17], $0x1400  }
0x56: {  	[sflag:s17] =	ssyncset.done $0x0  }
0x57: {  	s20 =	simm.s32 $0x15;
	[sflag:s17] =	ssyncadd.s32 $0xFFFFEC00  }
0x58: {  	_ =	swait.ge [sflag:s20], $0x1400  }
0x59: {  	[sflag:s20] =	ssyncset.done $0x0  }
0x5a: {  	s25 =	simm.s32 $0x16;
	[sflag:s20] =	ssyncadd.s32 $0xFFFFEC00  }
0x5b: {  	_ =	swait.ge [sflag:s25], $0x1400  }
0x5c: {  	[sflag:s25] =	ssyncset.done $0x0  }
0x5d: {  	[sflag:s25] =	ssyncadd.s32 $0xFFFFEC00  }
0x5e: {  	_ =	swait.ge [sflag:s24], $0x1400  }
0x5f: {  	[sflag:s24] =	ssyncset.done $0x0  }
0x60: {  	[sflag:s24] =	ssyncadd.s32 $0xFFFFEC00  }
0x61: {  	_ =	swait.ge [sflag:s7], $0x1400  }
0x62: {  	[sflag:s7] =	ssyncset.done $0x0  }
0x63: {  	[sflag:s7] =	ssyncadd.s32 $0xFFFFEC00  }
0x64: {  	[bflag:$0x0] =	sbarrier.arrive $0xFFFF  }
0x65: {  	s9 =	simm.s32 $0x14800;
	s2 =	simm.s32 $0x19;
	s4 =	rddreg [dreg:$0x1d]  }
0x66: {  	[tilespmem:s9], [sflag:$0x19] =	stream.linear.gather [spmem:s4], $0x1400, $0x38;
	[tilespmem:$0x1E800] =	vst v63  }
0x67: {  	_ =	swait.ge [sflag:s2], $0x1400  }
0x68: {  	[sflag:s2] =	ssyncset.done $0x0  }
0x69: {  	s0 =	rddreg [dreg:$0x4];
	[sflag:s2] =	ssyncadd.s32 $0xFFFFEC00  }
0x6a: {  	[hbm4b:s0+s15] =	stream.linear.scatter [tilespmem:s9], [sflag:$0x9], $0x1400, $0x38;
	[tilespmem:$0x1E800] =	vst v63  }
0x6b: {  	s6 =	simm.s32 $0x15C00;
	s1 =	rddreg [dreg:$0x1e]  }
0x6c: {  	[tilespmem:s6], [sflag:$0x19] =	stream.linear.gather [spmem:s1], $0x1400, $0x38;
	[tilespmem:$0x1E800] =	vst v63  }
0x6d: {  	_ =	swait.ge [sflag:s2], $0x1400  }
0x6e: {  	[sflag:s2] =	ssyncset.done $0x0  }
0x6f: {  	s3 =	rddreg [dreg:$0x5];
	[sflag:s2] =	ssyncadd.s32 $0xFFFFEC00  }
0x70: {  	[hbm4b:s3+s15] =	stream.linear.scatter [tilespmem:s6], [sflag:$0xA], $0x1400, $0x38;
	[tilespmem:$0x1E800] =	vst v63  }
0x71: {  	s0 =	simm.s32 $0x17000;
	s11 =	rddreg [dreg:$0x1f]  }
0x72: {  	[tilespmem:s0], [sflag:$0x19] =	stream.linear.gather [spmem:s11], $0x1400, $0x38;
	[tilespmem:$0x1E800] =	vst v63  }
0x73: {  	_ =	swait.ge [sflag:s2], $0x1400  }
0x74: {  	[sflag:s2] =	ssyncset.done $0x0;
	s13 =	rddreg [dreg:$0x6]  }
0x75: {  	s17 =	sld [smem:$0x7E9];
	[sflag:s2] =	ssyncadd.s32 $0xFFFFEC00  }
0x76: {  	[hbm4b:s13+s15] =	stream.linear.scatter [tilespmem:s0], [sflag:$0xB], $0x1400, $0x38;
	[tilespmem:$0x1E800] =	vst v63  }
0x77: {  	s1 =	simm.s32 $0x18400  }
0x78: {  	[tilespmem:s1], [sflag:$0x19] =	stream.linear.gather [spmem:s17], $0x1400, $0x38;
	[tilespmem:$0x1E800] =	vst v63  }
0x79: {  	_ =	swait.ge [sflag:s2], $0x1400  }
0x7a: {  	[sflag:s2] =	ssyncset.done $0x0  }
0x7b: {  	s20 =	rddreg [dreg:$0x7];
	[sflag:s2] =	ssyncadd.s32 $0xFFFFEC00  }
0x7c: {  	[hbm4b:s20+s15] =	stream.linear.scatter [tilespmem:s1], [sflag:$0xC], $0x1400, $0x38;
	[tilespmem:$0x1E800] =	vst v63  }
0x7d: {  	_ =	swait.ge [sflag:s29], $0x1400  }
0x7e: {  	s25 =	sld [smem:$0x7EA]  }
0x7f: {  	[sflag:s29] =	ssyncset.done $0x0  }
0x80: {  	[sflag:s29] =	ssyncadd.s32 $0xFFFFEC00  }
0x81: {  	[tilespmem:s9], [sflag:$0x19] =	stream.linear.gather [spmem:s25], $0x1400, $0x38;
	[tilespmem:$0x1E800] =	vst v63  }
0x82: {  	_ =	swait.ge [sflag:s2], $0x1400  }
0x83: {  	[sflag:s2] =	ssyncset.done $0x0  }
0x84: {  	s3 =	rddreg [dreg:$0x8];
	[sflag:s2] =	ssyncadd.s32 $0xFFFFEC00  }
0x85: {  	[hbm4b:s3+s15] =	stream.linear.scatter [tilespmem:s9], [sflag:$0x9], $0x1400, $0x38;
	[tilespmem:$0x1E800] =	vst v63  }
0x86: {  	_ =	swait.ge [sflag:s30], $0x1400  }
0x87: {  	s11 =	sld [smem:$0x7EB]  }
0x88: {  	[sflag:s30] =	ssyncset.done $0x0  }
0x89: {  	[sflag:s30] =	ssyncadd.s32 $0xFFFFEC00  }
0x8a: {  	[tilespmem:s6], [sflag:$0x19] =	stream.linear.gather [spmem:s11], $0x1400, $0x38;
	[tilespmem:$0x1E800] =	vst v63  }
0x8b: {  	_ =	swait.ge [sflag:s2], $0x1400  }
0x8c: {  	[sflag:s2] =	ssyncset.done $0x0  }
0x8d: {  	s13 =	rddreg [dreg:$0x9];
	[sflag:s2] =	ssyncadd.s32 $0xFFFFEC00  }
0x8e: {  	[hbm4b:s13+s15] =	stream.linear.scatter [tilespmem:s6], [sflag:$0xA], $0x1400, $0x38;
	[tilespmem:$0x1E800] =	vst v63  }
0x8f: {  	_ =	swait.ge [sflag:s16], $0x1400  }
0x90: {  	s17 =	sld [smem:$0x7EC]  }
0x91: {  	[sflag:s16] =	ssyncset.done $0x0  }
0x92: {  	[sflag:s16] =	ssyncadd.s32 $0xFFFFEC00  }
0x93: {  	[tilespmem:s0], [sflag:$0x19] =	stream.linear.gather [spmem:s17], $0x1400, $0x38;
	[tilespmem:$0x1E800] =	vst v63  }
0x94: {  	_ =	swait.ge [sflag:s2], $0x1400  }
0x95: {  	[sflag:s2] =	ssyncset.done $0x0  }
0x96: {  	s20 =	rddreg [dreg:$0xa];
	[sflag:s2] =	ssyncadd.s32 $0xFFFFEC00  }
0x97: {  	[hbm4b:s20+s15] =	stream.linear.scatter [tilespmem:s0], [sflag:$0xB], $0x1400, $0x38;
	[tilespmem:$0x1E800] =	vst v63  }
0x98: {  	_ =	swait.ge [sflag:s18], $0x1400  }
0x99: {  	s25 =	sld [smem:$0x7ED]  }
0x9a: {  	[sflag:s18] =	ssyncset.done $0x0  }
0x9b: {  	[sflag:s18] =	ssyncadd.s32 $0xFFFFEC00  }
0x9c: {  	[tilespmem:s1], [sflag:$0x19] =	stream.linear.gather [spmem:s25], $0x1400, $0x38;
	[tilespmem:$0x1E800] =	vst v63  }
0x9d: {  	_ =	swait.ge [sflag:s2], $0x1400  }
0x9e: {  	[sflag:s2] =	ssyncset.done $0x0  }
0x9f: {  	s3 =	rddreg [dreg:$0xb];
	[sflag:s2] =	ssyncadd.s32 $0xFFFFEC00  }
0xa0: {  	[hbm4b:s3+s15] =	stream.linear.scatter [tilespmem:s1], [sflag:$0xC], $0x1400, $0x38;
	[tilespmem:$0x1E800] =	vst v63  }
0xa1: {  	_ =	swait.ge [sflag:s29], $0x1400  }
0xa2: {  	s11 =	sld [smem:$0x7EE]  }
0xa3: {  	[sflag:s29] =	ssyncset.done $0x0  }
0xa4: {  	[sflag:s29] =	ssyncadd.s32 $0xFFFFEC00  }
0xa5: {  	[tilespmem:s9], [sflag:$0x19] =	stream.linear.gather [spmem:s11], $0x1400, $0x38;
	[tilespmem:$0x1E800] =	vst v63  }
0xa6: {  	_ =	swait.ge [sflag:s2], $0x1400  }
0xa7: {  	[sflag:s2] =	ssyncset.done $0x0  }
0xa8: {  	s13 =	rddreg [dreg:$0xc];
	[sflag:s2] =	ssyncadd.s32 $0xFFFFEC00  }
0xa9: {  	[hbm4b:s13+s15] =	stream.linear.scatter [tilespmem:s9], [sflag:$0x9], $0x1400, $0x38;
	[tilespmem:$0x1E800] =	vst v63  }
0xaa: {  	_ =	swait.ge [sflag:s30], $0x1400  }
0xab: {  	s17 =	sld [smem:$0x7EF]  }
0xac: {  	[sflag:s30] =	ssyncset.done $0x0  }
0xad: {  	[sflag:s30] =	ssyncadd.s32 $0xFFFFEC00  }
0xae: {  	[tilespmem:s6], [sflag:$0x19] =	stream.linear.gather [spmem:s17], $0x1400, $0x38;
	[tilespmem:$0x1E800] =	vst v63  }
0xaf: {  	_ =	swait.ge [sflag:s2], $0x1400  }
0xb0: {  	[sflag:s2] =	ssyncset.done $0x0  }
0xb1: {  	s20 =	rddreg [dreg:$0xd];
	[sflag:s2] =	ssyncadd.s32 $0xFFFFEC00  }
0xb2: {  	[hbm4b:s20+s15] =	stream.linear.scatter [tilespmem:s6], [sflag:$0xA], $0x1400, $0x38;
	[tilespmem:$0x1E800] =	vst v63  }
0xb3: {  	_ =	swait.ge [sflag:s16], $0x1400  }
0xb4: {  	s25 =	sld [smem:$0x7F0]  }
0xb5: {  	[sflag:s16] =	ssyncset.done $0x0  }
0xb6: {  	[sflag:s16] =	ssyncadd.s32 $0xFFFFEC00  }
0xb7: {  	[tilespmem:s0], [sflag:$0x19] =	stream.linear.gather [spmem:s25], $0x1400, $0x38;
	[tilespmem:$0x1E800] =	vst v63  }
0xb8: {  	_ =	swait.ge [sflag:s2], $0x1400  }
0xb9: {  	[sflag:s2] =	ssyncset.done $0x0  }
0xba: {  	s3 =	rddreg [dreg:$0xe];
	[sflag:s2] =	ssyncadd.s32 $0xFFFFEC00  }
0xbb: {  	[hbm4b:s3+s15] =	stream.linear.scatter [tilespmem:s0], [sflag:$0xB], $0x1400, $0x38;
	[tilespmem:$0x1E800] =	vst v63  }
0xbc: {  	_ =	swait.ge [sflag:s18], $0x1400  }
0xbd: {  	s11 =	sld [smem:$0x7F1]  }
0xbe: {  	[sflag:s18] =	ssyncset.done $0x0  }
0xbf: {  	[sflag:s18] =	ssyncadd.s32 $0xFFFFEC00  }
0xc0: {  	[tilespmem:s1], [sflag:$0x19] =	stream.linear.gather [spmem:s11], $0x1400, $0x38;
	[tilespmem:$0x1E800] =	vst v63  }
0xc1: {  	_ =	swait.ge [sflag:s2], $0x1400  }
0xc2: {  	[sflag:s2] =	ssyncset.done $0x0  }
0xc3: {  	s13 =	rddreg [dreg:$0xf];
	[sflag:s2] =	ssyncadd.s32 $0xFFFFEC00  }
0xc4: {  	[hbm4b:s13+s15] =	stream.linear.scatter [tilespmem:s1], [sflag:$0xC], $0x1400, $0x38;
	[tilespmem:$0x1E800] =	vst v63  }
0xc5: {  	_ =	swait.ge [sflag:s29], $0x1400  }
0xc6: {  	s17 =	sld [smem:$0x7F2]  }
0xc7: {  	[sflag:s29] =	ssyncset.done $0x0  }
0xc8: {  	[sflag:s29] =	ssyncadd.s32 $0xFFFFEC00  }
0xc9: {  	[tilespmem:s9], [sflag:$0x19] =	stream.linear.gather [spmem:s17], $0x1400, $0x38;
	[tilespmem:$0x1E800] =	vst v63  }
0xca: {  	_ =	swait.ge [sflag:s2], $0x1400  }
0xcb: {  	[sflag:s2] =	ssyncset.done $0x0  }
0xcc: {  	s20 =	rddreg [dreg:$0x10];
	[sflag:s2] =	ssyncadd.s32 $0xFFFFEC00  }
0xcd: {  	[hbm4b:s20+s15] =	stream.linear.scatter [tilespmem:s9], [sflag:$0x9], $0x1400, $0x38;
	[tilespmem:$0x1E800] =	vst v63  }
0xce: {  	_ =	swait.ge [sflag:s30], $0x1400  }
0xcf: {  	s25 =	sld [smem:$0x7F3]  }
0xd0: {  	[sflag:s30] =	ssyncset.done $0x0  }
0xd1: {  	[sflag:s30] =	ssyncadd.s32 $0xFFFFEC00  }
0xd2: {  	[tilespmem:s6], [sflag:$0x19] =	stream.linear.gather [spmem:s25], $0x1400, $0x38;
	[tilespmem:$0x1E800] =	vst v63  }
0xd3: {  	_ =	swait.ge [sflag:s2], $0x1400  }
0xd4: {  	[sflag:s2] =	ssyncset.done $0x0  }
0xd5: {  	s3 =	rddreg [dreg:$0x11];
	[sflag:s2] =	ssyncadd.s32 $0xFFFFEC00  }
0xd6: {  	[hbm4b:s3+s15] =	stream.linear.scatter [tilespmem:s6], [sflag:$0xA], $0x1400, $0x38;
	[tilespmem:$0x1E800] =	vst v63  }
0xd7: {  	_ =	swait.ge [sflag:s16], $0x1400  }
0xd8: {  	s9 =	sld [smem:$0x7F4]  }
0xd9: {  	[sflag:s16] =	ssyncset.done $0x0  }
0xda: {  	[sflag:s16] =	ssyncadd.s32 $0xFFFFEC00  }
0xdb: {  	[tilespmem:s0], [sflag:$0x19] =	stream.linear.gather [spmem:s9], $0x1400, $0x38;
	[tilespmem:$0x1E800] =	vst v63  }
0xdc: {  	_ =	swait.ge [sflag:s2], $0x1400  }
0xdd: {  	[sflag:s2] =	ssyncset.done $0x0  }
0xde: {  	s11 =	rddreg [dreg:$0x12];
	[sflag:s2] =	ssyncadd.s32 $0xFFFFEC00  }
0xdf: {  	[hbm4b:s11+s15] =	stream.linear.scatter [tilespmem:s0], [sflag:$0xB], $0x1400, $0x38;
	[tilespmem:$0x1E800] =	vst v63  }
0xe0: {  	_ =	swait.ge [sflag:s18], $0x1400  }
0xe1: {  	s13 =	sld [smem:$0x7F5]  }
0xe2: {  	[sflag:s18] =	ssyncset.done $0x0  }
0xe3: {  	[sflag:s18] =	ssyncadd.s32 $0xFFFFEC00  }
0xe4: {  	[tilespmem:s1], [sflag:$0x19] =	stream.linear.gather [spmem:s13], $0x1400, $0x38;
	[tilespmem:$0x1E800] =	vst v63  }
0xe5: {  	_ =	swait.ge [sflag:s2], $0x1400  }
0xe6: {  	[sflag:s2] =	ssyncset.done $0x0  }
0xe7: {  	s17 =	rddreg [dreg:$0x13];
	[sflag:s2] =	ssyncadd.s32 $0xFFFFEC00  }
0xe8: {  	[hbm4b:s17+s15] =	stream.linear.scatter [tilespmem:s1], [sflag:$0xC], $0x1400, $0x38;
	[tilespmem:$0x1E800] =	vst v63  }
0xe9: {  	_ =	swait.ge [sflag:s29], $0x1400  }
0xea: {  	[sflag:s29] =	ssyncset.done $0x0  }
0xeb: {  	[sflag:s29] =	ssyncadd.s32 $0xFFFFEC00  }
0xec: {  	_ =	swait.ge [sflag:s30], $0x1400  }
0xed: {  	[sflag:s30] =	ssyncset.done $0x0  }
0xee: {  	[sflag:s30] =	ssyncadd.s32 $0xFFFFEC00  }
0xef: {  	_ =	swait.ge [sflag:s16], $0x1400  }
0xf0: {  	[sflag:s16] =	ssyncset.done $0x0  }
0xf1: {  	[sflag:s16] =	ssyncadd.s32 $0xFFFFEC00  }
0xf2: {  	_ =	swait.ge [sflag:s18], $0x1400  }
0xf3: {  	s20 =	sld [smem:$0x7E8]  }
0xf4: {  	s25 =	sld [smem:$0x7F6];
	_ =	sdelay $0x1  }
0xf5: {  	s0 =	sadd.s32 $0x1, s20  }
0xf6: {  	p0 =	sne.s32 s0, s25  }
.Ltmp1:
0xf7: {  	_ = 	snop;
	(pc) =	sbr.rel @!p0 .LBB2_7-.Ltmp1, $3  }
0xf8: {  	_ =	sdelay $0x1  }
0xf9: {  	[sflag:s18] =	ssyncset.done $0x0  }
0xfa: {  	[sflag:s18] =	ssyncadd.s32 $0xFFFFEC00  }
.LBB2_1:
0xfb: {  	s9 =	sand.u32 $0x7E00, s15  }
0xfc: {  	[smem:$0x7E8] =	sst s0;
	s11 =	sand.u32 $0x70, s15;
	s17 =	sshrl.u32 s9, $0x2  }
0xfd: {  	s9 =	simm.s32 $0x40;
	s17 =	sor.u32 s11, s17;
	s11 =	simm.s32 $0x0  }
.LBB2_2:
0xfe: {  	p0 =	sne.s32 s9, $0x4FC0  }
0xff: {  	[tilespmem:s17+$0x14800] =	vst v0;
	s11 =	sadd.s32 $0x10, s11;
	s17 =	smov.u32 s9;
	s9 =	sadd.s32 $0x40, s9  }
.Ltmp2:
0x100: {  	(pc) =	sbr.rel @p0 .LBB2_2-.Ltmp2, $4  }
0x101: {  	_ = 	snop  }
0x102: {  	s17 =	sand.u32 $0x7E00, s17  }
0x103: {  	s4 =	sand.u32 $0x70, s11;
	s17 =	sshrl.u32 s17, $0x2  }
0x104: {  	s17 =	sor.u32 s4, s17  }
0x105: {  	s4 =	rddreg [dreg:$0x1d]  }
0x106: {  	[tilespmem:s17+$0x14800] =	vst v0;
	s9 =	simm.s32 $0x14800;
	s13 =	rddreg [dreg:$0x1e]  }
0x107: {  	[spmem:s4] =	stream.linear.scatter [tilespmem:s9], [sflag:$0x11], $0x1400, $0x38;
	[tilespmem:$0x1E800] =	vst v63  }
0x108: {  	s17 =	rddreg [dreg:$0x1f]  }
0x109: {  	[spmem:s13] =	stream.linear.scatter [tilespmem:s9], [sflag:$0x11], $0x1400, $0x38;
	[tilespmem:$0x1E800] =	vst v63  }
0x10a: {  	s20 =	sld [smem:$0x7E9]  }
0x10b: {  	[spmem:s17] =	stream.linear.scatter [tilespmem:s9], [sflag:$0x11], $0x1400, $0x38;
	[tilespmem:$0x1E800] =	vst v63  }
0x10c: {  	s25 =	sld [smem:$0x7EA]  }
0x10d: {  	[spmem:s20] =	stream.linear.scatter [tilespmem:s9], [sflag:$0x11], $0x1400, $0x38;
	[tilespmem:$0x1E800] =	vst v63  }
0x10e: {  	s0 =	sld [smem:$0x7EB]  }
0x10f: {  	[spmem:s25] =	stream.linear.scatter [tilespmem:s9], [sflag:$0x11], $0x1400, $0x38;
	[tilespmem:$0x1E800] =	vst v63  }
0x110: {  	s1 =	sld [smem:$0x7EC]  }
0x111: {  	[spmem:s0] =	stream.linear.scatter [tilespmem:s9], [sflag:$0x11], $0x1400, $0x38;
	[tilespmem:$0x1E800] =	vst v63  }
0x112: {  	s2 =	sld [smem:$0x7ED]  }
0x113: {  	[spmem:s1] =	stream.linear.scatter [tilespmem:s9], [sflag:$0x11], $0x1400, $0x38;
	[tilespmem:$0x1E800] =	vst v63  }
0x114: {  	s3 =	sld [smem:$0x7EE]  }
0x115: {  	[spmem:s2] =	stream.linear.scatter [tilespmem:s9], [sflag:$0x11], $0x1400, $0x38;
	[tilespmem:$0x1E800] =	vst v63  }
0x116: {  	s6 =	sld [smem:$0x7EF]  }
0x117: {  	[spmem:s3] =	stream.linear.scatter [tilespmem:s9], [sflag:$0x11], $0x1400, $0x38;
	[tilespmem:$0x1E800] =	vst v63  }
0x118: {  	s11 =	sld [smem:$0x7F0]  }
0x119: {  	[spmem:s6] =	stream.linear.scatter [tilespmem:s9], [sflag:$0x11], $0x1400, $0x38;
	[tilespmem:$0x1E800] =	vst v63  }
0x11a: {  	s13 =	sld [smem:$0x7F1]  }
0x11b: {  	[spmem:s11] =	stream.linear.scatter [tilespmem:s9], [sflag:$0x11], $0x1400, $0x38;
	[tilespmem:$0x1E800] =	vst v63  }
0x11c: {  	s17 =	sld [smem:$0x7F2]  }
0x11d: {  	[spmem:s13] =	stream.linear.scatter [tilespmem:s9], [sflag:$0x11], $0x1400, $0x38;
	[tilespmem:$0x1E800] =	vst v63  }
0x11e: {  	s20 =	sld [smem:$0x7F3]  }
0x11f: {  	[spmem:s17] =	stream.linear.scatter [tilespmem:s9], [sflag:$0x11], $0x1400, $0x38;
	[tilespmem:$0x1E800] =	vst v63  }
0x120: {  	s25 =	sld [smem:$0x7F4]  }
0x121: {  	[spmem:s20] =	stream.linear.scatter [tilespmem:s9], [sflag:$0x11], $0x1400, $0x38;
	[tilespmem:$0x1E800] =	vst v63  }
0x122: {  	s0 =	sld [smem:$0x7F5]  }
0x123: {  	[spmem:s25] =	stream.linear.scatter [tilespmem:s9], [sflag:$0x11], $0x1400, $0x38;
	[tilespmem:$0x1E800] =	vst v63  }
0x124: {  	_ = 	snop  }
0x125: {  	[spmem:s0] =	stream.linear.scatter [tilespmem:s9], [sflag:$0x11], $0x1400, $0x38;
	[tilespmem:$0x1E800] =	vst v63  }
0x126: {  	_ =	swait.ge [sflag:s14], $0x1400  }
0x127: {  	[sflag:s14] =	ssyncset.done $0x0  }
0x128: {  	[sflag:s14] =	ssyncadd.s32 $0xFFFFEC00  }
0x129: {  	_ =	swait.ge [sflag:s14], $0x1400  }
0x12a: {  	[sflag:s14] =	ssyncset.done $0x0  }
0x12b: {  	[sflag:s14] =	ssyncadd.s32 $0xFFFFEC00  }
0x12c: {  	_ =	swait.ge [sflag:s14], $0x1400  }
0x12d: {  	[sflag:s14] =	ssyncset.done $0x0  }
0x12e: {  	[sflag:s14] =	ssyncadd.s32 $0xFFFFEC00  }
0x12f: {  	_ =	swait.ge [sflag:s14], $0x1400  }
0x130: {  	[sflag:s14] =	ssyncset.done $0x0  }
0x131: {  	[sflag:s14] =	ssyncadd.s32 $0xFFFFEC00  }
0x132: {  	_ =	swait.ge [sflag:s14], $0x1400  }
0x133: {  	[sflag:s14] =	ssyncset.done $0x0  }
0x134: {  	[sflag:s14] =	ssyncadd.s32 $0xFFFFEC00  }
0x135: {  	_ =	swait.ge [sflag:s14], $0x1400  }
0x136: {  	[sflag:s14] =	ssyncset.done $0x0  }
0x137: {  	[sflag:s14] =	ssyncadd.s32 $0xFFFFEC00  }
0x138: {  	_ =	swait.ge [sflag:s14], $0x1400  }
0x139: {  	[sflag:s14] =	ssyncset.done $0x0  }
0x13a: {  	[sflag:s14] =	ssyncadd.s32 $0xFFFFEC00  }
0x13b: {  	_ =	swait.ge [sflag:s14], $0x1400  }
0x13c: {  	[sflag:s14] =	ssyncset.done $0x0  }
0x13d: {  	[sflag:s14] =	ssyncadd.s32 $0xFFFFEC00  }
0x13e: {  	_ =	swait.ge [sflag:s14], $0x1400  }
0x13f: {  	[sflag:s14] =	ssyncset.done $0x0  }
0x140: {  	[sflag:s14] =	ssyncadd.s32 $0xFFFFEC00  }
0x141: {  	_ =	swait.ge [sflag:s14], $0x1400  }
0x142: {  	[sflag:s14] =	ssyncset.done $0x0  }
0x143: {  	[sflag:s14] =	ssyncadd.s32 $0xFFFFEC00  }
0x144: {  	_ =	swait.ge [sflag:s14], $0x1400  }
0x145: {  	[sflag:s14] =	ssyncset.done $0x0  }
0x146: {  	[sflag:s14] =	ssyncadd.s32 $0xFFFFEC00  }
0x147: {  	_ =	swait.ge [sflag:s14], $0x1400  }
0x148: {  	[sflag:s14] =	ssyncset.done $0x0  }
0x149: {  	[sflag:s14] =	ssyncadd.s32 $0xFFFFEC00  }
0x14a: {  	_ =	swait.ge [sflag:s14], $0x1400  }
0x14b: {  	[sflag:s14] =	ssyncset.done $0x0  }
0x14c: {  	[sflag:s14] =	ssyncadd.s32 $0xFFFFEC00  }
0x14d: {  	_ =	swait.ge [sflag:s14], $0x1400  }
0x14e: {  	[sflag:s14] =	ssyncset.done $0x0  }
0x14f: {  	[sflag:s14] =	ssyncadd.s32 $0xFFFFEC00  }
0x150: {  	_ =	swait.ge [sflag:s14], $0x1400  }
0x151: {  	[sflag:s14] =	ssyncset.done $0x0  }
0x152: {  	[sflag:s14] =	ssyncadd.s32 $0xFFFFEC00  }
0x153: {  	_ =	swait.ge [sflag:s14], $0x1400  }
0x154: {  	[sflag:s14] =	ssyncset.done $0x0  }
0x155: {  	[sflag:s14] =	ssyncadd.s32 $0xFFFFEC00  }
0x156: {  	[bflag:$0x0] =	sbarrier.arrive $0xFFFF  }
0x157: {  	s1 =	rddreg [dreg:$0x14]  }
0x158: {  	s2 =	sld [smem:$0x7F7]  }
0x159: {  	s6 =	simm.s32 $0x14000;
	s9 =	simm.s32 $0x0;
	s3 =	sld [smem:$0x7F8]  }
0x15a: {  	[tilespmem:s6], [sflag:$0x1] =	stream.linear.gather [hbm4b:s1+s9], $0x100, $0x38;
	[tilespmem:$0x1E800] =	vst v63  }
0x15b: {  	s11 =	sld [smem:$0x7F9]  }
0x15c: {  	[tilespmem:s8], [sflag:$0x2] =	stream.linear.gather [hbm4b:s2+s9], $0x100, $0x38;
	[tilespmem:$0x1E800] =	vst v63  }
0x15d: {  	s13 =	sld [smem:$0x7FA]  }
0x15e: {  	[tilespmem:s10], [sflag:$0x3] =	stream.linear.gather [hbm4b:s3+s9], $0x100, $0x38;
	[tilespmem:$0x1E800] =	vst v63  }
0x15f: {  	s17 =	sld [smem:$0x7FB]  }
0x160: {  	[tilespmem:s12], [sflag:$0x4] =	stream.linear.gather [hbm4b:s11+s9], $0x100, $0x38;
	[tilespmem:$0x1E800] =	vst v63  }
0x161: {  	s20 =	sld [smem:$0x7FC]  }
0x162: {  	[tilespmem:s19], [sflag:$0x5] =	stream.linear.gather [hbm4b:s13+s9], $0x100, $0x38;
	[tilespmem:$0x1E800] =	vst v63  }
0x163: {  	s25 =	sld [smem:$0x7FD]  }
0x164: {  	[tilespmem:s21], [sflag:$0x6] =	stream.linear.gather [hbm4b:s17+s9], $0x100, $0x38;
	[tilespmem:$0x1E800] =	vst v63  }
0x165: {  	s11 =	rddreg [dreg:$0x15]  }
0x166: {  	[tilespmem:s23], [sflag:$0x7] =	stream.linear.gather [hbm4b:s20+s9], $0x100, $0x38;
	[tilespmem:$0x1E800] =	vst v63  }
0x167: {  	s17 =	rddreg [dreg:$0x16]  }
0x168: {  	[tilespmem:s31], [sflag:$0x8] =	stream.linear.gather [hbm4b:s25+s9], $0x100, $0x38;
	[tilespmem:$0x1E800] =	vst v63  }
.LBB2_4:
0x169: {  	s4 =	simm.s32 $0x1  }
0x16a: {  	_ =	swait.ge [sflag:s4], $0x100  }
0x16b: {  	[sflag:s4] =	ssyncset.done $0x0  }
0x16c: {  	s25 =	simm.s32 $0x2;
	[sflag:s4] =	ssyncadd.s32 $0xFFFFFF00;
	s4 =	simm.s32 $0x14800  }
0x16d: {  	[tilespmem:s4], [sflag:$0x9] =	stream.indirect.gather [hbm4b:s26+s5], $0x80, s6, s5, $0xb8;
	[tilespmem:$0x1E800] =	vst v63  }
0x16e: {  	_ =	swait.ge [sflag:s25], $0x100  }
0x16f: {  	[sflag:s25] =	ssyncset.done $0x0  }
0x170: {  	s0 =	simm.s32 $0x3;
	[sflag:s25] =	ssyncadd.s32 $0xFFFFFF00;
	s25 =	simm.s32 $0x15C00  }
0x171: {  	[tilespmem:s25], [sflag:$0xA] =	stream.indirect.gather [hbm4b:s26+s5], $0x80, s8, s5, $0xb8;
	[tilespmem:$0x1E800] =	vst v63  }
0x172: {  	_ =	swait.ge [sflag:s0], $0x100  }
0x173: {  	[sflag:s0] =	ssyncset.done $0x0  }
0x174: {  	s1 =	simm.s32 $0x4;
	[sflag:s0] =	ssyncadd.s32 $0xFFFFFF00;
	s0 =	simm.s32 $0x17000  }
0x175: {  	[tilespmem:s0], [sflag:$0xB] =	stream.indirect.gather [hbm4b:s26+s5], $0x80, s10, s5, $0xb8;
	[tilespmem:$0x1E800] =	vst v63  }
0x176: {  	_ =	swait.ge [sflag:s1], $0x100  }
0x177: {  	[sflag:s1] =	ssyncset.done $0x0  }
0x178: {  	s2 =	simm.s32 $0x5;
	[sflag:s1] =	ssyncadd.s32 $0xFFFFFF00;
	s1 =	simm.s32 $0x18400  }
0x179: {  	[tilespmem:s1], [sflag:$0xC] =	stream.indirect.gather [hbm4b:s26+s5], $0x80, s12, s5, $0xb8;
	[tilespmem:$0x1E800] =	vst v63  }
0x17a: {  	_ =	swait.ge [sflag:s2], $0x100  }
0x17b: {  	[sflag:s2] =	ssyncset.done $0x0  }
0x17c: {  	s3 =	simm.s32 $0x6;
	[sflag:s2] =	ssyncadd.s32 $0xFFFFFF00;
	s2 =	simm.s32 $0x19800  }
0x17d: {  	[tilespmem:s2], [sflag:$0xD] =	stream.indirect.gather [hbm4b:s26+s5], $0x80, s19, s5, $0xb8;
	[tilespmem:$0x1E800] =	vst v63  }
0x17e: {  	_ =	swait.ge [sflag:s3], $0x100  }
0x17f: {  	[sflag:s3] =	ssyncset.done $0x0  }
0x180: {  	s13 =	simm.s32 $0x7;
	[sflag:s3] =	ssyncadd.s32 $0xFFFFFF00;
	s3 =	simm.s32 $0x1AC00  }
0x181: {  	[tilespmem:s3], [sflag:$0xE] =	stream.indirect.gather [hbm4b:s26+s5], $0x80, s21, s5, $0xb8;
	[tilespmem:$0x1E800] =	vst v63  }
0x182: {  	_ =	swait.ge [sflag:s13], $0x100  }
0x183: {  	[sflag:s13] =	ssyncset.done $0x0  }
0x184: {  	s20 =	simm.s32 $0x8;
	[sflag:s13] =	ssyncadd.s32 $0xFFFFFF00;
	s13 =	simm.s32 $0x1C000  }
0x185: {  	[tilespmem:s13], [sflag:$0xF] =	stream.indirect.gather [hbm4b:s26+s5], $0x80, s23, s5, $0xb8;
	[tilespmem:$0x1E800] =	vst v63  }
0x186: {  	_ =	swait.ge [sflag:s20], $0x100  }
0x187: {  	[sflag:s20] =	ssyncset.done $0x0  }
0x188: {  	[sflag:s20] =	ssyncadd.s32 $0xFFFFFF00;
	s20 =	simm.s32 $0x1D400  }
0x189: {  	[tilespmem:s20], [sflag:$0x10] =	stream.indirect.gather [hbm4b:s26+s5], $0x80, s31, s5, $0xb8;
	[tilespmem:$0x1E800] =	vst v63  }
0x18a: {  	_ =	swait.ge [sflag:s29], $0x1400  }
0x18b: {  	[sflag:s29] =	ssyncset.done $0x0  }
0x18c: {  	[sflag:s29] =	ssyncadd.s32 $0xFFFFEC00  }
0x18d: {  	[spmem:s28] =	stream.indirect.scatter.add.f32 [tilespmem:s4], [sflag:$0x11], $0x80, s22, s5, $0xb8;
	[tilespmem:$0x1E800] =	vst v63  }
0x18e: {  	_ =	swait.ge [sflag:s30], $0x1400  }
0x18f: {  	[sflag:s30] =	ssyncset.done $0x0  }
0x190: {  	s4 =	simm.s32 $0x14180;
	[sflag:s30] =	ssyncadd.s32 $0xFFFFEC00  }
0x191: {  	[spmem:s28] =	stream.indirect.scatter.add.f32 [tilespmem:s25], [sflag:$0x12], $0x80, s4, s5, $0xb8;
	[tilespmem:$0x1E800] =	vst v63  }
0x192: {  	_ =	swait.ge [sflag:s16], $0x1400  }
0x193: {  	[sflag:s16] =	ssyncset.done $0x0  }
0x194: {  	s25 =	simm.s32 $0x14280;
	[sflag:s16] =	ssyncadd.s32 $0xFFFFEC00  }
0x195: {  	[spmem:s28] =	stream.indirect.scatter.add.f32 [tilespmem:s0], [sflag:$0x13], $0x80, s25, s5, $0xb8;
	[tilespmem:$0x1E800] =	vst v63  }
0x196: {  	_ =	swait.ge [sflag:s18], $0x1400  }
0x197: {  	[sflag:s18] =	ssyncset.done $0x0  }
0x198: {  	s4 =	simm.s32 $0xD;
	s25 =	simm.s32 $0x14380;
	[sflag:s18] =	ssyncadd.s32 $0xFFFFEC00  }
0x199: {  	[spmem:s28] =	stream.indirect.scatter.add.f32 [tilespmem:s1], [sflag:$0x14], $0x80, s25, s5, $0xb8;
	[tilespmem:$0x1E800] =	vst v63  }
0x19a: {  	_ =	swait.ge [sflag:s4], $0x1400  }
0x19b: {  	[sflag:s4] =	ssyncset.done $0x0  }
0x19c: {  	s25 =	simm.s32 $0x14480;
	s1 =	simm.s32 $0xE;
	[sflag:s4] =	ssyncadd.s32 $0xFFFFEC00  }
0x19d: {  	[spmem:s28] =	stream.indirect.scatter.add.f32 [tilespmem:s2], [sflag:$0x15], $0x80, s25, s5, $0xb8;
	[tilespmem:$0x1E800] =	vst v63  }
0x19e: {  	_ =	swait.ge [sflag:s1], $0x1400  }
0x19f: {  	[sflag:s1] =	ssyncset.done $0x0  }
0x1a0: {  	s2 =	simm.s32 $0x14580;
	[sflag:s1] =	ssyncadd.s32 $0xFFFFEC00  }
0x1a1: {  	[spmem:s28] =	stream.indirect.scatter.add.f32 [tilespmem:s3], [sflag:$0x16], $0x80, s2, s5, $0xb8;
	[tilespmem:$0x1E800] =	vst v63  }
0x1a2: {  	s3 =	simm.s32 $0xF  }
0x1a3: {  	_ =	swait.ge [sflag:s3], $0x1400  }
0x1a4: {  	[sflag:s3] =	ssyncset.done $0x0  }
0x1a5: {  	p0 =	seq.s32 s9, $0x1F00;
	s4 =	simm.s32 $0x14680;
	[sflag:s3] =	ssyncadd.s32 $0xFFFFEC00  }
0x1a6: {  	[spmem:s28] =	stream.indirect.scatter.add.f32 [tilespmem:s13], [sflag:$0x17], $0x80, s4, s5, $0xb8;
	[tilespmem:$0x1E800] =	vst v63  }
.Ltmp3:
0x1a7: {  	s13 =	simm.s32 $0x10;
	(pc) =	sbr.rel @p0 .LBB2_6-.Ltmp3, $4  }
0x1a8: {  	_ =	swait.ge [sflag:s13], $0x1400  }
0x1a9: {  	[sflag:s13] =	ssyncset.done $0x0  }
0x1aa: {  	s25 =	simm.s32 $0x14780;
	[sflag:s13] =	ssyncadd.s32 $0xFFFFEC00  }
0x1ab: {  	[spmem:s28] =	stream.indirect.scatter.add.f32 [tilespmem:s20], [sflag:$0x18], $0x80, s25, s5, $0xb8;
	[tilespmem:$0x1E800] =	vst v63  }
0x1ac: {  	_ =	swait.ge [sflag:s14], $0x1400  }
0x1ad: {  	[sflag:s14] =	ssyncset.done $0x0;
	s4 =	rddreg [dreg:$0x1c]  }
0x1ae: {  	s0 =	simm.s32 $0x12;
	[sflag:s14] =	ssyncadd.s32 $0xFFFFEC00;
	s4 =	sadd.s32 s9, s4  }
0x1af: {  	[tilespmem:s6], [sflag:$0x1] =	stream.linear.gather [hbm4b:s4+s15], $0x100, $0x38;
	[tilespmem:$0x1E800] =	vst v63  }
0x1b0: {  	_ =	swait.ge [sflag:s0], $0x1400  }
0x1b1: {  	[sflag:s0] =	ssyncset.done $0x0;
	s3 =	rddreg [dreg:$0x1b]  }
0x1b2: {  	s13 =	simm.s32 $0x13;
	[sflag:s0] =	ssyncadd.s32 $0xFFFFEC00;
	s4 =	sadd.s32 s9, s3  }
0x1b3: {  	[tilespmem:s8], [sflag:$0x2] =	stream.linear.gather [hbm4b:s4+s15], $0x100, $0x38;
	[tilespmem:$0x1E800] =	vst v63  }
0x1b4: {  	_ =	swait.ge [sflag:s13], $0x1400  }
0x1b5: {  	[sflag:s13] =	ssyncset.done $0x0;
	s20 =	rddreg [dreg:$0x1a]  }
0x1b6: {  	s25 =	simm.s32 $0x14;
	[sflag:s13] =	ssyncadd.s32 $0xFFFFEC00;
	s4 =	sadd.s32 s9, s20  }
0x1b7: {  	[tilespmem:s10], [sflag:$0x3] =	stream.linear.gather [hbm4b:s4+s15], $0x100, $0x38;
	[tilespmem:$0x1E800] =	vst v63  }
0x1b8: {  	_ =	swait.ge [sflag:s25], $0x1400  }
0x1b9: {  	[sflag:s25] =	ssyncset.done $0x0;
	s1 =	rddreg [dreg:$0x19]  }
0x1ba: {  	s2 =	simm.s32 $0x15;
	[sflag:s25] =	ssyncadd.s32 $0xFFFFEC00;
	s4 =	sadd.s32 s9, s1  }
0x1bb: {  	[tilespmem:s12], [sflag:$0x4] =	stream.linear.gather [hbm4b:s4+s15], $0x100, $0x38;
	[tilespmem:$0x1E800] =	vst v63  }
0x1bc: {  	_ =	swait.ge [sflag:s2], $0x1400  }
0x1bd: {  	[sflag:s2] =	ssyncset.done $0x0;
	s3 =	rddreg [dreg:$0x18]  }
0x1be: {  	[sflag:s2] =	ssyncadd.s32 $0xFFFFEC00;
	s4 =	sadd.s32 s9, s3  }
0x1bf: {  	[tilespmem:s19], [sflag:$0x5] =	stream.linear.gather [hbm4b:s4+s15], $0x100, $0x38;
	[tilespmem:$0x1E800] =	vst v63  }
0x1c0: {  	s4 =	simm.s32 $0x16  }
0x1c1: {  	_ =	swait.ge [sflag:s4], $0x1400  }
0x1c2: {  	[sflag:s4] =	ssyncset.done $0x0;
	s13 =	rddreg [dreg:$0x17]  }
0x1c3: {  	[sflag:s4] =	ssyncadd.s32 $0xFFFFEC00;
	s4 =	sadd.s32 s9, s13  }
0x1c4: {  	[tilespmem:s21], [sflag:$0x6] =	stream.linear.gather [hbm4b:s4+s15], $0x100, $0x38;
	[tilespmem:$0x1E800] =	vst v63  }
0x1c5: {  	_ =	swait.ge [sflag:s24], $0x1400  }
0x1c6: {  	[sflag:s24] =	ssyncset.done $0x0  }
0x1c7: {  	s20 =	sadd.s32 s9, s17;
	[sflag:s24] =	ssyncadd.s32 $0xFFFFEC00  }
0x1c8: {  	[tilespmem:s23], [sflag:$0x7] =	stream.linear.gather [hbm4b:s20+s15], $0x100, $0x38;
	[tilespmem:$0x1E800] =	vst v63  }
.Ltmp4:
0x1c9: {  	_ = 	snop;
	(pc) =	sbr.rel .LBB2_4-.Ltmp4, $4  }
0x1ca: {  	_ =	swait.ge [sflag:s7], $0x1400  }
0x1cb: {  	[sflag:s7] =	ssyncset.done $0x0  }
0x1cc: {  	s25 =	sadd.s32 s9, s11;
	s9 =	sadd.s32 $0x100, s9;
	[sflag:s7] =	ssyncadd.s32 $0xFFFFEC00  }
0x1cd: {  	[tilespmem:s31], [sflag:$0x8] =	stream.linear.gather [hbm4b:s25+s15], $0x100, $0x38;
	[tilespmem:$0x1E800] =	vst v63  }
.LBB2_7:
0x1ce: {  	_ =	sfence.sel $0x180000  }
0x1cf: {  	[bflag:$0x0] =	sbarrier.arrive $0xFFFF  }
0x1d0: {  	_ =	strace $0x9000004A  }
0x1d1: {  	s0 =	stileid.u32;
	[bflag:$0x2] =	sbarrier.arrive $0xFFFF  }
0x1d2: {  	p0 =	sne.s32 s0, $0x0;
	s0 =	rddreg [dreg:$0x3]  }
0x1d3: {  	s0 =	sadd.s32 @!p0 $0x100000, s0  }
0x1d4: {  	[sflag:s0] =	ssyncadd.tile.s32 @!p0 $0x1;
	_ =	shalt  }
.Lfunc_end2:
_tile_overlayer_lowered:
.L_overlay_start_2:
0x1d5: {  	(tag) =	ssettag $0x2  }
0x1d6: {  	s0 =	rddreg [dreg:$0x0];
	s2 =	stileid.u32  }
0x1d7: {  	s1 =	rddreg [dreg:$0x1];
	p0 =	sne.s32 s2, $0x0  }
0x1d8: {  	s3 =	rddreg [dreg:$0x2];
	[bflag:$0x3] =	sbarrier.arrive $0xFFFF;
	s2 =	simm.s32 @!p0 $0x1C19  }
0x1d9: {  	[timem:s3], [sflag:s2] =	dma.local @!p0 [hbm:s0], s1  }
0x1da: {  	s0 =	simm.s32 @!p0 $0x19  }
0x1db: {  	_ =	swait.ge @!p0 [sflag:s0], s1  }
0x1dc: {  	s1 =	ssub.s32 @!p0 $0x0, s1;
	[sflag:s0] =	ssyncset.done @!p0 $0x0  }
0x1dd: {  	[sflag:s0] =	ssyncadd.s32 @!p0 s1  }
0x1de: {  	[bflag:$0x3] =	sbarrier.arrive $0xFFFF  }
0x1df: {  	_ =	shalt  }

// kernel: kernel.14.cloned.1.call-start
scs
__scs_entry_jumppad:
0x0: {  	(pc) =	sbr.rel $0x88, $3  }
0x1: {  	(tag) =	ssettag $0x0;
	lr =	simm.s32 $0x1  }
0x2: {  	[smem:$0x3F97] =	sst lr;
	_ =	strace $0xD0000000  }
0x3: {  	_ = 	snop  }
0x4: {  	_ = 	snop  }
0x5: {  	_ = 	snop  }
0x6: {  	_ = 	snop  }
0x7: {  	_ = 	snop  }
__scs_overlays_trampoline_lowered:
0x8: {  	[smem:$0x3FA6] =	sst s0  }
0x9: {  	[smem:$0x3FA7] =	sst s1  }
0xa: {  	[smem:$0x3FA8] =	sst s2  }
0xb: {  	[smem:$0x3FA9] =	sst s3  }
0xc: {  	[smem:$0x3FAA] =	sst s4  }
0xd: {  	[smem:$0x3FAB] =	sst s5  }
0xe: {  	[smem:$0x3FAC] =	sst s6  }
0xf: {  	[smem:$0x3FAD] =	sst s7  }
0x10: {  	[smem:$0x3FAE] =	sst s8  }
0x11: {  	[smem:$0x3FAF] =	sst s9;
	s0 =	simm.s32 @!p0 $0x0  }
0x12: {  	s1 =	sld [smem:$0x3F95];
	s0 =	simm.s32 @p0 $0x1  }
0x13: {  	[smem:$0x3FB0] =	sst s0;
	s0 =	simm.s32 @!p1 $0x0  }
0x14: {  	s2 =	sld [smem:$0x3F94];
	s0 =	simm.s32 @p1 $0x1  }
0x15: {  	[smem:$0x3FB1] =	sst s0;
	s0 =	simm.s32 @!p2 $0x0  }
0x16: {  	s3 =	sld [smem:$0x3FDB];
	s0 =	simm.s32 @p2 $0x1  }
0x17: {  	s4 =	simm.s32 $0x1BF5;
	[smem:$0x3FB3] =	sst s0  }
0x18: {  	s0 =	sld [smem:$0x3F96];
	_ =	swait.ge [sflag:s4], $0x0  }
0x19: {  	s7 =	sld [smem:$0x3F97]  }
0x1a: {  	s8 =	sadd.s32 $0xFFFFE003, lr  }
0x1b: {  	s9 =	sadd.s32 $0xFFFFFEF7, lr;
	s5 =	simm.s32 $0xFFFFFFFF;
	p2 =	slt.u32 s8, $0xFFFFF086  }
0x1c: {  	p1 =	slt.u32 s9, $0xF7A;
	s5 =	simm.s32 @!p2 $0x0  }
0x1d: {  	s5 =	simm.s32 @p1 $0x1;
	p0 =	seq.s32 s7, s2  }
0x1e: {  	s7 =	smul.u32 @!p0 $0xF7A, s2;
	p2 =	seq.s32 @!p0 s5, $0x0  }
0x1f: {  	s9 =	smul.u32 $0xF7A, s1;
	s8 =	simm.s32 @!p0 $0x1BF5;
	p2 =	por !p2, p0  }
0x20: {  	[sflag:s8] =	ssyncset.s32 @!p0 $0xFFFFF086;
	s6 =	sadd.s32 @!p0 s3, s7;
	s7 =	simm.s32 @!p0 $0x108  }
0x21: {  	s3 =	sadd.s32 s3, s9;
	s6 =	sadd.s32 @!p0 $0x88, s6;
	s7 =	simm.s32 @p2 $0x1082  }
0x22: {  	[simem:s7], [sflag:s8] =	dma.local @!p0 [hbm:s6], $0xF7A  }
0x23: {  	s9 =	sor.u32 $0xD0000000, s2;
	s6 =	simm.s32 $0x108;
	_ =	swait.ge @!p0 [sflag:s8], $0x0  }
0x24: {  	s3 =	sadd.s32 $0x88, s3;
	s6 =	simm.s32 @!p1 $0x1082;
	[sflag:s4] =	ssyncset.s32 $0xFFFFF086  }
0x25: {  	[simem:s6], [sflag:s4] =	dma.local [hbm:s3], $0xF7A  }
0x26: {  	[smem:$0x3F97] =	sst s1;
	(tag) =	ssettag s2;
	_ =	strace s9  }
0x27: {  	s1 =	sld [smem:$0x3FA7]  }
0x28: {  	s2 =	sld [smem:$0x3FA8]  }
0x29: {  	s4 =	sld [smem:$0x3FAA]  }
0x2a: {  	p0 =	seq.s32 s5, $0x0;
	s5 =	sld [smem:$0x3FAB]  }
0x2b: {  	s6 =	sld [smem:$0x3FAC]  }
0x2c: {  	s7 =	sld [smem:$0x3FAD]  }
0x2d: {  	s3 =	simm.s32 $0x108;
	s8 =	sld [smem:$0x3FAE]  }
0x2e: {  	s3 =	simm.s32 @!p0 $0x1082;
	s9 =	sld [smem:$0x3FAF]  }
0x2f: {  	lr =	sadd.s32 s0, s3;
	s0 =	sld [smem:$0x3FA6]  }
0x30: {  	s3 =	sld [smem:$0x3FA9]  }
0x31: {  	[smem:$0x3FB2] =	sst s10  }
0x32: {  	s10 =	sld [smem:$0x3FB0];
	_ =	sdelay $0x3  }
0x33: {  	p0 =	seq.s32 s10, $0x1;
	s10 =	sld [smem:$0x3FB2];
	_ =	sdelay $0x3  }
0x34: {  	[smem:$0x3FB2] =	sst s10  }
0x35: {  	s10 =	sld [smem:$0x3FB1];
	_ =	sdelay $0x3  }
0x36: {  	p1 =	seq.s32 s10, $0x1;
	s10 =	sld [smem:$0x3FB2];
	_ =	sdelay $0x3  }
0x37: {  	[smem:$0x3FB2] =	sst s10  }
0x38: {  	s10 =	sld [smem:$0x3FB3]  }
0x39: {  	_ = 	snop;
	(pc) =	sbr.ind lr, $3  }
0x3a: {  	_ = 	snop  }
0x3b: {  	_ = 	snop  }
0x3c: {  	p2 =	seq.s32 s10, $0x1;
	s10 =	sld [smem:$0x3FB2]  }
0x3d: {  	_ =	shalt  }
0x3e: {  	_ =	shalt  }
0x3f: {  	_ =	shalt  }
0x40: {  	_ =	shalt  }
0x41: {  	_ =	shalt  }
0x42: {  	_ =	shalt  }
0x43: {  	_ =	shalt  }
0x44: {  	_ =	shalt  }
0x45: {  	_ =	shalt  }
0x46: {  	_ =	shalt  }
0x47: {  	_ =	shalt  }
0x48: {  	_ =	shalt  }
0x49: {  	_ =	shalt  }
0x4a: {  	_ =	shalt  }
0x4b: {  	_ =	shalt  }
0x4c: {  	_ =	shalt  }
0x4d: {  	_ =	shalt  }
0x4e: {  	_ =	shalt  }
0x4f: {  	_ =	shalt  }
0x50: {  	_ =	shalt  }
0x51: {  	_ =	shalt  }
0x52: {  	_ =	shalt  }
0x53: {  	_ =	shalt  }
0x54: {  	_ =	shalt  }
0x55: {  	_ =	shalt  }
0x56: {  	_ =	shalt  }
0x57: {  	_ =	shalt  }
0x58: {  	_ =	shalt  }
0x59: {  	_ =	shalt  }
0x5a: {  	_ =	shalt  }
0x5b: {  	_ =	shalt  }
0x5c: {  	_ =	shalt  }
0x5d: {  	_ =	shalt  }
0x5e: {  	_ =	shalt  }
0x5f: {  	_ =	shalt  }
0x60: {  	_ =	shalt  }
0x61: {  	_ =	shalt  }
0x62: {  	_ =	shalt  }
0x63: {  	_ =	shalt  }
0x64: {  	_ =	shalt  }
0x65: {  	_ =	shalt  }
0x66: {  	_ =	shalt  }
0x67: {  	_ =	shalt  }
0x68: {  	_ =	shalt  }
0x69: {  	_ =	shalt  }
0x6a: {  	_ =	shalt  }
0x6b: {  	_ =	shalt  }
0x6c: {  	_ =	shalt  }
0x6d: {  	_ =	shalt  }
0x6e: {  	_ =	shalt  }
0x6f: {  	_ =	shalt  }
0x70: {  	_ =	shalt  }
0x71: {  	_ =	shalt  }
0x72: {  	_ =	shalt  }
0x73: {  	_ =	shalt  }
0x74: {  	_ =	shalt  }
0x75: {  	_ =	shalt  }
0x76: {  	_ =	shalt  }
0x77: {  	_ =	shalt  }
0x78: {  	_ =	shalt  }
0x79: {  	_ =	shalt  }
0x7a: {  	_ =	shalt  }
0x7b: {  	_ =	shalt  }
0x7c: {  	_ =	shalt  }
0x7d: {  	_ =	shalt  }
0x7e: {  	_ =	shalt  }
0x7f: {  	_ =	shalt  }
0x80: {  	_ =	shalt  }
0x81: {  	_ =	shalt  }
0x82: {  	_ =	shalt  }
0x83: {  	_ =	shalt  }
0x84: {  	_ =	shalt  }
0x85: {  	_ =	shalt  }
0x86: {  	_ =	shalt  }
0x87: {  	_ =	shalt  }
.Lfunc_end0:
.L_simem_size_0:
called_computation.2_lowered:
.L_overlay_start_0:
0x88: {  	s2 =	sld [smem:$0x3FD9]  }
0x89: {  	s3 =	sld [smem:$0x3FFE];
	_ =	sdelay $0x1  }
0x8a: {  	s1 =	srdreg.scid  }
0x8b: {  	s0 =	sand.u32 $0x1, s1  }
0x8c: {  	s17 =	sshll.u32 s0, $0xA;
	s2 =	sadd.s32 s3, s2  }
0x8d: {  	s2 =	sadd.s32 s2, s17  }
0x8e: {  	[smem:$0x3FBE] =	sst s2  }
0x8f: {  	_ = 	snop  }
0x90: {  	s2 =	sld [smem:$0x3FD0];
	(tm) =	ssettm $0x1  }
0x91: {  	s18 =	sld [smem:$0x3FFB];
	_ =	sdelay $0x3  }
0x92: {  	_ =	strace s18  }
0x93: {  	s3 =	sld [smem:$0x3FFC];
	_ =	sdelay $0x3  }
0x94: {  	_ =	strace s3  }
0x95: {  	s3 =	sld [smem:$0x3FFD];
	_ =	sdelay $0x3  }
0x96: {  	_ =	strace s3  }
0x97: {  	_ =	strace $0x8FFFFFFF  }
0x98: {  	s19 =	sld [smem:$0x3FDB];
	_ =	sdelay $0x1  }
0x99: {  	s4 =	simm.s32 $_scs_section_size  }
0x9a: {  	s5 =	simm.s32 $_size__tile_overlayer_lowered;
	s6 =	simm.s32 $_tile_overlayer_lowered  }
0x9b: {  	s22 =	simm.s32 $0x1BFF;
	s21 =	sshll.u32 s6, $0x1;
	s3 =	sadd.s32 s4, s19  }
0x9c: {  	s7 =	simm.s32 $0x0;
	s20 =	sshll.u32 s5, $0x1;
	s5 =	sadd.s32 s21, s3  }
0x9d: {  	[timem:s7], [sflag:s22] =	dma.local [hbm:s5], s20  }
0x9e: {  	_ =	swait.ge [sflag:s22], s20  }
0x9f: {  	s4 =	ssub.s32 $0x0, s20;
	[sflag:s22] =	ssyncset.done $0x0  }
0xa0: {  	[sflag:s22] =	ssyncadd.s32 s4;
	_ =	sdelay $0x1  }
0xa1: {  	s23 =	simm.s32 $0x1B8B  }
0xa2: {  	_ =	swait.ge [sflag:s23], $0x1  }
0xa3: {  	[sflag:s23] =	ssyncset.done $0x0  }
0xa4: {  	s25 =	simm.s32 $0x1B8E;
	s24 =	sld [smem:$0x3FFE];
	[sflag:s23] =	ssyncadd.s32 $0xFFFFFFFF  }
0xa5: {  	s26 =	simm.s32 $execute0_lowered;
	[smem:$0x3FD2] =	sst s25  }
0xa6: {  	s5 =	sshll.u32 s26, $0x1;
	_ =	strace $0x8000004C;
	[dreg:$0x1] =	wrdreg $0xFFFFFFFF  }
0xa7: {  	s28 =	simm.s32 $_size_execute0_lowered;
	s3 =	sadd.s32 s3, s5;
	[dreg:$0x0] =	wrdreg $0x0  }
0xa8: {  	s5 =	sshll.u32 s28, $0x1;
	[dreg:$0x2] =	wrdreg s3  }
0xa9: {  	[dreg:$0x3] =	wrdreg s5  }
0xaa: {  	[dreg:$0x4] =	wrdreg $0xC0  }
0xab: {  	_ =	task [dreg:s7], $0x5FFFF  }
0xac: {  	[dreg:$0x1] =	wrdreg $0xFFFFFFFF  }
0xad: {  	[dreg:$0x0] =	wrdreg $0x60  }
0xae: {  	[dreg:$0x2] =	wrdreg s2  }
0xaf: {  	[dreg:$0x3] =	wrdreg s24  }
0xb0: {  	[dreg:$0x4] =	wrdreg $0x0  }
0xb1: {  	[dreg:$0x5] =	wrdreg $0x9  }
0xb2: {  	_ =	task.clear_ibuf [dreg:s7], $0x6FFFF;
	_ =	strace $0x9000004C  }
0xb3: {  	s29 =	simm.s32 $0x9;
	_ =	strace $0x8000004E  }
0xb4: {  	_ =	swait.ge [sflag:s29], $0x1  }
0xb5: {  	[sflag:s29] =	ssyncadd.s32 $0xFFFFFFFF  }
0xb6: {  	_ =	strace $0x9000004E  }
0xb7: {  	_ =	sfence  }
0xb8: {  	s30 =	sld [smem:$0x0];
	_ =	sdelay $0x2  }
0xb9: {  	s31 =	sshll.u32 s1, $0xD;
	s1 =	sshrl.u32 s1, $0x2  }
0xba: {  	s3 =	sand.u32 $0x4000, s31;
	s1 =	sadd.s32 s1, s30  }
0xbb: {  	s0 =	sor.u32 s3, s0;
	s1 =	sshll.u32 s1, $0x11  }
0xbc: {  	s0 =	sor.u32 s1, s0  }
0xbd: {  	s0 =	sadd.s32 $0x8F2B, s0  }
0xbe: {  	[sflag:s0] =	ssyncadd.remote.s32 $0x1  }
0xbf: {  	_ =	sfence.sel $0xFFFF  }
0xc0: {  	[dreg:$0x0] =	wrdreg $0xFFFFFFFF;
	(pc) =	sbr.abs _section_cstart, $3  }
0xc1: {  	[dreg:$0x1] =	wrdreg $0xFFFFFFFF  }
0xc2: {  	_ =	task.clear_ibuf [dreg:s7], $0x2FFFF;
	_ =	strace $0x9FFFFFFF  }
0xc3: {  	(tm) =	ssettm $0x7FFFFFFF  }
tec
execute0_lowered:
.L_overlay_start_1:
0x0: {  	(tag) =	ssettag $0x1  }
0x1: {  	s0 =	srdreg.scid  }
0x2: {  	s24 =	stileid.u32;
	s17 =	rddreg [dreg:$0x1]  }
0x3: {  	s28 =	rddreg [dreg:$0x2];
	s15 =	sand.u32 $0x1, s0;
	s18 =	smul.u32 $0x14000, s24  }
0x4: {  	s19 =	sadd.s32 $0x43200, s17;
	s21 =	sshll.u32 s24, $0x10;
	s17 =	sadd.s32 $0x3200, s17  }
0x5: {  	s0 =	ssub.s32 $0x2, s15;
	s20 =	smul.u32 $0x140000, s15;
	s15 =	sshll.u32 s15, $0x14  }
0x6: {  	s1 =	sshrl.u32 s0, $0x1;
	s2 =	sor.u32 $0x2800, s18;
	s3 =	sor.u32 $0x3C00, s18  }
0x7: {  	s4 =	sadd.s32 $0x5000, s18;
	s5 =	sadd.s32 $0x6400, s18;
	s6 =	sadd.s32 $0x7800, s18  }
0x8: {  	s7 =	sadd.s32 $0x8C00, s18;
	s8 =	sadd.s32 $0xA000, s18;
	s9 =	sadd.s32 $0xB400, s18  }
0x9: {  	s10 =	sadd.s32 $0xC800, s18;
	s11 =	sadd.s32 $0xDC00, s18;
	s12 =	sadd.s32 $0xF000, s18  }
0xa: {  	s13 =	sadd.s32 $0x10400, s18;
	s14 =	sadd.s32 $0x11800, s18;
	s16 =	sadd.s32 $0x12C00, s18  }
0xb: {  	s0 =	ssub.s32 s0, s1;
	s1 =	sor.u32 $0x1400, s18;
	s18 =	sadd.s32 s18, s20  }
0xc: {  	s25 =	sadd.s32 s20, s3;
	s26 =	sadd.s32 s20, s4;
	s22 =	sshrl.u32 s18, $0x3  }
0xd: {  	s23 =	sadd.s32 s20, s1;
	s18 =	sor.u32 s21, s15;
	s21 =	sadd.s32 s19, s22  }
0xe: {  	s22 =	sshrl.u32 s23, $0x3;
	s23 =	sadd.s32 s20, s2;
	[dreg:$0x4] =	wrdreg s21  }
0xf: {  	s15 =	sadd.s32 s19, s22;
	s21 =	sshrl.u32 s25, $0x3;
	s22 =	sshrl.u32 s26, $0x3  }
0x10: {  	s25 =	sadd.s32 s20, s6;
	s26 =	sadd.s32 s20, s7;
	[dreg:$0x5] =	wrdreg s15  }
0x11: {  	s15 =	sshrl.u32 s23, $0x3;
	s21 =	sadd.s32 s19, s21;
	s23 =	sadd.s32 s20, s5  }
0x12: {  	s15 =	sadd.s32 s19, s15;
	[dreg:$0x7] =	wrdreg s21;
	s21 =	sshrl.u32 s25, $0x3  }
0x13: {  	s25 =	sadd.s32 s20, s9;
	[dreg:$0x6] =	wrdreg s15;
	s15 =	sadd.s32 s19, s22  }
0x14: {  	s21 =	sadd.s32 s19, s21;
	s22 =	sshrl.u32 s26, $0x3;
	[dreg:$0x8] =	wrdreg s15  }
0x15: {  	s26 =	sadd.s32 s20, s10;
	s15 =	sshrl.u32 s23, $0x3;
	[dreg:$0xa] =	wrdreg s21  }
0x16: {  	s23 =	sadd.s32 s20, s8;
	s21 =	sshrl.u32 s25, $0x3;
	s15 =	sadd.s32 s19, s15  }
0x17: {  	s25 =	sadd.s32 s20, s12;
	s21 =	sadd.s32 s19, s21;
	[dreg:$0x9] =	wrdreg s15  }
0x18: {  	s15 =	sadd.s32 s19, s22;
	[dreg:$0xd] =	wrdreg s21;
	s22 =	sshrl.u32 s26, $0x3  }
0x19: {  	s21 =	sshrl.u32 s25, $0x3;
	s26 =	sadd.s32 s20, s13;
	s25 =	sadd.s32 s20, s14  }
0x1a: {  	[dreg:$0xb] =	wrdreg s15;
	s15 =	sshrl.u32 s23, $0x3;
	s21 =	sadd.s32 s19, s21  }
0x1b: {  	s23 =	sadd.s32 s20, s11;
	s15 =	sadd.s32 s19, s15;
	[dreg:$0x10] =	wrdreg s21  }
0x1c: {  	s20 =	sadd.s32 s20, s16;
	[dreg:$0xc] =	wrdreg s15;
	s15 =	sadd.s32 s19, s22  }
0x1d: {  	s24 =	smul.u32 $0x50000, s24;
	s20 =	sshrl.u32 s20, $0x3;
	[dreg:$0xe] =	wrdreg s15  }
0x1e: {  	s15 =	sshrl.u32 s23, $0x3;
	s23 =	sshrl.u32 s26, $0x3;
	s26 =	sshrl.u32 s25, $0x3  }
0x1f: {  	s22 =	sshrl.u32 s18, $0x3;
	s15 =	sadd.s32 s19, s15;
	s21 =	sadd.s32 s19, s26  }
0x20: {  	s26 =	sor.u32 $0xE00, s18;
	[dreg:$0xf] =	wrdreg s15;
	s15 =	sadd.s32 s19, s23  }
0x21: {  	[dreg:$0x12] =	wrdreg s21;
	s19 =	sadd.s32 s19, s20;
	s23 =	sor.u32 $0xF00, s18  }
0x22: {  	s21 =	sadd.s32 s17, s22;
	s22 =	sshrl.u32 s26, $0x3;
	[dreg:$0x11] =	wrdreg s15  }
0x23: {  	s26 =	sor.u32 $0xC00, s18;
	s15 =	simm.s32 $0x0;
	[dreg:$0x13] =	wrdreg s19  }
0x24: {  	s25 =	sshrl.u32 s23, $0x3;
	s23 =	sor.u32 $0xD00, s18;
	[smem:$0x7FF] =	sst s15  }
0x25: {  	s19 =	sadd.s32 s25, s17;
	s25 =	sshrl.u32 s23, $0x3;
	s23 =	sor.u32 $0xB00, s18  }
0x26: {  	[dreg:$0x15] =	wrdreg s19;
	s19 =	sadd.s32 s22, s17;
	s22 =	sshrl.u32 s26, $0x3  }
0x27: {  	s26 =	sor.u32 $0xA00, s18;
	[dreg:$0x16] =	wrdreg s19;
	s19 =	sadd.s32 s25, s17  }
0x28: {  	s25 =	sshrl.u32 s23, $0x3;
	s20 =	sshrl.u32 s26, $0x3;
	s26 =	rddreg [dreg:$0x0]  }
0x29: {  	[dreg:$0x17] =	wrdreg s19;
	s19 =	sadd.s32 s22, s17;
	s22 =	sor.u32 $0x900, s18  }
0x2a: {  	s18 =	sor.u32 $0x800, s18;
	[dreg:$0x18] =	wrdreg s19;
	s19 =	sadd.s32 s25, s17  }
0x2b: {  	s23 =	sshrl.u32 s22, $0x3;
	[dreg:$0x19] =	wrdreg s19;
	s19 =	sadd.s32 s20, s17  }
0x2c: {  	s18 =	sshrl.u32 s18, $0x3;
	[dreg:$0x1a] =	wrdreg s19;
	s19 =	sadd.s32 s23, s17  }
0x2d: {  	s25 =	sshrl.u32 s24, $0x2;
	s17 =	sadd.s32 s18, s17;
	[dreg:$0x1b] =	wrdreg s19  }
0x2e: {  	[dreg:$0x1c] =	wrdreg s17;
	s17 =	sadd.s32 s25, s28  }
0x2f: {  	s1 =	sadd.s32 s1, s28;
	_ =	strace $0x8000004D;
	[dreg:$0x1d] =	wrdreg s17  }
0x30: {  	s2 =	sadd.s32 s2, s28;
	[dreg:$0x1e] =	wrdreg s1  }
0x31: {  	s3 =	sadd.s32 s3, s28;
	[dreg:$0x1f] =	wrdreg s2  }
0x32: {  	s4 =	sadd.s32 s4, s28;
	[smem:$0x7E9] =	sst s3  }
0x33: {  	s5 =	sadd.s32 s5, s28;
	[smem:$0x7EA] =	sst s4  }
0x34: {  	s6 =	sadd.s32 s6, s28;
	[smem:$0x7EB] =	sst s5  }
0x35: {  	s7 =	sadd.s32 s7, s28;
	[smem:$0x7EC] =	sst s6  }
0x36: {  	s8 =	sadd.s32 s8, s28;
	[smem:$0x7ED] =	sst s7  }
0x37: {  	s9 =	sadd.s32 s9, s28;
	[smem:$0x7EE] =	sst s8  }
0x38: {  	s10 =	sadd.s32 s10, s28;
	[smem:$0x7EF] =	sst s9  }
0x39: {  	s11 =	sadd.s32 s11, s28;
	[smem:$0x7F0] =	sst s10  }
0x3a: {  	s12 =	sadd.s32 s12, s28;
	[smem:$0x7F1] =	sst s11  }
0x3b: {  	s13 =	sadd.s32 s13, s28;
	[smem:$0x7F2] =	sst s12  }
0x3c: {  	s14 =	sadd.s32 s14, s28;
	[smem:$0x7F3] =	sst s13  }
0x3d: {  	s0 =	smax.u32 s0, $0x1;
	[smem:$0x7F4] =	sst s14  }
0x3e: {  	s18 =	sadd.s32 $0x20, s21;
	[smem:$0x7F6] =	sst s0  }
0x3f: {  	s19 =	sadd.s32 $0x40, s21;
	[smem:$0x7F7] =	sst s18  }
0x40: {  	s20 =	sadd.s32 $0x60, s21;
	[smem:$0x7F8] =	sst s19  }
0x41: {  	s22 =	sadd.s32 $0x80, s21;
	[smem:$0x7F9] =	sst s20  }
0x42: {  	s23 =	sadd.s32 $0xA0, s21;
	[smem:$0x7FA] =	sst s22  }
0x43: {  	s24 =	sadd.s32 $0xC0, s21;
	[smem:$0x7FB] =	sst s23  }
0x44: {  	s29 =	simm.s32 $0x9;
	s30 =	simm.s32 $0xA;
	[smem:$0x7FC] =	sst s24  }
0x45: {  	s31 =	simm.s32 $0x14700;
	s25 =	sadd.s32 $0xE0, s21;
	[dreg:$0x14] =	wrdreg s21  }
0x46: {  	s17 =	sadd.s32 s16, s28;
	[smem:$0x7FD] =	sst s25;
	s14 =	simm.s32 $0x11  }
.Ltmp0:
0x47: {  	s5 =	simm.s32 $0x28;
	s16 =	simm.s32 $0xB;
	(pc) =	sbr.rel .LBB2_1-.Ltmp0, $4  }
0x48: {  	s18 =	simm.s32 $0xC;
	s24 =	simm.s32 $0x17;
	s7 =	simm.s32 $0x18  }
0x49: {  	s0 =	simm.s32 $0x0;
	s8 =	simm.s32 $0x14100;
	s10 =	simm.s32 $0x14200  }
0x4a: {  	s12 =	simm.s32 $0x14300;
	s19 =	simm.s32 $0x14400;
	s21 =	simm.s32 $0x14500  }
0x4b: {  	v0 =	vimm.f32 $0.0e+00;
	s23 =	simm.s32 $0x14600;
	s22 =	simm.s32 $0x14080;
	[smem:$0x7F5] =	sst s17  }
.LBB2_6:
0x4c: {  	_ =	swait.ge [sflag:s14], $0x1400  }
0x4d: {  	[sflag:s14] =	ssyncset.done $0x0  }
0x4e: {  	s0 =	simm.s32 $0x12;
	[sflag:s14] =	ssyncadd.s32 $0xFFFFEC00  }
0x4f: {  	_ =	swait.ge [sflag:s0], $0x1400  }
0x50: {  	[sflag:s0] =	ssyncset.done $0x0  }
0x51: {  	s13 =	simm.s32 $0x13;
	[sflag:s0] =	ssyncadd.s32 $0xFFFFEC00  }
0x52: {  	_ =	swait.ge [sflag:s13], $0x1400  }
0x53: {  	[sflag:s13] =	ssyncset.done $0x0  }
0x54: {  	s17 =	simm.s32 $0x14;
	[sflag:s13] =	ssyncadd.s32 $0xFFFFEC00  }
0x55: {  	_ =	swait.ge [sflag:s17], $0x1400  }
0x56: {  	[sflag:s17] =	ssyncset.done $0x0  }
0x57: {  	s20 =	simm.s32 $0x15;
	[sflag:s17] =	ssyncadd.s32 $0xFFFFEC00  }
0x58: {  	_ =	swait.ge [sflag:s20], $0x1400  }
0x59: {  	[sflag:s20] =	ssyncset.done $0x0  }
0x5a: {  	s25 =	simm.s32 $0x16;
	[sflag:s20] =	ssyncadd.s32 $0xFFFFEC00  }
0x5b: {  	_ =	swait.ge [sflag:s25], $0x1400  }
0x5c: {  	[sflag:s25] =	ssyncset.done $0x0  }
0x5d: {  	[sflag:s25] =	ssyncadd.s32 $0xFFFFEC00  }
0x5e: {  	_ =	swait.ge [sflag:s24], $0x1400  }
0x5f: {  	[sflag:s24] =	ssyncset.done $0x0  }
0x60: {  	[sflag:s24] =	ssyncadd.s32 $0xFFFFEC00  }
0x61: {  	_ =	swait.ge [sflag:s7], $0x1400  }
0x62: {  	[sflag:s7] =	ssyncset.done $0x0  }
0x63: {  	[sflag:s7] =	ssyncadd.s32 $0xFFFFEC00  }
0x64: {  	[bflag:$0x0] =	sbarrier.arrive $0xFFFF  }
0x65: {  	s9 =	simm.s32 $0x14800;
	s2 =	simm.s32 $0x19;
	s4 =	rddreg [dreg:$0x1d]  }
0x66: {  	[tilespmem:s9], [sflag:$0x19] =	stream.linear.gather [spmem:s4], $0x1400, $0x38;
	[tilespmem:$0x1E800] =	vst v63  }
0x67: {  	_ =	swait.ge [sflag:s2], $0x1400  }
0x68: {  	[sflag:s2] =	ssyncset.done $0x0  }
0x69: {  	s0 =	rddreg [dreg:$0x4];
	[sflag:s2] =	ssyncadd.s32 $0xFFFFEC00  }
0x6a: {  	[hbm4b:s0+s15] =	stream.linear.scatter [tilespmem:s9], [sflag:$0x9], $0x1400, $0x38;
	[tilespmem:$0x1E800] =	vst v63  }
0x6b: {  	s6 =	simm.s32 $0x15C00;
	s1 =	rddreg [dreg:$0x1e]  }
0x6c: {  	[tilespmem:s6], [sflag:$0x19] =	stream.linear.gather [spmem:s1], $0x1400, $0x38;
	[tilespmem:$0x1E800] =	vst v63  }
0x6d: {  	_ =	swait.ge [sflag:s2], $0x1400  }
0x6e: {  	[sflag:s2] =	ssyncset.done $0x0  }
0x6f: {  	s3 =	rddreg [dreg:$0x5];
	[sflag:s2] =	ssyncadd.s32 $0xFFFFEC00  }
0x70: {  	[hbm4b:s3+s15] =	stream.linear.scatter [tilespmem:s6], [sflag:$0xA], $0x1400, $0x38;
	[tilespmem:$0x1E800] =	vst v63  }
0x71: {  	s0 =	simm.s32 $0x17000;
	s11 =	rddreg [dreg:$0x1f]  }
0x72: {  	[tilespmem:s0], [sflag:$0x19] =	stream.linear.gather [spmem:s11], $0x1400, $0x38;
	[tilespmem:$0x1E800] =	vst v63  }
0x73: {  	_ =	swait.ge [sflag:s2], $0x1400  }
0x74: {  	[sflag:s2] =	ssyncset.done $0x0;
	s13 =	rddreg [dreg:$0x6]  }
0x75: {  	s17 =	sld [smem:$0x7E9];
	[sflag:s2] =	ssyncadd.s32 $0xFFFFEC00  }
0x76: {  	[hbm4b:s13+s15] =	stream.linear.scatter [tilespmem:s0], [sflag:$0xB], $0x1400, $0x38;
	[tilespmem:$0x1E800] =	vst v63  }
0x77: {  	s1 =	simm.s32 $0x18400  }
0x78: {  	[tilespmem:s1], [sflag:$0x19] =	stream.linear.gather [spmem:s17], $0x1400, $0x38;
	[tilespmem:$0x1E800] =	vst v63  }
0x79: {  	_ =	swait.ge [sflag:s2], $0x1400  }
0x7a: {  	[sflag:s2] =	ssyncset.done $0x0  }
0x7b: {  	s20 =	rddreg [dreg:$0x7];
	[sflag:s2] =	ssyncadd.s32 $0xFFFFEC00  }
0x7c: {  	[hbm4b:s20+s15] =	stream.linear.scatter [tilespmem:s1], [sflag:$0xC], $0x1400, $0x38;
	[tilespmem:$0x1E800] =	vst v63  }
0x7d: {  	_ =	swait.ge [sflag:s29], $0x1400  }
0x7e: {  	s25 =	sld [smem:$0x7EA]  }
0x7f: {  	[sflag:s29] =	ssyncset.done $0x0  }
0x80: {  	[sflag:s29] =	ssyncadd.s32 $0xFFFFEC00  }
0x81: {  	[tilespmem:s9], [sflag:$0x19] =	stream.linear.gather [spmem:s25], $0x1400, $0x38;
	[tilespmem:$0x1E800] =	vst v63  }
0x82: {  	_ =	swait.ge [sflag:s2], $0x1400  }
0x83: {  	[sflag:s2] =	ssyncset.done $0x0  }
0x84: {  	s3 =	rddreg [dreg:$0x8];
	[sflag:s2] =	ssyncadd.s32 $0xFFFFEC00  }
0x85: {  	[hbm4b:s3+s15] =	stream.linear.scatter [tilespmem:s9], [sflag:$0x9], $0x1400, $0x38;
	[tilespmem:$0x1E800] =	vst v63  }
0x86: {  	_ =	swait.ge [sflag:s30], $0x1400  }
0x87: {  	s11 =	sld [smem:$0x7EB]  }
0x88: {  	[sflag:s30] =	ssyncset.done $0x0  }
0x89: {  	[sflag:s30] =	ssyncadd.s32 $0xFFFFEC00  }
0x8a: {  	[tilespmem:s6], [sflag:$0x19] =	stream.linear.gather [spmem:s11], $0x1400, $0x38;
	[tilespmem:$0x1E800] =	vst v63  }
0x8b: {  	_ =	swait.ge [sflag:s2], $0x1400  }
0x8c: {  	[sflag:s2] =	ssyncset.done $0x0  }
0x8d: {  	s13 =	rddreg [dreg:$0x9];
	[sflag:s2] =	ssyncadd.s32 $0xFFFFEC00  }
0x8e: {  	[hbm4b:s13+s15] =	stream.linear.scatter [tilespmem:s6], [sflag:$0xA], $0x1400, $0x38;
	[tilespmem:$0x1E800] =	vst v63  }
0x8f: {  	_ =	swait.ge [sflag:s16], $0x1400  }
0x90: {  	s17 =	sld [smem:$0x7EC]  }
0x91: {  	[sflag:s16] =	ssyncset.done $0x0  }
0x92: {  	[sflag:s16] =	ssyncadd.s32 $0xFFFFEC00  }
0x93: {  	[tilespmem:s0], [sflag:$0x19] =	stream.linear.gather [spmem:s17], $0x1400, $0x38;
	[tilespmem:$0x1E800] =	vst v63  }
0x94: {  	_ =	swait.ge [sflag:s2], $0x1400  }
0x95: {  	[sflag:s2] =	ssyncset.done $0x0  }
0x96: {  	s20 =	rddreg [dreg:$0xa];
	[sflag:s2] =	ssyncadd.s32 $0xFFFFEC00  }
0x97: {  	[hbm4b:s20+s15] =	stream.linear.scatter [tilespmem:s0], [sflag:$0xB], $0x1400, $0x38;
	[tilespmem:$0x1E800] =	vst v63  }
0x98: {  	_ =	swait.ge [sflag:s18], $0x1400  }
0x99: {  	s25 =	sld [smem:$0x7ED]  }
0x9a: {  	[sflag:s18] =	ssyncset.done $0x0  }
0x9b: {  	[sflag:s18] =	ssyncadd.s32 $0xFFFFEC00  }
0x9c: {  	[tilespmem:s1], [sflag:$0x19] =	stream.linear.gather [spmem:s25], $0x1400, $0x38;
	[tilespmem:$0x1E800] =	vst v63  }
0x9d: {  	_ =	swait.ge [sflag:s2], $0x1400  }
0x9e: {  	[sflag:s2] =	ssyncset.done $0x0  }
0x9f: {  	s3 =	rddreg [dreg:$0xb];
	[sflag:s2] =	ssyncadd.s32 $0xFFFFEC00  }
0xa0: {  	[hbm4b:s3+s15] =	stream.linear.scatter [tilespmem:s1], [sflag:$0xC], $0x1400, $0x38;
	[tilespmem:$0x1E800] =	vst v63  }
0xa1: {  	_ =	swait.ge [sflag:s29], $0x1400  }
0xa2: {  	s11 =	sld [smem:$0x7EE]  }
0xa3: {  	[sflag:s29] =	ssyncset.done $0x0  }
0xa4: {  	[sflag:s29] =	ssyncadd.s32 $0xFFFFEC00  }
0xa5: {  	[tilespmem:s9], [sflag:$0x19] =	stream.linear.gather [spmem:s11], $0x1400, $0x38;
	[tilespmem:$0x1E800] =	vst v63  }
0xa6: {  	_ =	swait.ge [sflag:s2], $0x1400  }
0xa7: {  	[sflag:s2] =	ssyncset.done $0x0  }
0xa8: {  	s13 =	rddreg [dreg:$0xc];
	[sflag:s2] =	ssyncadd.s32 $0xFFFFEC00  }
0xa9: {  	[hbm4b:s13+s15] =	stream.linear.scatter [tilespmem:s9], [sflag:$0x9], $0x1400, $0x38;
	[tilespmem:$0x1E800] =	vst v63  }
0xaa: {  	_ =	swait.ge [sflag:s30], $0x1400  }
0xab: {  	s17 =	sld [smem:$0x7EF]  }
0xac: {  	[sflag:s30] =	ssyncset.done $0x0  }
0xad: {  	[sflag:s30] =	ssyncadd.s32 $0xFFFFEC00  }
0xae: {  	[tilespmem:s6], [sflag:$0x19] =	stream.linear.gather [spmem:s17], $0x1400, $0x38;
	[tilespmem:$0x1E800] =	vst v63  }
0xaf: {  	_ =	swait.ge [sflag:s2], $0x1400  }
0xb0: {  	[sflag:s2] =	ssyncset.done $0x0  }
0xb1: {  	s20 =	rddreg [dreg:$0xd];
	[sflag:s2] =	ssyncadd.s32 $0xFFFFEC00  }
0xb2: {  	[hbm4b:s20+s15] =	stream.linear.scatter [tilespmem:s6], [sflag:$0xA], $0x1400, $0x38;
	[tilespmem:$0x1E800] =	vst v63  }
0xb3: {  	_ =	swait.ge [sflag:s16], $0x1400  }
0xb4: {  	s25 =	sld [smem:$0x7F0]  }
0xb5: {  	[sflag:s16] =	ssyncset.done $0x0  }
0xb6: {  	[sflag:s16] =	ssyncadd.s32 $0xFFFFEC00  }
0xb7: {  	[tilespmem:s0], [sflag:$0x19] =	stream.linear.gather [spmem:s25], $0x1400, $0x38;
	[tilespmem:$0x1E800] =	vst v63  }
0xb8: {  	_ =	swait.ge [sflag:s2], $0x1400  }
0xb9: {  	[sflag:s2] =	ssyncset.done $0x0  }
0xba: {  	s3 =	rddreg [dreg:$0xe];
	[sflag:s2] =	ssyncadd.s32 $0xFFFFEC00  }
0xbb: {  	[hbm4b:s3+s15] =	stream.linear.scatter [tilespmem:s0], [sflag:$0xB], $0x1400, $0x38;
	[tilespmem:$0x1E800] =	vst v63  }
0xbc: {  	_ =	swait.ge [sflag:s18], $0x1400  }
0xbd: {  	s11 =	sld [smem:$0x7F1]  }
0xbe: {  	[sflag:s18] =	ssyncset.done $0x0  }
0xbf: {  	[sflag:s18] =	ssyncadd.s32 $0xFFFFEC00  }
0xc0: {  	[tilespmem:s1], [sflag:$0x19] =	stream.linear.gather [spmem:s11], $0x1400, $0x38;
	[tilespmem:$0x1E800] =	vst v63  }
0xc1: {  	_ =	swait.ge [sflag:s2], $0x1400  }
0xc2: {  	[sflag:s2] =	ssyncset.done $0x0  }
0xc3: {  	s13 =	rddreg [dreg:$0xf];
	[sflag:s2] =	ssyncadd.s32 $0xFFFFEC00  }
0xc4: {  	[hbm4b:s13+s15] =	stream.linear.scatter [tilespmem:s1], [sflag:$0xC], $0x1400, $0x38;
	[tilespmem:$0x1E800] =	vst v63  }
0xc5: {  	_ =	swait.ge [sflag:s29], $0x1400  }
0xc6: {  	s17 =	sld [smem:$0x7F2]  }
0xc7: {  	[sflag:s29] =	ssyncset.done $0x0  }
0xc8: {  	[sflag:s29] =	ssyncadd.s32 $0xFFFFEC00  }
0xc9: {  	[tilespmem:s9], [sflag:$0x19] =	stream.linear.gather [spmem:s17], $0x1400, $0x38;
	[tilespmem:$0x1E800] =	vst v63  }
0xca: {  	_ =	swait.ge [sflag:s2], $0x1400  }
0xcb: {  	[sflag:s2] =	ssyncset.done $0x0  }
0xcc: {  	s20 =	rddreg [dreg:$0x10];
	[sflag:s2] =	ssyncadd.s32 $0xFFFFEC00  }
0xcd: {  	[hbm4b:s20+s15] =	stream.linear.scatter [tilespmem:s9], [sflag:$0x9], $0x1400, $0x38;
	[tilespmem:$0x1E800] =	vst v63  }
0xce: {  	_ =	swait.ge [sflag:s30], $0x1400  }
0xcf: {  	s25 =	sld [smem:$0x7F3]  }
0xd0: {  	[sflag:s30] =	ssyncset.done $0x0  }
0xd1: {  	[sflag:s30] =	ssyncadd.s32 $0xFFFFEC00  }
0xd2: {  	[tilespmem:s6], [sflag:$0x19] =	stream.linear.gather [spmem:s25], $0x1400, $0x38;
	[tilespmem:$0x1E800] =	vst v63  }
0xd3: {  	_ =	swait.ge [sflag:s2], $0x1400  }
0xd4: {  	[sflag:s2] =	ssyncset.done $0x0  }
0xd5: {  	s3 =	rddreg [dreg:$0x11];
	[sflag:s2] =	ssyncadd.s32 $0xFFFFEC00  }
0xd6: {  	[hbm4b:s3+s15] =	stream.linear.scatter [tilespmem:s6], [sflag:$0xA], $0x1400, $0x38;
	[tilespmem:$0x1E800] =	vst v63  }
0xd7: {  	_ =	swait.ge [sflag:s16], $0x1400  }
0xd8: {  	s9 =	sld [smem:$0x7F4]  }
0xd9: {  	[sflag:s16] =	ssyncset.done $0x0  }
0xda: {  	[sflag:s16] =	ssyncadd.s32 $0xFFFFEC00  }
0xdb: {  	[tilespmem:s0], [sflag:$0x19] =	stream.linear.gather [spmem:s9], $0x1400, $0x38;
	[tilespmem:$0x1E800] =	vst v63  }
0xdc: {  	_ =	swait.ge [sflag:s2], $0x1400  }
0xdd: {  	[sflag:s2] =	ssyncset.done $0x0  }
0xde: {  	s11 =	rddreg [dreg:$0x12];
	[sflag:s2] =	ssyncadd.s32 $0xFFFFEC00  }
0xdf: {  	[hbm4b:s11+s15] =	stream.linear.scatter [tilespmem:s0], [sflag:$0xB], $0x1400, $0x38;
	[tilespmem:$0x1E800] =	vst v63  }
0xe0: {  	_ =	swait.ge [sflag:s18], $0x1400  }
0xe1: {  	s13 =	sld [smem:$0x7F5]  }
0xe2: {  	[sflag:s18] =	ssyncset.done $0x0  }
0xe3: {  	[sflag:s18] =	ssyncadd.s32 $0xFFFFEC00  }
0xe4: {  	[tilespmem:s1], [sflag:$0x19] =	stream.linear.gather [spmem:s13], $0x1400, $0x38;
	[tilespmem:$0x1E800] =	vst v63  }
0xe5: {  	_ =	swait.ge [sflag:s2], $0x1400  }
0xe6: {  	[sflag:s2] =	ssyncset.done $0x0  }
0xe7: {  	s17 =	rddreg [dreg:$0x13];
	[sflag:s2] =	ssyncadd.s32 $0xFFFFEC00  }
0xe8: {  	[hbm4b:s17+s15] =	stream.linear.scatter [tilespmem:s1], [sflag:$0xC], $0x1400, $0x38;
	[tilespmem:$0x1E800] =	vst v63  }
0xe9: {  	_ =	swait.ge [sflag:s29], $0x1400  }
0xea: {  	[sflag:s29] =	ssyncset.done $0x0  }
0xeb: {  	[sflag:s29] =	ssyncadd.s32 $0xFFFFEC00  }
0xec: {  	_ =	swait.ge [sflag:s30], $0x1400  }
0xed: {  	[sflag:s30] =	ssyncset.done $0x0  }
0xee: {  	[sflag:s30] =	ssyncadd.s32 $0xFFFFEC00  }
0xef: {  	_ =	swait.ge [sflag:s16], $0x1400  }
0xf0: {  	[sflag:s16] =	ssyncset.done $0x0  }
0xf1: {  	[sflag:s16] =	ssyncadd.s32 $0xFFFFEC00  }
0xf2: {  	_ =	swait.ge [sflag:s18], $0x1400  }
0xf3: {  	s20 =	sld [smem:$0x7E8]  }
0xf4: {  	s25 =	sld [smem:$0x7F6];
	_ =	sdelay $0x1  }
0xf5: {  	s0 =	sadd.s32 $0x1, s20  }
0xf6: {  	p0 =	sne.s32 s0, s25  }
.Ltmp1:
0xf7: {  	_ = 	snop;
	(pc) =	sbr.rel @!p0 .LBB2_7-.Ltmp1, $3  }
0xf8: {  	_ =	sdelay $0x1  }
0xf9: {  	[sflag:s18] =	ssyncset.done $0x0  }
0xfa: {  	[sflag:s18] =	ssyncadd.s32 $0xFFFFEC00  }
.LBB2_1:
0xfb: {  	s9 =	sand.u32 $0x7E00, s15  }
0xfc: {  	[smem:$0x7E8] =	sst s0;
	s11 =	sand.u32 $0x70, s15;
	s17 =	sshrl.u32 s9, $0x2  }
0xfd: {  	s9 =	simm.s32 $0x40;
	s17 =	sor.u32 s11, s17;
	s11 =	simm.s32 $0x0  }
.LBB2_2:
0xfe: {  	p0 =	sne.s32 s9, $0x4FC0  }
0xff: {  	[tilespmem:s17+$0x14800] =	vst v0;
	s11 =	sadd.s32 $0x10, s11;
	s17 =	smov.u32 s9;
	s9 =	sadd.s32 $0x40, s9  }
.Ltmp2:
0x100: {  	(pc) =	sbr.rel @p0 .LBB2_2-.Ltmp2, $4  }
0x101: {  	_ = 	snop  }
0x102: {  	s17 =	sand.u32 $0x7E00, s17  }
0x103: {  	s4 =	sand.u32 $0x70, s11;
	s17 =	sshrl.u32 s17, $0x2  }
0x104: {  	s17 =	sor.u32 s4, s17  }
0x105: {  	s4 =	rddreg [dreg:$0x1d]  }
0x106: {  	[tilespmem:s17+$0x14800] =	vst v0;
	s9 =	simm.s32 $0x14800;
	s13 =	rddreg [dreg:$0x1e]  }
0x107: {  	[spmem:s4] =	stream.linear.scatter [tilespmem:s9], [sflag:$0x11], $0x1400, $0x38;
	[tilespmem:$0x1E800] =	vst v63  }
0x108: {  	s17 =	rddreg [dreg:$0x1f]  }
0x109: {  	[spmem:s13] =	stream.linear.scatter [tilespmem:s9], [sflag:$0x11], $0x1400, $0x38;
	[tilespmem:$0x1E800] =	vst v63  }
0x10a: {  	s20 =	sld [smem:$0x7E9]  }
0x10b: {  	[spmem:s17] =	stream.linear.scatter [tilespmem:s9], [sflag:$0x11], $0x1400, $0x38;
	[tilespmem:$0x1E800] =	vst v63  }
0x10c: {  	s25 =	sld [smem:$0x7EA]  }
0x10d: {  	[spmem:s20] =	stream.linear.scatter [tilespmem:s9], [sflag:$0x11], $0x1400, $0x38;
	[tilespmem:$0x1E800] =	vst v63  }
0x10e: {  	s0 =	sld [smem:$0x7EB]  }
0x10f: {  	[spmem:s25] =	stream.linear.scatter [tilespmem:s9], [sflag:$0x11], $0x1400, $0x38;
	[tilespmem:$0x1E800] =	vst v63  }
0x110: {  	s1 =	sld [smem:$0x7EC]  }
0x111: {  	[spmem:s0] =	stream.linear.scatter [tilespmem:s9], [sflag:$0x11], $0x1400, $0x38;
	[tilespmem:$0x1E800] =	vst v63  }
0x112: {  	s2 =	sld [smem:$0x7ED]  }
0x113: {  	[spmem:s1] =	stream.linear.scatter [tilespmem:s9], [sflag:$0x11], $0x1400, $0x38;
	[tilespmem:$0x1E800] =	vst v63  }
0x114: {  	s3 =	sld [smem:$0x7EE]  }
0x115: {  	[spmem:s2] =	stream.linear.scatter [tilespmem:s9], [sflag:$0x11], $0x1400, $0x38;
	[tilespmem:$0x1E800] =	vst v63  }
0x116: {  	s6 =	sld [smem:$0x7EF]  }
0x117: {  	[spmem:s3] =	stream.linear.scatter [tilespmem:s9], [sflag:$0x11], $0x1400, $0x38;
	[tilespmem:$0x1E800] =	vst v63  }
0x118: {  	s11 =	sld [smem:$0x7F0]  }
0x119: {  	[spmem:s6] =	stream.linear.scatter [tilespmem:s9], [sflag:$0x11], $0x1400, $0x38;
	[tilespmem:$0x1E800] =	vst v63  }
0x11a: {  	s13 =	sld [smem:$0x7F1]  }
0x11b: {  	[spmem:s11] =	stream.linear.scatter [tilespmem:s9], [sflag:$0x11], $0x1400, $0x38;
	[tilespmem:$0x1E800] =	vst v63  }
0x11c: {  	s17 =	sld [smem:$0x7F2]  }
0x11d: {  	[spmem:s13] =	stream.linear.scatter [tilespmem:s9], [sflag:$0x11], $0x1400, $0x38;
	[tilespmem:$0x1E800] =	vst v63  }
0x11e: {  	s20 =	sld [smem:$0x7F3]  }
0x11f: {  	[spmem:s17] =	stream.linear.scatter [tilespmem:s9], [sflag:$0x11], $0x1400, $0x38;
	[tilespmem:$0x1E800] =	vst v63  }
0x120: {  	s25 =	sld [smem:$0x7F4]  }
0x121: {  	[spmem:s20] =	stream.linear.scatter [tilespmem:s9], [sflag:$0x11], $0x1400, $0x38;
	[tilespmem:$0x1E800] =	vst v63  }
0x122: {  	s0 =	sld [smem:$0x7F5]  }
0x123: {  	[spmem:s25] =	stream.linear.scatter [tilespmem:s9], [sflag:$0x11], $0x1400, $0x38;
	[tilespmem:$0x1E800] =	vst v63  }
0x124: {  	_ = 	snop  }
0x125: {  	[spmem:s0] =	stream.linear.scatter [tilespmem:s9], [sflag:$0x11], $0x1400, $0x38;
	[tilespmem:$0x1E800] =	vst v63  }
0x126: {  	_ =	swait.ge [sflag:s14], $0x1400  }
0x127: {  	[sflag:s14] =	ssyncset.done $0x0  }
0x128: {  	[sflag:s14] =	ssyncadd.s32 $0xFFFFEC00  }
0x129: {  	_ =	swait.ge [sflag:s14], $0x1400  }
0x12a: {  	[sflag:s14] =	ssyncset.done $0x0  }
0x12b: {  	[sflag:s14] =	ssyncadd.s32 $0xFFFFEC00  }
0x12c: {  	_ =	swait.ge [sflag:s14], $0x1400  }
0x12d: {  	[sflag:s14] =	ssyncset.done $0x0  }
0x12e: {  	[sflag:s14] =	ssyncadd.s32 $0xFFFFEC00  }
0x12f: {  	_ =	swait.ge [sflag:s14], $0x1400  }
0x130: {  	[sflag:s14] =	ssyncset.done $0x0  }
0x131: {  	[sflag:s14] =	ssyncadd.s32 $0xFFFFEC00  }
0x132: {  	_ =	swait.ge [sflag:s14], $0x1400  }
0x133: {  	[sflag:s14] =	ssyncset.done $0x0  }
0x134: {  	[sflag:s14] =	ssyncadd.s32 $0xFFFFEC00  }
0x135: {  	_ =	swait.ge [sflag:s14], $0x1400  }
0x136: {  	[sflag:s14] =	ssyncset.done $0x0  }
0x137: {  	[sflag:s14] =	ssyncadd.s32 $0xFFFFEC00  }
0x138: {  	_ =	swait.ge [sflag:s14], $0x1400  }
0x139: {  	[sflag:s14] =	ssyncset.done $0x0  }
0x13a: {  	[sflag:s14] =	ssyncadd.s32 $0xFFFFEC00  }
0x13b: {  	_ =	swait.ge [sflag:s14], $0x1400  }
0x13c: {  	[sflag:s14] =	ssyncset.done $0x0  }
0x13d: {  	[sflag:s14] =	ssyncadd.s32 $0xFFFFEC00  }
0x13e: {  	_ =	swait.ge [sflag:s14], $0x1400  }
0x13f: {  	[sflag:s14] =	ssyncset.done $0x0  }
0x140: {  	[sflag:s14] =	ssyncadd.s32 $0xFFFFEC00  }
0x141: {  	_ =	swait.ge [sflag:s14], $0x1400  }
0x142: {  	[sflag:s14] =	ssyncset.done $0x0  }
0x143: {  	[sflag:s14] =	ssyncadd.s32 $0xFFFFEC00  }
0x144: {  	_ =	swait.ge [sflag:s14], $0x1400  }
0x145: {  	[sflag:s14] =	ssyncset.done $0x0  }
0x146: {  	[sflag:s14] =	ssyncadd.s32 $0xFFFFEC00  }
0x147: {  	_ =	swait.ge [sflag:s14], $0x1400  }
0x148: {  	[sflag:s14] =	ssyncset.done $0x0  }
0x149: {  	[sflag:s14] =	ssyncadd.s32 $0xFFFFEC00  }
0x14a: {  	_ =	swait.ge [sflag:s14], $0x1400  }
0x14b: {  	[sflag:s14] =	ssyncset.done $0x0  }
0x14c: {  	[sflag:s14] =	ssyncadd.s32 $0xFFFFEC00  }
0x14d: {  	_ =	swait.ge [sflag:s14], $0x1400  }
0x14e: {  	[sflag:s14] =	ssyncset.done $0x0  }
0x14f: {  	[sflag:s14] =	ssyncadd.s32 $0xFFFFEC00  }
0x150: {  	_ =	swait.ge [sflag:s14], $0x1400  }
0x151: {  	[sflag:s14] =	ssyncset.done $0x0  }
0x152: {  	[sflag:s14] =	ssyncadd.s32 $0xFFFFEC00  }
0x153: {  	_ =	swait.ge [sflag:s14], $0x1400  }
0x154: {  	[sflag:s14] =	ssyncset.done $0x0  }
0x155: {  	[sflag:s14] =	ssyncadd.s32 $0xFFFFEC00  }
0x156: {  	[bflag:$0x0] =	sbarrier.arrive $0xFFFF  }
0x157: {  	s1 =	rddreg [dreg:$0x14]  }
0x158: {  	s2 =	sld [smem:$0x7F7]  }
0x159: {  	s6 =	simm.s32 $0x14000;
	s9 =	simm.s32 $0x0;
	s3 =	sld [smem:$0x7F8]  }
0x15a: {  	[tilespmem:s6], [sflag:$0x1] =	stream.linear.gather [hbm4b:s1+s9], $0x100, $0x38;
	[tilespmem:$0x1E800] =	vst v63  }
0x15b: {  	s11 =	sld [smem:$0x7F9]  }
0x15c: {  	[tilespmem:s8], [sflag:$0x2] =	stream.linear.gather [hbm4b:s2+s9], $0x100, $0x38;
	[tilespmem:$0x1E800] =	vst v63  }
0x15d: {  	s13 =	sld [smem:$0x7FA]  }
0x15e: {  	[tilespmem:s10], [sflag:$0x3] =	stream.linear.gather [hbm4b:s3+s9], $0x100, $0x38;
	[tilespmem:$0x1E800] =	vst v63  }
0x15f: {  	s17 =	sld [smem:$0x7FB]  }
0x160: {  	[tilespmem:s12], [sflag:$0x4] =	stream.linear.gather [hbm4b:s11+s9], $0x100, $0x38;
	[tilespmem:$0x1E800] =	vst v63  }
0x161: {  	s20 =	sld [smem:$0x7FC]  }
0x162: {  	[tilespmem:s19], [sflag:$0x5] =	stream.linear.gather [hbm4b:s13+s9], $0x100, $0x38;
	[tilespmem:$0x1E800] =	vst v63  }
0x163: {  	s25 =	sld [smem:$0x7FD]  }
0x164: {  	[tilespmem:s21], [sflag:$0x6] =	stream.linear.gather [hbm4b:s17+s9], $0x100, $0x38;
	[tilespmem:$0x1E800] =	vst v63  }
0x165: {  	s11 =	rddreg [dreg:$0x15]  }
0x166: {  	[tilespmem:s23], [sflag:$0x7] =	stream.linear.gather [hbm4b:s20+s9], $0x100, $0x38;
	[tilespmem:$0x1E800] =	vst v63  }
0x167: {  	s17 =	rddreg [dreg:$0x16]  }
0x168: {  	[tilespmem:s31], [sflag:$0x8] =	stream.linear.gather [hbm4b:s25+s9], $0x100, $0x38;
	[tilespmem:$0x1E800] =	vst v63  }
.LBB2_4:
0x169: {  	s4 =	simm.s32 $0x1  }
0x16a: {  	_ =	swait.ge [sflag:s4], $0x100  }
0x16b: {  	[sflag:s4] =	ssyncset.done $0x0  }
0x16c: {  	s25 =	simm.s32 $0x2;
	[sflag:s4] =	ssyncadd.s32 $0xFFFFFF00;
	s4 =	simm.s32 $0x14800  }
0x16d: {  	[tilespmem:s4], [sflag:$0x9] =	stream.indirect.gather [hbm4b:s26+s5], $0x80, s6, s5, $0xb8;
	[tilespmem:$0x1E800] =	vst v63  }
0x16e: {  	_ =	swait.ge [sflag:s25], $0x100  }
0x16f: {  	[sflag:s25] =	ssyncset.done $0x0  }
0x170: {  	s0 =	simm.s32 $0x3;
	[sflag:s25] =	ssyncadd.s32 $0xFFFFFF00;
	s25 =	simm.s32 $0x15C00  }
0x171: {  	[tilespmem:s25], [sflag:$0xA] =	stream.indirect.gather [hbm4b:s26+s5], $0x80, s8, s5, $0xb8;
	[tilespmem:$0x1E800] =	vst v63  }
0x172: {  	_ =	swait.ge [sflag:s0], $0x100  }
0x173: {  	[sflag:s0] =	ssyncset.done $0x0  }
0x174: {  	s1 =	simm.s32 $0x4;
	[sflag:s0] =	ssyncadd.s32 $0xFFFFFF00;
	s0 =	simm.s32 $0x17000  }
0x175: {  	[tilespmem:s0], [sflag:$0xB] =	stream.indirect.gather [hbm4b:s26+s5], $0x80, s10, s5, $0xb8;
	[tilespmem:$0x1E800] =	vst v63  }
0x176: {  	_ =	swait.ge [sflag:s1], $0x100  }
0x177: {  	[sflag:s1] =	ssyncset.done $0x0  }
0x178: {  	s2 =	simm.s32 $0x5;
	[sflag:s1] =	ssyncadd.s32 $0xFFFFFF00;
	s1 =	simm.s32 $0x18400  }
0x179: {  	[tilespmem:s1], [sflag:$0xC] =	stream.indirect.gather [hbm4b:s26+s5], $0x80, s12, s5, $0xb8;
	[tilespmem:$0x1E800] =	vst v63  }
0x17a: {  	_ =	swait.ge [sflag:s2], $0x100  }
0x17b: {  	[sflag:s2] =	ssyncset.done $0x0  }
0x17c: {  	s3 =	simm.s32 $0x6;
	[sflag:s2] =	ssyncadd.s32 $0xFFFFFF00;
	s2 =	simm.s32 $0x19800  }
0x17d: {  	[tilespmem:s2], [sflag:$0xD] =	stream.indirect.gather [hbm4b:s26+s5], $0x80, s19, s5, $0xb8;
	[tilespmem:$0x1E800] =	vst v63  }
0x17e: {  	_ =	swait.ge [sflag:s3], $0x100  }
0x17f: {  	[sflag:s3] =	ssyncset.done $0x0  }
0x180: {  	s13 =	simm.s32 $0x7;
	[sflag:s3] =	ssyncadd.s32 $0xFFFFFF00;
	s3 =	simm.s32 $0x1AC00  }
0x181: {  	[tilespmem:s3], [sflag:$0xE] =	stream.indirect.gather [hbm4b:s26+s5], $0x80, s21, s5, $0xb8;
	[tilespmem:$0x1E800] =	vst v63  }
0x182: {  	_ =	swait.ge [sflag:s13], $0x100  }
0x183: {  	[sflag:s13] =	ssyncset.done $0x0  }
0x184: {  	s20 =	simm.s32 $0x8;
	[sflag:s13] =	ssyncadd.s32 $0xFFFFFF00;
	s13 =	simm.s32 $0x1C000  }
0x185: {  	[tilespmem:s13], [sflag:$0xF] =	stream.indirect.gather [hbm4b:s26+s5], $0x80, s23, s5, $0xb8;
	[tilespmem:$0x1E800] =	vst v63  }
0x186: {  	_ =	swait.ge [sflag:s20], $0x100  }
0x187: {  	[sflag:s20] =	ssyncset.done $0x0  }
0x188: {  	[sflag:s20] =	ssyncadd.s32 $0xFFFFFF00;
	s20 =	simm.s32 $0x1D400  }
0x189: {  	[tilespmem:s20], [sflag:$0x10] =	stream.indirect.gather [hbm4b:s26+s5], $0x80, s31, s5, $0xb8;
	[tilespmem:$0x1E800] =	vst v63  }
0x18a: {  	_ =	swait.ge [sflag:s29], $0x1400  }
0x18b: {  	[sflag:s29] =	ssyncset.done $0x0  }
0x18c: {  	[sflag:s29] =	ssyncadd.s32 $0xFFFFEC00  }
0x18d: {  	[spmem:s28] =	stream.indirect.scatter.add.f32 [tilespmem:s4], [sflag:$0x11], $0x80, s22, s5, $0xb8;
	[tilespmem:$0x1E800] =	vst v63  }
0x18e: {  	_ =	swait.ge [sflag:s30], $0x1400  }
0x18f: {  	[sflag:s30] =	ssyncset.done $0x0  }
0x190: {  	s4 =	simm.s32 $0x14180;
	[sflag:s30] =	ssyncadd.s32 $0xFFFFEC00  }
0x191: {  	[spmem:s28] =	stream.indirect.scatter.add.f32 [tilespmem:s25], [sflag:$0x12], $0x80, s4, s5, $0xb8;
	[tilespmem:$0x1E800] =	vst v63  }
0x192: {  	_ =	swait.ge [sflag:s16], $0x1400  }
0x193: {  	[sflag:s16] =	ssyncset.done $0x0  }
0x194: {  	s25 =	simm.s32 $0x14280;
	[sflag:s16] =	ssyncadd.s32 $0xFFFFEC00  }
0x195: {  	[spmem:s28] =	stream.indirect.scatter.add.f32 [tilespmem:s0], [sflag:$0x13], $0x80, s25, s5, $0xb8;
	[tilespmem:$0x1E800] =	vst v63  }
0x196: {  	_ =	swait.ge [sflag:s18], $0x1400  }
0x197: {  	[sflag:s18] =	ssyncset.done $0x0  }
0x198: {  	s4 =	simm.s32 $0xD;
	s25 =	simm.s32 $0x14380;
	[sflag:s18] =	ssyncadd.s32 $0xFFFFEC00  }
0x199: {  	[spmem:s28] =	stream.indirect.scatter.add.f32 [tilespmem:s1], [sflag:$0x14], $0x80, s25, s5, $0xb8;
	[tilespmem:$0x1E800] =	vst v63  }
0x19a: {  	_ =	swait.ge [sflag:s4], $0x1400  }
0x19b: {  	[sflag:s4] =	ssyncset.done $0x0  }
0x19c: {  	s25 =	simm.s32 $0x14480;
	s1 =	simm.s32 $0xE;
	[sflag:s4] =	ssyncadd.s32 $0xFFFFEC00  }
0x19d: {  	[spmem:s28] =	stream.indirect.scatter.add.f32 [tilespmem:s2], [sflag:$0x15], $0x80, s25, s5, $0xb8;
	[tilespmem:$0x1E800] =	vst v63  }
0x19e: {  	_ =	swait.ge [sflag:s1], $0x1400  }
0x19f: {  	[sflag:s1] =	ssyncset.done $0x0  }
0x1a0: {  	s2 =	simm.s32 $0x14580;
	[sflag:s1] =	ssyncadd.s32 $0xFFFFEC00  }
0x1a1: {  	[spmem:s28] =	stream.indirect.scatter.add.f32 [tilespmem:s3], [sflag:$0x16], $0x80, s2, s5, $0xb8;
	[tilespmem:$0x1E800] =	vst v63  }
0x1a2: {  	s3 =	simm.s32 $0xF  }
0x1a3: {  	_ =	swait.ge [sflag:s3], $0x1400  }
0x1a4: {  	[sflag:s3] =	ssyncset.done $0x0  }
0x1a5: {  	p0 =	seq.s32 s9, $0x1F00;
	s4 =	simm.s32 $0x14680;
	[sflag:s3] =	ssyncadd.s32 $0xFFFFEC00  }
0x1a6: {  	[spmem:s28] =	stream.indirect.scatter.add.f32 [tilespmem:s13], [sflag:$0x17], $0x80, s4, s5, $0xb8;
	[tilespmem:$0x1E800] =	vst v63  }
.Ltmp3:
0x1a7: {  	s13 =	simm.s32 $0x10;
	(pc) =	sbr.rel @p0 .LBB2_6-.Ltmp3, $4  }
0x1a8: {  	_ =	swait.ge [sflag:s13], $0x1400  }
0x1a9: {  	[sflag:s13] =	ssyncset.done $0x0  }
0x1aa: {  	s25 =	simm.s32 $0x14780;
	[sflag:s13] =	ssyncadd.s32 $0xFFFFEC00  }
0x1ab: {  	[spmem:s28] =	stream.indirect.scatter.add.f32 [tilespmem:s20], [sflag:$0x18], $0x80, s25, s5, $0xb8;
	[tilespmem:$0x1E800] =	vst v63  }
0x1ac: {  	_ =	swait.ge [sflag:s14], $0x1400  }
0x1ad: {  	[sflag:s14] =	ssyncset.done $0x0;
	s4 =	rddreg [dreg:$0x1c]  }
0x1ae: {  	s0 =	simm.s32 $0x12;
	[sflag:s14] =	ssyncadd.s32 $0xFFFFEC00;
	s4 =	sadd.s32 s9, s4  }
0x1af: {  	[tilespmem:s6], [sflag:$0x1] =	stream.linear.gather [hbm4b:s4+s15], $0x100, $0x38;
	[tilespmem:$0x1E800] =	vst v63  }
0x1b0: {  	_ =	swait.ge [sflag:s0], $0x1400  }
0x1b1: {  	[sflag:s0] =	ssyncset.done $0x0;
	s3 =	rddreg [dreg:$0x1b]  }
0x1b2: {  	s13 =	simm.s32 $0x13;
	[sflag:s0] =	ssyncadd.s32 $0xFFFFEC00;
	s4 =	sadd.s32 s9, s3  }
0x1b3: {  	[tilespmem:s8], [sflag:$0x2] =	stream.linear.gather [hbm4b:s4+s15], $0x100, $0x38;
	[tilespmem:$0x1E800] =	vst v63  }
0x1b4: {  	_ =	swait.ge [sflag:s13], $0x1400  }
0x1b5: {  	[sflag:s13] =	ssyncset.done $0x0;
	s20 =	rddreg [dreg:$0x1a]  }
0x1b6: {  	s25 =	simm.s32 $0x14;
	[sflag:s13] =	ssyncadd.s32 $0xFFFFEC00;
	s4 =	sadd.s32 s9, s20  }
0x1b7: {  	[tilespmem:s10], [sflag:$0x3] =	stream.linear.gather [hbm4b:s4+s15], $0x100, $0x38;
	[tilespmem:$0x1E800] =	vst v63  }
0x1b8: {  	_ =	swait.ge [sflag:s25], $0x1400  }
0x1b9: {  	[sflag:s25] =	ssyncset.done $0x0;
	s1 =	rddreg [dreg:$0x19]  }
0x1ba: {  	s2 =	simm.s32 $0x15;
	[sflag:s25] =	ssyncadd.s32 $0xFFFFEC00;
	s4 =	sadd.s32 s9, s1  }
0x1bb: {  	[tilespmem:s12], [sflag:$0x4] =	stream.linear.gather [hbm4b:s4+s15], $0x100, $0x38;
	[tilespmem:$0x1E800] =	vst v63  }
0x1bc: {  	_ =	swait.ge [sflag:s2], $0x1400  }
0x1bd: {  	[sflag:s2] =	ssyncset.done $0x0;
	s3 =	rddreg [dreg:$0x18]  }
0x1be: {  	[sflag:s2] =	ssyncadd.s32 $0xFFFFEC00;
	s4 =	sadd.s32 s9, s3  }
0x1bf: {  	[tilespmem:s19], [sflag:$0x5] =	stream.linear.gather [hbm4b:s4+s15], $0x100, $0x38;
	[tilespmem:$0x1E800] =	vst v63  }
0x1c0: {  	s4 =	simm.s32 $0x16  }
0x1c1: {  	_ =	swait.ge [sflag:s4], $0x1400  }
0x1c2: {  	[sflag:s4] =	ssyncset.done $0x0;
	s13 =	rddreg [dreg:$0x17]  }
0x1c3: {  	[sflag:s4] =	ssyncadd.s32 $0xFFFFEC00;
	s4 =	sadd.s32 s9, s13  }
0x1c4: {  	[tilespmem:s21], [sflag:$0x6] =	stream.linear.gather [hbm4b:s4+s15], $0x100, $0x38;
	[tilespmem:$0x1E800] =	vst v63  }
0x1c5: {  	_ =	swait.ge [sflag:s24], $0x1400  }
0x1c6: {  	[sflag:s24] =	ssyncset.done $0x0  }
0x1c7: {  	s20 =	sadd.s32 s9, s17;
	[sflag:s24] =	ssyncadd.s32 $0xFFFFEC00  }
0x1c8: {  	[tilespmem:s23], [sflag:$0x7] =	stream.linear.gather [hbm4b:s20+s15], $0x100, $0x38;
	[tilespmem:$0x1E800] =	vst v63  }
.Ltmp4:
0x1c9: {  	_ = 	snop;
	(pc) =	sbr.rel .LBB2_4-.Ltmp4, $4  }
0x1ca: {  	_ =	swait.ge [sflag:s7], $0x1400  }
0x1cb: {  	[sflag:s7] =	ssyncset.done $0x0  }
0x1cc: {  	s25 =	sadd.s32 s9, s11;
	s9 =	sadd.s32 $0x100, s9;
	[sflag:s7] =	ssyncadd.s32 $0xFFFFEC00  }
0x1cd: {  	[tilespmem:s31], [sflag:$0x8] =	stream.linear.gather [hbm4b:s25+s15], $0x100, $0x38;
	[tilespmem:$0x1E800] =	vst v63  }
.LBB2_7:
0x1ce: {  	_ =	sfence.sel $0x180000  }
0x1cf: {  	[bflag:$0x0] =	sbarrier.arrive $0xFFFF  }
0x1d0: {  	_ =	strace $0x9000004D  }
0x1d1: {  	s0 =	stileid.u32;
	[bflag:$0x2] =	sbarrier.arrive $0xFFFF  }
0x1d2: {  	p0 =	sne.s32 s0, $0x0;
	s0 =	rddreg [dreg:$0x3]  }
0x1d3: {  	s0 =	sadd.s32 @!p0 $0x100000, s0  }
0x1d4: {  	[sflag:s0] =	ssyncadd.tile.s32 @!p0 $0x1;
	_ =	shalt  }
.Lfunc_end2:
_tile_overlayer_lowered:
.L_overlay_start_2:
0x1d5: {  	(tag) =	ssettag $0x2  }
0x1d6: {  	s0 =	rddreg [dreg:$0x0];
	s2 =	stileid.u32  }
0x1d7: {  	s1 =	rddreg [dreg:$0x1];
	p0 =	sne.s32 s2, $0x0  }
0x1d8: {  	s3 =	rddreg [dreg:$0x2];
	[bflag:$0x3] =	sbarrier.arrive $0xFFFF;
	s2 =	simm.s32 @!p0 $0x1C19  }
0x1d9: {  	[timem:s3], [sflag:s2] =	dma.local @!p0 [hbm:s0], s1  }
0x1da: {  	s0 =	simm.s32 @!p0 $0x19  }
0x1db: {  	_ =	swait.ge @!p0 [sflag:s0], s1  }
0x1dc: {  	s1 =	ssub.s32 @!p0 $0x0, s1;
	[sflag:s0] =	ssyncset.done @!p0 $0x0  }
0x1dd: {  	[sflag:s0] =	ssyncadd.s32 @!p0 s1  }
0x1de: {  	[bflag:$0x3] =	sbarrier.arrive $0xFFFF  }
0x1df: {  	_ =	shalt  }

// kernel: kernel.8.cloned.1.call-start
scs
__scs_entry_jumppad:
0x0: {  	(pc) =	sbr.rel $0x88, $3  }
0x1: {  	(tag) =	ssettag $0x0;
	lr =	simm.s32 $0x1  }
0x2: {  	[smem:$0x3F97] =	sst lr;
	_ =	strace $0xD0000000  }
0x3: {  	_ = 	snop  }
0x4: {  	_ = 	snop  }
0x5: {  	_ = 	snop  }
0x6: {  	_ = 	snop  }
0x7: {  	_ = 	snop  }
__scs_overlays_trampoline_lowered:
0x8: {  	[smem:$0x3FA6] =	sst s0  }
0x9: {  	[smem:$0x3FA7] =	sst s1  }
0xa: {  	[smem:$0x3FA8] =	sst s2  }
0xb: {  	[smem:$0x3FA9] =	sst s3  }
0xc: {  	[smem:$0x3FAA] =	sst s4  }
0xd: {  	[smem:$0x3FAB] =	sst s5  }
0xe: {  	[smem:$0x3FAC] =	sst s6  }
0xf: {  	[smem:$0x3FAD] =	sst s7  }
0x10: {  	[smem:$0x3FAE] =	sst s8  }
0x11: {  	[smem:$0x3FAF] =	sst s9;
	s0 =	simm.s32 @!p0 $0x0  }
0x12: {  	s1 =	sld [smem:$0x3F95];
	s0 =	simm.s32 @p0 $0x1  }
0x13: {  	[smem:$0x3FB0] =	sst s0;
	s0 =	simm.s32 @!p1 $0x0  }
0x14: {  	s2 =	sld [smem:$0x3F94];
	s0 =	simm.s32 @p1 $0x1  }
0x15: {  	[smem:$0x3FB1] =	sst s0;
	s0 =	simm.s32 @!p2 $0x0  }
0x16: {  	s3 =	sld [smem:$0x3FDB];
	s0 =	simm.s32 @p2 $0x1  }
0x17: {  	s4 =	simm.s32 $0x1BF5;
	[smem:$0x3FB3] =	sst s0  }
0x18: {  	s0 =	sld [smem:$0x3F96];
	_ =	swait.ge [sflag:s4], $0x0  }
0x19: {  	s7 =	sld [smem:$0x3F97]  }
0x1a: {  	s8 =	sadd.s32 $0xFFFFE003, lr  }
0x1b: {  	s9 =	sadd.s32 $0xFFFFFEF7, lr;
	s5 =	simm.s32 $0xFFFFFFFF;
	p2 =	slt.u32 s8, $0xFFFFF086  }
0x1c: {  	p1 =	slt.u32 s9, $0xF7A;
	s5 =	simm.s32 @!p2 $0x0  }
0x1d: {  	s5 =	simm.s32 @p1 $0x1;
	p0 =	seq.s32 s7, s2  }
0x1e: {  	s7 =	smul.u32 @!p0 $0xF7A, s2;
	p2 =	seq.s32 @!p0 s5, $0x0  }
0x1f: {  	s9 =	smul.u32 $0xF7A, s1;
	s8 =	simm.s32 @!p0 $0x1BF5;
	p2 =	por !p2, p0  }
0x20: {  	[sflag:s8] =	ssyncset.s32 @!p0 $0xFFFFF086;
	s6 =	sadd.s32 @!p0 s3, s7;
	s7 =	simm.s32 @!p0 $0x108  }
0x21: {  	s3 =	sadd.s32 s3, s9;
	s6 =	sadd.s32 @!p0 $0x88, s6;
	s7 =	simm.s32 @p2 $0x1082  }
0x22: {  	[simem:s7], [sflag:s8] =	dma.local @!p0 [hbm:s6], $0xF7A  }
0x23: {  	s9 =	sor.u32 $0xD0000000, s2;
	s6 =	simm.s32 $0x108;
	_ =	swait.ge @!p0 [sflag:s8], $0x0  }
0x24: {  	s3 =	sadd.s32 $0x88, s3;
	s6 =	simm.s32 @!p1 $0x1082;
	[sflag:s4] =	ssyncset.s32 $0xFFFFF086  }
0x25: {  	[simem:s6], [sflag:s4] =	dma.local [hbm:s3], $0xF7A  }
0x26: {  	[smem:$0x3F97] =	sst s1;
	(tag) =	ssettag s2;
	_ =	strace s9  }
0x27: {  	s1 =	sld [smem:$0x3FA7]  }
0x28: {  	s2 =	sld [smem:$0x3FA8]  }
0x29: {  	s4 =	sld [smem:$0x3FAA]  }
0x2a: {  	p0 =	seq.s32 s5, $0x0;
	s5 =	sld [smem:$0x3FAB]  }
0x2b: {  	s6 =	sld [smem:$0x3FAC]  }
0x2c: {  	s7 =	sld [smem:$0x3FAD]  }
0x2d: {  	s3 =	simm.s32 $0x108;
	s8 =	sld [smem:$0x3FAE]  }
0x2e: {  	s3 =	simm.s32 @!p0 $0x1082;
	s9 =	sld [smem:$0x3FAF]  }
0x2f: {  	lr =	sadd.s32 s0, s3;
	s0 =	sld [smem:$0x3FA6]  }
0x30: {  	s3 =	sld [smem:$0x3FA9]  }
0x31: {  	[smem:$0x3FB2] =	sst s10  }
0x32: {  	s10 =	sld [smem:$0x3FB0];
	_ =	sdelay $0x3  }
0x33: {  	p0 =	seq.s32 s10, $0x1;
	s10 =	sld [smem:$0x3FB2];
	_ =	sdelay $0x3  }
0x34: {  	[smem:$0x3FB2] =	sst s10  }
0x35: {  	s10 =	sld [smem:$0x3FB1];
	_ =	sdelay $0x3  }
0x36: {  	p1 =	seq.s32 s10, $0x1;
	s10 =	sld [smem:$0x3FB2];
	_ =	sdelay $0x3  }
0x37: {  	[smem:$0x3FB2] =	sst s10  }
0x38: {  	s10 =	sld [smem:$0x3FB3]  }
0x39: {  	_ = 	snop;
	(pc) =	sbr.ind lr, $3  }
0x3a: {  	_ = 	snop  }
0x3b: {  	_ = 	snop  }
0x3c: {  	p2 =	seq.s32 s10, $0x1;
	s10 =	sld [smem:$0x3FB2]  }
0x3d: {  	_ =	shalt  }
0x3e: {  	_ =	shalt  }
0x3f: {  	_ =	shalt  }
0x40: {  	_ =	shalt  }
0x41: {  	_ =	shalt  }
0x42: {  	_ =	shalt  }
0x43: {  	_ =	shalt  }
0x44: {  	_ =	shalt  }
0x45: {  	_ =	shalt  }
0x46: {  	_ =	shalt  }
0x47: {  	_ =	shalt  }
0x48: {  	_ =	shalt  }
0x49: {  	_ =	shalt  }
0x4a: {  	_ =	shalt  }
0x4b: {  	_ =	shalt  }
0x4c: {  	_ =	shalt  }
0x4d: {  	_ =	shalt  }
0x4e: {  	_ =	shalt  }
0x4f: {  	_ =	shalt  }
0x50: {  	_ =	shalt  }
0x51: {  	_ =	shalt  }
0x52: {  	_ =	shalt  }
0x53: {  	_ =	shalt  }
0x54: {  	_ =	shalt  }
0x55: {  	_ =	shalt  }
0x56: {  	_ =	shalt  }
0x57: {  	_ =	shalt  }
0x58: {  	_ =	shalt  }
0x59: {  	_ =	shalt  }
0x5a: {  	_ =	shalt  }
0x5b: {  	_ =	shalt  }
0x5c: {  	_ =	shalt  }
0x5d: {  	_ =	shalt  }
0x5e: {  	_ =	shalt  }
0x5f: {  	_ =	shalt  }
0x60: {  	_ =	shalt  }
0x61: {  	_ =	shalt  }
0x62: {  	_ =	shalt  }
0x63: {  	_ =	shalt  }
0x64: {  	_ =	shalt  }
0x65: {  	_ =	shalt  }
0x66: {  	_ =	shalt  }
0x67: {  	_ =	shalt  }
0x68: {  	_ =	shalt  }
0x69: {  	_ =	shalt  }
0x6a: {  	_ =	shalt  }
0x6b: {  	_ =	shalt  }
0x6c: {  	_ =	shalt  }
0x6d: {  	_ =	shalt  }
0x6e: {  	_ =	shalt  }
0x6f: {  	_ =	shalt  }
0x70: {  	_ =	shalt  }
0x71: {  	_ =	shalt  }
0x72: {  	_ =	shalt  }
0x73: {  	_ =	shalt  }
0x74: {  	_ =	shalt  }
0x75: {  	_ =	shalt  }
0x76: {  	_ =	shalt  }
0x77: {  	_ =	shalt  }
0x78: {  	_ =	shalt  }
0x79: {  	_ =	shalt  }
0x7a: {  	_ =	shalt  }
0x7b: {  	_ =	shalt  }
0x7c: {  	_ =	shalt  }
0x7d: {  	_ =	shalt  }
0x7e: {  	_ =	shalt  }
0x7f: {  	_ =	shalt  }
0x80: {  	_ =	shalt  }
0x81: {  	_ =	shalt  }
0x82: {  	_ =	shalt  }
0x83: {  	_ =	shalt  }
0x84: {  	_ =	shalt  }
0x85: {  	_ =	shalt  }
0x86: {  	_ =	shalt  }
0x87: {  	_ =	shalt  }
.Lfunc_end0:
.L_simem_size_0:
called_computation_lowered:
.L_overlay_start_0:
0x88: {  	s2 =	sld [smem:$0x3FD9]  }
0x89: {  	s3 =	sld [smem:$0x3FFE];
	_ =	sdelay $0x1  }
0x8a: {  	s1 =	srdreg.scid  }
0x8b: {  	s0 =	sand.u32 $0x1, s1  }
0x8c: {  	s17 =	sshll.u32 s0, $0xA;
	s2 =	sadd.s32 s3, s2  }
0x8d: {  	s2 =	sadd.s32 s2, s17  }
0x8e: {  	[smem:$0x3FBE] =	sst s2  }
0x8f: {  	_ = 	snop  }
0x90: {  	s2 =	sld [smem:$0x3FD0];
	(tm) =	ssettm $0x1  }
0x91: {  	s18 =	sld [smem:$0x3FFB];
	_ =	sdelay $0x3  }
0x92: {  	_ =	strace s18  }
0x93: {  	s3 =	sld [smem:$0x3FFC];
	_ =	sdelay $0x3  }
0x94: {  	_ =	strace s3  }
0x95: {  	s3 =	sld [smem:$0x3FFD];
	_ =	sdelay $0x3  }
0x96: {  	_ =	strace s3  }
0x97: {  	_ =	strace $0x8FFFFFFF  }
0x98: {  	s19 =	sld [smem:$0x3FDB];
	_ =	sdelay $0x1  }
0x99: {  	s4 =	simm.s32 $_scs_section_size  }
0x9a: {  	s5 =	simm.s32 $_size__tile_overlayer_lowered;
	s6 =	simm.s32 $_tile_overlayer_lowered  }
0x9b: {  	s22 =	simm.s32 $0x1BFF;
	s21 =	sshll.u32 s6, $0x1;
	s3 =	sadd.s32 s4, s19  }
0x9c: {  	s7 =	simm.s32 $0x0;
	s20 =	sshll.u32 s5, $0x1;
	s5 =	sadd.s32 s21, s3  }
0x9d: {  	[timem:s7], [sflag:s22] =	dma.local [hbm:s5], s20  }
0x9e: {  	_ =	swait.ge [sflag:s22], s20  }
0x9f: {  	s4 =	ssub.s32 $0x0, s20;
	[sflag:s22] =	ssyncset.done $0x0  }
0xa0: {  	[sflag:s22] =	ssyncadd.s32 s4;
	_ =	sdelay $0x1  }
0xa1: {  	s23 =	simm.s32 $0x1B8B  }
0xa2: {  	_ =	swait.ge [sflag:s23], $0x1  }
0xa3: {  	[sflag:s23] =	ssyncset.done $0x0  }
0xa4: {  	s25 =	simm.s32 $0x1B8E;
	s24 =	sld [smem:$0x3FFE];
	[sflag:s23] =	ssyncadd.s32 $0xFFFFFFFF  }
0xa5: {  	s26 =	simm.s32 $execute0_lowered;
	[smem:$0x3FD2] =	sst s25  }
0xa6: {  	s5 =	sshll.u32 s26, $0x1;
	_ =	strace $0x80000046;
	[dreg:$0x1] =	wrdreg $0xFFFFFFFF  }
0xa7: {  	s28 =	simm.s32 $_size_execute0_lowered;
	s3 =	sadd.s32 s3, s5;
	[dreg:$0x0] =	wrdreg $0x0  }
0xa8: {  	s5 =	sshll.u32 s28, $0x1;
	[dreg:$0x2] =	wrdreg s3  }
0xa9: {  	[dreg:$0x3] =	wrdreg s5  }
0xaa: {  	[dreg:$0x4] =	wrdreg $0xC0  }
0xab: {  	_ =	task [dreg:s7], $0x5FFFF  }
0xac: {  	[dreg:$0x1] =	wrdreg $0xFFFFFFFF  }
0xad: {  	[dreg:$0x0] =	wrdreg $0x60  }
0xae: {  	[dreg:$0x2] =	wrdreg s2  }
0xaf: {  	[dreg:$0x3] =	wrdreg s24  }
0xb0: {  	[dreg:$0x4] =	wrdreg $0x0  }
0xb1: {  	[dreg:$0x5] =	wrdreg $0x9  }
0xb2: {  	_ =	task.clear_ibuf [dreg:s7], $0x6FFFF;
	_ =	strace $0x90000046  }
0xb3: {  	s29 =	simm.s32 $0x9;
	_ =	strace $0x80000048  }
0xb4: {  	_ =	swait.ge [sflag:s29], $0x1  }
0xb5: {  	[sflag:s29] =	ssyncadd.s32 $0xFFFFFFFF  }
0xb6: {  	_ =	strace $0x90000048  }
0xb7: {  	_ =	sfence  }
0xb8: {  	s30 =	sld [smem:$0x0];
	_ =	sdelay $0x2  }
0xb9: {  	s31 =	sshll.u32 s1, $0xD;
	s1 =	sshrl.u32 s1, $0x2  }
0xba: {  	s3 =	sand.u32 $0x4000, s31;
	s1 =	sadd.s32 s1, s30  }
0xbb: {  	s0 =	sor.u32 s3, s0;
	s1 =	sshll.u32 s1, $0x11  }
0xbc: {  	s0 =	sor.u32 s1, s0  }
0xbd: {  	s0 =	sadd.s32 $0x8F2B, s0  }
0xbe: {  	[sflag:s0] =	ssyncadd.remote.s32 $0x1  }
0xbf: {  	_ =	sfence.sel $0xFFFF  }
0xc0: {  	[dreg:$0x0] =	wrdreg $0xFFFFFFFF;
	(pc) =	sbr.abs _section_cstart, $3  }
0xc1: {  	[dreg:$0x1] =	wrdreg $0xFFFFFFFF  }
0xc2: {  	_ =	task.clear_ibuf [dreg:s7], $0x2FFFF;
	_ =	strace $0x9FFFFFFF  }
0xc3: {  	(tm) =	ssettm $0x7FFFFFFF  }
tec
execute0_lowered:
.L_overlay_start_1:
0x0: {  	(tag) =	ssettag $0x1  }
0x1: {  	s4 =	rddreg [dreg:$0x0]  }
0x2: {  	s5 =	rddreg [dreg:$0x1]  }
0x3: {  	s1 =	rddreg [dreg:$0x2]  }
0x4: {  	s2 =	srdreg.scid;
	s0 =	rddreg [dreg:$0x3]  }
0x5: {  	s3 =	simm.s32 $0x0;
	s12 =	simm.s32 $0x2A80;
	s13 =	simm.s32 $0x50  }
0x6: {  	s14 =	simm.s32 $0x5680;
	s6 =	sand.u32 $0x1, s2;
	[smem:$0x7FF] =	sst s3  }
0x7: {  	s2 =	stileid.u32;
	s7 =	sshll.u32 s6, $0x4;
	_ =	strace $0x80000047  }
0x8: {  	s8 =	smul.u32 $0x2800, s6;
	s9 =	sshll.u32 s2, $0xA;
	s10 =	sshll.u32 s2, $0x7  }
0x9: {  	s6 =	ssub.s32 $0x2, s6;
	p0 =	sgt.u32 s2, $0x9;
	s7 =	sor.u32 s2, s7  }
0xa: {  	s10 =	sand.u32 $0x380, s10;
	s7 =	sshrl.u32 s7, $0x3;
	s8 =	sadd.s32 s9, s8  }
0xb: {  	s11 =	sshrl.u32 s6, $0x1;
	s7 =	smul.u32 $0x14000, s7;
	s8 =	sshrl.u32 s8, $0x3  }
0xc: {  	s30 =	ssub.s32 s6, s11;
	s11 =	simm.s32 $0x1;
	s8 =	sadd.s32 s8, s5  }
0xd: {  	v0 =	vlaneseq.u32;
	s5 =	sadd.s32 s9, s1;
	s9 =	simm.s32 $0x400;
	s7 =	sor.u32 s10, s7  }
0xe: {  	v1 =	vimm.f32 $0.0e+00;
	v2 =	vor.u32 $0x10, v0;
	s6 =	sadd.s32 $0x2800, s8;
	s8 =	simm.s32 $0x80;
	s31 =	sshrl.u32 s7, $0x3  }
0xf: {  	v3 =	vor.u32 $0x20, v0;
	v4 =	vor.u32 $0x30, v0;
	v5 =	vor.u32 $0x40, v0;
	s10 =	simm.s32 $0x280;
	s7 =	smax.u32 s30, $0x1;
	s4 =	sadd.s32 s4, s31  }
.LBB2_1:
0x10: {  	[tilespmem:s10], [sflag:$0x1] =	stream.strided.gather [hbm4b:s4+s8], $0x2800, s9, s8, $0x38;
	[tilespmem:$0x5700] =	vst v63  }
0x11: {  	_ =	swait.ge [sflag:s11], $0x2800  }
0x12: {  	[sflag:s11] =	ssyncset.done $0x0  }
0x13: {  	s15 =	simm.s32 $0x0;
	s16 =	simm.s32 $0x0;
	[sflag:s11] =	ssyncadd.s32 $0xFFFFD800  }
.LBB2_2:
0x14: {  	p1 =	sne.s32 s16, $0x9FC0  }
.Ltmp0:
0x15: {  	_ = 	snop;
	(pc) =	sbr.rel @p1 .LBB2_2-.Ltmp0, $4  }
0x16: {  	s17 =	sand.u32 $0xFE00, s16  }
0x17: {  	s18 =	sand.u32 $0x70, s15;
	s17 =	sshrl.u32 s17, $0x2  }
0x18: {  	s17 =	sor.u32 s18, s17  }
0x19: {  	s15 =	sadd.s32 $0x10, s15;
	s16 =	sadd.s32 $0x40, s16;
	[tilespmem:s17+$0x2A80] =	vst v1  }
0x1a: {  	s15 =	simm.s32 $0x0  }
0x1b: {  	s16 =	sand.u32 $0xE00, s15  }
0x1c: {  	s17 =	sand.u32 $0x70, s15;
	s18 =	sshrl.u32 s16, $0x2  }
0x1d: {  	s16 =	simm.s32 $0x40;
	s17 =	sor.u32 s17, s18  }
.LBB2_4:
0x1e: {  	p1 =	sne.s32 s16, $0xFC0  }
0x1f: {  	[tilespmem:s17+$0x5280] =	vst v1;
	s15 =	sadd.s32 $0x10, s15;
	s17 =	smov.u32 s16;
	s16 =	sadd.s32 $0x40, s16  }
.Ltmp1:
0x20: {  	(pc) =	sbr.rel @p1 .LBB2_4-.Ltmp1, $4  }
0x21: {  	_ = 	snop  }
0x22: {  	s17 =	sand.u32 $0xE00, s17  }
0x23: {  	s18 =	sand.u32 $0x70, s15;
	s17 =	sshrl.u32 s17, $0x2  }
0x24: {  	s17 =	sor.u32 s18, s17  }
0x25: {  	[tilespmem:s17+$0x5280] =	vst v1  }
0x26: {  	[tilespmem:$0x5680] =	vst v0  }
0x27: {  	[tilespmem:$0x5690] =	vst v2  }
0x28: {  	[tilespmem:$0x56A0] =	vst v3  }
0x29: {  	[tilespmem:$0x56B0] =	vst v4  }
0x2a: {  	s15 =	simm.s32 @!p0 $0x5280;
	[tilespmem:$0x56C0] =	vst v5  }
0x2b: {  	[spmem:s5] =	stream.linear.scatter @!p0 [tilespmem:s15], [sflag:$0x1], $0x400, $0x38;
	[tilespmem:$0x5700] =	vst v63  }
0x2c: {  	s15 =	simm.s32 @!p0 $0x1  }
0x2d: {  	_ =	swait.ge @!p0 [sflag:s15], $0x400  }
0x2e: {  	[sflag:s15] =	ssyncset.done @!p0 $0x0  }
0x2f: {  	[sflag:s15] =	ssyncadd.s32 @!p0 $0xFFFFFC00  }
0x30: {  	s16 =	simm.s32 $0x0;
	s15 =	simm.s32 $0x40;
	[bflag:$0x0] =	sbarrier.arrive $0xFFFF  }
.LBB2_6:
0x31: {  	p1 =	sne.s32 s15, $0x9FC0;
	v6 =	vld [tilespmem:s16+$0x280];
	_ =	sdelay $0x4  }
0x32: {  	(xrf1) =	vunique.msk.u32 $0xffff, v6;
	_ =	sdelay $0xd  }
0x33: {  	_, v7, vm0 =	vpop (xrf1);
	_ =	sdelay $0x1  }
.Ltmp2:
0x34: {  	(pc) =	sbr.rel @p1 .LBB2_6-.Ltmp2, $3  }
0x35: {  	_ = 	snop  }
0x36: {  	v7 =	vcvt.s32.f32 v7;
	_ =	sdelay $0x1  }
0x37: {  	s16 =	sshra.s32 s15, $0x2;
	s15 =	sadd.s32 $0x40, s15;
	[tilespmem:v6+s12+$0x0] =	vst.idx.add.f32.msk vm0, v7  }
0x38: {  	v6 =	vld [tilespmem:s16+$0x280];
	_ =	sdelay $0x4  }
0x39: {  	(xrf1) =	vunique.msk.u32 $0xffff, v6;
	_ =	sdelay $0xd  }
0x3a: {  	_, v7, vm0 =	vpop (xrf1);
	_ =	sdelay $0x3  }
0x3b: {  	v7 =	vcvt.s32.f32 v7;
	_ =	sdelay $0x1  }
0x3c: {  	[tilespmem:v6+s12+$0x0] =	vst.idx.add.f32.msk vm0, v7  }
0x3d: {  	[spmem:s1] =	stream.indirect.scatter.add.f32 [tilespmem:s12], [sflag:$0x1], $0x80, s14, s13, $0xb8;
	[tilespmem:$0x5700] =	vst v63  }
0x3e: {  	_ =	swait.ge [sflag:s11], $0x2800  }
0x3f: {  	[sflag:s11] =	ssyncset.done $0x0  }
0x40: {  	[sflag:s11] =	ssyncadd.s32 $0xFFFFD800  }
0x41: {  	s15 =	simm.s32 @!p0 $0x5280;
	s16 =	simm.s32 @!p0 $0x1;
	[bflag:$0x0] =	sbarrier.arrive $0xFFFF  }
0x42: {  	[tilespmem:s15], [sflag:$0x1] =	stream.linear.gather @!p0 [spmem:s5], $0x400, $0x38;
	[tilespmem:$0x5700] =	vst v63  }
0x43: {  	s3 =	sadd.s32 $0x1, s3;
	_ =	swait.ge @!p0 [sflag:s16], $0x400  }
0x44: {  	p1 =	sne.s32 s3, s7;
	[sflag:s16] =	ssyncset.done @!p0 $0x0  }
.Ltmp3:
0x45: {  	s17 =	simm.s32 @!p0 $0x0;
	[sflag:s16] =	ssyncadd.s32 @!p0 $0xFFFFFC00;
	(pc) =	sbr.rel @p1 .LBB2_1-.Ltmp3, $4  }
0x46: {  	[hbm4b:s6+s17] =	stream.linear.scatter @!p0 [tilespmem:s15], [sflag:$0x1], $0x400, $0x38;
	[tilespmem:$0x5700] =	vst v63  }
0x47: {  	_ =	swait.ge @!p0 [sflag:s16], $0x400  }
0x48: {  	[sflag:s16] =	ssyncset.done @!p0 $0x0  }
0x49: {  	[sflag:s16] =	ssyncadd.s32 @!p0 $0xFFFFFC00  }
0x4a: {  	_ =	sfence.sel $0x180000  }
0x4b: {  	[bflag:$0x0] =	sbarrier.arrive $0xFFFF  }
0x4c: {  	p0 =	sne.s32 s2, $0x0;
	_ =	strace $0x90000047  }
0x4d: {  	s0 =	sadd.s32 @!p0 $0x100000, s0;
	[bflag:$0x2] =	sbarrier.arrive $0xFFFF  }
0x4e: {  	[sflag:s0] =	ssyncadd.tile.s32 @!p0 $0x1;
	_ =	shalt  }
.Lfunc_end2:
_tile_overlayer_lowered:
.L_overlay_start_2:
0x4f: {  	(tag) =	ssettag $0x2  }
0x50: {  	s0 =	rddreg [dreg:$0x0];
	s2 =	stileid.u32  }
0x51: {  	s1 =	rddreg [dreg:$0x1];
	p0 =	sne.s32 s2, $0x0  }
0x52: {  	s3 =	rddreg [dreg:$0x2];
	[bflag:$0x3] =	sbarrier.arrive $0xFFFF;
	s2 =	simm.s32 @!p0 $0x1C01  }
0x53: {  	[timem:s3], [sflag:s2] =	dma.local @!p0 [hbm:s0], s1  }
0x54: {  	s0 =	simm.s32 @!p0 $0x1  }
0x55: {  	_ =	swait.ge @!p0 [sflag:s0], s1  }
0x56: {  	s1 =	ssub.s32 @!p0 $0x0, s1;
	[sflag:s0] =	ssyncset.done @!p0 $0x0  }
0x57: {  	[sflag:s0] =	ssyncadd.s32 @!p0 s1  }
0x58: {  	[bflag:$0x3] =	sbarrier.arrive $0xFFFF  }
0x59: {  	_ =	shalt  }

</sc_bundles>
